<compile_context>
chip_gen: v7x
topology: tpu7x:2x2x1
jax: 0.10.2.dev20260603
libtpu: 0.0.44.dev20260713+nightly
codegen_flags: <defaults>
</compile_context>

<pallas_src>
import functools

import jax
import jax.numpy as jnp
from jax import lax
from jax.experimental import pallas as pl
from jax.experimental.pallas import tpu as pltpu
from jax.experimental.pallas import tpu_sc as plsc

N = 10000
E = 320000
G = 128

_TILES = 16
_RPT = 624
_TAIL0 = _TILES * _RPT
_TAILR = N - _TAIL0
_K = 125
_NCE = E // (2 * _TILES) // _K
_BN = 2000


def _copy_rows(src, dst, s):
    r0 = pl.multiple_of(s * _RPT, 8)
    pltpu.sync_copy(src.at[pl.ds(r0, _RPT)], dst.at[pl.ds(r0, _RPT)])

    @pl.when(s == _TILES - 1)
    def _():
        pltpu.sync_copy(src.at[pl.ds(_TAIL0, _TAILR)],
                        dst.at[pl.ds(_TAIL0, _TAILR)])

def _mesh():
    return plsc.VectorSubcoreMesh(core_axis_name="c", subcore_axis_name="s",
                                  num_cores=2, num_subcores=_TILES)



def _deg_body(dst3_hbm, zeros_hbm, ones_hbm, d0_hbm, d1_hbm,
              idst_all, ones_v, sem, acc_sh):
    c = lax.axis_index("c")
    s = lax.axis_index("s")
    w = c * _TILES + s

    pltpu.sync_copy(ones_hbm, ones_v)
    pltpu.sync_copy(dst3_hbm.at[w], idst_all)
    _copy_rows(zeros_hbm, acc_sh, s)
    plsc.subcore_barrier()

    @pl.loop(0, _NCE, step=8)
    def _(j):
        cps = [pltpu.async_copy(ones_v, acc_sh.at[idst_all.at[j + t]],
                                sem, add=True) for t in range(8)]
        for cp in cps:
            cp.wait()

    plsc.subcore_barrier()

    @pl.when(c == 0)
    def _():
        _copy_rows(acc_sh, d0_hbm, s)

    @pl.when(c == 1)
    def _():
        _copy_rows(acc_sh, d1_hbm, s)


def _deg(dst3, zeros128, ones128):
    return pl.kernel(
        _deg_body,
        out_type=(jax.ShapeDtypeStruct((N, 128), jnp.float32),
                  jax.ShapeDtypeStruct((N, 128), jnp.float32)),
        mesh=_mesh(),
        scratch_types=[
            pltpu.VMEM((_NCE, _K), jnp.int32),
            pltpu.VMEM((_K, 128), jnp.float32),
            pltpu.SemaphoreType.DMA,
            pltpu.VMEM_SHARED((N, 128), jnp.float32),
        ],
    )(dst3, zeros128, ones128)



def _edge_pipeline(tab, acc_sh, src3, dst3, w, nc, isl, idl, rows, semi, semr):
    for q in range(4):
        pltpu.async_copy(src3.at[w, q], isl[q], semi[q])
        pltpu.async_copy(dst3.at[w, q], idl[q], semi[q])
    for i in range(2):
        pltpu.make_async_copy(src3.at[w, 0], isl[i], semi[i]).wait()
        pltpu.make_async_copy(src3.at[w, 0], idl[i], semi[i]).wait()
        pltpu.async_copy(tab.at[isl[i]], rows[i], semr[i])

    @pl.loop(0, nc - 4, step=4)
    def _(j):
        for b in range(4):
            p, q, q2 = b % 2, b, (b + 2) % 4
            pltpu.make_async_copy(tab.at[isl[0]], rows[p], semr[p]).wait()
            pltpu.sync_copy(rows[p], acc_sh.at[idl[q]], add=True)
            pltpu.async_copy(src3.at[w, j + b + 4], isl[q], semi[q])
            pltpu.async_copy(dst3.at[w, j + b + 4], idl[q], semi[q])
            pltpu.make_async_copy(src3.at[w, 0], isl[q2], semi[q2]).wait()
            pltpu.make_async_copy(src3.at[w, 0], idl[q2], semi[q2]).wait()
            pltpu.async_copy(tab.at[isl[q2]], rows[p], semr[p])

    for b in range(4):
        p = b % 2
        pltpu.make_async_copy(tab.at[isl[0]], rows[p], semr[p]).wait()
        pltpu.sync_copy(rows[p], acc_sh.at[idl[b]], add=True)
        if b < 2:
            q2 = b + 2
            pltpu.make_async_copy(src3.at[w, 0], isl[q2], semi[q2]).wait()
            pltpu.make_async_copy(src3.at[w, 0], idl[q2], semi[q2]).wait()
            pltpu.async_copy(tab.at[isl[q2]], rows[p], semr[p])


_EDGE_SCRATCH = (
    [pltpu.VMEM((_K,), jnp.int32)] * 8
    + [pltpu.VMEM((_K, 128), jnp.float32)] * 2
    + [pltpu.SemaphoreType.DMA] * 6
    + [pltpu.VMEM_SHARED((N, 128), jnp.float32)]
)



def _agg2_body(src3_hbm, dst3_hbm, hw_hbm, zeros_hbm,
               out0_hbm, out1_hbm, i0, i1, i2, i3, d0, d1, d2, d3,
               r0, r1, si0, si1, si2, si3, sr0, sr1, acc_sh):
    c = lax.axis_index("c")
    s = lax.axis_index("s")
    w = c * _TILES + s

    _copy_rows(zeros_hbm, acc_sh, s)
    plsc.subcore_barrier()
    _edge_pipeline(hw_hbm, acc_sh, src3_hbm, dst3_hbm, w, _NCE,
                   (i0, i1, i2, i3), (d0, d1, d2, d3), (r0, r1),
                   (si0, si1, si2, si3), (sr0, sr1))
    plsc.subcore_barrier()

    @pl.when(c == 0)
    def _():
        _copy_rows(acc_sh, out0_hbm, s)

    @pl.when(c == 1)
    def _():
        _copy_rows(acc_sh, out1_hbm, s)


def _agg2(src3, dst3, hw, zeros):
    return pl.kernel(
        _agg2_body,
        out_type=(jax.ShapeDtypeStruct((N, 128), jnp.float32),
                  jax.ShapeDtypeStruct((N, 128), jnp.float32)),
        mesh=_mesh(),
        scratch_types=list(_EDGE_SCRATCH),
    )(src3, dst3, hw, zeros)



def _mmx_body(x_ref, d0_ref, d1_ref, xs_ref, dis_ref):
    dis = lax.rsqrt(d0_ref[:, 0:1] + d1_ref[:, 0:1] + 1.0)
    dis_ref[:, :] = jnp.broadcast_to(dis, (_BN, 16))
    xs_ref[:, :] = x_ref[:, :] * dis


def _mmx(x, d0, d1):
    return pl.pallas_call(
        _mmx_body,
        grid=(N // _BN,),
        in_specs=[
            pl.BlockSpec((_BN, 128), lambda i: (i, 0)),
            pl.BlockSpec((_BN, 128), lambda i: (i, 0)),
            pl.BlockSpec((_BN, 128), lambda i: (i, 0)),
        ],
        out_specs=[
            pl.BlockSpec((_BN, 128), lambda i: (i, 0)),
            pl.BlockSpec((_BN, 16), lambda i: (i, 0)),
        ],
        out_shape=[
            jax.ShapeDtypeStruct((N, 128), jnp.float32),
            jax.ShapeDtypeStruct((N, 16), jnp.float32),
        ],
    )(x, d0, d1)



def _postx_body(p0_ref, p1_ref, xs_ref, dis_ref, seg_ref, w1_ref, w2_ref,
                h_ref, summ_ref, cnt_ref, hw_ref):
    i = pl.program_id(0)
    dis = dis_ref[:, 0:1]
    u = (p0_ref[:, :] + p1_ref[:, :] + xs_ref[:, :]) * dis
    h = jnp.maximum(jnp.dot(u, w1_ref[:, :],
                            preferred_element_type=jnp.float32), 0.0)
    h_ref[:, :] = h
    hw_ref[:, :] = jnp.dot(h, w2_ref[:, :],
                           preferred_element_type=jnp.float32) * dis
    onehot = (seg_ref[:, :] == lax.broadcasted_iota(jnp.int32, (_BN, G), 1)
              ).astype(jnp.float32)
    psum = lax.dot_general(onehot, h, (((0,), (0,)), ((), ())),
                           preferred_element_type=jnp.float32)
    pcnt = lax.dot_general(onehot, jnp.ones((_BN, 128), jnp.float32),
                           (((0,), (0,)), ((), ())),
                           preferred_element_type=jnp.float32)

    @pl.when(i == 0)
    def _():
        summ_ref[:, :] = jnp.zeros_like(summ_ref)
        cnt_ref[:, :] = jnp.zeros_like(cnt_ref)

    summ_ref[:, :] += psum
    cnt_ref[:, :] += pcnt


def _postx(p0, p1, xs, dis, segr, w1, w2):
    return pl.pallas_call(
        _postx_body,
        grid=(N // _BN,),
        in_specs=[
            pl.BlockSpec((_BN, 128), lambda i: (i, 0)),
            pl.BlockSpec((_BN, 128), lambda i: (i, 0)),
            pl.BlockSpec((_BN, 128), lambda i: (i, 0)),
            pl.BlockSpec((_BN, 16), lambda i: (i, 0)),
            pl.BlockSpec((_BN, G), lambda i: (i, 0)),
            pl.BlockSpec((128, 256), lambda i: (0, 0)),
            pl.BlockSpec((256, 128), lambda i: (0, 0)),
        ],
        out_specs=[
            pl.BlockSpec((_BN, 256), lambda i: (i, 0)),
            pl.BlockSpec((G, 256), lambda i: (0, 0)),
            pl.BlockSpec((G, 128), lambda i: (0, 0)),
            pl.BlockSpec((_BN, 128), lambda i: (i, 0)),
        ],
        out_shape=[
            jax.ShapeDtypeStruct((N, 256), jnp.float32),
            jax.ShapeDtypeStruct((G, 256), jnp.float32),
            jax.ShapeDtypeStruct((G, 128), jnp.float32),
            jax.ShapeDtypeStruct((N, 128), jnp.float32),
        ],
    )(p0, p1, xs, dis, segr, w1, w2)



def _post_body(aa_ref, ab_ref, ha_ref, hb_ref, dis_ref, seg_ref, wn_ref,
               h_ref, summ_ref, cnt_ref, hw_ref):
    i = pl.program_id(0)
    dis = dis_ref[:, 0:1]
    left = (aa_ref[:, :] + ha_ref[:, :]) * dis
    right = (ab_ref[:, :] + hb_ref[:, :]) * dis
    h = jnp.maximum(jnp.concatenate([left, right], axis=1), 0.0)
    h_ref[:, :] = h
    hw_ref[:, :] = jnp.dot(h, wn_ref[:, :],
                           preferred_element_type=jnp.float32) * dis
    onehot = (seg_ref[:, :] == lax.broadcasted_iota(jnp.int32, (_BN, G), 1)
              ).astype(jnp.float32)
    psum = lax.dot_general(onehot, h, (((0,), (0,)), ((), ())),
                           preferred_element_type=jnp.float32)
    pcnt = lax.dot_general(onehot, jnp.ones((_BN, 128), jnp.float32),
                           (((0,), (0,)), ((), ())),
                           preferred_element_type=jnp.float32)

    @pl.when(i == 0)
    def _():
        summ_ref[:, :] = jnp.zeros_like(summ_ref)
        cnt_ref[:, :] = jnp.zeros_like(cnt_ref)

    summ_ref[:, :] += psum
    cnt_ref[:, :] += pcnt


def _post(aa, ab, ha, hb, dis, segr, wn):
    return pl.pallas_call(
        _post_body,
        grid=(N // _BN,),
        in_specs=[
            pl.BlockSpec((_BN, 128), lambda i: (i, 0)),
            pl.BlockSpec((_BN, 128), lambda i: (i, 0)),
            pl.BlockSpec((_BN, 128), lambda i: (i, 0)),
            pl.BlockSpec((_BN, 128), lambda i: (i, 0)),
            pl.BlockSpec((_BN, 16), lambda i: (i, 0)),
            pl.BlockSpec((_BN, G), lambda i: (i, 0)),
            pl.BlockSpec((256, 128), lambda i: (0, 0)),
        ],
        out_specs=[
            pl.BlockSpec((_BN, 256), lambda i: (i, 0)),
            pl.BlockSpec((G, 256), lambda i: (0, 0)),
            pl.BlockSpec((G, 128), lambda i: (0, 0)),
            pl.BlockSpec((_BN, 128), lambda i: (i, 0)),
        ],
        out_shape=[
            jax.ShapeDtypeStruct((N, 256), jnp.float32),
            jax.ShapeDtypeStruct((G, 256), jnp.float32),
            jax.ShapeDtypeStruct((G, 128), jnp.float32),
            jax.ShapeDtypeStruct((N, 128), jnp.float32),
        ],
    )(aa, ab, ha, hb, dis, segr, wn)


def _post2w_body(p0_ref, p1_ref, hw_ref, dis_ref, seg_ref, wn_ref,
                 h_ref, summ_ref, hwn_ref):
    i = pl.program_id(0)
    dis = dis_ref[:, 0:1]
    h = jnp.maximum((p0_ref[:, :] + p1_ref[:, :] + hw_ref[:, :]) * dis, 0.0)
    h_ref[:, :] = h
    hwn_ref[:, :] = jnp.dot(h, wn_ref[:, :],
                            preferred_element_type=jnp.float32) * dis
    onehot = (seg_ref[:, :] == lax.broadcasted_iota(jnp.int32, (_BN, G), 1)
              ).astype(jnp.float32)
    psum = lax.dot_general(onehot, h, (((0,), (0,)), ((), ())),
                           preferred_element_type=jnp.float32)

    @pl.when(i == 0)
    def _():
        summ_ref[:, :] = jnp.zeros_like(summ_ref)

    summ_ref[:, :] += psum


def _post2w(p0, p1, hw, dis, segr, wn):
    return pl.pallas_call(
        _post2w_body,
        grid=(N // _BN,),
        in_specs=[
            pl.BlockSpec((_BN, 128), lambda i: (i, 0)),
            pl.BlockSpec((_BN, 128), lambda i: (i, 0)),
            pl.BlockSpec((_BN, 128), lambda i: (i, 0)),
            pl.BlockSpec((_BN, 16), lambda i: (i, 0)),
            pl.BlockSpec((_BN, G), lambda i: (i, 0)),
            pl.BlockSpec((128, 128), lambda i: (0, 0)),
        ],
        out_specs=[
            pl.BlockSpec((_BN, 128), lambda i: (i, 0)),
            pl.BlockSpec((G, 128), lambda i: (0, 0)),
            pl.BlockSpec((_BN, 128), lambda i: (i, 0)),
        ],
        out_shape=[
            jax.ShapeDtypeStruct((N, 128), jnp.float32),
            jax.ShapeDtypeStruct((G, 128), jnp.float32),
            jax.ShapeDtypeStruct((N, 128), jnp.float32),
        ],
    )(p0, p1, hw, dis, segr, wn)


def _post2_body(p0_ref, p1_ref, hw_ref, dis_ref, seg_ref, h_ref, summ_ref):
    i = pl.program_id(0)
    dis = dis_ref[:, 0:1]
    h = jnp.maximum((p0_ref[:, :] + p1_ref[:, :] + hw_ref[:, :]) * dis, 0.0)
    h_ref[:, :] = h
    onehot = (seg_ref[:, :] == lax.broadcasted_iota(jnp.int32, (_BN, G), 1)
              ).astype(jnp.float32)
    psum = lax.dot_general(onehot, h, (((0,), (0,)), ((), ())),
                           preferred_element_type=jnp.float32)

    @pl.when(i == 0)
    def _():
        summ_ref[:, :] = jnp.zeros_like(summ_ref)

    summ_ref[:, :] += psum


def _post2(p0, p1, hw, dis, segr):
    return pl.pallas_call(
        _post2_body,
        grid=(N // _BN,),
        in_specs=[
            pl.BlockSpec((_BN, 128), lambda i: (i, 0)),
            pl.BlockSpec((_BN, 128), lambda i: (i, 0)),
            pl.BlockSpec((_BN, 128), lambda i: (i, 0)),
            pl.BlockSpec((_BN, 16), lambda i: (i, 0)),
            pl.BlockSpec((_BN, G), lambda i: (i, 0)),
        ],
        out_specs=[
            pl.BlockSpec((_BN, 128), lambda i: (i, 0)),
            pl.BlockSpec((G, 128), lambda i: (0, 0)),
        ],
        out_shape=[
            jax.ShapeDtypeStruct((N, 128), jnp.float32),
            jax.ShapeDtypeStruct((G, 128), jnp.float32),
        ],
    )(p0, p1, hw, dis, segr)



def _pool_body(h_ref, seg_ref, summ_ref, cnt_ref, wp_ref, g_ref):
    i = pl.program_id(0)
    mean = summ_ref[:, :] / jnp.maximum(cnt_ref[:, 0:1], 1.0)
    cmat = jnp.tanh(jnp.dot(mean, wp_ref[:, :],
                            preferred_element_type=jnp.float32))
    onehot = (seg_ref[:, :] == lax.broadcasted_iota(jnp.int32, (_BN, G), 1)
              ).astype(jnp.float32)
    cnode = jnp.dot(onehot, cmat, preferred_element_type=jnp.float32)
    h = h_ref[:, :]
    att = 1.0 / (1.0 + jnp.exp(-jnp.sum(h * cnode, axis=1, keepdims=True)))

    @pl.when(i == 0)
    def _():
        g_ref[:, :] = jnp.zeros_like(g_ref)

    g_ref[:, :] += lax.dot_general(onehot, att * h, (((0,), (0,)), ((), ())),
                                   preferred_element_type=jnp.float32)


def _pool(h, segr, summ, cnt, wp):
    hfull = h.shape[1]
    return pl.pallas_call(
        _pool_body,
        grid=(N // _BN,),
        in_specs=[
            pl.BlockSpec((_BN, hfull), lambda i: (i, 0)),
            pl.BlockSpec((_BN, G), lambda i: (i, 0)),
            pl.BlockSpec((G, hfull), lambda i: (0, 0)),
            pl.BlockSpec((G, 128), lambda i: (0, 0)),
            pl.BlockSpec((hfull, hfull), lambda i: (0, 0)),
        ],
        out_specs=pl.BlockSpec((G, hfull), lambda i: (0, 0)),
        out_shape=jax.ShapeDtypeStruct((G, hfull), jnp.float32),
    )(h, segr, summ, cnt, wp)



def _p3h_body(h_ref, seg_ref, summ_ref, cnt_ref, wp_ref, g1_ref, g2_ref,
              w1a_ref, w1b_ref, w1c_ref, b1_ref, w2_ref, b2_ref,
              w3_ref, b3_ref, wd1_ref, bd1_ref, wd2_ref, bd2_ref,
              out_ref, g3_acc):
    i = pl.program_id(0)
    mean = summ_ref[:, :] / jnp.maximum(cnt_ref[:, 0:1], 1.0)
    cmat = jnp.tanh(jnp.dot(mean, wp_ref[:, :],
                            preferred_element_type=jnp.float32))
    onehot = (seg_ref[:, :] == lax.broadcasted_iota(jnp.int32, (_BN, G), 1)
              ).astype(jnp.float32)
    cnode = jnp.dot(onehot, cmat, preferred_element_type=jnp.float32)
    h = h_ref[:, :]
    att = 1.0 / (1.0 + jnp.exp(-jnp.sum(h * cnode, axis=1, keepdims=True)))

    @pl.when(i == 0)
    def _():
        g3_acc[:, :] = jnp.zeros_like(g3_acc)

    g3_acc[:, :] += lax.dot_general(onehot, att * h, (((0,), (0,)), ((), ())),
                                    preferred_element_type=jnp.float32)

    @pl.when(i == N // _BN - 1)
    def _():
        m = (jnp.dot(g1_ref[:, :], w1a_ref[:, :],
                     preferred_element_type=jnp.float32)
             + jnp.dot(g2_ref[:, :], w1b_ref[:, :],
                       preferred_element_type=jnp.float32)
             + jnp.dot(g3_acc[:, :], w1c_ref[:, :],
                       preferred_element_type=jnp.float32)
             + b1_ref[:, :])
        m = jnp.maximum(m, 0.0)
        m = jnp.maximum(jnp.dot(m, w2_ref[:, :],
                                preferred_element_type=jnp.float32)
                        + b2_ref[:, :], 0.0)
        emb = jnp.dot(m, w3_ref[:, :],
                      preferred_element_type=jnp.float32) + b3_ref[:, :]
        d = jnp.maximum(jnp.dot(emb, wd1_ref[:, :],
                                preferred_element_type=jnp.float32)
                        + bd1_ref[:, :], 0.0)
        out_ref[:, :] = 0.5 * jnp.tanh(
            jnp.dot(d, wd2_ref[:, :], preferred_element_type=jnp.float32)
            + bd2_ref[:, :])


def _cspec(x):
    nd = len(x.shape)
    return pl.BlockSpec(x.shape, (lambda i: (0, 0)) if nd == 2
                        else (lambda i: (0,)))


def _pool3head(h, segr, summ, cnt, wp, g1, g2, w1a, w1b, w1c, bm1,
               wm2, bm2, wm3, bm3, wd1, bd1, wd2, bd2):
    consts = [wp, g1, g2, w1a, w1b, w1c, bm1[None, :], wm2, bm2[None, :],
              wm3, bm3[None, :], wd1, bd1[None, :], wd2, bd2[None, :]]
    return pl.pallas_call(
        _p3h_body,
        grid=(N // _BN,),
        in_specs=[
            pl.BlockSpec((_BN, 128), lambda i: (i, 0)),
            pl.BlockSpec((_BN, G), lambda i: (i, 0)),
            pl.BlockSpec((G, 128), lambda i: (0, 0)),
            pl.BlockSpec((G, 128), lambda i: (0, 0)),
        ] + [_cspec(x) for x in consts],
        out_specs=pl.BlockSpec((G, 32), lambda i: (0, 0)),
        out_shape=jax.ShapeDtypeStruct((G, 32), jnp.float32),
        scratch_shapes=[pltpu.VMEM((G, 128), jnp.float32)],
    )(h, segr, summ, cnt, *consts)


def kernel(x, edge_index, segment_ids, W1, Wp1, W2, Wp2, W3, Wp3,
           Wm1, bm1, Wm2, bm2, Wm3, bm3, Wd1, bd1, Wd2, bd2):
    src = edge_index[0].astype(jnp.int32)
    dst = edge_index[1].astype(jnp.int32)
    src_es = src.reshape(2 * _TILES, _NCE, _K)
    dst_es = dst.reshape(2 * _TILES, _NCE, _K)
    segr = jnp.broadcast_to(segment_ids.astype(jnp.int32)[:, None], (N, G))

    zeros128 = jnp.zeros((N, 128), jnp.float32)
    ones128 = jnp.ones((_K, 128), jnp.float32)

    W3p = jnp.concatenate([W3, jnp.zeros((W3.shape[0], 64), jnp.float32)], 1)
    Wp3p = jnp.pad(Wp3, ((0, 64), (0, 64)))
    w1c = jnp.concatenate([Wm1[384:], jnp.zeros((64, Wm1.shape[1]),
                                                jnp.float32)], 0)

    d0, d1 = _deg(dst_es, zeros128, ones128)

    xs, dis = _mmx(x, d0, d1)
    p0x, p1x = _agg2(src_es, dst_es, xs, zeros128)
    h1, summ1, cnt, hw2 = _postx(p0x, p1x, xs, dis, segr, W1, W2)

    p0, p1 = _agg2(src_es, dst_es, hw2, zeros128)
    g1 = _pool(h1, segr, summ1, cnt, Wp1)
    h2, summ2, hw3 = _post2w(p0, p1, hw2, dis, segr, W3p)

    p0b, p1b = _agg2(src_es, dst_es, hw3, zeros128)
    g2 = _pool(h2, segr, summ2, cnt, Wp2)
    h3, summ3 = _post2(p0b, p1b, hw3, dis, segr)

    return _pool3head(h3, segr, summ3, cnt, Wp3p, g1, g2,
                      Wm1[:256], Wm1[256:384], w1c, bm1,
                      Wm2, bm2, Wm3, bm3, Wd1, bd1, Wd2, bd2)

# --- scband reference (transcript-rebuilt; emitter-appended) ---
"""Pipeline reference for scband-graph-hash-emb-code-37692632990195 (READ-ONLY COPY).

The authoritative reference and input builder live on the scoring server;
editing this copy changes nothing except your own understanding.
"""

import jax, jax.numpy as jnp
import numpy as np

N = 10000
E = 320000
D = 128
H1, H2, H3 = 256, 128, 64
H4, H5 = 512, 256
EMB = 256
H6 = 64
CODE = 32
G = 128


def setup_inputs(seed: int = 0) -> dict:
    key = jax.random.key(seed)
    ks = jax.random.split(key, 24)
    x = jax.random.normal(ks[0], (N, D), dtype=jnp.float32)
    edge_index = jax.random.randint(ks[1], (2, E), 0, N)
    segment_ids = jnp.sort(jax.random.randint(ks[2], (N,), 0, G))
    def w(k, shape):
        fan_in = shape[0]
        return jax.random.normal(k, shape, dtype=jnp.float32) * (1.0 / np.sqrt(fan_in))
    params = {
        'W1': w(ks[3], (D, H1)), 'Wp1': w(ks[4], (H1, H1)),
        'W2': w(ks[5], (H1, H2)), 'Wp2': w(ks[6], (H2, H2)),
        'W3': w(ks[7], (H2, H3)), 'Wp3': w(ks[8], (H3, H3)),
        'Wm1': w(ks[9], (H1 + H2 + H3, H4)), 'bm1': jnp.zeros((H4,), jnp.float32),
        'Wm2': w(ks[10], (H4, H5)), 'bm2': jnp.zeros((H5,), jnp.float32),
        'Wm3': w(ks[11], (H5, EMB)), 'bm3': jnp.zeros((EMB,), jnp.float32),
        'Wd1': w(ks[12], (EMB, H6)), 'bd1': jnp.zeros((H6,), jnp.float32),
        'Wd2': w(ks[13], (H6, CODE)), 'bd2': jnp.zeros((CODE,), jnp.float32),
    }
    out = {'x': x, 'edge_index': edge_index, 'segment_ids': segment_ids}
    out.update(params)
    return out


def reference(x, edge_index, segment_ids, W1, Wp1, W2, Wp2, W3, Wp3,
              Wm1, bm1, Wm2, bm2, Wm3, bm3, Wd1, bd1, Wd2, bd2):
    # GCN normalization D^{-1/2} (A+I) D^{-1/2} over edge list with self-loops
    loop = jnp.arange(N)
    src = jnp.concatenate([edge_index[0], loop])
    dst = jnp.concatenate([edge_index[1], loop])
    deg = jnp.zeros((N,), jnp.float32).at[dst].add(1.0)
    dis = jax.lax.rsqrt(jnp.maximum(deg, 1.0))
    norm = (dis[src] * dis[dst])[:, None]

    def gcn(h, W):
        hw = h @ W
        msg = hw[src] * norm
        agg = jnp.zeros((N, W.shape[1]), jnp.float32).at[dst].add(msg)
        return jax.nn.relu(agg)

    def att_pool(h, Wp):
        counts = jnp.zeros((G,), jnp.float32).at[segment_ids].add(1.0)
        summ = jnp.zeros((G, h.shape[1]), jnp.float32).at[segment_ids].add(h)
        mean = summ / jnp.maximum(counts, 1.0)[:, None]
        c = jnp.tanh(mean @ Wp)
        att = jax.nn.sigmoid(jnp.sum(h * c[segment_ids], axis=1, keepdims=True))
        return jnp.zeros((G, h.shape[1]), jnp.float32).at[segment_ids].add(att * h)

    h1 = gcn(x, W1)
    g1 = att_pool(h1, Wp1)
    h2 = gcn(h1, W2)
    g2 = att_pool(h2, Wp2)
    h3 = gcn(h2, W3)
    g3 = att_pool(h3, Wp3)
    g = jnp.concatenate([g1, g2, g3], axis=1)
    m = jax.nn.relu(g @ Wm1 + bm1)
    m = jax.nn.relu(m @ Wm2 + bm2)
    emb = m @ Wm3 + bm3
    d = jax.nn.relu(emb @ Wd1 + bd1)
    out = 0.5 * jnp.tanh(d @ Wd2 + bd2)
    return out

if __name__ == "__main__":
    import jax
    _d = setup_inputs()
    print(jax.jit(kernel)(*tuple(_d.values())))

</pallas_src>

<mosaic_0001>
#map = affine_map<(d0, d1) -> (0, 0, 0)>
#map1 = affine_map<(d0, d1) -> (0, 0)>
module attributes {stable_mosaic.version = 14 : i64} {
  func.func @_deg_body(%arg0: i32, %arg1: i32, %arg2: memref<32x80x125xi32, #tpu.memory_space<hbm>>, %arg3: memref<10000x128xf32, #tpu.memory_space<hbm>>, %arg4: memref<125x128xf32, #tpu.memory_space<hbm>>, %arg5: memref<10000x128xf32, #tpu.memory_space<hbm>>, %arg6: memref<10000x128xf32, #tpu.memory_space<hbm>>, %arg7: memref<80x125xi32, #tpu.memory_space<vmem>>, %arg8: memref<125x128xf32, #tpu.memory_space<vmem>>, %arg9: memref<!tpu.dma_semaphore, #tpu.memory_space<semaphore_mem>>, %arg10: memref<10000x128xf32, #tpu.memory_space<vmem_shared>>) attributes {dimension_semantics = [#tpu.dimension_semantics<core_parallel>, #tpu.dimension_semantics<subcore_parallel>], iteration_bounds = array<i64: 2, 16>, scalar_prefetch = 0 : i64, scratch_operands = 4 : i64, tpu.core_type = #tpu.core_type<sc_vector_subcore>, window_params = [{transform_indices = #map}, {transform_indices = #map1}, {transform_indices = #map1}, {transform_indices = #map1}, {transform_indices = #map1}]} {
    %mul3A = arith.constant 16 : i32
    %mul3A_0 = arith.muli %arg0, %mul3A : i32
    %add3A = arith.addi %mul3A_0, %arg1 : i32
    "tpu.region"() ({
      %run_scoped3A = tpu.sem_alloc : memref<!tpu.dma_semaphore, #tpu.memory_space<semaphore_mem>>
      tpu.enqueue_dma source(%arg4 : memref<125x128xf32, #tpu.memory_space<hbm>>) target(%arg8 : memref<125x128xf32, #tpu.memory_space<vmem>>) target_semaphore(%run_scoped3A : memref<!tpu.dma_semaphore, #tpu.memory_space<semaphore_mem>>)
      tpu.wait_dma2 semaphore(%run_scoped3A : memref<!tpu.dma_semaphore, #tpu.memory_space<semaphore_mem>>) src(%arg4 : memref<125x128xf32, #tpu.memory_space<hbm>>) dst(%arg8 : memref<125x128xf32, #tpu.memory_space<vmem>>)
      tpu.yield
    }) : () -> ()
    "tpu.region"() ({
      %run_scoped3A = tpu.sem_alloc : memref<!tpu.dma_semaphore, #tpu.memory_space<semaphore_mem>>
      %dma_start3A = arith.constant 0 : i32
      %dma_start3A_20 = arith.constant 0 : i32
      %dma_start3A_21 = tpu.memref_slice %arg2[%add3A, %dma_start3A, %dma_start3A_20] : memref<32x80x125xi32, #tpu.memory_space<hbm>> -> memref<1x80x125xi32, #tpu.memory_space<hbm>>
      %dma_start3A_22 = tpu.memref_squeeze %dma_start3A_21 : memref<1x80x125xi32, #tpu.memory_space<hbm>> -> memref<80x125xi32, #tpu.memory_space<hbm>>
      %dma_start3A_23 = arith.constant 0 : i32
      %dma_start3A_24 = arith.constant 0 : i32
      %dma_start3A_25 = tpu.memref_slice %arg2[%add3A, %dma_start3A_23, %dma_start3A_24] : memref<32x80x125xi32, #tpu.memory_space<hbm>> -> memref<1x80x125xi32, #tpu.memory_space<hbm>>
      %dma_start3A_26 = tpu.memref_squeeze %dma_start3A_25 : memref<1x80x125xi32, #tpu.memory_space<hbm>> -> memref<80x125xi32, #tpu.memory_space<hbm>>
      tpu.enqueue_dma source(%dma_start3A_26 : memref<80x125xi32, #tpu.memory_space<hbm>>) target(%arg7 : memref<80x125xi32, #tpu.memory_space<vmem>>) target_semaphore(%run_scoped3A : memref<!tpu.dma_semaphore, #tpu.memory_space<semaphore_mem>>)
      %dma_wait3A = arith.constant 0 : i32
      %dma_wait3A_27 = arith.constant 0 : i32
      %dma_wait3A_28 = tpu.memref_slice %arg2[%add3A, %dma_wait3A, %dma_wait3A_27] : memref<32x80x125xi32, #tpu.memory_space<hbm>> -> memref<1x80x125xi32, #tpu.memory_space<hbm>>
      %dma_wait3A_29 = tpu.memref_squeeze %dma_wait3A_28 : memref<1x80x125xi32, #tpu.memory_space<hbm>> -> memref<80x125xi32, #tpu.memory_space<hbm>>
      %dma_wait3A_30 = arith.constant 0 : i32
      %dma_wait3A_31 = arith.constant 0 : i32
      %dma_wait3A_32 = tpu.memref_slice %arg2[%add3A, %dma_wait3A_30, %dma_wait3A_31] : memref<32x80x125xi32, #tpu.memory_space<hbm>> -> memref<1x80x125xi32, #tpu.memory_space<hbm>>
      %dma_wait3A_33 = tpu.memref_squeeze %dma_wait3A_32 : memref<1x80x125xi32, #tpu.memory_space<hbm>> -> memref<80x125xi32, #tpu.memory_space<hbm>>
      tpu.wait_dma2 semaphore(%run_scoped3A : memref<!tpu.dma_semaphore, #tpu.memory_space<semaphore_mem>>) src(%dma_wait3A_33 : memref<80x125xi32, #tpu.memory_space<hbm>>) dst(%arg7 : memref<80x125xi32, #tpu.memory_space<vmem>>)
      tpu.yield
    }) : () -> ()
    %mul3A_1 = arith.constant 624 : i32
    %mul3A_2 = arith.muli %arg1, %mul3A_1 : i32
    %multiple_of3A = tpu.assume_multiple %mul3A_2, 8 : i32
    "tpu.region"() ({
      %run_scoped3A = tpu.sem_alloc : memref<!tpu.dma_semaphore, #tpu.memory_space<semaphore_mem>>
      %dma_start3A = arith.constant 0 : i32
      %dma_start3A_20 = tpu.memref_slice %arg10[%multiple_of3A, %dma_start3A] : memref<10000x128xf32, #tpu.memory_space<vmem_shared>> -> memref<624x128xf32, #tpu.memory_space<vmem_shared>>
      %dma_start3A_21 = arith.constant 0 : i32
      %dma_start3A_22 = tpu.memref_slice %arg3[%multiple_of3A, %dma_start3A_21] : memref<10000x128xf32, #tpu.memory_space<hbm>> -> memref<624x128xf32, #tpu.memory_space<hbm>>
      tpu.enqueue_dma source(%dma_start3A_22 : memref<624x128xf32, #tpu.memory_space<hbm>>) target(%dma_start3A_20 : memref<624x128xf32, #tpu.memory_space<vmem_shared>>) target_semaphore(%run_scoped3A : memref<!tpu.dma_semaphore, #tpu.memory_space<semaphore_mem>>)
      %dma_wait3A = arith.constant 0 : i32
      %dma_wait3A_23 = tpu.memref_slice %arg10[%multiple_of3A, %dma_wait3A] : memref<10000x128xf32, #tpu.memory_space<vmem_shared>> -> memref<624x128xf32, #tpu.memory_space<vmem_shared>>
      %dma_wait3A_24 = arith.constant 0 : i32
      %dma_wait3A_25 = tpu.memref_slice %arg3[%multiple_of3A, %dma_wait3A_24] : memref<10000x128xf32, #tpu.memory_space<hbm>> -> memref<624x128xf32, #tpu.memory_space<hbm>>
      tpu.wait_dma2 semaphore(%run_scoped3A : memref<!tpu.dma_semaphore, #tpu.memory_space<semaphore_mem>>) src(%dma_wait3A_25 : memref<624x128xf32, #tpu.memory_space<hbm>>) dst(%dma_wait3A_23 : memref<624x128xf32, #tpu.memory_space<vmem_shared>>)
      tpu.yield
    }) : () -> ()
    %eq3A = arith.constant 15 : i32
    %eq3A_3 = arith.cmpi eq, %arg1, %eq3A : i32
    %convert_element_type3A = arith.extui %eq3A_3 : i1 to i32
    %cond3A = arith.constant 0 : i32
    %cond3A_4 = arith.cmpi ne, %convert_element_type3A, %cond3A : i32
    scf.if %cond3A_4 {
      "tpu.region"() ({
        %run_scoped3A = tpu.sem_alloc : memref<!tpu.dma_semaphore, #tpu.memory_space<semaphore_mem>>
        %dma_start3A = arith.constant 9984 : i32
        %dma_start3A_20 = arith.constant 0 : i32
        %dma_start3A_21 = tpu.memref_slice %arg10[%dma_start3A, %dma_start3A_20] : memref<10000x128xf32, #tpu.memory_space<vmem_shared>> -> memref<16x128xf32, #tpu.memory_space<vmem_shared>>
        %dma_start3A_22 = arith.constant 9984 : i32
        %dma_start3A_23 = arith.constant 0 : i32
        %dma_start3A_24 = tpu.memref_slice %arg3[%dma_start3A_22, %dma_start3A_23] : memref<10000x128xf32, #tpu.memory_space<hbm>> -> memref<16x128xf32, #tpu.memory_space<hbm>>
        tpu.enqueue_dma source(%dma_start3A_24 : memref<16x128xf32, #tpu.memory_space<hbm>>) target(%dma_start3A_21 : memref<16x128xf32, #tpu.memory_space<vmem_shared>>) target_semaphore(%run_scoped3A : memref<!tpu.dma_semaphore, #tpu.memory_space<semaphore_mem>>)
        %dma_wait3A = arith.constant 9984 : i32
        %dma_wait3A_25 = arith.constant 0 : i32
        %dma_wait3A_26 = tpu.memref_slice %arg10[%dma_wait3A, %dma_wait3A_25] : memref<10000x128xf32, #tpu.memory_space<vmem_shared>> -> memref<16x128xf32, #tpu.memory_space<vmem_shared>>
        %dma_wait3A_27 = arith.constant 9984 : i32
        %dma_wait3A_28 = arith.constant 0 : i32
        %dma_wait3A_29 = tpu.memref_slice %arg3[%dma_wait3A_27, %dma_wait3A_28] : memref<10000x128xf32, #tpu.memory_space<hbm>> -> memref<16x128xf32, #tpu.memory_space<hbm>>
        tpu.wait_dma2 semaphore(%run_scoped3A : memref<!tpu.dma_semaphore, #tpu.memory_space<semaphore_mem>>) src(%dma_wait3A_29 : memref<16x128xf32, #tpu.memory_space<hbm>>) dst(%dma_wait3A_26 : memref<16x128xf32, #tpu.memory_space<vmem_shared>>)
        tpu.yield
      }) : () -> ()
    } else {
    }
    %barrier3A = arith.constant 0 : index
    tpu.barrier barrier_id(%barrier3A)
    %scan3A = arith.constant 0 : i32
    %scan3A_5 = arith.constant 10 : i32
    %scan3A_6 = arith.addi %scan3A, %scan3A_5 : i32
    %scan3A_7 = arith.constant 1 : i32
    scf.for %scan3A_20 = %scan3A to %scan3A_6 step %scan3A_7  : i32 {
      %mul3A_21 = arith.constant 8 : i32
      %mul3A_22 = arith.muli %scan3A_20, %mul3A_21 : i32
      %add3A_23 = arith.constant 0 : i32
      %add3A_24 = arith.addi %add3A_23, %mul3A_22 : i32
      %add3A_25 = arith.constant 0 : i32
      %add3A_26 = arith.addi %add3A_24, %add3A_25 : i32
      %dma_start3A = arith.constant 0 : i32
      %dma_start3A_27 = tpu.memref_slice %arg7[%add3A_26, %dma_start3A] : memref<80x125xi32, #tpu.memory_space<vmem>> -> memref<1x125xi32, #tpu.memory_space<vmem>>
      %dma_start3A_28 = tpu.memref_squeeze %dma_start3A_27 : memref<1x125xi32, #tpu.memory_space<vmem>> -> memref<125xi32, #tpu.memory_space<vmem>>
      %dma_start3A_29 = arith.constant 0 : i32
      %dma_start3A_30 = arith.constant 0 : i32
      %dma_start3A_31 = tpu.memref_slice %arg10[%dma_start3A_29, %dma_start3A_30] : memref<10000x128xf32, #tpu.memory_space<vmem_shared>> -> memref<10000x128xf32, #tpu.memory_space<vmem_shared>>
      tpu.enqueue_indirect_dma source(%arg8 : memref<125x128xf32, #tpu.memory_space<vmem>>) target(%dma_start3A_31 : memref<10000x128xf32, #tpu.memory_space<vmem_shared>>) offsets(%dma_start3A_28 : memref<125xi32, #tpu.memory_space<vmem>>) semaphore(%arg9 : memref<!tpu.dma_semaphore, #tpu.memory_space<semaphore_mem>>) {add = true}
      %add3A_32 = arith.constant 1 : i32
      %add3A_33 = arith.addi %add3A_24, %add3A_32 : i32
      %dma_start3A_34 = arith.constant 0 : i32
      %dma_start3A_35 = tpu.memref_slice %arg7[%add3A_33, %dma_start3A_34] : memref<80x125xi32, #tpu.memory_space<vmem>> -> memref<1x125xi32, #tpu.memory_space<vmem>>
      %dma_start3A_36 = tpu.memref_squeeze %dma_start3A_35 : memref<1x125xi32, #tpu.memory_space<vmem>> -> memref<125xi32, #tpu.memory_space<vmem>>
      %dma_start3A_37 = arith.constant 0 : i32
      %dma_start3A_38 = arith.constant 0 : i32
      %dma_start3A_39 = tpu.memref_slice %arg10[%dma_start3A_37, %dma_start3A_38] : memref<10000x128xf32, #tpu.memory_space<vmem_shared>> -> memref<10000x128xf32, #tpu.memory_space<vmem_shared>>
      tpu.enqueue_indirect_dma source(%arg8 : memref<125x128xf32, #tpu.memory_space<vmem>>) target(%dma_start3A_39 : memref<10000x128xf32, #tpu.memory_space<vmem_shared>>) offsets(%dma_start3A_36 : memref<125xi32, #tpu.memory_space<vmem>>) semaphore(%arg9 : memref<!tpu.dma_semaphore, #tpu.memory_space<semaphore_mem>>) {add = true}
      %add3A_40 = arith.constant 2 : i32
      %add3A_41 = arith.addi %add3A_24, %add3A_40 : i32
      %dma_start3A_42 = arith.constant 0 : i32
      %dma_start3A_43 = tpu.memref_slice %arg7[%add3A_41, %dma_start3A_42] : memref<80x125xi32, #tpu.memory_space<vmem>> -> memref<1x125xi32, #tpu.memory_space<vmem>>
      %dma_start3A_44 = tpu.memref_squeeze %dma_start3A_43 : memref<1x125xi32, #tpu.memory_space<vmem>> -> memref<125xi32, #tpu.memory_space<vmem>>
      %dma_start3A_45 = arith.constant 0 : i32
      %dma_start3A_46 = arith.constant 0 : i32
      %dma_start3A_47 = tpu.memref_slice %arg10[%dma_start3A_45, %dma_start3A_46] : memref<10000x128xf32, #tpu.memory_space<vmem_shared>> -> memref<10000x128xf32, #tpu.memory_space<vmem_shared>>
      tpu.enqueue_indirect_dma source(%arg8 : memref<125x128xf32, #tpu.memory_space<vmem>>) target(%dma_start3A_47 : memref<10000x128xf32, #tpu.memory_space<vmem_shared>>) offsets(%dma_start3A_44 : memref<125xi32, #tpu.memory_space<vmem>>) semaphore(%arg9 : memref<!tpu.dma_semaphore, #tpu.memory_space<semaphore_mem>>) {add = true}
      %add3A_48 = arith.constant 3 : i32
      %add3A_49 = arith.addi %add3A_24, %add3A_48 : i32
      %dma_start3A_50 = arith.constant 0 : i32
      %dma_start3A_51 = tpu.memref_slice %arg7[%add3A_49, %dma_start3A_50] : memref<80x125xi32, #tpu.memory_space<vmem>> -> memref<1x125xi32, #tpu.memory_space<vmem>>
      %dma_start3A_52 = tpu.memref_squeeze %dma_start3A_51 : memref<1x125xi32, #tpu.memory_space<vmem>> -> memref<125xi32, #tpu.memory_space<vmem>>
      %dma_start3A_53 = arith.constant 0 : i32
      %dma_start3A_54 = arith.constant 0 : i32
      %dma_start3A_55 = tpu.memref_slice %arg10[%dma_start3A_53, %dma_start3A_54] : memref<10000x128xf32, #tpu.memory_space<vmem_shared>> -> memref<10000x128xf32, #tpu.memory_space<vmem_shared>>
      tpu.enqueue_indirect_dma source(%arg8 : memref<125x128xf32, #tpu.memory_space<vmem>>) target(%dma_start3A_55 : memref<10000x128xf32, #tpu.memory_space<vmem_shared>>) offsets(%dma_start3A_52 : memref<125xi32, #tpu.memory_space<vmem>>) semaphore(%arg9 : memref<!tpu.dma_semaphore, #tpu.memory_space<semaphore_mem>>) {add = true}
      %add3A_56 = arith.constant 4 : i32
      %add3A_57 = arith.addi %add3A_24, %add3A_56 : i32
      %dma_start3A_58 = arith.constant 0 : i32
      %dma_start3A_59 = tpu.memref_slice %arg7[%add3A_57, %dma_start3A_58] : memref<80x125xi32, #tpu.memory_space<vmem>> -> memref<1x125xi32, #tpu.memory_space<vmem>>
      %dma_start3A_60 = tpu.memref_squeeze %dma_start3A_59 : memref<1x125xi32, #tpu.memory_space<vmem>> -> memref<125xi32, #tpu.memory_space<vmem>>
      %dma_start3A_61 = arith.constant 0 : i32
      %dma_start3A_62 = arith.constant 0 : i32
      %dma_start3A_63 = tpu.memref_slice %arg10[%dma_start3A_61, %dma_start3A_62] : memref<10000x128xf32, #tpu.memory_space<vmem_shared>> -> memref<10000x128xf32, #tpu.memory_space<vmem_shared>>
      tpu.enqueue_indirect_dma source(%arg8 : memref<125x128xf32, #tpu.memory_space<vmem>>) target(%dma_start3A_63 : memref<10000x128xf32, #tpu.memory_space<vmem_shared>>) offsets(%dma_start3A_60 : memref<125xi32, #tpu.memory_space<vmem>>) semaphore(%arg9 : memref<!tpu.dma_semaphore, #tpu.memory_space<semaphore_mem>>) {add = true}
      %add3A_64 = arith.constant 5 : i32
      %add3A_65 = arith.addi %add3A_24, %add3A_64 : i32
      %dma_start3A_66 = arith.constant 0 : i32
      %dma_start3A_67 = tpu.memref_slice %arg7[%add3A_65, %dma_start3A_66] : memref<80x125xi32, #tpu.memory_space<vmem>> -> memref<1x125xi32, #tpu.memory_space<vmem>>
      %dma_start3A_68 = tpu.memref_squeeze %dma_start3A_67 : memref<1x125xi32, #tpu.memory_space<vmem>> -> memref<125xi32, #tpu.memory_space<vmem>>
      %dma_start3A_69 = arith.constant 0 : i32
      %dma_start3A_70 = arith.constant 0 : i32
      %dma_start3A_71 = tpu.memref_slice %arg10[%dma_start3A_69, %dma_start3A_70] : memref<10000x128xf32, #tpu.memory_space<vmem_shared>> -> memref<10000x128xf32, #tpu.memory_space<vmem_shared>>
      tpu.enqueue_indirect_dma source(%arg8 : memref<125x128xf32, #tpu.memory_space<vmem>>) target(%dma_start3A_71 : memref<10000x128xf32, #tpu.memory_space<vmem_shared>>) offsets(%dma_start3A_68 : memref<125xi32, #tpu.memory_space<vmem>>) semaphore(%arg9 : memref<!tpu.dma_semaphore, #tpu.memory_space<semaphore_mem>>) {add = true}
      %add3A_72 = arith.constant 6 : i32
      %add3A_73 = arith.addi %add3A_24, %add3A_72 : i32
      %dma_start3A_74 = arith.constant 0 : i32
      %dma_start3A_75 = tpu.memref_slice %arg7[%add3A_73, %dma_start3A_74] : memref<80x125xi32, #tpu.memory_space<vmem>> -> memref<1x125xi32, #tpu.memory_space<vmem>>
      %dma_start3A_76 = tpu.memref_squeeze %dma_start3A_75 : memref<1x125xi32, #tpu.memory_space<vmem>> -> memref<125xi32, #tpu.memory_space<vmem>>
      %dma_start3A_77 = arith.constant 0 : i32
      %dma_start3A_78 = arith.constant 0 : i32
      %dma_start3A_79 = tpu.memref_slice %arg10[%dma_start3A_77, %dma_start3A_78] : memref<10000x128xf32, #tpu.memory_space<vmem_shared>> -> memref<10000x128xf32, #tpu.memory_space<vmem_shared>>
      tpu.enqueue_indirect_dma source(%arg8 : memref<125x128xf32, #tpu.memory_space<vmem>>) target(%dma_start3A_79 : memref<10000x128xf32, #tpu.memory_space<vmem_shared>>) offsets(%dma_start3A_76 : memref<125xi32, #tpu.memory_space<vmem>>) semaphore(%arg9 : memref<!tpu.dma_semaphore, #tpu.memory_space<semaphore_mem>>) {add = true}
      %add3A_80 = arith.constant 7 : i32
      %add3A_81 = arith.addi %add3A_24, %add3A_80 : i32
      %dma_start3A_82 = arith.constant 0 : i32
      %dma_start3A_83 = tpu.memref_slice %arg7[%add3A_81, %dma_start3A_82] : memref<80x125xi32, #tpu.memory_space<vmem>> -> memref<1x125xi32, #tpu.memory_space<vmem>>
      %dma_start3A_84 = tpu.memref_squeeze %dma_start3A_83 : memref<1x125xi32, #tpu.memory_space<vmem>> -> memref<125xi32, #tpu.memory_space<vmem>>
      %dma_start3A_85 = arith.constant 0 : i32
      %dma_start3A_86 = arith.constant 0 : i32
      %dma_start3A_87 = tpu.memref_slice %arg10[%dma_start3A_85, %dma_start3A_86] : memref<10000x128xf32, #tpu.memory_space<vmem_shared>> -> memref<10000x128xf32, #tpu.memory_space<vmem_shared>>
      tpu.enqueue_indirect_dma source(%arg8 : memref<125x128xf32, #tpu.memory_space<vmem>>) target(%dma_start3A_87 : memref<10000x128xf32, #tpu.memory_space<vmem_shared>>) offsets(%dma_start3A_84 : memref<125xi32, #tpu.memory_space<vmem>>) semaphore(%arg9 : memref<!tpu.dma_semaphore, #tpu.memory_space<semaphore_mem>>) {add = true}
      %dma_wait3A = arith.constant 0 : i32
      %dma_wait3A_88 = tpu.memref_slice %arg7[%add3A_26, %dma_wait3A] : memref<80x125xi32, #tpu.memory_space<vmem>> -> memref<1x125xi32, #tpu.memory_space<vmem>>
      %dma_wait3A_89 = tpu.memref_squeeze %dma_wait3A_88 : memref<1x125xi32, #tpu.memory_space<vmem>> -> memref<125xi32, #tpu.memory_space<vmem>>
      %dma_wait3A_90 = arith.constant 0 : i32
      %dma_wait3A_91 = arith.constant 0 : i32
      %dma_wait3A_92 = tpu.memref_slice %arg10[%dma_wait3A_90, %dma_wait3A_91] : memref<10000x128xf32, #tpu.memory_space<vmem_shared>> -> memref<10000x128xf32, #tpu.memory_space<vmem_shared>>
      tpu.wait_indirect_dma semaphore(%arg9 : memref<!tpu.dma_semaphore, #tpu.memory_space<semaphore_mem>>) src(%arg8 : memref<125x128xf32, #tpu.memory_space<vmem>>) dst(%dma_wait3A_92 : memref<10000x128xf32, #tpu.memory_space<vmem_shared>>)
      %dma_wait3A_93 = arith.constant 0 : i32
      %dma_wait3A_94 = tpu.memref_slice %arg7[%add3A_33, %dma_wait3A_93] : memref<80x125xi32, #tpu.memory_space<vmem>> -> memref<1x125xi32, #tpu.memory_space<vmem>>
      %dma_wait3A_95 = tpu.memref_squeeze %dma_wait3A_94 : memref<1x125xi32, #tpu.memory_space<vmem>> -> memref<125xi32, #tpu.memory_space<vmem>>
      %dma_wait3A_96 = arith.constant 0 : i32
      %dma_wait3A_97 = arith.constant 0 : i32
      %dma_wait3A_98 = tpu.memref_slice %arg10[%dma_wait3A_96, %dma_wait3A_97] : memref<10000x128xf32, #tpu.memory_space<vmem_shared>> -> memref<10000x128xf32, #tpu.memory_space<vmem_shared>>
      tpu.wait_indirect_dma semaphore(%arg9 : memref<!tpu.dma_semaphore, #tpu.memory_space<semaphore_mem>>) src(%arg8 : memref<125x128xf32, #tpu.memory_space<vmem>>) dst(%dma_wait3A_98 : memref<10000x128xf32, #tpu.memory_space<vmem_shared>>)
      %dma_wait3A_99 = arith.constant 0 : i32
      %dma_wait3A_100 = tpu.memref_slice %arg7[%add3A_41, %dma_wait3A_99] : memref<80x125xi32, #tpu.memory_space<vmem>> -> memref<1x125xi32, #tpu.memory_space<vmem>>
      %dma_wait3A_101 = tpu.memref_squeeze %dma_wait3A_100 : memref<1x125xi32, #tpu.memory_space<vmem>> -> memref<125xi32, #tpu.memory_space<vmem>>
      %dma_wait3A_102 = arith.constant 0 : i32
      %dma_wait3A_103 = arith.constant 0 : i32
      %dma_wait3A_104 = tpu.memref_slice %arg10[%dma_wait3A_102, %dma_wait3A_103] : memref<10000x128xf32, #tpu.memory_space<vmem_shared>> -> memref<10000x128xf32, #tpu.memory_space<vmem_shared>>
      tpu.wait_indirect_dma semaphore(%arg9 : memref<!tpu.dma_semaphore, #tpu.memory_space<semaphore_mem>>) src(%arg8 : memref<125x128xf32, #tpu.memory_space<vmem>>) dst(%dma_wait3A_104 : memref<10000x128xf32, #tpu.memory_space<vmem_shared>>)
      %dma_wait3A_105 = arith.constant 0 : i32
      %dma_wait3A_106 = tpu.memref_slice %arg7[%add3A_49, %dma_wait3A_105] : memref<80x125xi32, #tpu.memory_space<vmem>> -> memref<1x125xi32, #tpu.memory_space<vmem>>
      %dma_wait3A_107 = tpu.memref_squeeze %dma_wait3A_106 : memref<1x125xi32, #tpu.memory_space<vmem>> -> memref<125xi32, #tpu.memory_space<vmem>>
      %dma_wait3A_108 = arith.constant 0 : i32
      %dma_wait3A_109 = arith.constant 0 : i32
      %dma_wait3A_110 = tpu.memref_slice %arg10[%dma_wait3A_108, %dma_wait3A_109] : memref<10000x128xf32, #tpu.memory_space<vmem_shared>> -> memref<10000x128xf32, #tpu.memory_space<vmem_shared>>
      tpu.wait_indirect_dma semaphore(%arg9 : memref<!tpu.dma_semaphore, #tpu.memory_space<semaphore_mem>>) src(%arg8 : memref<125x128xf32, #tpu.memory_space<vmem>>) dst(%dma_wait3A_110 : memref<10000x128xf32, #tpu.memory_space<vmem_shared>>)
      %dma_wait3A_111 = arith.constant 0 : i32
      %dma_wait3A_112 = tpu.memref_slice %arg7[%add3A_57, %dma_wait3A_111] : memref<80x125xi32, #tpu.memory_space<vmem>> -> memref<1x125xi32, #tpu.memory_space<vmem>>
      %dma_wait3A_113 = tpu.memref_squeeze %dma_wait3A_112 : memref<1x125xi32, #tpu.memory_space<vmem>> -> memref<125xi32, #tpu.memory_space<vmem>>
      %dma_wait3A_114 = arith.constant 0 : i32
      %dma_wait3A_115 = arith.constant 0 : i32
      %dma_wait3A_116 = tpu.memref_slice %arg10[%dma_wait3A_114, %dma_wait3A_115] : memref<10000x128xf32, #tpu.memory_space<vmem_shared>> -> memref<10000x128xf32, #tpu.memory_space<vmem_shared>>
      tpu.wait_indirect_dma semaphore(%arg9 : memref<!tpu.dma_semaphore, #tpu.memory_space<semaphore_mem>>) src(%arg8 : memref<125x128xf32, #tpu.memory_space<vmem>>) dst(%dma_wait3A_116 : memref<10000x128xf32, #tpu.memory_space<vmem_shared>>)
      %dma_wait3A_117 = arith.constant 0 : i32
      %dma_wait3A_118 = tpu.memref_slice %arg7[%add3A_65, %dma_wait3A_117] : memref<80x125xi32, #tpu.memory_space<vmem>> -> memref<1x125xi32, #tpu.memory_space<vmem>>
      %dma_wait3A_119 = tpu.memref_squeeze %dma_wait3A_118 : memref<1x125xi32, #tpu.memory_space<vmem>> -> memref<125xi32, #tpu.memory_space<vmem>>
      %dma_wait3A_120 = arith.constant 0 : i32
      %dma_wait3A_121 = arith.constant 0 : i32
      %dma_wait3A_122 = tpu.memref_slice %arg10[%dma_wait3A_120, %dma_wait3A_121] : memref<10000x128xf32, #tpu.memory_space<vmem_shared>> -> memref<10000x128xf32, #tpu.memory_space<vmem_shared>>
      tpu.wait_indirect_dma semaphore(%arg9 : memref<!tpu.dma_semaphore, #tpu.memory_space<semaphore_mem>>) src(%arg8 : memref<125x128xf32, #tpu.memory_space<vmem>>) dst(%dma_wait3A_122 : memref<10000x128xf32, #tpu.memory_space<vmem_shared>>)
      %dma_wait3A_123 = arith.constant 0 : i32
      %dma_wait3A_124 = tpu.memref_slice %arg7[%add3A_73, %dma_wait3A_123] : memref<80x125xi32, #tpu.memory_space<vmem>> -> memref<1x125xi32, #tpu.memory_space<vmem>>
      %dma_wait3A_125 = tpu.memref_squeeze %dma_wait3A_124 : memref<1x125xi32, #tpu.memory_space<vmem>> -> memref<125xi32, #tpu.memory_space<vmem>>
      %dma_wait3A_126 = arith.constant 0 : i32
      %dma_wait3A_127 = arith.constant 0 : i32
      %dma_wait3A_128 = tpu.memref_slice %arg10[%dma_wait3A_126, %dma_wait3A_127] : memref<10000x128xf32, #tpu.memory_space<vmem_shared>> -> memref<10000x128xf32, #tpu.memory_space<vmem_shared>>
      tpu.wait_indirect_dma semaphore(%arg9 : memref<!tpu.dma_semaphore, #tpu.memory_space<semaphore_mem>>) src(%arg8 : memref<125x128xf32, #tpu.memory_space<vmem>>) dst(%dma_wait3A_128 : memref<10000x128xf32, #tpu.memory_space<vmem_shared>>)
      %dma_wait3A_129 = arith.constant 0 : i32
      %dma_wait3A_130 = tpu.memref_slice %arg7[%add3A_81, %dma_wait3A_129] : memref<80x125xi32, #tpu.memory_space<vmem>> -> memref<1x125xi32, #tpu.memory_space<vmem>>
      %dma_wait3A_131 = tpu.memref_squeeze %dma_wait3A_130 : memref<1x125xi32, #tpu.memory_space<vmem>> -> memref<125xi32, #tpu.memory_space<vmem>>
      %dma_wait3A_132 = arith.constant 0 : i32
      %dma_wait3A_133 = arith.constant 0 : i32
      %dma_wait3A_134 = tpu.memref_slice %arg10[%dma_wait3A_132, %dma_wait3A_133] : memref<10000x128xf32, #tpu.memory_space<vmem_shared>> -> memref<10000x128xf32, #tpu.memory_space<vmem_shared>>
      tpu.wait_indirect_dma semaphore(%arg9 : memref<!tpu.dma_semaphore, #tpu.memory_space<semaphore_mem>>) src(%arg8 : memref<125x128xf32, #tpu.memory_space<vmem>>) dst(%dma_wait3A_134 : memref<10000x128xf32, #tpu.memory_space<vmem_shared>>)
    }
    %scan3A_8 = arith.constant 10 : i32
    %barrier3A_9 = arith.constant 0 : index
    tpu.barrier barrier_id(%barrier3A_9)
    %eq3A_10 = arith.constant 0 : i32
    %eq3A_11 = arith.cmpi eq, %arg0, %eq3A_10 : i32
    %convert_element_type3A_12 = arith.extui %eq3A_11 : i1 to i32
    %cond3A_13 = arith.constant 0 : i32
    %cond3A_14 = arith.cmpi ne, %convert_element_type3A_12, %cond3A_13 : i32
    scf.if %cond3A_14 {
      %mul3A_20 = arith.constant 624 : i32
      %mul3A_21 = arith.muli %arg1, %mul3A_20 : i32
      %multiple_of3A_22 = tpu.assume_multiple %mul3A_21, 8 : i32
      "tpu.region"() ({
        %run_scoped3A = tpu.sem_alloc : memref<!tpu.dma_semaphore, #tpu.memory_space<semaphore_mem>>
        %dma_start3A = arith.constant 0 : i32
        %dma_start3A_28 = tpu.memref_slice %arg5[%multiple_of3A_22, %dma_start3A] : memref<10000x128xf32, #tpu.memory_space<hbm>> -> memref<624x128xf32, #tpu.memory_space<hbm>>
        %dma_start3A_29 = arith.constant 0 : i32
        %dma_start3A_30 = tpu.memref_slice %arg10[%multiple_of3A_22, %dma_start3A_29] : memref<10000x128xf32, #tpu.memory_space<vmem_shared>> -> memref<624x128xf32, #tpu.memory_space<vmem_shared>>
        tpu.enqueue_dma source(%dma_start3A_30 : memref<624x128xf32, #tpu.memory_space<vmem_shared>>) target(%dma_start3A_28 : memref<624x128xf32, #tpu.memory_space<hbm>>) target_semaphore(%run_scoped3A : memref<!tpu.dma_semaphore, #tpu.memory_space<semaphore_mem>>)
        %dma_wait3A = arith.constant 0 : i32
        %dma_wait3A_31 = tpu.memref_slice %arg5[%multiple_of3A_22, %dma_wait3A] : memref<10000x128xf32, #tpu.memory_space<hbm>> -> memref<624x128xf32, #tpu.memory_space<hbm>>
        %dma_wait3A_32 = arith.constant 0 : i32
        %dma_wait3A_33 = tpu.memref_slice %arg10[%multiple_of3A_22, %dma_wait3A_32] : memref<10000x128xf32, #tpu.memory_space<vmem_shared>> -> memref<624x128xf32, #tpu.memory_space<vmem_shared>>
        tpu.wait_dma2 semaphore(%run_scoped3A : memref<!tpu.dma_semaphore, #tpu.memory_space<semaphore_mem>>) src(%dma_wait3A_33 : memref<624x128xf32, #tpu.memory_space<vmem_shared>>) dst(%dma_wait3A_31 : memref<624x128xf32, #tpu.memory_space<hbm>>)
        tpu.yield
      }) : () -> ()
      %eq3A_23 = arith.constant 15 : i32
      %eq3A_24 = arith.cmpi eq, %arg1, %eq3A_23 : i32
      %convert_element_type3A_25 = arith.extui %eq3A_24 : i1 to i32
      %cond3A_26 = arith.constant 0 : i32
      %cond3A_27 = arith.cmpi ne, %convert_element_type3A_25, %cond3A_26 : i32
      scf.if %cond3A_27 {
        "tpu.region"() ({
          %run_scoped3A = tpu.sem_alloc : memref<!tpu.dma_semaphore, #tpu.memory_space<semaphore_mem>>
          %dma_start3A = arith.constant 9984 : i32
          %dma_start3A_28 = arith.constant 0 : i32
          %dma_start3A_29 = tpu.memref_slice %arg5[%dma_start3A, %dma_start3A_28] : memref<10000x128xf32, #tpu.memory_space<hbm>> -> memref<16x128xf32, #tpu.memory_space<hbm>>
          %dma_start3A_30 = arith.constant 9984 : i32
          %dma_start3A_31 = arith.constant 0 : i32
          %dma_start3A_32 = tpu.memref_slice %arg10[%dma_start3A_30, %dma_start3A_31] : memref<10000x128xf32, #tpu.memory_space<vmem_shared>> -> memref<16x128xf32, #tpu.memory_space<vmem_shared>>
          tpu.enqueue_dma source(%dma_start3A_32 : memref<16x128xf32, #tpu.memory_space<vmem_shared>>) target(%dma_start3A_29 : memref<16x128xf32, #tpu.memory_space<hbm>>) target_semaphore(%run_scoped3A : memref<!tpu.dma_semaphore, #tpu.memory_space<semaphore_mem>>)
          %dma_wait3A = arith.constant 9984 : i32
          %dma_wait3A_33 = arith.constant 0 : i32
          %dma_wait3A_34 = tpu.memref_slice %arg5[%dma_wait3A, %dma_wait3A_33] : memref<10000x128xf32, #tpu.memory_space<hbm>> -> memref<16x128xf32, #tpu.memory_space<hbm>>
          %dma_wait3A_35 = arith.constant 9984 : i32
          %dma_wait3A_36 = arith.constant 0 : i32
          %dma_wait3A_37 = tpu.memref_slice %arg10[%dma_wait3A_35, %dma_wait3A_36] : memref<10000x128xf32, #tpu.memory_space<vmem_shared>> -> memref<16x128xf32, #tpu.memory_space<vmem_shared>>
          tpu.wait_dma2 semaphore(%run_scoped3A : memref<!tpu.dma_semaphore, #tpu.memory_space<semaphore_mem>>) src(%dma_wait3A_37 : memref<16x128xf32, #tpu.memory_space<vmem_shared>>) dst(%dma_wait3A_34 : memref<16x128xf32, #tpu.memory_space<hbm>>)
          tpu.yield
        }) : () -> ()
      } else {
      }
    } else {
    }
    %eq3A_15 = arith.constant 1 : i32
    %eq3A_16 = arith.cmpi eq, %arg0, %eq3A_15 : i32
    %convert_element_type3A_17 = arith.extui %eq3A_16 : i1 to i32
    %cond3A_18 = arith.constant 0 : i32
    %cond3A_19 = arith.cmpi ne, %convert_element_type3A_17, %cond3A_18 : i32
    scf.if %cond3A_19 {
      %mul3A_20 = arith.constant 624 : i32
      %mul3A_21 = arith.muli %arg1, %mul3A_20 : i32
      %multiple_of3A_22 = tpu.assume_multiple %mul3A_21, 8 : i32
      "tpu.region"() ({
        %run_scoped3A = tpu.sem_alloc : memref<!tpu.dma_semaphore, #tpu.memory_space<semaphore_mem>>
        %dma_start3A = arith.constant 0 : i32
        %dma_start3A_28 = tpu.memref_slice %arg6[%multiple_of3A_22, %dma_start3A] : memref<10000x128xf32, #tpu.memory_space<hbm>> -> memref<624x128xf32, #tpu.memory_space<hbm>>
        %dma_start3A_29 = arith.constant 0 : i32
        %dma_start3A_30 = tpu.memref_slice %arg10[%multiple_of3A_22, %dma_start3A_29] : memref<10000x128xf32, #tpu.memory_space<vmem_shared>> -> memref<624x128xf32, #tpu.memory_space<vmem_shared>>
        tpu.enqueue_dma source(%dma_start3A_30 : memref<624x128xf32, #tpu.memory_space<vmem_shared>>) target(%dma_start3A_28 : memref<624x128xf32, #tpu.memory_space<hbm>>) target_semaphore(%run_scoped3A : memref<!tpu.dma_semaphore, #tpu.memory_space<semaphore_mem>>)
        %dma_wait3A = arith.constant 0 : i32
        %dma_wait3A_31 = tpu.memref_slice %arg6[%multiple_of3A_22, %dma_wait3A] : memref<10000x128xf32, #tpu.memory_space<hbm>> -> memref<624x128xf32, #tpu.memory_space<hbm>>
        %dma_wait3A_32 = arith.constant 0 : i32
        %dma_wait3A_33 = tpu.memref_slice %arg10[%multiple_of3A_22, %dma_wait3A_32] : memref<10000x128xf32, #tpu.memory_space<vmem_shared>> -> memref<624x128xf32, #tpu.memory_space<vmem_shared>>
        tpu.wait_dma2 semaphore(%run_scoped3A : memref<!tpu.dma_semaphore, #tpu.memory_space<semaphore_mem>>) src(%dma_wait3A_33 : memref<624x128xf32, #tpu.memory_space<vmem_shared>>) dst(%dma_wait3A_31 : memref<624x128xf32, #tpu.memory_space<hbm>>)
        tpu.yield
      }) : () -> ()
      %eq3A_23 = arith.constant 15 : i32
      %eq3A_24 = arith.cmpi eq, %arg1, %eq3A_23 : i32
      %convert_element_type3A_25 = arith.extui %eq3A_24 : i1 to i32
      %cond3A_26 = arith.constant 0 : i32
      %cond3A_27 = arith.cmpi ne, %convert_element_type3A_25, %cond3A_26 : i32
      scf.if %cond3A_27 {
        "tpu.region"() ({
          %run_scoped3A = tpu.sem_alloc : memref<!tpu.dma_semaphore, #tpu.memory_space<semaphore_mem>>
          %dma_start3A = arith.constant 9984 : i32
          %dma_start3A_28 = arith.constant 0 : i32
          %dma_start3A_29 = tpu.memref_slice %arg6[%dma_start3A, %dma_start3A_28] : memref<10000x128xf32, #tpu.memory_space<hbm>> -> memref<16x128xf32, #tpu.memory_space<hbm>>
          %dma_start3A_30 = arith.constant 9984 : i32
          %dma_start3A_31 = arith.constant 0 : i32
          %dma_start3A_32 = tpu.memref_slice %arg10[%dma_start3A_30, %dma_start3A_31] : memref<10000x128xf32, #tpu.memory_space<vmem_shared>> -> memref<16x128xf32, #tpu.memory_space<vmem_shared>>
          tpu.enqueue_dma source(%dma_start3A_32 : memref<16x128xf32, #tpu.memory_space<vmem_shared>>) target(%dma_start3A_29 : memref<16x128xf32, #tpu.memory_space<hbm>>) target_semaphore(%run_scoped3A : memref<!tpu.dma_semaphore, #tpu.memory_space<semaphore_mem>>)
          %dma_wait3A = arith.constant 9984 : i32
          %dma_wait3A_33 = arith.constant 0 : i32
          %dma_wait3A_34 = tpu.memref_slice %arg6[%dma_wait3A, %dma_wait3A_33] : memref<10000x128xf32, #tpu.memory_space<hbm>> -> memref<16x128xf32, #tpu.memory_space<hbm>>
          %dma_wait3A_35 = arith.constant 9984 : i32
          %dma_wait3A_36 = arith.constant 0 : i32
          %dma_wait3A_37 = tpu.memref_slice %arg10[%dma_wait3A_35, %dma_wait3A_36] : memref<10000x128xf32, #tpu.memory_space<vmem_shared>> -> memref<16x128xf32, #tpu.memory_space<vmem_shared>>
          tpu.wait_dma2 semaphore(%run_scoped3A : memref<!tpu.dma_semaphore, #tpu.memory_space<semaphore_mem>>) src(%dma_wait3A_37 : memref<16x128xf32, #tpu.memory_space<vmem_shared>>) dst(%dma_wait3A_34 : memref<16x128xf32, #tpu.memory_space<hbm>>)
          tpu.yield
        }) : () -> ()
      } else {
      }
    } else {
    }
    return
  }
}

#map = affine_map<(d0, d1) -> (0, 0, 0)>
#map1 = affine_map<(d0, d1) -> (0, 0)>
module attributes {stable_mosaic.version = 14 : i64} {
  func.func @_agg2_body(%arg0: i32, %arg1: i32, %arg2: memref<32x80x125xi32, #tpu.memory_space<hbm>>, %arg3: memref<32x80x125xi32, #tpu.memory_space<hbm>>, %arg4: memref<10000x128xf32, #tpu.memory_space<hbm>>, %arg5: memref<10000x128xf32, #tpu.memory_space<hbm>>, %arg6: memref<10000x128xf32, #tpu.memory_space<hbm>>, %arg7: memref<10000x128xf32, #tpu.memory_space<hbm>>, %arg8: memref<125xi32, #tpu.memory_space<vmem>>, %arg9: memref<125xi32, #tpu.memory_space<vmem>>, %arg10: memref<125xi32, #tpu.memory_space<vmem>>, %arg11: memref<125xi32, #tpu.memory_space<vmem>>, %arg12: memref<125xi32, #tpu.memory_space<vmem>>, %arg13: memref<125xi32, #tpu.memory_space<vmem>>, %arg14: memref<125xi32, #tpu.memory_space<vmem>>, %arg15: memref<125xi32, #tpu.memory_space<vmem>>, %arg16: memref<125x128xf32, #tpu.memory_space<vmem>>, %arg17: memref<125x128xf32, #tpu.memory_space<vmem>>, %arg18: memref<!tpu.dma_semaphore, #tpu.memory_space<semaphore_mem>>, %arg19: memref<!tpu.dma_semaphore, #tpu.memory_space<semaphore_mem>>, %arg20: memref<!tpu.dma_semaphore, #tpu.memory_space<semaphore_mem>>, %arg21: memref<!tpu.dma_semaphore, #tpu.memory_space<semaphore_mem>>, %arg22: memref<!tpu.dma_semaphore, #tpu.memory_space<semaphore_mem>>, %arg23: memref<!tpu.dma_semaphore, #tpu.memory_space<semaphore_mem>>, %arg24: memref<10000x128xf32, #tpu.memory_space<vmem_shared>>) attributes {dimension_semantics = [#tpu.dimension_semantics<core_parallel>, #tpu.dimension_semantics<subcore_parallel>], iteration_bounds = array<i64: 2, 16>, scalar_prefetch = 0 : i64, scratch_operands = 17 : i64, tpu.core_type = #tpu.core_type<sc_vector_subcore>, window_params = [{transform_indices = #map}, {transform_indices = #map}, {transform_indices = #map1}, {transform_indices = #map1}, {transform_indices = #map1}, {transform_indices = #map1}]} {
    %mul3A = arith.constant 16 : i32
    %mul3A_0 = arith.muli %arg0, %mul3A : i32
    %add3A = arith.addi %mul3A_0, %arg1 : i32
    %mul3A_1 = arith.constant 624 : i32
    %mul3A_2 = arith.muli %arg1, %mul3A_1 : i32
    %multiple_of3A = tpu.assume_multiple %mul3A_2, 8 : i32
    "tpu.region"() ({
      %run_scoped3A = tpu.sem_alloc : memref<!tpu.dma_semaphore, #tpu.memory_space<semaphore_mem>>
      %dma_start3A_154 = arith.constant 0 : i32
      %dma_start3A_155 = tpu.memref_slice %arg24[%multiple_of3A, %dma_start3A_154] : memref<10000x128xf32, #tpu.memory_space<vmem_shared>> -> memref<624x128xf32, #tpu.memory_space<vmem_shared>>
      %dma_start3A_156 = arith.constant 0 : i32
      %dma_start3A_157 = tpu.memref_slice %arg5[%multiple_of3A, %dma_start3A_156] : memref<10000x128xf32, #tpu.memory_space<hbm>> -> memref<624x128xf32, #tpu.memory_space<hbm>>
      tpu.enqueue_dma source(%dma_start3A_157 : memref<624x128xf32, #tpu.memory_space<hbm>>) target(%dma_start3A_155 : memref<624x128xf32, #tpu.memory_space<vmem_shared>>) target_semaphore(%run_scoped3A : memref<!tpu.dma_semaphore, #tpu.memory_space<semaphore_mem>>)
      %dma_wait3A_158 = arith.constant 0 : i32
      %dma_wait3A_159 = tpu.memref_slice %arg24[%multiple_of3A, %dma_wait3A_158] : memref<10000x128xf32, #tpu.memory_space<vmem_shared>> -> memref<624x128xf32, #tpu.memory_space<vmem_shared>>
      %dma_wait3A_160 = arith.constant 0 : i32
      %dma_wait3A_161 = tpu.memref_slice %arg5[%multiple_of3A, %dma_wait3A_160] : memref<10000x128xf32, #tpu.memory_space<hbm>> -> memref<624x128xf32, #tpu.memory_space<hbm>>
      tpu.wait_dma2 semaphore(%run_scoped3A : memref<!tpu.dma_semaphore, #tpu.memory_space<semaphore_mem>>) src(%dma_wait3A_161 : memref<624x128xf32, #tpu.memory_space<hbm>>) dst(%dma_wait3A_159 : memref<624x128xf32, #tpu.memory_space<vmem_shared>>)
      tpu.yield
    }) : () -> ()
    %eq3A = arith.constant 15 : i32
    %eq3A_3 = arith.cmpi eq, %arg1, %eq3A : i32
    %convert_element_type3A = arith.extui %eq3A_3 : i1 to i32
    %cond3A = arith.constant 0 : i32
    %cond3A_4 = arith.cmpi ne, %convert_element_type3A, %cond3A : i32
    scf.if %cond3A_4 {
      "tpu.region"() ({
        %run_scoped3A = tpu.sem_alloc : memref<!tpu.dma_semaphore, #tpu.memory_space<semaphore_mem>>
        %dma_start3A_154 = arith.constant 9984 : i32
        %dma_start3A_155 = arith.constant 0 : i32
        %dma_start3A_156 = tpu.memref_slice %arg24[%dma_start3A_154, %dma_start3A_155] : memref<10000x128xf32, #tpu.memory_space<vmem_shared>> -> memref<16x128xf32, #tpu.memory_space<vmem_shared>>
        %dma_start3A_157 = arith.constant 9984 : i32
        %dma_start3A_158 = arith.constant 0 : i32
        %dma_start3A_159 = tpu.memref_slice %arg5[%dma_start3A_157, %dma_start3A_158] : memref<10000x128xf32, #tpu.memory_space<hbm>> -> memref<16x128xf32, #tpu.memory_space<hbm>>
        tpu.enqueue_dma source(%dma_start3A_159 : memref<16x128xf32, #tpu.memory_space<hbm>>) target(%dma_start3A_156 : memref<16x128xf32, #tpu.memory_space<vmem_shared>>) target_semaphore(%run_scoped3A : memref<!tpu.dma_semaphore, #tpu.memory_space<semaphore_mem>>)
        %dma_wait3A_160 = arith.constant 9984 : i32
        %dma_wait3A_161 = arith.constant 0 : i32
        %dma_wait3A_162 = tpu.memref_slice %arg24[%dma_wait3A_160, %dma_wait3A_161] : memref<10000x128xf32, #tpu.memory_space<vmem_shared>> -> memref<16x128xf32, #tpu.memory_space<vmem_shared>>
        %dma_wait3A_163 = arith.constant 9984 : i32
        %dma_wait3A_164 = arith.constant 0 : i32
        %dma_wait3A_165 = tpu.memref_slice %arg5[%dma_wait3A_163, %dma_wait3A_164] : memref<10000x128xf32, #tpu.memory_space<hbm>> -> memref<16x128xf32, #tpu.memory_space<hbm>>
        tpu.wait_dma2 semaphore(%run_scoped3A : memref<!tpu.dma_semaphore, #tpu.memory_space<semaphore_mem>>) src(%dma_wait3A_165 : memref<16x128xf32, #tpu.memory_space<hbm>>) dst(%dma_wait3A_162 : memref<16x128xf32, #tpu.memory_space<vmem_shared>>)
        tpu.yield
      }) : () -> ()
    } else {
    }
    %barrier3A = arith.constant 0 : index
    tpu.barrier barrier_id(%barrier3A)
    %dma_start3A = arith.constant 0 : i32
    %dma_start3A_5 = arith.constant 0 : i32
    %dma_start3A_6 = tpu.memref_slice %arg2[%add3A, %dma_start3A, %dma_start3A_5] : memref<32x80x125xi32, #tpu.memory_space<hbm>> -> memref<1x1x125xi32, #tpu.memory_space<hbm>>
    %dma_start3A_7 = tpu.memref_squeeze %dma_start3A_6 : memref<1x1x125xi32, #tpu.memory_space<hbm>> -> memref<125xi32, #tpu.memory_space<hbm>>
    %dma_start3A_8 = arith.constant 0 : i32
    %dma_start3A_9 = tpu.memref_slice %arg2[%add3A, %dma_start3A, %dma_start3A_8] : memref<32x80x125xi32, #tpu.memory_space<hbm>> -> memref<1x1x125xi32, #tpu.memory_space<hbm>>
    %dma_start3A_10 = tpu.memref_squeeze %dma_start3A_9 : memref<1x1x125xi32, #tpu.memory_space<hbm>> -> memref<125xi32, #tpu.memory_space<hbm>>
    tpu.enqueue_dma source(%dma_start3A_10 : memref<125xi32, #tpu.memory_space<hbm>>) target(%arg8 : memref<125xi32, #tpu.memory_space<vmem>>) target_semaphore(%arg18 : memref<!tpu.dma_semaphore, #tpu.memory_space<semaphore_mem>>)
    %dma_start3A_11 = arith.constant 0 : i32
    %dma_start3A_12 = arith.constant 0 : i32
    %dma_start3A_13 = tpu.memref_slice %arg3[%add3A, %dma_start3A_11, %dma_start3A_12] : memref<32x80x125xi32, #tpu.memory_space<hbm>> -> memref<1x1x125xi32, #tpu.memory_space<hbm>>
    %dma_start3A_14 = tpu.memref_squeeze %dma_start3A_13 : memref<1x1x125xi32, #tpu.memory_space<hbm>> -> memref<125xi32, #tpu.memory_space<hbm>>
    %dma_start3A_15 = arith.constant 0 : i32
    %dma_start3A_16 = tpu.memref_slice %arg3[%add3A, %dma_start3A_11, %dma_start3A_15] : memref<32x80x125xi32, #tpu.memory_space<hbm>> -> memref<1x1x125xi32, #tpu.memory_space<hbm>>
    %dma_start3A_17 = tpu.memref_squeeze %dma_start3A_16 : memref<1x1x125xi32, #tpu.memory_space<hbm>> -> memref<125xi32, #tpu.memory_space<hbm>>
    tpu.enqueue_dma source(%dma_start3A_17 : memref<125xi32, #tpu.memory_space<hbm>>) target(%arg12 : memref<125xi32, #tpu.memory_space<vmem>>) target_semaphore(%arg18 : memref<!tpu.dma_semaphore, #tpu.memory_space<semaphore_mem>>)
    %dma_start3A_18 = arith.constant 1 : i32
    %dma_start3A_19 = arith.constant 0 : i32
    %dma_start3A_20 = tpu.memref_slice %arg2[%add3A, %dma_start3A_18, %dma_start3A_19] : memref<32x80x125xi32, #tpu.memory_space<hbm>> -> memref<1x1x125xi32, #tpu.memory_space<hbm>>
    %dma_start3A_21 = tpu.memref_squeeze %dma_start3A_20 : memref<1x1x125xi32, #tpu.memory_space<hbm>> -> memref<125xi32, #tpu.memory_space<hbm>>
    %dma_start3A_22 = arith.constant 0 : i32
    %dma_start3A_23 = tpu.memref_slice %arg2[%add3A, %dma_start3A_18, %dma_start3A_22] : memref<32x80x125xi32, #tpu.memory_space<hbm>> -> memref<1x1x125xi32, #tpu.memory_space<hbm>>
    %dma_start3A_24 = tpu.memref_squeeze %dma_start3A_23 : memref<1x1x125xi32, #tpu.memory_space<hbm>> -> memref<125xi32, #tpu.memory_space<hbm>>
    tpu.enqueue_dma source(%dma_start3A_24 : memref<125xi32, #tpu.memory_space<hbm>>) target(%arg9 : memref<125xi32, #tpu.memory_space<vmem>>) target_semaphore(%arg19 : memref<!tpu.dma_semaphore, #tpu.memory_space<semaphore_mem>>)
    %dma_start3A_25 = arith.constant 1 : i32
    %dma_start3A_26 = arith.constant 0 : i32
    %dma_start3A_27 = tpu.memref_slice %arg3[%add3A, %dma_start3A_25, %dma_start3A_26] : memref<32x80x125xi32, #tpu.memory_space<hbm>> -> memref<1x1x125xi32, #tpu.memory_space<hbm>>
    %dma_start3A_28 = tpu.memref_squeeze %dma_start3A_27 : memref<1x1x125xi32, #tpu.memory_space<hbm>> -> memref<125xi32, #tpu.memory_space<hbm>>
    %dma_start3A_29 = arith.constant 0 : i32
    %dma_start3A_30 = tpu.memref_slice %arg3[%add3A, %dma_start3A_25, %dma_start3A_29] : memref<32x80x125xi32, #tpu.memory_space<hbm>> -> memref<1x1x125xi32, #tpu.memory_space<hbm>>
    %dma_start3A_31 = tpu.memref_squeeze %dma_start3A_30 : memref<1x1x125xi32, #tpu.memory_space<hbm>> -> memref<125xi32, #tpu.memory_space<hbm>>
    tpu.enqueue_dma source(%dma_start3A_31 : memref<125xi32, #tpu.memory_space<hbm>>) target(%arg13 : memref<125xi32, #tpu.memory_space<vmem>>) target_semaphore(%arg19 : memref<!tpu.dma_semaphore, #tpu.memory_space<semaphore_mem>>)
    %dma_start3A_32 = arith.constant 2 : i32
    %dma_start3A_33 = arith.constant 0 : i32
    %dma_start3A_34 = tpu.memref_slice %arg2[%add3A, %dma_start3A_32, %dma_start3A_33] : memref<32x80x125xi32, #tpu.memory_space<hbm>> -> memref<1x1x125xi32, #tpu.memory_space<hbm>>
    %dma_start3A_35 = tpu.memref_squeeze %dma_start3A_34 : memref<1x1x125xi32, #tpu.memory_space<hbm>> -> memref<125xi32, #tpu.memory_space<hbm>>
    %dma_start3A_36 = arith.constant 0 : i32
    %dma_start3A_37 = tpu.memref_slice %arg2[%add3A, %dma_start3A_32, %dma_start3A_36] : memref<32x80x125xi32, #tpu.memory_space<hbm>> -> memref<1x1x125xi32, #tpu.memory_space<hbm>>
    %dma_start3A_38 = tpu.memref_squeeze %dma_start3A_37 : memref<1x1x125xi32, #tpu.memory_space<hbm>> -> memref<125xi32, #tpu.memory_space<hbm>>
    tpu.enqueue_dma source(%dma_start3A_38 : memref<125xi32, #tpu.memory_space<hbm>>) target(%arg10 : memref<125xi32, #tpu.memory_space<vmem>>) target_semaphore(%arg20 : memref<!tpu.dma_semaphore, #tpu.memory_space<semaphore_mem>>)
    %dma_start3A_39 = arith.constant 2 : i32
    %dma_start3A_40 = arith.constant 0 : i32
    %dma_start3A_41 = tpu.memref_slice %arg3[%add3A, %dma_start3A_39, %dma_start3A_40] : memref<32x80x125xi32, #tpu.memory_space<hbm>> -> memref<1x1x125xi32, #tpu.memory_space<hbm>>
    %dma_start3A_42 = tpu.memref_squeeze %dma_start3A_41 : memref<1x1x125xi32, #tpu.memory_space<hbm>> -> memref<125xi32, #tpu.memory_space<hbm>>
    %dma_start3A_43 = arith.constant 0 : i32
    %dma_start3A_44 = tpu.memref_slice %arg3[%add3A, %dma_start3A_39, %dma_start3A_43] : memref<32x80x125xi32, #tpu.memory_space<hbm>> -> memref<1x1x125xi32, #tpu.memory_space<hbm>>
    %dma_start3A_45 = tpu.memref_squeeze %dma_start3A_44 : memref<1x1x125xi32, #tpu.memory_space<hbm>> -> memref<125xi32, #tpu.memory_space<hbm>>
    tpu.enqueue_dma source(%dma_start3A_45 : memref<125xi32, #tpu.memory_space<hbm>>) target(%arg14 : memref<125xi32, #tpu.memory_space<vmem>>) target_semaphore(%arg20 : memref<!tpu.dma_semaphore, #tpu.memory_space<semaphore_mem>>)
    %dma_start3A_46 = arith.constant 3 : i32
    %dma_start3A_47 = arith.constant 0 : i32
    %dma_start3A_48 = tpu.memref_slice %arg2[%add3A, %dma_start3A_46, %dma_start3A_47] : memref<32x80x125xi32, #tpu.memory_space<hbm>> -> memref<1x1x125xi32, #tpu.memory_space<hbm>>
    %dma_start3A_49 = tpu.memref_squeeze %dma_start3A_48 : memref<1x1x125xi32, #tpu.memory_space<hbm>> -> memref<125xi32, #tpu.memory_space<hbm>>
    %dma_start3A_50 = arith.constant 0 : i32
    %dma_start3A_51 = tpu.memref_slice %arg2[%add3A, %dma_start3A_46, %dma_start3A_50] : memref<32x80x125xi32, #tpu.memory_space<hbm>> -> memref<1x1x125xi32, #tpu.memory_space<hbm>>
    %dma_start3A_52 = tpu.memref_squeeze %dma_start3A_51 : memref<1x1x125xi32, #tpu.memory_space<hbm>> -> memref<125xi32, #tpu.memory_space<hbm>>
    tpu.enqueue_dma source(%dma_start3A_52 : memref<125xi32, #tpu.memory_space<hbm>>) target(%arg11 : memref<125xi32, #tpu.memory_space<vmem>>) target_semaphore(%arg21 : memref<!tpu.dma_semaphore, #tpu.memory_space<semaphore_mem>>)
    %dma_start3A_53 = arith.constant 3 : i32
    %dma_start3A_54 = arith.constant 0 : i32
    %dma_start3A_55 = tpu.memref_slice %arg3[%add3A, %dma_start3A_53, %dma_start3A_54] : memref<32x80x125xi32, #tpu.memory_space<hbm>> -> memref<1x1x125xi32, #tpu.memory_space<hbm>>
    %dma_start3A_56 = tpu.memref_squeeze %dma_start3A_55 : memref<1x1x125xi32, #tpu.memory_space<hbm>> -> memref<125xi32, #tpu.memory_space<hbm>>
    %dma_start3A_57 = arith.constant 0 : i32
    %dma_start3A_58 = tpu.memref_slice %arg3[%add3A, %dma_start3A_53, %dma_start3A_57] : memref<32x80x125xi32, #tpu.memory_space<hbm>> -> memref<1x1x125xi32, #tpu.memory_space<hbm>>
    %dma_start3A_59 = tpu.memref_squeeze %dma_start3A_58 : memref<1x1x125xi32, #tpu.memory_space<hbm>> -> memref<125xi32, #tpu.memory_space<hbm>>
    tpu.enqueue_dma source(%dma_start3A_59 : memref<125xi32, #tpu.memory_space<hbm>>) target(%arg15 : memref<125xi32, #tpu.memory_space<vmem>>) target_semaphore(%arg21 : memref<!tpu.dma_semaphore, #tpu.memory_space<semaphore_mem>>)
    %dma_wait3A = arith.constant 0 : i32
    %dma_wait3A_60 = arith.constant 0 : i32
    %dma_wait3A_61 = tpu.memref_slice %arg2[%add3A, %dma_wait3A, %dma_wait3A_60] : memref<32x80x125xi32, #tpu.memory_space<hbm>> -> memref<1x1x125xi32, #tpu.memory_space<hbm>>
    %dma_wait3A_62 = tpu.memref_squeeze %dma_wait3A_61 : memref<1x1x125xi32, #tpu.memory_space<hbm>> -> memref<125xi32, #tpu.memory_space<hbm>>
    %dma_wait3A_63 = arith.constant 0 : i32
    %dma_wait3A_64 = tpu.memref_slice %arg2[%add3A, %dma_wait3A, %dma_wait3A_63] : memref<32x80x125xi32, #tpu.memory_space<hbm>> -> memref<1x1x125xi32, #tpu.memory_space<hbm>>
    %dma_wait3A_65 = tpu.memref_squeeze %dma_wait3A_64 : memref<1x1x125xi32, #tpu.memory_space<hbm>> -> memref<125xi32, #tpu.memory_space<hbm>>
    tpu.wait_dma2 semaphore(%arg18 : memref<!tpu.dma_semaphore, #tpu.memory_space<semaphore_mem>>) src(%dma_wait3A_65 : memref<125xi32, #tpu.memory_space<hbm>>) dst(%arg8 : memref<125xi32, #tpu.memory_space<vmem>>)
    %dma_wait3A_66 = arith.constant 0 : i32
    %dma_wait3A_67 = arith.constant 0 : i32
    %dma_wait3A_68 = tpu.memref_slice %arg2[%add3A, %dma_wait3A_66, %dma_wait3A_67] : memref<32x80x125xi32, #tpu.memory_space<hbm>> -> memref<1x1x125xi32, #tpu.memory_space<hbm>>
    %dma_wait3A_69 = tpu.memref_squeeze %dma_wait3A_68 : memref<1x1x125xi32, #tpu.memory_space<hbm>> -> memref<125xi32, #tpu.memory_space<hbm>>
    %dma_wait3A_70 = arith.constant 0 : i32
    %dma_wait3A_71 = tpu.memref_slice %arg2[%add3A, %dma_wait3A_66, %dma_wait3A_70] : memref<32x80x125xi32, #tpu.memory_space<hbm>> -> memref<1x1x125xi32, #tpu.memory_space<hbm>>
    %dma_wait3A_72 = tpu.memref_squeeze %dma_wait3A_71 : memref<1x1x125xi32, #tpu.memory_space<hbm>> -> memref<125xi32, #tpu.memory_space<hbm>>
    tpu.wait_dma2 semaphore(%arg18 : memref<!tpu.dma_semaphore, #tpu.memory_space<semaphore_mem>>) src(%dma_wait3A_72 : memref<125xi32, #tpu.memory_space<hbm>>) dst(%arg12 : memref<125xi32, #tpu.memory_space<vmem>>)
    %dma_start3A_73 = arith.constant 0 : i32
    %dma_start3A_74 = arith.constant 0 : i32
    %dma_start3A_75 = tpu.memref_slice %arg4[%dma_start3A_73, %dma_start3A_74] : memref<10000x128xf32, #tpu.memory_space<hbm>> -> memref<10000x128xf32, #tpu.memory_space<hbm>>
    tpu.enqueue_indirect_dma source(%dma_start3A_75 : memref<10000x128xf32, #tpu.memory_space<hbm>>) target(%arg16 : memref<125x128xf32, #tpu.memory_space<vmem>>) offsets(%arg8 : memref<125xi32, #tpu.memory_space<vmem>>) semaphore(%arg22 : memref<!tpu.dma_semaphore, #tpu.memory_space<semaphore_mem>>)
    %dma_wait3A_76 = arith.constant 0 : i32
    %dma_wait3A_77 = arith.constant 0 : i32
    %dma_wait3A_78 = tpu.memref_slice %arg2[%add3A, %dma_wait3A_76, %dma_wait3A_77] : memref<32x80x125xi32, #tpu.memory_space<hbm>> -> memref<1x1x125xi32, #tpu.memory_space<hbm>>
    %dma_wait3A_79 = tpu.memref_squeeze %dma_wait3A_78 : memref<1x1x125xi32, #tpu.memory_space<hbm>> -> memref<125xi32, #tpu.memory_space<hbm>>
    %dma_wait3A_80 = arith.constant 0 : i32
    %dma_wait3A_81 = tpu.memref_slice %arg2[%add3A, %dma_wait3A_76, %dma_wait3A_80] : memref<32x80x125xi32, #tpu.memory_space<hbm>> -> memref<1x1x125xi32, #tpu.memory_space<hbm>>
    %dma_wait3A_82 = tpu.memref_squeeze %dma_wait3A_81 : memref<1x1x125xi32, #tpu.memory_space<hbm>> -> memref<125xi32, #tpu.memory_space<hbm>>
    tpu.wait_dma2 semaphore(%arg19 : memref<!tpu.dma_semaphore, #tpu.memory_space<semaphore_mem>>) src(%dma_wait3A_82 : memref<125xi32, #tpu.memory_space<hbm>>) dst(%arg9 : memref<125xi32, #tpu.memory_space<vmem>>)
    %dma_wait3A_83 = arith.constant 0 : i32
    %dma_wait3A_84 = arith.constant 0 : i32
    %dma_wait3A_85 = tpu.memref_slice %arg2[%add3A, %dma_wait3A_83, %dma_wait3A_84] : memref<32x80x125xi32, #tpu.memory_space<hbm>> -> memref<1x1x125xi32, #tpu.memory_space<hbm>>
    %dma_wait3A_86 = tpu.memref_squeeze %dma_wait3A_85 : memref<1x1x125xi32, #tpu.memory_space<hbm>> -> memref<125xi32, #tpu.memory_space<hbm>>
    %dma_wait3A_87 = arith.constant 0 : i32
    %dma_wait3A_88 = tpu.memref_slice %arg2[%add3A, %dma_wait3A_83, %dma_wait3A_87] : memref<32x80x125xi32, #tpu.memory_space<hbm>> -> memref<1x1x125xi32, #tpu.memory_space<hbm>>
    %dma_wait3A_89 = tpu.memref_squeeze %dma_wait3A_88 : memref<1x1x125xi32, #tpu.memory_space<hbm>> -> memref<125xi32, #tpu.memory_space<hbm>>
    tpu.wait_dma2 semaphore(%arg19 : memref<!tpu.dma_semaphore, #tpu.memory_space<semaphore_mem>>) src(%dma_wait3A_89 : memref<125xi32, #tpu.memory_space<hbm>>) dst(%arg13 : memref<125xi32, #tpu.memory_space<vmem>>)
    %dma_start3A_90 = arith.constant 0 : i32
    %dma_start3A_91 = arith.constant 0 : i32
    %dma_start3A_92 = tpu.memref_slice %arg4[%dma_start3A_90, %dma_start3A_91] : memref<10000x128xf32, #tpu.memory_space<hbm>> -> memref<10000x128xf32, #tpu.memory_space<hbm>>
    tpu.enqueue_indirect_dma source(%dma_start3A_92 : memref<10000x128xf32, #tpu.memory_space<hbm>>) target(%arg17 : memref<125x128xf32, #tpu.memory_space<vmem>>) offsets(%arg9 : memref<125xi32, #tpu.memory_space<vmem>>) semaphore(%arg23 : memref<!tpu.dma_semaphore, #tpu.memory_space<semaphore_mem>>)
    %scan3A = arith.constant 0 : i32
    %scan3A_93 = arith.constant 19 : i32
    %scan3A_94 = arith.addi %scan3A, %scan3A_93 : i32
    %scan3A_95 = arith.constant 1 : i32
    scf.for %scan3A_154 = %scan3A to %scan3A_94 step %scan3A_95  : i32 {
      %mul3A_155 = arith.constant 4 : i32
      %mul3A_156 = arith.muli %scan3A_154, %mul3A_155 : i32
      %add3A_157 = arith.constant 0 : i32
      %add3A_158 = arith.addi %add3A_157, %mul3A_156 : i32
      %dma_wait3A_159 = arith.constant 0 : i32
      %dma_wait3A_160 = arith.constant 0 : i32
      %dma_wait3A_161 = tpu.memref_slice %arg4[%dma_wait3A_159, %dma_wait3A_160] : memref<10000x128xf32, #tpu.memory_space<hbm>> -> memref<10000x128xf32, #tpu.memory_space<hbm>>
      tpu.wait_indirect_dma semaphore(%arg22 : memref<!tpu.dma_semaphore, #tpu.memory_space<semaphore_mem>>) src(%dma_wait3A_161 : memref<10000x128xf32, #tpu.memory_space<hbm>>) dst(%arg16 : memref<125x128xf32, #tpu.memory_space<vmem>>)
      "tpu.region"() ({
        %run_scoped3A = tpu.sem_alloc : memref<!tpu.dma_semaphore, #tpu.memory_space<semaphore_mem>>
        %dma_start3A_319 = arith.constant 0 : i32
        %dma_start3A_320 = arith.constant 0 : i32
        %dma_start3A_321 = tpu.memref_slice %arg24[%dma_start3A_319, %dma_start3A_320] : memref<10000x128xf32, #tpu.memory_space<vmem_shared>> -> memref<10000x128xf32, #tpu.memory_space<vmem_shared>>
        tpu.enqueue_indirect_dma source(%arg16 : memref<125x128xf32, #tpu.memory_space<vmem>>) target(%dma_start3A_321 : memref<10000x128xf32, #tpu.memory_space<vmem_shared>>) offsets(%arg12 : memref<125xi32, #tpu.memory_space<vmem>>) semaphore(%run_scoped3A : memref<!tpu.dma_semaphore, #tpu.memory_space<semaphore_mem>>) {add = true}
        %dma_wait3A_322 = arith.constant 0 : i32
        %dma_wait3A_323 = arith.constant 0 : i32
        %dma_wait3A_324 = tpu.memref_slice %arg24[%dma_wait3A_322, %dma_wait3A_323] : memref<10000x128xf32, #tpu.memory_space<vmem_shared>> -> memref<10000x128xf32, #tpu.memory_space<vmem_shared>>
        tpu.wait_indirect_dma semaphore(%run_scoped3A : memref<!tpu.dma_semaphore, #tpu.memory_space<semaphore_mem>>) src(%arg16 : memref<125x128xf32, #tpu.memory_space<vmem>>) dst(%dma_wait3A_324 : memref<10000x128xf32, #tpu.memory_space<vmem_shared>>)
        tpu.yield
      }) : () -> ()
      %add3A_162 = arith.constant 0 : i32
      %add3A_163 = arith.addi %add3A_158, %add3A_162 : i32
      %add3A_164 = arith.constant 4 : i32
      %add3A_165 = arith.addi %add3A_163, %add3A_164 : i32
      %dma_start3A_166 = arith.constant 0 : i32
      %dma_start3A_167 = tpu.memref_slice %arg2[%add3A, %add3A_165, %dma_start3A_166] : memref<32x80x125xi32, #tpu.memory_space<hbm>> -> memref<1x1x125xi32, #tpu.memory_space<hbm>>
      %dma_start3A_168 = tpu.memref_squeeze %dma_start3A_167 : memref<1x1x125xi32, #tpu.memory_space<hbm>> -> memref<125xi32, #tpu.memory_space<hbm>>
      %dma_start3A_169 = arith.constant 0 : i32
      %dma_start3A_170 = tpu.memref_slice %arg2[%add3A, %add3A_165, %dma_start3A_169] : memref<32x80x125xi32, #tpu.memory_space<hbm>> -> memref<1x1x125xi32, #tpu.memory_space<hbm>>
      %dma_start3A_171 = tpu.memref_squeeze %dma_start3A_170 : memref<1x1x125xi32, #tpu.memory_space<hbm>> -> memref<125xi32, #tpu.memory_space<hbm>>
      tpu.enqueue_dma source(%dma_start3A_171 : memref<125xi32, #tpu.memory_space<hbm>>) target(%arg8 : memref<125xi32, #tpu.memory_space<vmem>>) target_semaphore(%arg18 : memref<!tpu.dma_semaphore, #tpu.memory_space<semaphore_mem>>)
      %add3A_172 = arith.constant 0 : i32
      %add3A_173 = arith.addi %add3A_158, %add3A_172 : i32
      %add3A_174 = arith.constant 4 : i32
      %add3A_175 = arith.addi %add3A_173, %add3A_174 : i32
      %dma_start3A_176 = arith.constant 0 : i32
      %dma_start3A_177 = tpu.memref_slice %arg3[%add3A, %add3A_175, %dma_start3A_176] : memref<32x80x125xi32, #tpu.memory_space<hbm>> -> memref<1x1x125xi32, #tpu.memory_space<hbm>>
      %dma_start3A_178 = tpu.memref_squeeze %dma_start3A_177 : memref<1x1x125xi32, #tpu.memory_space<hbm>> -> memref<125xi32, #tpu.memory_space<hbm>>
      %dma_start3A_179 = arith.constant 0 : i32
      %dma_start3A_180 = tpu.memref_slice %arg3[%add3A, %add3A_175, %dma_start3A_179] : memref<32x80x125xi32, #tpu.memory_space<hbm>> -> memref<1x1x125xi32, #tpu.memory_space<hbm>>
      %dma_start3A_181 = tpu.memref_squeeze %dma_start3A_180 : memref<1x1x125xi32, #tpu.memory_space<hbm>> -> memref<125xi32, #tpu.memory_space<hbm>>
      tpu.enqueue_dma source(%dma_start3A_181 : memref<125xi32, #tpu.memory_space<hbm>>) target(%arg12 : memref<125xi32, #tpu.memory_space<vmem>>) target_semaphore(%arg18 : memref<!tpu.dma_semaphore, #tpu.memory_space<semaphore_mem>>)
      %dma_wait3A_182 = arith.constant 0 : i32
      %dma_wait3A_183 = arith.constant 0 : i32
      %dma_wait3A_184 = tpu.memref_slice %arg2[%add3A, %dma_wait3A_182, %dma_wait3A_183] : memref<32x80x125xi32, #tpu.memory_space<hbm>> -> memref<1x1x125xi32, #tpu.memory_space<hbm>>
      %dma_wait3A_185 = tpu.memref_squeeze %dma_wait3A_184 : memref<1x1x125xi32, #tpu.memory_space<hbm>> -> memref<125xi32, #tpu.memory_space<hbm>>
      %dma_wait3A_186 = arith.constant 0 : i32
      %dma_wait3A_187 = tpu.memref_slice %arg2[%add3A, %dma_wait3A_182, %dma_wait3A_186] : memref<32x80x125xi32, #tpu.memory_space<hbm>> -> memref<1x1x125xi32, #tpu.memory_space<hbm>>
      %dma_wait3A_188 = tpu.memref_squeeze %dma_wait3A_187 : memref<1x1x125xi32, #tpu.memory_space<hbm>> -> memref<125xi32, #tpu.memory_space<hbm>>
      tpu.wait_dma2 semaphore(%arg20 : memref<!tpu.dma_semaphore, #tpu.memory_space<semaphore_mem>>) src(%dma_wait3A_188 : memref<125xi32, #tpu.memory_space<hbm>>) dst(%arg10 : memref<125xi32, #tpu.memory_space<vmem>>)
      %dma_wait3A_189 = arith.constant 0 : i32
      %dma_wait3A_190 = arith.constant 0 : i32
      %dma_wait3A_191 = tpu.memref_slice %arg2[%add3A, %dma_wait3A_189, %dma_wait3A_190] : memref<32x80x125xi32, #tpu.memory_space<hbm>> -> memref<1x1x125xi32, #tpu.memory_space<hbm>>
      %dma_wait3A_192 = tpu.memref_squeeze %dma_wait3A_191 : memref<1x1x125xi32, #tpu.memory_space<hbm>> -> memref<125xi32, #tpu.memory_space<hbm>>
      %dma_wait3A_193 = arith.constant 0 : i32
      %dma_wait3A_194 = tpu.memref_slice %arg2[%add3A, %dma_wait3A_189, %dma_wait3A_193] : memref<32x80x125xi32, #tpu.memory_space<hbm>> -> memref<1x1x125xi32, #tpu.memory_space<hbm>>
      %dma_wait3A_195 = tpu.memref_squeeze %dma_wait3A_194 : memref<1x1x125xi32, #tpu.memory_space<hbm>> -> memref<125xi32, #tpu.memory_space<hbm>>
      tpu.wait_dma2 semaphore(%arg20 : memref<!tpu.dma_semaphore, #tpu.memory_space<semaphore_mem>>) src(%dma_wait3A_195 : memref<125xi32, #tpu.memory_space<hbm>>) dst(%arg14 : memref<125xi32, #tpu.memory_space<vmem>>)
      %dma_start3A_196 = arith.constant 0 : i32
      %dma_start3A_197 = arith.constant 0 : i32
      %dma_start3A_198 = tpu.memref_slice %arg4[%dma_start3A_196, %dma_start3A_197] : memref<10000x128xf32, #tpu.memory_space<hbm>> -> memref<10000x128xf32, #tpu.memory_space<hbm>>
      tpu.enqueue_indirect_dma source(%dma_start3A_198 : memref<10000x128xf32, #tpu.memory_space<hbm>>) target(%arg16 : memref<125x128xf32, #tpu.memory_space<vmem>>) offsets(%arg10 : memref<125xi32, #tpu.memory_space<vmem>>) semaphore(%arg22 : memref<!tpu.dma_semaphore, #tpu.memory_space<semaphore_mem>>)
      %dma_wait3A_199 = arith.constant 0 : i32
      %dma_wait3A_200 = arith.constant 0 : i32
      %dma_wait3A_201 = tpu.memref_slice %arg4[%dma_wait3A_199, %dma_wait3A_200] : memref<10000x128xf32, #tpu.memory_space<hbm>> -> memref<10000x128xf32, #tpu.memory_space<hbm>>
      tpu.wait_indirect_dma semaphore(%arg23 : memref<!tpu.dma_semaphore, #tpu.memory_space<semaphore_mem>>) src(%dma_wait3A_201 : memref<10000x128xf32, #tpu.memory_space<hbm>>) dst(%arg17 : memref<125x128xf32, #tpu.memory_space<vmem>>)
      "tpu.region"() ({
        %run_scoped3A = tpu.sem_alloc : memref<!tpu.dma_semaphore, #tpu.memory_space<semaphore_mem>>
        %dma_start3A_319 = arith.constant 0 : i32
        %dma_start3A_320 = arith.constant 0 : i32
        %dma_start3A_321 = tpu.memref_slice %arg24[%dma_start3A_319, %dma_start3A_320] : memref<10000x128xf32, #tpu.memory_space<vmem_shared>> -> memref<10000x128xf32, #tpu.memory_space<vmem_shared>>
        tpu.enqueue_indirect_dma source(%arg17 : memref<125x128xf32, #tpu.memory_space<vmem>>) target(%dma_start3A_321 : memref<10000x128xf32, #tpu.memory_space<vmem_shared>>) offsets(%arg13 : memref<125xi32, #tpu.memory_space<vmem>>) semaphore(%run_scoped3A : memref<!tpu.dma_semaphore, #tpu.memory_space<semaphore_mem>>) {add = true}
        %dma_wait3A_322 = arith.constant 0 : i32
        %dma_wait3A_323 = arith.constant 0 : i32
        %dma_wait3A_324 = tpu.memref_slice %arg24[%dma_wait3A_322, %dma_wait3A_323] : memref<10000x128xf32, #tpu.memory_space<vmem_shared>> -> memref<10000x128xf32, #tpu.memory_space<vmem_shared>>
        tpu.wait_indirect_dma semaphore(%run_scoped3A : memref<!tpu.dma_semaphore, #tpu.memory_space<semaphore_mem>>) src(%arg17 : memref<125x128xf32, #tpu.memory_space<vmem>>) dst(%dma_wait3A_324 : memref<10000x128xf32, #tpu.memory_space<vmem_shared>>)
        tpu.yield
      }) : () -> ()
      %add3A_202 = arith.constant 1 : i32
      %add3A_203 = arith.addi %add3A_158, %add3A_202 : i32
      %add3A_204 = arith.constant 4 : i32
      %add3A_205 = arith.addi %add3A_203, %add3A_204 : i32
      %dma_start3A_206 = arith.constant 0 : i32
      %dma_start3A_207 = tpu.memref_slice %arg2[%add3A, %add3A_205, %dma_start3A_206] : memref<32x80x125xi32, #tpu.memory_space<hbm>> -> memref<1x1x125xi32, #tpu.memory_space<hbm>>
      %dma_start3A_208 = tpu.memref_squeeze %dma_start3A_207 : memref<1x1x125xi32, #tpu.memory_space<hbm>> -> memref<125xi32, #tpu.memory_space<hbm>>
      %dma_start3A_209 = arith.constant 0 : i32
      %dma_start3A_210 = tpu.memref_slice %arg2[%add3A, %add3A_205, %dma_start3A_209] : memref<32x80x125xi32, #tpu.memory_space<hbm>> -> memref<1x1x125xi32, #tpu.memory_space<hbm>>
      %dma_start3A_211 = tpu.memref_squeeze %dma_start3A_210 : memref<1x1x125xi32, #tpu.memory_space<hbm>> -> memref<125xi32, #tpu.memory_space<hbm>>
      tpu.enqueue_dma source(%dma_start3A_211 : memref<125xi32, #tpu.memory_space<hbm>>) target(%arg9 : memref<125xi32, #tpu.memory_space<vmem>>) target_semaphore(%arg19 : memref<!tpu.dma_semaphore, #tpu.memory_space<semaphore_mem>>)
      %add3A_212 = arith.constant 1 : i32
      %add3A_213 = arith.addi %add3A_158, %add3A_212 : i32
      %add3A_214 = arith.constant 4 : i32
      %add3A_215 = arith.addi %add3A_213, %add3A_214 : i32
      %dma_start3A_216 = arith.constant 0 : i32
      %dma_start3A_217 = tpu.memref_slice %arg3[%add3A, %add3A_215, %dma_start3A_216] : memref<32x80x125xi32, #tpu.memory_space<hbm>> -> memref<1x1x125xi32, #tpu.memory_space<hbm>>
      %dma_start3A_218 = tpu.memref_squeeze %dma_start3A_217 : memref<1x1x125xi32, #tpu.memory_space<hbm>> -> memref<125xi32, #tpu.memory_space<hbm>>
      %dma_start3A_219 = arith.constant 0 : i32
      %dma_start3A_220 = tpu.memref_slice %arg3[%add3A, %add3A_215, %dma_start3A_219] : memref<32x80x125xi32, #tpu.memory_space<hbm>> -> memref<1x1x125xi32, #tpu.memory_space<hbm>>
      %dma_start3A_221 = tpu.memref_squeeze %dma_start3A_220 : memref<1x1x125xi32, #tpu.memory_space<hbm>> -> memref<125xi32, #tpu.memory_space<hbm>>
      tpu.enqueue_dma source(%dma_start3A_221 : memref<125xi32, #tpu.memory_space<hbm>>) target(%arg13 : memref<125xi32, #tpu.memory_space<vmem>>) target_semaphore(%arg19 : memref<!tpu.dma_semaphore, #tpu.memory_space<semaphore_mem>>)
      %dma_wait3A_222 = arith.constant 0 : i32
      %dma_wait3A_223 = arith.constant 0 : i32
      %dma_wait3A_224 = tpu.memref_slice %arg2[%add3A, %dma_wait3A_222, %dma_wait3A_223] : memref<32x80x125xi32, #tpu.memory_space<hbm>> -> memref<1x1x125xi32, #tpu.memory_space<hbm>>
      %dma_wait3A_225 = tpu.memref_squeeze %dma_wait3A_224 : memref<1x1x125xi32, #tpu.memory_space<hbm>> -> memref<125xi32, #tpu.memory_space<hbm>>
      %dma_wait3A_226 = arith.constant 0 : i32
      %dma_wait3A_227 = tpu.memref_slice %arg2[%add3A, %dma_wait3A_222, %dma_wait3A_226] : memref<32x80x125xi32, #tpu.memory_space<hbm>> -> memref<1x1x125xi32, #tpu.memory_space<hbm>>
      %dma_wait3A_228 = tpu.memref_squeeze %dma_wait3A_227 : memref<1x1x125xi32, #tpu.memory_space<hbm>> -> memref<125xi32, #tpu.memory_space<hbm>>
      tpu.wait_dma2 semaphore(%arg21 : memref<!tpu.dma_semaphore, #tpu.memory_space<semaphore_mem>>) src(%dma_wait3A_228 : memref<125xi32, #tpu.memory_space<hbm>>) dst(%arg11 : memref<125xi32, #tpu.memory_space<vmem>>)
      %dma_wait3A_229 = arith.constant 0 : i32
      %dma_wait3A_230 = arith.constant 0 : i32
      %dma_wait3A_231 = tpu.memref_slice %arg2[%add3A, %dma_wait3A_229, %dma_wait3A_230] : memref<32x80x125xi32, #tpu.memory_space<hbm>> -> memref<1x1x125xi32, #tpu.memory_space<hbm>>
      %dma_wait3A_232 = tpu.memref_squeeze %dma_wait3A_231 : memref<1x1x125xi32, #tpu.memory_space<hbm>> -> memref<125xi32, #tpu.memory_space<hbm>>
      %dma_wait3A_233 = arith.constant 0 : i32
      %dma_wait3A_234 = tpu.memref_slice %arg2[%add3A, %dma_wait3A_229, %dma_wait3A_233] : memref<32x80x125xi32, #tpu.memory_space<hbm>> -> memref<1x1x125xi32, #tpu.memory_space<hbm>>
      %dma_wait3A_235 = tpu.memref_squeeze %dma_wait3A_234 : memref<1x1x125xi32, #tpu.memory_space<hbm>> -> memref<125xi32, #tpu.memory_space<hbm>>
      tpu.wait_dma2 semaphore(%arg21 : memref<!tpu.dma_semaphore, #tpu.memory_space<semaphore_mem>>) src(%dma_wait3A_235 : memref<125xi32, #tpu.memory_space<hbm>>) dst(%arg15 : memref<125xi32, #tpu.memory_space<vmem>>)
      %dma_start3A_236 = arith.constant 0 : i32
      %dma_start3A_237 = arith.constant 0 : i32
      %dma_start3A_238 = tpu.memref_slice %arg4[%dma_start3A_236, %dma_start3A_237] : memref<10000x128xf32, #tpu.memory_space<hbm>> -> memref<10000x128xf32, #tpu.memory_space<hbm>>
      tpu.enqueue_indirect_dma source(%dma_start3A_238 : memref<10000x128xf32, #tpu.memory_space<hbm>>) target(%arg17 : memref<125x128xf32, #tpu.memory_space<vmem>>) offsets(%arg11 : memref<125xi32, #tpu.memory_space<vmem>>) semaphore(%arg23 : memref<!tpu.dma_semaphore, #tpu.memory_space<semaphore_mem>>)
      %dma_wait3A_239 = arith.constant 0 : i32
      %dma_wait3A_240 = arith.constant 0 : i32
      %dma_wait3A_241 = tpu.memref_slice %arg4[%dma_wait3A_239, %dma_wait3A_240] : memref<10000x128xf32, #tpu.memory_space<hbm>> -> memref<10000x128xf32, #tpu.memory_space<hbm>>
      tpu.wait_indirect_dma semaphore(%arg22 : memref<!tpu.dma_semaphore, #tpu.memory_space<semaphore_mem>>) src(%dma_wait3A_241 : memref<10000x128xf32, #tpu.memory_space<hbm>>) dst(%arg16 : memref<125x128xf32, #tpu.memory_space<vmem>>)
      "tpu.region"() ({
        %run_scoped3A = tpu.sem_alloc : memref<!tpu.dma_semaphore, #tpu.memory_space<semaphore_mem>>
        %dma_start3A_319 = arith.constant 0 : i32
        %dma_start3A_320 = arith.constant 0 : i32
        %dma_start3A_321 = tpu.memref_slice %arg24[%dma_start3A_319, %dma_start3A_320] : memref<10000x128xf32, #tpu.memory_space<vmem_shared>> -> memref<10000x128xf32, #tpu.memory_space<vmem_shared>>
        tpu.enqueue_indirect_dma source(%arg16 : memref<125x128xf32, #tpu.memory_space<vmem>>) target(%dma_start3A_321 : memref<10000x128xf32, #tpu.memory_space<vmem_shared>>) offsets(%arg14 : memref<125xi32, #tpu.memory_space<vmem>>) semaphore(%run_scoped3A : memref<!tpu.dma_semaphore, #tpu.memory_space<semaphore_mem>>) {add = true}
        %dma_wait3A_322 = arith.constant 0 : i32
        %dma_wait3A_323 = arith.constant 0 : i32
        %dma_wait3A_324 = tpu.memref_slice %arg24[%dma_wait3A_322, %dma_wait3A_323] : memref<10000x128xf32, #tpu.memory_space<vmem_shared>> -> memref<10000x128xf32, #tpu.memory_space<vmem_shared>>
        tpu.wait_indirect_dma semaphore(%run_scoped3A : memref<!tpu.dma_semaphore, #tpu.memory_space<semaphore_mem>>) src(%arg16 : memref<125x128xf32, #tpu.memory_space<vmem>>) dst(%dma_wait3A_324 : memref<10000x128xf32, #tpu.memory_space<vmem_shared>>)
        tpu.yield
      }) : () -> ()
      %add3A_242 = arith.constant 2 : i32
      %add3A_243 = arith.addi %add3A_158, %add3A_242 : i32
      %add3A_244 = arith.constant 4 : i32
      %add3A_245 = arith.addi %add3A_243, %add3A_244 : i32
      %dma_start3A_246 = arith.constant 0 : i32
      %dma_start3A_247 = tpu.memref_slice %arg2[%add3A, %add3A_245, %dma_start3A_246] : memref<32x80x125xi32, #tpu.memory_space<hbm>> -> memref<1x1x125xi32, #tpu.memory_space<hbm>>
      %dma_start3A_248 = tpu.memref_squeeze %dma_start3A_247 : memref<1x1x125xi32, #tpu.memory_space<hbm>> -> memref<125xi32, #tpu.memory_space<hbm>>
      %dma_start3A_249 = arith.constant 0 : i32
      %dma_start3A_250 = tpu.memref_slice %arg2[%add3A, %add3A_245, %dma_start3A_249] : memref<32x80x125xi32, #tpu.memory_space<hbm>> -> memref<1x1x125xi32, #tpu.memory_space<hbm>>
      %dma_start3A_251 = tpu.memref_squeeze %dma_start3A_250 : memref<1x1x125xi32, #tpu.memory_space<hbm>> -> memref<125xi32, #tpu.memory_space<hbm>>
      tpu.enqueue_dma source(%dma_start3A_251 : memref<125xi32, #tpu.memory_space<hbm>>) target(%arg10 : memref<125xi32, #tpu.memory_space<vmem>>) target_semaphore(%arg20 : memref<!tpu.dma_semaphore, #tpu.memory_space<semaphore_mem>>)
      %add3A_252 = arith.constant 2 : i32
      %add3A_253 = arith.addi %add3A_158, %add3A_252 : i32
      %add3A_254 = arith.constant 4 : i32
      %add3A_255 = arith.addi %add3A_253, %add3A_254 : i32
      %dma_start3A_256 = arith.constant 0 : i32
      %dma_start3A_257 = tpu.memref_slice %arg3[%add3A, %add3A_255, %dma_start3A_256] : memref<32x80x125xi32, #tpu.memory_space<hbm>> -> memref<1x1x125xi32, #tpu.memory_space<hbm>>
      %dma_start3A_258 = tpu.memref_squeeze %dma_start3A_257 : memref<1x1x125xi32, #tpu.memory_space<hbm>> -> memref<125xi32, #tpu.memory_space<hbm>>
      %dma_start3A_259 = arith.constant 0 : i32
      %dma_start3A_260 = tpu.memref_slice %arg3[%add3A, %add3A_255, %dma_start3A_259] : memref<32x80x125xi32, #tpu.memory_space<hbm>> -> memref<1x1x125xi32, #tpu.memory_space<hbm>>
      %dma_start3A_261 = tpu.memref_squeeze %dma_start3A_260 : memref<1x1x125xi32, #tpu.memory_space<hbm>> -> memref<125xi32, #tpu.memory_space<hbm>>
      tpu.enqueue_dma source(%dma_start3A_261 : memref<125xi32, #tpu.memory_space<hbm>>) target(%arg14 : memref<125xi32, #tpu.memory_space<vmem>>) target_semaphore(%arg20 : memref<!tpu.dma_semaphore, #tpu.memory_space<semaphore_mem>>)
      %dma_wait3A_262 = arith.constant 0 : i32
      %dma_wait3A_263 = arith.constant 0 : i32
      %dma_wait3A_264 = tpu.memref_slice %arg2[%add3A, %dma_wait3A_262, %dma_wait3A_263] : memref<32x80x125xi32, #tpu.memory_space<hbm>> -> memref<1x1x125xi32, #tpu.memory_space<hbm>>
      %dma_wait3A_265 = tpu.memref_squeeze %dma_wait3A_264 : memref<1x1x125xi32, #tpu.memory_space<hbm>> -> memref<125xi32, #tpu.memory_space<hbm>>
      %dma_wait3A_266 = arith.constant 0 : i32
      %dma_wait3A_267 = tpu.memref_slice %arg2[%add3A, %dma_wait3A_262, %dma_wait3A_266] : memref<32x80x125xi32, #tpu.memory_space<hbm>> -> memref<1x1x125xi32, #tpu.memory_space<hbm>>
      %dma_wait3A_268 = tpu.memref_squeeze %dma_wait3A_267 : memref<1x1x125xi32, #tpu.memory_space<hbm>> -> memref<125xi32, #tpu.memory_space<hbm>>
      tpu.wait_dma2 semaphore(%arg18 : memref<!tpu.dma_semaphore, #tpu.memory_space<semaphore_mem>>) src(%dma_wait3A_268 : memref<125xi32, #tpu.memory_space<hbm>>) dst(%arg8 : memref<125xi32, #tpu.memory_space<vmem>>)
      %dma_wait3A_269 = arith.constant 0 : i32
      %dma_wait3A_270 = arith.constant 0 : i32
      %dma_wait3A_271 = tpu.memref_slice %arg2[%add3A, %dma_wait3A_269, %dma_wait3A_270] : memref<32x80x125xi32, #tpu.memory_space<hbm>> -> memref<1x1x125xi32, #tpu.memory_space<hbm>>
      %dma_wait3A_272 = tpu.memref_squeeze %dma_wait3A_271 : memref<1x1x125xi32, #tpu.memory_space<hbm>> -> memref<125xi32, #tpu.memory_space<hbm>>
      %dma_wait3A_273 = arith.constant 0 : i32
      %dma_wait3A_274 = tpu.memref_slice %arg2[%add3A, %dma_wait3A_269, %dma_wait3A_273] : memref<32x80x125xi32, #tpu.memory_space<hbm>> -> memref<1x1x125xi32, #tpu.memory_space<hbm>>
      %dma_wait3A_275 = tpu.memref_squeeze %dma_wait3A_274 : memref<1x1x125xi32, #tpu.memory_space<hbm>> -> memref<125xi32, #tpu.memory_space<hbm>>
      tpu.wait_dma2 semaphore(%arg18 : memref<!tpu.dma_semaphore, #tpu.memory_space<semaphore_mem>>) src(%dma_wait3A_275 : memref<125xi32, #tpu.memory_space<hbm>>) dst(%arg12 : memref<125xi32, #tpu.memory_space<vmem>>)
      %dma_start3A_276 = arith.constant 0 : i32
      %dma_start3A_277 = arith.constant 0 : i32
      %dma_start3A_278 = tpu.memref_slice %arg4[%dma_start3A_276, %dma_start3A_277] : memref<10000x128xf32, #tpu.memory_space<hbm>> -> memref<10000x128xf32, #tpu.memory_space<hbm>>
      tpu.enqueue_indirect_dma source(%dma_start3A_278 : memref<10000x128xf32, #tpu.memory_space<hbm>>) target(%arg16 : memref<125x128xf32, #tpu.memory_space<vmem>>) offsets(%arg8 : memref<125xi32, #tpu.memory_space<vmem>>) semaphore(%arg22 : memref<!tpu.dma_semaphore, #tpu.memory_space<semaphore_mem>>)
      %dma_wait3A_279 = arith.constant 0 : i32
      %dma_wait3A_280 = arith.constant 0 : i32
      %dma_wait3A_281 = tpu.memref_slice %arg4[%dma_wait3A_279, %dma_wait3A_280] : memref<10000x128xf32, #tpu.memory_space<hbm>> -> memref<10000x128xf32, #tpu.memory_space<hbm>>
      tpu.wait_indirect_dma semaphore(%arg23 : memref<!tpu.dma_semaphore, #tpu.memory_space<semaphore_mem>>) src(%dma_wait3A_281 : memref<10000x128xf32, #tpu.memory_space<hbm>>) dst(%arg17 : memref<125x128xf32, #tpu.memory_space<vmem>>)
      "tpu.region"() ({
        %run_scoped3A = tpu.sem_alloc : memref<!tpu.dma_semaphore, #tpu.memory_space<semaphore_mem>>
        %dma_start3A_319 = arith.constant 0 : i32
        %dma_start3A_320 = arith.constant 0 : i32
        %dma_start3A_321 = tpu.memref_slice %arg24[%dma_start3A_319, %dma_start3A_320] : memref<10000x128xf32, #tpu.memory_space<vmem_shared>> -> memref<10000x128xf32, #tpu.memory_space<vmem_shared>>
        tpu.enqueue_indirect_dma source(%arg17 : memref<125x128xf32, #tpu.memory_space<vmem>>) target(%dma_start3A_321 : memref<10000x128xf32, #tpu.memory_space<vmem_shared>>) offsets(%arg15 : memref<125xi32, #tpu.memory_space<vmem>>) semaphore(%run_scoped3A : memref<!tpu.dma_semaphore, #tpu.memory_space<semaphore_mem>>) {add = true}
        %dma_wait3A_322 = arith.constant 0 : i32
        %dma_wait3A_323 = arith.constant 0 : i32
        %dma_wait3A_324 = tpu.memref_slice %arg24[%dma_wait3A_322, %dma_wait3A_323] : memref<10000x128xf32, #tpu.memory_space<vmem_shared>> -> memref<10000x128xf32, #tpu.memory_space<vmem_shared>>
        tpu.wait_indirect_dma semaphore(%run_scoped3A : memref<!tpu.dma_semaphore, #tpu.memory_space<semaphore_mem>>) src(%arg17 : memref<125x128xf32, #tpu.memory_space<vmem>>) dst(%dma_wait3A_324 : memref<10000x128xf32, #tpu.memory_space<vmem_shared>>)
        tpu.yield
      }) : () -> ()
      %add3A_282 = arith.constant 3 : i32
      %add3A_283 = arith.addi %add3A_158, %add3A_282 : i32
      %add3A_284 = arith.constant 4 : i32
      %add3A_285 = arith.addi %add3A_283, %add3A_284 : i32
      %dma_start3A_286 = arith.constant 0 : i32
      %dma_start3A_287 = tpu.memref_slice %arg2[%add3A, %add3A_285, %dma_start3A_286] : memref<32x80x125xi32, #tpu.memory_space<hbm>> -> memref<1x1x125xi32, #tpu.memory_space<hbm>>
      %dma_start3A_288 = tpu.memref_squeeze %dma_start3A_287 : memref<1x1x125xi32, #tpu.memory_space<hbm>> -> memref<125xi32, #tpu.memory_space<hbm>>
      %dma_start3A_289 = arith.constant 0 : i32
      %dma_start3A_290 = tpu.memref_slice %arg2[%add3A, %add3A_285, %dma_start3A_289] : memref<32x80x125xi32, #tpu.memory_space<hbm>> -> memref<1x1x125xi32, #tpu.memory_space<hbm>>
      %dma_start3A_291 = tpu.memref_squeeze %dma_start3A_290 : memref<1x1x125xi32, #tpu.memory_space<hbm>> -> memref<125xi32, #tpu.memory_space<hbm>>
      tpu.enqueue_dma source(%dma_start3A_291 : memref<125xi32, #tpu.memory_space<hbm>>) target(%arg11 : memref<125xi32, #tpu.memory_space<vmem>>) target_semaphore(%arg21 : memref<!tpu.dma_semaphore, #tpu.memory_space<semaphore_mem>>)
      %add3A_292 = arith.constant 3 : i32
      %add3A_293 = arith.addi %add3A_158, %add3A_292 : i32
      %add3A_294 = arith.constant 4 : i32
      %add3A_295 = arith.addi %add3A_293, %add3A_294 : i32
      %dma_start3A_296 = arith.constant 0 : i32
      %dma_start3A_297 = tpu.memref_slice %arg3[%add3A, %add3A_295, %dma_start3A_296] : memref<32x80x125xi32, #tpu.memory_space<hbm>> -> memref<1x1x125xi32, #tpu.memory_space<hbm>>
      %dma_start3A_298 = tpu.memref_squeeze %dma_start3A_297 : memref<1x1x125xi32, #tpu.memory_space<hbm>> -> memref<125xi32, #tpu.memory_space<hbm>>
      %dma_start3A_299 = arith.constant 0 : i32
      %dma_start3A_300 = tpu.memref_slice %arg3[%add3A, %add3A_295, %dma_start3A_299] : memref<32x80x125xi32, #tpu.memory_space<hbm>> -> memref<1x1x125xi32, #tpu.memory_space<hbm>>
      %dma_start3A_301 = tpu.memref_squeeze %dma_start3A_300 : memref<1x1x125xi32, #tpu.memory_space<hbm>> -> memref<125xi32, #tpu.memory_space<hbm>>
      tpu.enqueue_dma source(%dma_start3A_301 : memref<125xi32, #tpu.memory_space<hbm>>) target(%arg15 : memref<125xi32, #tpu.memory_space<vmem>>) target_semaphore(%arg21 : memref<!tpu.dma_semaphore, #tpu.memory_space<semaphore_mem>>)
      %dma_wait3A_302 = arith.constant 0 : i32
      %dma_wait3A_303 = arith.constant 0 : i32
      %dma_wait3A_304 = tpu.memref_slice %arg2[%add3A, %dma_wait3A_302, %dma_wait3A_303] : memref<32x80x125xi32, #tpu.memory_space<hbm>> -> memref<1x1x125xi32, #tpu.memory_space<hbm>>
      %dma_wait3A_305 = tpu.memref_squeeze %dma_wait3A_304 : memref<1x1x125xi32, #tpu.memory_space<hbm>> -> memref<125xi32, #tpu.memory_space<hbm>>
      %dma_wait3A_306 = arith.constant 0 : i32
      %dma_wait3A_307 = tpu.memref_slice %arg2[%add3A, %dma_wait3A_302, %dma_wait3A_306] : memref<32x80x125xi32, #tpu.memory_space<hbm>> -> memref<1x1x125xi32, #tpu.memory_space<hbm>>
      %dma_wait3A_308 = tpu.memref_squeeze %dma_wait3A_307 : memref<1x1x125xi32, #tpu.memory_space<hbm>> -> memref<125xi32, #tpu.memory_space<hbm>>
      tpu.wait_dma2 semaphore(%arg19 : memref<!tpu.dma_semaphore, #tpu.memory_space<semaphore_mem>>) src(%dma_wait3A_308 : memref<125xi32, #tpu.memory_space<hbm>>) dst(%arg9 : memref<125xi32, #tpu.memory_space<vmem>>)
      %dma_wait3A_309 = arith.constant 0 : i32
      %dma_wait3A_310 = arith.constant 0 : i32
      %dma_wait3A_311 = tpu.memref_slice %arg2[%add3A, %dma_wait3A_309, %dma_wait3A_310] : memref<32x80x125xi32, #tpu.memory_space<hbm>> -> memref<1x1x125xi32, #tpu.memory_space<hbm>>
      %dma_wait3A_312 = tpu.memref_squeeze %dma_wait3A_311 : memref<1x1x125xi32, #tpu.memory_space<hbm>> -> memref<125xi32, #tpu.memory_space<hbm>>
      %dma_wait3A_313 = arith.constant 0 : i32
      %dma_wait3A_314 = tpu.memref_slice %arg2[%add3A, %dma_wait3A_309, %dma_wait3A_313] : memref<32x80x125xi32, #tpu.memory_space<hbm>> -> memref<1x1x125xi32, #tpu.memory_space<hbm>>
      %dma_wait3A_315 = tpu.memref_squeeze %dma_wait3A_314 : memref<1x1x125xi32, #tpu.memory_space<hbm>> -> memref<125xi32, #tpu.memory_space<hbm>>
      tpu.wait_dma2 semaphore(%arg19 : memref<!tpu.dma_semaphore, #tpu.memory_space<semaphore_mem>>) src(%dma_wait3A_315 : memref<125xi32, #tpu.memory_space<hbm>>) dst(%arg13 : memref<125xi32, #tpu.memory_space<vmem>>)
      %dma_start3A_316 = arith.constant 0 : i32
      %dma_start3A_317 = arith.constant 0 : i32
      %dma_start3A_318 = tpu.memref_slice %arg4[%dma_start3A_316, %dma_start3A_317] : memref<10000x128xf32, #tpu.memory_space<hbm>> -> memref<10000x128xf32, #tpu.memory_space<hbm>>
      tpu.enqueue_indirect_dma source(%dma_start3A_318 : memref<10000x128xf32, #tpu.memory_space<hbm>>) target(%arg17 : memref<125x128xf32, #tpu.memory_space<vmem>>) offsets(%arg9 : memref<125xi32, #tpu.memory_space<vmem>>) semaphore(%arg23 : memref<!tpu.dma_semaphore, #tpu.memory_space<semaphore_mem>>)
    }
    %scan3A_96 = arith.constant 19 : i32
    %dma_wait3A_97 = arith.constant 0 : i32
    %dma_wait3A_98 = arith.constant 0 : i32
    %dma_wait3A_99 = tpu.memref_slice %arg4[%dma_wait3A_97, %dma_wait3A_98] : memref<10000x128xf32, #tpu.memory_space<hbm>> -> memref<10000x128xf32, #tpu.memory_space<hbm>>
    tpu.wait_indirect_dma semaphore(%arg22 : memref<!tpu.dma_semaphore, #tpu.memory_space<semaphore_mem>>) src(%dma_wait3A_99 : memref<10000x128xf32, #tpu.memory_space<hbm>>) dst(%arg16 : memref<125x128xf32, #tpu.memory_space<vmem>>)
    "tpu.region"() ({
      %run_scoped3A = tpu.sem_alloc : memref<!tpu.dma_semaphore, #tpu.memory_space<semaphore_mem>>
      %dma_start3A_154 = arith.constant 0 : i32
      %dma_start3A_155 = arith.constant 0 : i32
      %dma_start3A_156 = tpu.memref_slice %arg24[%dma_start3A_154, %dma_start3A_155] : memref<10000x128xf32, #tpu.memory_space<vmem_shared>> -> memref<10000x128xf32, #tpu.memory_space<vmem_shared>>
      tpu.enqueue_indirect_dma source(%arg16 : memref<125x128xf32, #tpu.memory_space<vmem>>) target(%dma_start3A_156 : memref<10000x128xf32, #tpu.memory_space<vmem_shared>>) offsets(%arg12 : memref<125xi32, #tpu.memory_space<vmem>>) semaphore(%run_scoped3A : memref<!tpu.dma_semaphore, #tpu.memory_space<semaphore_mem>>) {add = true}
      %dma_wait3A_157 = arith.constant 0 : i32
      %dma_wait3A_158 = arith.constant 0 : i32
      %dma_wait3A_159 = tpu.memref_slice %arg24[%dma_wait3A_157, %dma_wait3A_158] : memref<10000x128xf32, #tpu.memory_space<vmem_shared>> -> memref<10000x128xf32, #tpu.memory_space<vmem_shared>>
      tpu.wait_indirect_dma semaphore(%run_scoped3A : memref<!tpu.dma_semaphore, #tpu.memory_space<semaphore_mem>>) src(%arg16 : memref<125x128xf32, #tpu.memory_space<vmem>>) dst(%dma_wait3A_159 : memref<10000x128xf32, #tpu.memory_space<vmem_shared>>)
      tpu.yield
    }) : () -> ()
    %dma_wait3A_100 = arith.constant 0 : i32
    %dma_wait3A_101 = arith.constant 0 : i32
    %dma_wait3A_102 = tpu.memref_slice %arg2[%add3A, %dma_wait3A_100, %dma_wait3A_101] : memref<32x80x125xi32, #tpu.memory_space<hbm>> -> memref<1x1x125xi32, #tpu.memory_space<hbm>>
    %dma_wait3A_103 = tpu.memref_squeeze %dma_wait3A_102 : memref<1x1x125xi32, #tpu.memory_space<hbm>> -> memref<125xi32, #tpu.memory_space<hbm>>
    %dma_wait3A_104 = arith.constant 0 : i32
    %dma_wait3A_105 = tpu.memref_slice %arg2[%add3A, %dma_wait3A_100, %dma_wait3A_104] : memref<32x80x125xi32, #tpu.memory_space<hbm>> -> memref<1x1x125xi32, #tpu.memory_space<hbm>>
    %dma_wait3A_106 = tpu.memref_squeeze %dma_wait3A_105 : memref<1x1x125xi32, #tpu.memory_space<hbm>> -> memref<125xi32, #tpu.memory_space<hbm>>
    tpu.wait_dma2 semaphore(%arg20 : memref<!tpu.dma_semaphore, #tpu.memory_space<semaphore_mem>>) src(%dma_wait3A_106 : memref<125xi32, #tpu.memory_space<hbm>>) dst(%arg10 : memref<125xi32, #tpu.memory_space<vmem>>)
    %dma_wait3A_107 = arith.constant 0 : i32
    %dma_wait3A_108 = arith.constant 0 : i32
    %dma_wait3A_109 = tpu.memref_slice %arg2[%add3A, %dma_wait3A_107, %dma_wait3A_108] : memref<32x80x125xi32, #tpu.memory_space<hbm>> -> memref<1x1x125xi32, #tpu.memory_space<hbm>>
    %dma_wait3A_110 = tpu.memref_squeeze %dma_wait3A_109 : memref<1x1x125xi32, #tpu.memory_space<hbm>> -> memref<125xi32, #tpu.memory_space<hbm>>
    %dma_wait3A_111 = arith.constant 0 : i32
    %dma_wait3A_112 = tpu.memref_slice %arg2[%add3A, %dma_wait3A_107, %dma_wait3A_111] : memref<32x80x125xi32, #tpu.memory_space<hbm>> -> memref<1x1x125xi32, #tpu.memory_space<hbm>>
    %dma_wait3A_113 = tpu.memref_squeeze %dma_wait3A_112 : memref<1x1x125xi32, #tpu.memory_space<hbm>> -> memref<125xi32, #tpu.memory_space<hbm>>
    tpu.wait_dma2 semaphore(%arg20 : memref<!tpu.dma_semaphore, #tpu.memory_space<semaphore_mem>>) src(%dma_wait3A_113 : memref<125xi32, #tpu.memory_space<hbm>>) dst(%arg14 : memref<125xi32, #tpu.memory_space<vmem>>)
    %dma_start3A_114 = arith.constant 0 : i32
    %dma_start3A_115 = arith.constant 0 : i32
    %dma_start3A_116 = tpu.memref_slice %arg4[%dma_start3A_114, %dma_start3A_115] : memref<10000x128xf32, #tpu.memory_space<hbm>> -> memref<10000x128xf32, #tpu.memory_space<hbm>>
    tpu.enqueue_indirect_dma source(%dma_start3A_116 : memref<10000x128xf32, #tpu.memory_space<hbm>>) target(%arg16 : memref<125x128xf32, #tpu.memory_space<vmem>>) offsets(%arg10 : memref<125xi32, #tpu.memory_space<vmem>>) semaphore(%arg22 : memref<!tpu.dma_semaphore, #tpu.memory_space<semaphore_mem>>)
    %dma_wait3A_117 = arith.constant 0 : i32
    %dma_wait3A_118 = arith.constant 0 : i32
    %dma_wait3A_119 = tpu.memref_slice %arg4[%dma_wait3A_117, %dma_wait3A_118] : memref<10000x128xf32, #tpu.memory_space<hbm>> -> memref<10000x128xf32, #tpu.memory_space<hbm>>
    tpu.wait_indirect_dma semaphore(%arg23 : memref<!tpu.dma_semaphore, #tpu.memory_space<semaphore_mem>>) src(%dma_wait3A_119 : memref<10000x128xf32, #tpu.memory_space<hbm>>) dst(%arg17 : memref<125x128xf32, #tpu.memory_space<vmem>>)
    "tpu.region"() ({
      %run_scoped3A = tpu.sem_alloc : memref<!tpu.dma_semaphore, #tpu.memory_space<semaphore_mem>>
      %dma_start3A_154 = arith.constant 0 : i32
      %dma_start3A_155 = arith.constant 0 : i32
      %dma_start3A_156 = tpu.memref_slice %arg24[%dma_start3A_154, %dma_start3A_155] : memref<10000x128xf32, #tpu.memory_space<vmem_shared>> -> memref<10000x128xf32, #tpu.memory_space<vmem_shared>>
      tpu.enqueue_indirect_dma source(%arg17 : memref<125x128xf32, #tpu.memory_space<vmem>>) target(%dma_start3A_156 : memref<10000x128xf32, #tpu.memory_space<vmem_shared>>) offsets(%arg13 : memref<125xi32, #tpu.memory_space<vmem>>) semaphore(%run_scoped3A : memref<!tpu.dma_semaphore, #tpu.memory_space<semaphore_mem>>) {add = true}
      %dma_wait3A_157 = arith.constant 0 : i32
      %dma_wait3A_158 = arith.constant 0 : i32
      %dma_wait3A_159 = tpu.memref_slice %arg24[%dma_wait3A_157, %dma_wait3A_158] : memref<10000x128xf32, #tpu.memory_space<vmem_shared>> -> memref<10000x128xf32, #tpu.memory_space<vmem_shared>>
      tpu.wait_indirect_dma semaphore(%run_scoped3A : memref<!tpu.dma_semaphore, #tpu.memory_space<semaphore_mem>>) src(%arg17 : memref<125x128xf32, #tpu.memory_space<vmem>>) dst(%dma_wait3A_159 : memref<10000x128xf32, #tpu.memory_space<vmem_shared>>)
      tpu.yield
    }) : () -> ()
    %dma_wait3A_120 = arith.constant 0 : i32
    %dma_wait3A_121 = arith.constant 0 : i32
    %dma_wait3A_122 = tpu.memref_slice %arg2[%add3A, %dma_wait3A_120, %dma_wait3A_121] : memref<32x80x125xi32, #tpu.memory_space<hbm>> -> memref<1x1x125xi32, #tpu.memory_space<hbm>>
    %dma_wait3A_123 = tpu.memref_squeeze %dma_wait3A_122 : memref<1x1x125xi32, #tpu.memory_space<hbm>> -> memref<125xi32, #tpu.memory_space<hbm>>
    %dma_wait3A_124 = arith.constant 0 : i32
    %dma_wait3A_125 = tpu.memref_slice %arg2[%add3A, %dma_wait3A_120, %dma_wait3A_124] : memref<32x80x125xi32, #tpu.memory_space<hbm>> -> memref<1x1x125xi32, #tpu.memory_space<hbm>>
    %dma_wait3A_126 = tpu.memref_squeeze %dma_wait3A_125 : memref<1x1x125xi32, #tpu.memory_space<hbm>> -> memref<125xi32, #tpu.memory_space<hbm>>
    tpu.wait_dma2 semaphore(%arg21 : memref<!tpu.dma_semaphore, #tpu.memory_space<semaphore_mem>>) src(%dma_wait3A_126 : memref<125xi32, #tpu.memory_space<hbm>>) dst(%arg11 : memref<125xi32, #tpu.memory_space<vmem>>)
    %dma_wait3A_127 = arith.constant 0 : i32
    %dma_wait3A_128 = arith.constant 0 : i32
    %dma_wait3A_129 = tpu.memref_slice %arg2[%add3A, %dma_wait3A_127, %dma_wait3A_128] : memref<32x80x125xi32, #tpu.memory_space<hbm>> -> memref<1x1x125xi32, #tpu.memory_space<hbm>>
    %dma_wait3A_130 = tpu.memref_squeeze %dma_wait3A_129 : memref<1x1x125xi32, #tpu.memory_space<hbm>> -> memref<125xi32, #tpu.memory_space<hbm>>
    %dma_wait3A_131 = arith.constant 0 : i32
    %dma_wait3A_132 = tpu.memref_slice %arg2[%add3A, %dma_wait3A_127, %dma_wait3A_131] : memref<32x80x125xi32, #tpu.memory_space<hbm>> -> memref<1x1x125xi32, #tpu.memory_space<hbm>>
    %dma_wait3A_133 = tpu.memref_squeeze %dma_wait3A_132 : memref<1x1x125xi32, #tpu.memory_space<hbm>> -> memref<125xi32, #tpu.memory_space<hbm>>
    tpu.wait_dma2 semaphore(%arg21 : memref<!tpu.dma_semaphore, #tpu.memory_space<semaphore_mem>>) src(%dma_wait3A_133 : memref<125xi32, #tpu.memory_space<hbm>>) dst(%arg15 : memref<125xi32, #tpu.memory_space<vmem>>)
    %dma_start3A_134 = arith.constant 0 : i32
    %dma_start3A_135 = arith.constant 0 : i32
    %dma_start3A_136 = tpu.memref_slice %arg4[%dma_start3A_134, %dma_start3A_135] : memref<10000x128xf32, #tpu.memory_space<hbm>> -> memref<10000x128xf32, #tpu.memory_space<hbm>>
    tpu.enqueue_indirect_dma source(%dma_start3A_136 : memref<10000x128xf32, #tpu.memory_space<hbm>>) target(%arg17 : memref<125x128xf32, #tpu.memory_space<vmem>>) offsets(%arg11 : memref<125xi32, #tpu.memory_space<vmem>>) semaphore(%arg23 : memref<!tpu.dma_semaphore, #tpu.memory_space<semaphore_mem>>)
    %dma_wait3A_137 = arith.constant 0 : i32
    %dma_wait3A_138 = arith.constant 0 : i32
    %dma_wait3A_139 = tpu.memref_slice %arg4[%dma_wait3A_137, %dma_wait3A_138] : memref<10000x128xf32, #tpu.memory_space<hbm>> -> memref<10000x128xf32, #tpu.memory_space<hbm>>
    tpu.wait_indirect_dma semaphore(%arg22 : memref<!tpu.dma_semaphore, #tpu.memory_space<semaphore_mem>>) src(%dma_wait3A_139 : memref<10000x128xf32, #tpu.memory_space<hbm>>) dst(%arg16 : memref<125x128xf32, #tpu.memory_space<vmem>>)
    "tpu.region"() ({
      %run_scoped3A = tpu.sem_alloc : memref<!tpu.dma_semaphore, #tpu.memory_space<semaphore_mem>>
      %dma_start3A_154 = arith.constant 0 : i32
      %dma_start3A_155 = arith.constant 0 : i32
      %dma_start3A_156 = tpu.memref_slice %arg24[%dma_start3A_154, %dma_start3A_155] : memref<10000x128xf32, #tpu.memory_space<vmem_shared>> -> memref<10000x128xf32, #tpu.memory_space<vmem_shared>>
      tpu.enqueue_indirect_dma source(%arg16 : memref<125x128xf32, #tpu.memory_space<vmem>>) target(%dma_start3A_156 : memref<10000x128xf32, #tpu.memory_space<vmem_shared>>) offsets(%arg14 : memref<125xi32, #tpu.memory_space<vmem>>) semaphore(%run_scoped3A : memref<!tpu.dma_semaphore, #tpu.memory_space<semaphore_mem>>) {add = true}
      %dma_wait3A_157 = arith.constant 0 : i32
      %dma_wait3A_158 = arith.constant 0 : i32
      %dma_wait3A_159 = tpu.memref_slice %arg24[%dma_wait3A_157, %dma_wait3A_158] : memref<10000x128xf32, #tpu.memory_space<vmem_shared>> -> memref<10000x128xf32, #tpu.memory_space<vmem_shared>>
      tpu.wait_indirect_dma semaphore(%run_scoped3A : memref<!tpu.dma_semaphore, #tpu.memory_space<semaphore_mem>>) src(%arg16 : memref<125x128xf32, #tpu.memory_space<vmem>>) dst(%dma_wait3A_159 : memref<10000x128xf32, #tpu.memory_space<vmem_shared>>)
      tpu.yield
    }) : () -> ()
    %dma_wait3A_140 = arith.constant 0 : i32
    %dma_wait3A_141 = arith.constant 0 : i32
    %dma_wait3A_142 = tpu.memref_slice %arg4[%dma_wait3A_140, %dma_wait3A_141] : memref<10000x128xf32, #tpu.memory_space<hbm>> -> memref<10000x128xf32, #tpu.memory_space<hbm>>
    tpu.wait_indirect_dma semaphore(%arg23 : memref<!tpu.dma_semaphore, #tpu.memory_space<semaphore_mem>>) src(%dma_wait3A_142 : memref<10000x128xf32, #tpu.memory_space<hbm>>) dst(%arg17 : memref<125x128xf32, #tpu.memory_space<vmem>>)
    "tpu.region"() ({
      %run_scoped3A = tpu.sem_alloc : memref<!tpu.dma_semaphore, #tpu.memory_space<semaphore_mem>>
      %dma_start3A_154 = arith.constant 0 : i32
      %dma_start3A_155 = arith.constant 0 : i32
      %dma_start3A_156 = tpu.memref_slice %arg24[%dma_start3A_154, %dma_start3A_155] : memref<10000x128xf32, #tpu.memory_space<vmem_shared>> -> memref<10000x128xf32, #tpu.memory_space<vmem_shared>>
      tpu.enqueue_indirect_dma source(%arg17 : memref<125x128xf32, #tpu.memory_space<vmem>>) target(%dma_start3A_156 : memref<10000x128xf32, #tpu.memory_space<vmem_shared>>) offsets(%arg15 : memref<125xi32, #tpu.memory_space<vmem>>) semaphore(%run_scoped3A : memref<!tpu.dma_semaphore, #tpu.memory_space<semaphore_mem>>) {add = true}
      %dma_wait3A_157 = arith.constant 0 : i32
      %dma_wait3A_158 = arith.constant 0 : i32
      %dma_wait3A_159 = tpu.memref_slice %arg24[%dma_wait3A_157, %dma_wait3A_158] : memref<10000x128xf32, #tpu.memory_space<vmem_shared>> -> memref<10000x128xf32, #tpu.memory_space<vmem_shared>>
      tpu.wait_indirect_dma semaphore(%run_scoped3A : memref<!tpu.dma_semaphore, #tpu.memory_space<semaphore_mem>>) src(%arg17 : memref<125x128xf32, #tpu.memory_space<vmem>>) dst(%dma_wait3A_159 : memref<10000x128xf32, #tpu.memory_space<vmem_shared>>)
      tpu.yield
    }) : () -> ()
    %barrier3A_143 = arith.constant 0 : index
    tpu.barrier barrier_id(%barrier3A_143)
    %eq3A_144 = arith.constant 0 : i32
    %eq3A_145 = arith.cmpi eq, %arg0, %eq3A_144 : i32
    %convert_element_type3A_146 = arith.extui %eq3A_145 : i1 to i32
    %cond3A_147 = arith.constant 0 : i32
    %cond3A_148 = arith.cmpi ne, %convert_element_type3A_146, %cond3A_147 : i32
    scf.if %cond3A_148 {
      %mul3A_154 = arith.constant 624 : i32
      %mul3A_155 = arith.muli %arg1, %mul3A_154 : i32
      %multiple_of3A_156 = tpu.assume_multiple %mul3A_155, 8 : i32
      "tpu.region"() ({
        %run_scoped3A = tpu.sem_alloc : memref<!tpu.dma_semaphore, #tpu.memory_space<semaphore_mem>>
        %dma_start3A_162 = arith.constant 0 : i32
        %dma_start3A_163 = tpu.memref_slice %arg6[%multiple_of3A_156, %dma_start3A_162] : memref<10000x128xf32, #tpu.memory_space<hbm>> -> memref<624x128xf32, #tpu.memory_space<hbm>>
        %dma_start3A_164 = arith.constant 0 : i32
        %dma_start3A_165 = tpu.memref_slice %arg24[%multiple_of3A_156, %dma_start3A_164] : memref<10000x128xf32, #tpu.memory_space<vmem_shared>> -> memref<624x128xf32, #tpu.memory_space<vmem_shared>>
        tpu.enqueue_dma source(%dma_start3A_165 : memref<624x128xf32, #tpu.memory_space<vmem_shared>>) target(%dma_start3A_163 : memref<624x128xf32, #tpu.memory_space<hbm>>) target_semaphore(%run_scoped3A : memref<!tpu.dma_semaphore, #tpu.memory_space<semaphore_mem>>)
        %dma_wait3A_166 = arith.constant 0 : i32
        %dma_wait3A_167 = tpu.memref_slice %arg6[%multiple_of3A_156, %dma_wait3A_166] : memref<10000x128xf32, #tpu.memory_space<hbm>> -> memref<624x128xf32, #tpu.memory_space<hbm>>
        %dma_wait3A_168 = arith.constant 0 : i32
        %dma_wait3A_169 = tpu.memref_slice %arg24[%multiple_of3A_156, %dma_wait3A_168] : memref<10000x128xf32, #tpu.memory_space<vmem_shared>> -> memref<624x128xf32, #tpu.memory_space<vmem_shared>>
        tpu.wait_dma2 semaphore(%run_scoped3A : memref<!tpu.dma_semaphore, #tpu.memory_space<semaphore_mem>>) src(%dma_wait3A_169 : memref<624x128xf32, #tpu.memory_space<vmem_shared>>) dst(%dma_wait3A_167 : memref<624x128xf32, #tpu.memory_space<hbm>>)
        tpu.yield
      }) : () -> ()
      %eq3A_157 = arith.constant 15 : i32
      %eq3A_158 = arith.cmpi eq, %arg1, %eq3A_157 : i32
      %convert_element_type3A_159 = arith.extui %eq3A_158 : i1 to i32
      %cond3A_160 = arith.constant 0 : i32
      %cond3A_161 = arith.cmpi ne, %convert_element_type3A_159, %cond3A_160 : i32
      scf.if %cond3A_161 {
        "tpu.region"() ({
          %run_scoped3A = tpu.sem_alloc : memref<!tpu.dma_semaphore, #tpu.memory_space<semaphore_mem>>
          %dma_start3A_162 = arith.constant 9984 : i32
          %dma_start3A_163 = arith.constant 0 : i32
          %dma_start3A_164 = tpu.memref_slice %arg6[%dma_start3A_162, %dma_start3A_163] : memref<10000x128xf32, #tpu.memory_space<hbm>> -> memref<16x128xf32, #tpu.memory_space<hbm>>
          %dma_start3A_165 = arith.constant 9984 : i32
          %dma_start3A_166 = arith.constant 0 : i32
          %dma_start3A_167 = tpu.memref_slice %arg24[%dma_start3A_165, %dma_start3A_166] : memref<10000x128xf32, #tpu.memory_space<vmem_shared>> -> memref<16x128xf32, #tpu.memory_space<vmem_shared>>
          tpu.enqueue_dma source(%dma_start3A_167 : memref<16x128xf32, #tpu.memory_space<vmem_shared>>) target(%dma_start3A_164 : memref<16x128xf32, #tpu.memory_space<hbm>>) target_semaphore(%run_scoped3A : memref<!tpu.dma_semaphore, #tpu.memory_space<semaphore_mem>>)
          %dma_wait3A_168 = arith.constant 9984 : i32
          %dma_wait3A_169 = arith.constant 0 : i32
          %dma_wait3A_170 = tpu.memref_slice %arg6[%dma_wait3A_168, %dma_wait3A_169] : memref<10000x128xf32, #tpu.memory_space<hbm>> -> memref<16x128xf32, #tpu.memory_space<hbm>>
          %dma_wait3A_171 = arith.constant 9984 : i32
          %dma_wait3A_172 = arith.constant 0 : i32
          %dma_wait3A_173 = tpu.memref_slice %arg24[%dma_wait3A_171, %dma_wait3A_172] : memref<10000x128xf32, #tpu.memory_space<vmem_shared>> -> memref<16x128xf32, #tpu.memory_space<vmem_shared>>
          tpu.wait_dma2 semaphore(%run_scoped3A : memref<!tpu.dma_semaphore, #tpu.memory_space<semaphore_mem>>) src(%dma_wait3A_173 : memref<16x128xf32, #tpu.memory_space<vmem_shared>>) dst(%dma_wait3A_170 : memref<16x128xf32, #tpu.memory_space<hbm>>)
          tpu.yield
        }) : () -> ()
      } else {
      }
    } else {
    }
    %eq3A_149 = arith.constant 1 : i32
    %eq3A_150 = arith.cmpi eq, %arg0, %eq3A_149 : i32
    %convert_element_type3A_151 = arith.extui %eq3A_150 : i1 to i32
    %cond3A_152 = arith.constant 0 : i32
    %cond3A_153 = arith.cmpi ne, %convert_element_type3A_151, %cond3A_152 : i32
    scf.if %cond3A_153 {
      %mul3A_154 = arith.constant 624 : i32
      %mul3A_155 = arith.muli %arg1, %mul3A_154 : i32
      %multiple_of3A_156 = tpu.assume_multiple %mul3A_155, 8 : i32
      "tpu.region"() ({
        %run_scoped3A = tpu.sem_alloc : memref<!tpu.dma_semaphore, #tpu.memory_space<semaphore_mem>>
        %dma_start3A_162 = arith.constant 0 : i32
        %dma_start3A_163 = tpu.memref_slice %arg7[%multiple_of3A_156, %dma_start3A_162] : memref<10000x128xf32, #tpu.memory_space<hbm>> -> memref<624x128xf32, #tpu.memory_space<hbm>>
        %dma_start3A_164 = arith.constant 0 : i32
        %dma_start3A_165 = tpu.memref_slice %arg24[%multiple_of3A_156, %dma_start3A_164] : memref<10000x128xf32, #tpu.memory_space<vmem_shared>> -> memref<624x128xf32, #tpu.memory_space<vmem_shared>>
        tpu.enqueue_dma source(%dma_start3A_165 : memref<624x128xf32, #tpu.memory_space<vmem_shared>>) target(%dma_start3A_163 : memref<624x128xf32, #tpu.memory_space<hbm>>) target_semaphore(%run_scoped3A : memref<!tpu.dma_semaphore, #tpu.memory_space<semaphore_mem>>)
        %dma_wait3A_166 = arith.constant 0 : i32
        %dma_wait3A_167 = tpu.memref_slice %arg7[%multiple_of3A_156, %dma_wait3A_166] : memref<10000x128xf32, #tpu.memory_space<hbm>> -> memref<624x128xf32, #tpu.memory_space<hbm>>
        %dma_wait3A_168 = arith.constant 0 : i32
        %dma_wait3A_169 = tpu.memref_slice %arg24[%multiple_of3A_156, %dma_wait3A_168] : memref<10000x128xf32, #tpu.memory_space<vmem_shared>> -> memref<624x128xf32, #tpu.memory_space<vmem_shared>>
        tpu.wait_dma2 semaphore(%run_scoped3A : memref<!tpu.dma_semaphore, #tpu.memory_space<semaphore_mem>>) src(%dma_wait3A_169 : memref<624x128xf32, #tpu.memory_space<vmem_shared>>) dst(%dma_wait3A_167 : memref<624x128xf32, #tpu.memory_space<hbm>>)
        tpu.yield
      }) : () -> ()
      %eq3A_157 = arith.constant 15 : i32
      %eq3A_158 = arith.cmpi eq, %arg1, %eq3A_157 : i32
      %convert_element_type3A_159 = arith.extui %eq3A_158 : i1 to i32
      %cond3A_160 = arith.constant 0 : i32
      %cond3A_161 = arith.cmpi ne, %convert_element_type3A_159, %cond3A_160 : i32
      scf.if %cond3A_161 {
        "tpu.region"() ({
          %run_scoped3A = tpu.sem_alloc : memref<!tpu.dma_semaphore, #tpu.memory_space<semaphore_mem>>
          %dma_start3A_162 = arith.constant 9984 : i32
          %dma_start3A_163 = arith.constant 0 : i32
          %dma_start3A_164 = tpu.memref_slice %arg7[%dma_start3A_162, %dma_start3A_163] : memref<10000x128xf32, #tpu.memory_space<hbm>> -> memref<16x128xf32, #tpu.memory_space<hbm>>
          %dma_start3A_165 = arith.constant 9984 : i32
          %dma_start3A_166 = arith.constant 0 : i32
          %dma_start3A_167 = tpu.memref_slice %arg24[%dma_start3A_165, %dma_start3A_166] : memref<10000x128xf32, #tpu.memory_space<vmem_shared>> -> memref<16x128xf32, #tpu.memory_space<vmem_shared>>
          tpu.enqueue_dma source(%dma_start3A_167 : memref<16x128xf32, #tpu.memory_space<vmem_shared>>) target(%dma_start3A_164 : memref<16x128xf32, #tpu.memory_space<hbm>>) target_semaphore(%run_scoped3A : memref<!tpu.dma_semaphore, #tpu.memory_space<semaphore_mem>>)
          %dma_wait3A_168 = arith.constant 9984 : i32
          %dma_wait3A_169 = arith.constant 0 : i32
          %dma_wait3A_170 = tpu.memref_slice %arg7[%dma_wait3A_168, %dma_wait3A_169] : memref<10000x128xf32, #tpu.memory_space<hbm>> -> memref<16x128xf32, #tpu.memory_space<hbm>>
          %dma_wait3A_171 = arith.constant 9984 : i32
          %dma_wait3A_172 = arith.constant 0 : i32
          %dma_wait3A_173 = tpu.memref_slice %arg24[%dma_wait3A_171, %dma_wait3A_172] : memref<10000x128xf32, #tpu.memory_space<vmem_shared>> -> memref<16x128xf32, #tpu.memory_space<vmem_shared>>
          tpu.wait_dma2 semaphore(%run_scoped3A : memref<!tpu.dma_semaphore, #tpu.memory_space<semaphore_mem>>) src(%dma_wait3A_173 : memref<16x128xf32, #tpu.memory_space<vmem_shared>>) dst(%dma_wait3A_170 : memref<16x128xf32, #tpu.memory_space<hbm>>)
          tpu.yield
        }) : () -> ()
      } else {
      }
    } else {
    }
    return
  }
}

#map = affine_map<(d0, d1) -> (0, 0, 0)>
#map1 = affine_map<(d0, d1) -> (0, 0)>
module attributes {stable_mosaic.version = 14 : i64} {
  func.func @_agg2_body(%arg0: i32, %arg1: i32, %arg2: memref<32x80x125xi32, #tpu.memory_space<hbm>>, %arg3: memref<32x80x125xi32, #tpu.memory_space<hbm>>, %arg4: memref<10000x128xf32, #tpu.memory_space<hbm>>, %arg5: memref<10000x128xf32, #tpu.memory_space<hbm>>, %arg6: memref<10000x128xf32, #tpu.memory_space<hbm>>, %arg7: memref<10000x128xf32, #tpu.memory_space<hbm>>, %arg8: memref<125xi32, #tpu.memory_space<vmem>>, %arg9: memref<125xi32, #tpu.memory_space<vmem>>, %arg10: memref<125xi32, #tpu.memory_space<vmem>>, %arg11: memref<125xi32, #tpu.memory_space<vmem>>, %arg12: memref<125xi32, #tpu.memory_space<vmem>>, %arg13: memref<125xi32, #tpu.memory_space<vmem>>, %arg14: memref<125xi32, #tpu.memory_space<vmem>>, %arg15: memref<125xi32, #tpu.memory_space<vmem>>, %arg16: memref<125x128xf32, #tpu.memory_space<vmem>>, %arg17: memref<125x128xf32, #tpu.memory_space<vmem>>, %arg18: memref<!tpu.dma_semaphore, #tpu.memory_space<semaphore_mem>>, %arg19: memref<!tpu.dma_semaphore, #tpu.memory_space<semaphore_mem>>, %arg20: memref<!tpu.dma_semaphore, #tpu.memory_space<semaphore_mem>>, %arg21: memref<!tpu.dma_semaphore, #tpu.memory_space<semaphore_mem>>, %arg22: memref<!tpu.dma_semaphore, #tpu.memory_space<semaphore_mem>>, %arg23: memref<!tpu.dma_semaphore, #tpu.memory_space<semaphore_mem>>, %arg24: memref<10000x128xf32, #tpu.memory_space<vmem_shared>>) attributes {dimension_semantics = [#tpu.dimension_semantics<core_parallel>, #tpu.dimension_semantics<subcore_parallel>], iteration_bounds = array<i64: 2, 16>, scalar_prefetch = 0 : i64, scratch_operands = 17 : i64, tpu.core_type = #tpu.core_type<sc_vector_subcore>, window_params = [{transform_indices = #map}, {transform_indices = #map}, {transform_indices = #map1}, {transform_indices = #map1}, {transform_indices = #map1}, {transform_indices = #map1}]} {
    %mul3A = arith.constant 16 : i32
    %mul3A_0 = arith.muli %arg0, %mul3A : i32
    %add3A = arith.addi %mul3A_0, %arg1 : i32
    %mul3A_1 = arith.constant 624 : i32
    %mul3A_2 = arith.muli %arg1, %mul3A_1 : i32
    %multiple_of3A = tpu.assume_multiple %mul3A_2, 8 : i32
    "tpu.region"() ({
      %run_scoped3A = tpu.sem_alloc : memref<!tpu.dma_semaphore, #tpu.memory_space<semaphore_mem>>
      %dma_start3A_154 = arith.constant 0 : i32
      %dma_start3A_155 = tpu.memref_slice %arg24[%multiple_of3A, %dma_start3A_154] : memref<10000x128xf32, #tpu.memory_space<vmem_shared>> -> memref<624x128xf32, #tpu.memory_space<vmem_shared>>
      %dma_start3A_156 = arith.constant 0 : i32
      %dma_start3A_157 = tpu.memref_slice %arg5[%multiple_of3A, %dma_start3A_156] : memref<10000x128xf32, #tpu.memory_space<hbm>> -> memref<624x128xf32, #tpu.memory_space<hbm>>
      tpu.enqueue_dma source(%dma_start3A_157 : memref<624x128xf32, #tpu.memory_space<hbm>>) target(%dma_start3A_155 : memref<624x128xf32, #tpu.memory_space<vmem_shared>>) target_semaphore(%run_scoped3A : memref<!tpu.dma_semaphore, #tpu.memory_space<semaphore_mem>>)
      %dma_wait3A_158 = arith.constant 0 : i32
      %dma_wait3A_159 = tpu.memref_slice %arg24[%multiple_of3A, %dma_wait3A_158] : memref<10000x128xf32, #tpu.memory_space<vmem_shared>> -> memref<624x128xf32, #tpu.memory_space<vmem_shared>>
      %dma_wait3A_160 = arith.constant 0 : i32
      %dma_wait3A_161 = tpu.memref_slice %arg5[%multiple_of3A, %dma_wait3A_160] : memref<10000x128xf32, #tpu.memory_space<hbm>> -> memref<624x128xf32, #tpu.memory_space<hbm>>
      tpu.wait_dma2 semaphore(%run_scoped3A : memref<!tpu.dma_semaphore, #tpu.memory_space<semaphore_mem>>) src(%dma_wait3A_161 : memref<624x128xf32, #tpu.memory_space<hbm>>) dst(%dma_wait3A_159 : memref<624x128xf32, #tpu.memory_space<vmem_shared>>)
      tpu.yield
    }) : () -> ()
    %eq3A = arith.constant 15 : i32
    %eq3A_3 = arith.cmpi eq, %arg1, %eq3A : i32
    %convert_element_type3A = arith.extui %eq3A_3 : i1 to i32
    %cond3A = arith.constant 0 : i32
    %cond3A_4 = arith.cmpi ne, %convert_element_type3A, %cond3A : i32
    scf.if %cond3A_4 {
      "tpu.region"() ({
        %run_scoped3A = tpu.sem_alloc : memref<!tpu.dma_semaphore, #tpu.memory_space<semaphore_mem>>
        %dma_start3A_154 = arith.constant 9984 : i32
        %dma_start3A_155 = arith.constant 0 : i32
        %dma_start3A_156 = tpu.memref_slice %arg24[%dma_start3A_154, %dma_start3A_155] : memref<10000x128xf32, #tpu.memory_space<vmem_shared>> -> memref<16x128xf32, #tpu.memory_space<vmem_shared>>
        %dma_start3A_157 = arith.constant 9984 : i32
        %dma_start3A_158 = arith.constant 0 : i32
        %dma_start3A_159 = tpu.memref_slice %arg5[%dma_start3A_157, %dma_start3A_158] : memref<10000x128xf32, #tpu.memory_space<hbm>> -> memref<16x128xf32, #tpu.memory_space<hbm>>
        tpu.enqueue_dma source(%dma_start3A_159 : memref<16x128xf32, #tpu.memory_space<hbm>>) target(%dma_start3A_156 : memref<16x128xf32, #tpu.memory_space<vmem_shared>>) target_semaphore(%run_scoped3A : memref<!tpu.dma_semaphore, #tpu.memory_space<semaphore_mem>>)
        %dma_wait3A_160 = arith.constant 9984 : i32
        %dma_wait3A_161 = arith.constant 0 : i32
        %dma_wait3A_162 = tpu.memref_slice %arg24[%dma_wait3A_160, %dma_wait3A_161] : memref<10000x128xf32, #tpu.memory_space<vmem_shared>> -> memref<16x128xf32, #tpu.memory_space<vmem_shared>>
        %dma_wait3A_163 = arith.constant 9984 : i32
        %dma_wait3A_164 = arith.constant 0 : i32
        %dma_wait3A_165 = tpu.memref_slice %arg5[%dma_wait3A_163, %dma_wait3A_164] : memref<10000x128xf32, #tpu.memory_space<hbm>> -> memref<16x128xf32, #tpu.memory_space<hbm>>
        tpu.wait_dma2 semaphore(%run_scoped3A : memref<!tpu.dma_semaphore, #tpu.memory_space<semaphore_mem>>) src(%dma_wait3A_165 : memref<16x128xf32, #tpu.memory_space<hbm>>) dst(%dma_wait3A_162 : memref<16x128xf32, #tpu.memory_space<vmem_shared>>)
        tpu.yield
      }) : () -> ()
    } else {
    }
    %barrier3A = arith.constant 0 : index
    tpu.barrier barrier_id(%barrier3A)
    %dma_start3A = arith.constant 0 : i32
    %dma_start3A_5 = arith.constant 0 : i32
    %dma_start3A_6 = tpu.memref_slice %arg2[%add3A, %dma_start3A, %dma_start3A_5] : memref<32x80x125xi32, #tpu.memory_space<hbm>> -> memref<1x1x125xi32, #tpu.memory_space<hbm>>
    %dma_start3A_7 = tpu.memref_squeeze %dma_start3A_6 : memref<1x1x125xi32, #tpu.memory_space<hbm>> -> memref<125xi32, #tpu.memory_space<hbm>>
    %dma_start3A_8 = arith.constant 0 : i32
    %dma_start3A_9 = tpu.memref_slice %arg2[%add3A, %dma_start3A, %dma_start3A_8] : memref<32x80x125xi32, #tpu.memory_space<hbm>> -> memref<1x1x125xi32, #tpu.memory_space<hbm>>
    %dma_start3A_10 = tpu.memref_squeeze %dma_start3A_9 : memref<1x1x125xi32, #tpu.memory_space<hbm>> -> memref<125xi32, #tpu.memory_space<hbm>>
    tpu.enqueue_dma source(%dma_start3A_10 : memref<125xi32, #tpu.memory_space<hbm>>) target(%arg8 : memref<125xi32, #tpu.memory_space<vmem>>) target_semaphore(%arg18 : memref<!tpu.dma_semaphore, #tpu.memory_space<semaphore_mem>>)
    %dma_start3A_11 = arith.constant 0 : i32
    %dma_start3A_12 = arith.constant 0 : i32
    %dma_start3A_13 = tpu.memref_slice %arg3[%add3A, %dma_start3A_11, %dma_start3A_12] : memref<32x80x125xi32, #tpu.memory_space<hbm>> -> memref<1x1x125xi32, #tpu.memory_space<hbm>>
    %dma_start3A_14 = tpu.memref_squeeze %dma_start3A_13 : memref<1x1x125xi32, #tpu.memory_space<hbm>> -> memref<125xi32, #tpu.memory_space<hbm>>
    %dma_start3A_15 = arith.constant 0 : i32
    %dma_start3A_16 = tpu.memref_slice %arg3[%add3A, %dma_start3A_11, %dma_start3A_15] : memref<32x80x125xi32, #tpu.memory_space<hbm>> -> memref<1x1x125xi32, #tpu.memory_space<hbm>>
    %dma_start3A_17 = tpu.memref_squeeze %dma_start3A_16 : memref<1x1x125xi32, #tpu.memory_space<hbm>> -> memref<125xi32, #tpu.memory_space<hbm>>
    tpu.enqueue_dma source(%dma_start3A_17 : memref<125xi32, #tpu.memory_space<hbm>>) target(%arg12 : memref<125xi32, #tpu.memory_space<vmem>>) target_semaphore(%arg18 : memref<!tpu.dma_semaphore, #tpu.memory_space<semaphore_mem>>)
    %dma_start3A_18 = arith.constant 1 : i32
    %dma_start3A_19 = arith.constant 0 : i32
    %dma_start3A_20 = tpu.memref_slice %arg2[%add3A, %dma_start3A_18, %dma_start3A_19] : memref<32x80x125xi32, #tpu.memory_space<hbm>> -> memref<1x1x125xi32, #tpu.memory_space<hbm>>
    %dma_start3A_21 = tpu.memref_squeeze %dma_start3A_20 : memref<1x1x125xi32, #tpu.memory_space<hbm>> -> memref<125xi32, #tpu.memory_space<hbm>>
    %dma_start3A_22 = arith.constant 0 : i32
    %dma_start3A_23 = tpu.memref_slice %arg2[%add3A, %dma_start3A_18, %dma_start3A_22] : memref<32x80x125xi32, #tpu.memory_space<hbm>> -> memref<1x1x125xi32, #tpu.memory_space<hbm>>
    %dma_start3A_24 = tpu.memref_squeeze %dma_start3A_23 : memref<1x1x125xi32, #tpu.memory_space<hbm>> -> memref<125xi32, #tpu.memory_space<hbm>>
    tpu.enqueue_dma source(%dma_start3A_24 : memref<125xi32, #tpu.memory_space<hbm>>) target(%arg9 : memref<125xi32, #tpu.memory_space<vmem>>) target_semaphore(%arg19 : memref<!tpu.dma_semaphore, #tpu.memory_space<semaphore_mem>>)
    %dma_start3A_25 = arith.constant 1 : i32
    %dma_start3A_26 = arith.constant 0 : i32
    %dma_start3A_27 = tpu.memref_slice %arg3[%add3A, %dma_start3A_25, %dma_start3A_26] : memref<32x80x125xi32, #tpu.memory_space<hbm>> -> memref<1x1x125xi32, #tpu.memory_space<hbm>>
    %dma_start3A_28 = tpu.memref_squeeze %dma_start3A_27 : memref<1x1x125xi32, #tpu.memory_space<hbm>> -> memref<125xi32, #tpu.memory_space<hbm>>
    %dma_start3A_29 = arith.constant 0 : i32
    %dma_start3A_30 = tpu.memref_slice %arg3[%add3A, %dma_start3A_25, %dma_start3A_29] : memref<32x80x125xi32, #tpu.memory_space<hbm>> -> memref<1x1x125xi32, #tpu.memory_space<hbm>>
    %dma_start3A_31 = tpu.memref_squeeze %dma_start3A_30 : memref<1x1x125xi32, #tpu.memory_space<hbm>> -> memref<125xi32, #tpu.memory_space<hbm>>
    tpu.enqueue_dma source(%dma_start3A_31 : memref<125xi32, #tpu.memory_space<hbm>>) target(%arg13 : memref<125xi32, #tpu.memory_space<vmem>>) target_semaphore(%arg19 : memref<!tpu.dma_semaphore, #tpu.memory_space<semaphore_mem>>)
    %dma_start3A_32 = arith.constant 2 : i32
    %dma_start3A_33 = arith.constant 0 : i32
    %dma_start3A_34 = tpu.memref_slice %arg2[%add3A, %dma_start3A_32, %dma_start3A_33] : memref<32x80x125xi32, #tpu.memory_space<hbm>> -> memref<1x1x125xi32, #tpu.memory_space<hbm>>
    %dma_start3A_35 = tpu.memref_squeeze %dma_start3A_34 : memref<1x1x125xi32, #tpu.memory_space<hbm>> -> memref<125xi32, #tpu.memory_space<hbm>>
    %dma_start3A_36 = arith.constant 0 : i32
    %dma_start3A_37 = tpu.memref_slice %arg2[%add3A, %dma_start3A_32, %dma_start3A_36] : memref<32x80x125xi32, #tpu.memory_space<hbm>> -> memref<1x1x125xi32, #tpu.memory_space<hbm>>
    %dma_start3A_38 = tpu.memref_squeeze %dma_start3A_37 : memref<1x1x125xi32, #tpu.memory_space<hbm>> -> memref<125xi32, #tpu.memory_space<hbm>>
    tpu.enqueue_dma source(%dma_start3A_38 : memref<125xi32, #tpu.memory_space<hbm>>) target(%arg10 : memref<125xi32, #tpu.memory_space<vmem>>) target_semaphore(%arg20 : memref<!tpu.dma_semaphore, #tpu.memory_space<semaphore_mem>>)
    %dma_start3A_39 = arith.constant 2 : i32
    %dma_start3A_40 = arith.constant 0 : i32
    %dma_start3A_41 = tpu.memref_slice %arg3[%add3A, %dma_start3A_39, %dma_start3A_40] : memref<32x80x125xi32, #tpu.memory_space<hbm>> -> memref<1x1x125xi32, #tpu.memory_space<hbm>>
    %dma_start3A_42 = tpu.memref_squeeze %dma_start3A_41 : memref<1x1x125xi32, #tpu.memory_space<hbm>> -> memref<125xi32, #tpu.memory_space<hbm>>
    %dma_start3A_43 = arith.constant 0 : i32
    %dma_start3A_44 = tpu.memref_slice %arg3[%add3A, %dma_start3A_39, %dma_start3A_43] : memref<32x80x125xi32, #tpu.memory_space<hbm>> -> memref<1x1x125xi32, #tpu.memory_space<hbm>>
    %dma_start3A_45 = tpu.memref_squeeze %dma_start3A_44 : memref<1x1x125xi32, #tpu.memory_space<hbm>> -> memref<125xi32, #tpu.memory_space<hbm>>
    tpu.enqueue_dma source(%dma_start3A_45 : memref<125xi32, #tpu.memory_space<hbm>>) target(%arg14 : memref<125xi32, #tpu.memory_space<vmem>>) target_semaphore(%arg20 : memref<!tpu.dma_semaphore, #tpu.memory_space<semaphore_mem>>)
    %dma_start3A_46 = arith.constant 3 : i32
    %dma_start3A_47 = arith.constant 0 : i32
    %dma_start3A_48 = tpu.memref_slice %arg2[%add3A, %dma_start3A_46, %dma_start3A_47] : memref<32x80x125xi32, #tpu.memory_space<hbm>> -> memref<1x1x125xi32, #tpu.memory_space<hbm>>
    %dma_start3A_49 = tpu.memref_squeeze %dma_start3A_48 : memref<1x1x125xi32, #tpu.memory_space<hbm>> -> memref<125xi32, #tpu.memory_space<hbm>>
    %dma_start3A_50 = arith.constant 0 : i32
    %dma_start3A_51 = tpu.memref_slice %arg2[%add3A, %dma_start3A_46, %dma_start3A_50] : memref<32x80x125xi32, #tpu.memory_space<hbm>> -> memref<1x1x125xi32, #tpu.memory_space<hbm>>
    %dma_start3A_52 = tpu.memref_squeeze %dma_start3A_51 : memref<1x1x125xi32, #tpu.memory_space<hbm>> -> memref<125xi32, #tpu.memory_space<hbm>>
    tpu.enqueue_dma source(%dma_start3A_52 : memref<125xi32, #tpu.memory_space<hbm>>) target(%arg11 : memref<125xi32, #tpu.memory_space<vmem>>) target_semaphore(%arg21 : memref<!tpu.dma_semaphore, #tpu.memory_space<semaphore_mem>>)
    %dma_start3A_53 = arith.constant 3 : i32
    %dma_start3A_54 = arith.constant 0 : i32
    %dma_start3A_55 = tpu.memref_slice %arg3[%add3A, %dma_start3A_53, %dma_start3A_54] : memref<32x80x125xi32, #tpu.memory_space<hbm>> -> memref<1x1x125xi32, #tpu.memory_space<hbm>>
    %dma_start3A_56 = tpu.memref_squeeze %dma_start3A_55 : memref<1x1x125xi32, #tpu.memory_space<hbm>> -> memref<125xi32, #tpu.memory_space<hbm>>
    %dma_start3A_57 = arith.constant 0 : i32
    %dma_start3A_58 = tpu.memref_slice %arg3[%add3A, %dma_start3A_53, %dma_start3A_57] : memref<32x80x125xi32, #tpu.memory_space<hbm>> -> memref<1x1x125xi32, #tpu.memory_space<hbm>>
    %dma_start3A_59 = tpu.memref_squeeze %dma_start3A_58 : memref<1x1x125xi32, #tpu.memory_space<hbm>> -> memref<125xi32, #tpu.memory_space<hbm>>
    tpu.enqueue_dma source(%dma_start3A_59 : memref<125xi32, #tpu.memory_space<hbm>>) target(%arg15 : memref<125xi32, #tpu.memory_space<vmem>>) target_semaphore(%arg21 : memref<!tpu.dma_semaphore, #tpu.memory_space<semaphore_mem>>)
    %dma_wait3A = arith.constant 0 : i32
    %dma_wait3A_60 = arith.constant 0 : i32
    %dma_wait3A_61 = tpu.memref_slice %arg2[%add3A, %dma_wait3A, %dma_wait3A_60] : memref<32x80x125xi32, #tpu.memory_space<hbm>> -> memref<1x1x125xi32, #tpu.memory_space<hbm>>
    %dma_wait3A_62 = tpu.memref_squeeze %dma_wait3A_61 : memref<1x1x125xi32, #tpu.memory_space<hbm>> -> memref<125xi32, #tpu.memory_space<hbm>>
    %dma_wait3A_63 = arith.constant 0 : i32
    %dma_wait3A_64 = tpu.memref_slice %arg2[%add3A, %dma_wait3A, %dma_wait3A_63] : memref<32x80x125xi32, #tpu.memory_space<hbm>> -> memref<1x1x125xi32, #tpu.memory_space<hbm>>
    %dma_wait3A_65 = tpu.memref_squeeze %dma_wait3A_64 : memref<1x1x125xi32, #tpu.memory_space<hbm>> -> memref<125xi32, #tpu.memory_space<hbm>>
    tpu.wait_dma2 semaphore(%arg18 : memref<!tpu.dma_semaphore, #tpu.memory_space<semaphore_mem>>) src(%dma_wait3A_65 : memref<125xi32, #tpu.memory_space<hbm>>) dst(%arg8 : memref<125xi32, #tpu.memory_space<vmem>>)
    %dma_wait3A_66 = arith.constant 0 : i32
    %dma_wait3A_67 = arith.constant 0 : i32
    %dma_wait3A_68 = tpu.memref_slice %arg2[%add3A, %dma_wait3A_66, %dma_wait3A_67] : memref<32x80x125xi32, #tpu.memory_space<hbm>> -> memref<1x1x125xi32, #tpu.memory_space<hbm>>
    %dma_wait3A_69 = tpu.memref_squeeze %dma_wait3A_68 : memref<1x1x125xi32, #tpu.memory_space<hbm>> -> memref<125xi32, #tpu.memory_space<hbm>>
    %dma_wait3A_70 = arith.constant 0 : i32
    %dma_wait3A_71 = tpu.memref_slice %arg2[%add3A, %dma_wait3A_66, %dma_wait3A_70] : memref<32x80x125xi32, #tpu.memory_space<hbm>> -> memref<1x1x125xi32, #tpu.memory_space<hbm>>
    %dma_wait3A_72 = tpu.memref_squeeze %dma_wait3A_71 : memref<1x1x125xi32, #tpu.memory_space<hbm>> -> memref<125xi32, #tpu.memory_space<hbm>>
    tpu.wait_dma2 semaphore(%arg18 : memref<!tpu.dma_semaphore, #tpu.memory_space<semaphore_mem>>) src(%dma_wait3A_72 : memref<125xi32, #tpu.memory_space<hbm>>) dst(%arg12 : memref<125xi32, #tpu.memory_space<vmem>>)
    %dma_start3A_73 = arith.constant 0 : i32
    %dma_start3A_74 = arith.constant 0 : i32
    %dma_start3A_75 = tpu.memref_slice %arg4[%dma_start3A_73, %dma_start3A_74] : memref<10000x128xf32, #tpu.memory_space<hbm>> -> memref<10000x128xf32, #tpu.memory_space<hbm>>
    tpu.enqueue_indirect_dma source(%dma_start3A_75 : memref<10000x128xf32, #tpu.memory_space<hbm>>) target(%arg16 : memref<125x128xf32, #tpu.memory_space<vmem>>) offsets(%arg8 : memref<125xi32, #tpu.memory_space<vmem>>) semaphore(%arg22 : memref<!tpu.dma_semaphore, #tpu.memory_space<semaphore_mem>>)
    %dma_wait3A_76 = arith.constant 0 : i32
    %dma_wait3A_77 = arith.constant 0 : i32
    %dma_wait3A_78 = tpu.memref_slice %arg2[%add3A, %dma_wait3A_76, %dma_wait3A_77] : memref<32x80x125xi32, #tpu.memory_space<hbm>> -> memref<1x1x125xi32, #tpu.memory_space<hbm>>
    %dma_wait3A_79 = tpu.memref_squeeze %dma_wait3A_78 : memref<1x1x125xi32, #tpu.memory_space<hbm>> -> memref<125xi32, #tpu.memory_space<hbm>>
    %dma_wait3A_80 = arith.constant 0 : i32
    %dma_wait3A_81 = tpu.memref_slice %arg2[%add3A, %dma_wait3A_76, %dma_wait3A_80] : memref<32x80x125xi32, #tpu.memory_space<hbm>> -> memref<1x1x125xi32, #tpu.memory_space<hbm>>
    %dma_wait3A_82 = tpu.memref_squeeze %dma_wait3A_81 : memref<1x1x125xi32, #tpu.memory_space<hbm>> -> memref<125xi32, #tpu.memory_space<hbm>>
    tpu.wait_dma2 semaphore(%arg19 : memref<!tpu.dma_semaphore, #tpu.memory_space<semaphore_mem>>) src(%dma_wait3A_82 : memref<125xi32, #tpu.memory_space<hbm>>) dst(%arg9 : memref<125xi32, #tpu.memory_space<vmem>>)
    %dma_wait3A_83 = arith.constant 0 : i32
    %dma_wait3A_84 = arith.constant 0 : i32
    %dma_wait3A_85 = tpu.memref_slice %arg2[%add3A, %dma_wait3A_83, %dma_wait3A_84] : memref<32x80x125xi32, #tpu.memory_space<hbm>> -> memref<1x1x125xi32, #tpu.memory_space<hbm>>
    %dma_wait3A_86 = tpu.memref_squeeze %dma_wait3A_85 : memref<1x1x125xi32, #tpu.memory_space<hbm>> -> memref<125xi32, #tpu.memory_space<hbm>>
    %dma_wait3A_87 = arith.constant 0 : i32
    %dma_wait3A_88 = tpu.memref_slice %arg2[%add3A, %dma_wait3A_83, %dma_wait3A_87] : memref<32x80x125xi32, #tpu.memory_space<hbm>> -> memref<1x1x125xi32, #tpu.memory_space<hbm>>
    %dma_wait3A_89 = tpu.memref_squeeze %dma_wait3A_88 : memref<1x1x125xi32, #tpu.memory_space<hbm>> -> memref<125xi32, #tpu.memory_space<hbm>>
    tpu.wait_dma2 semaphore(%arg19 : memref<!tpu.dma_semaphore, #tpu.memory_space<semaphore_mem>>) src(%dma_wait3A_89 : memref<125xi32, #tpu.memory_space<hbm>>) dst(%arg13 : memref<125xi32, #tpu.memory_space<vmem>>)
    %dma_start3A_90 = arith.constant 0 : i32
    %dma_start3A_91 = arith.constant 0 : i32
    %dma_start3A_92 = tpu.memref_slice %arg4[%dma_start3A_90, %dma_start3A_91] : memref<10000x128xf32, #tpu.memory_space<hbm>> -> memref<10000x128xf32, #tpu.memory_space<hbm>>
    tpu.enqueue_indirect_dma source(%dma_start3A_92 : memref<10000x128xf32, #tpu.memory_space<hbm>>) target(%arg17 : memref<125x128xf32, #tpu.memory_space<vmem>>) offsets(%arg9 : memref<125xi32, #tpu.memory_space<vmem>>) semaphore(%arg23 : memref<!tpu.dma_semaphore, #tpu.memory_space<semaphore_mem>>)
    %scan3A = arith.constant 0 : i32
    %scan3A_93 = arith.constant 19 : i32
    %scan3A_94 = arith.addi %scan3A, %scan3A_93 : i32
    %scan3A_95 = arith.constant 1 : i32
    scf.for %scan3A_154 = %scan3A to %scan3A_94 step %scan3A_95  : i32 {
      %mul3A_155 = arith.constant 4 : i32
      %mul3A_156 = arith.muli %scan3A_154, %mul3A_155 : i32
      %add3A_157 = arith.constant 0 : i32
      %add3A_158 = arith.addi %add3A_157, %mul3A_156 : i32
      %dma_wait3A_159 = arith.constant 0 : i32
      %dma_wait3A_160 = arith.constant 0 : i32
      %dma_wait3A_161 = tpu.memref_slice %arg4[%dma_wait3A_159, %dma_wait3A_160] : memref<10000x128xf32, #tpu.memory_space<hbm>> -> memref<10000x128xf32, #tpu.memory_space<hbm>>
      tpu.wait_indirect_dma semaphore(%arg22 : memref<!tpu.dma_semaphore, #tpu.memory_space<semaphore_mem>>) src(%dma_wait3A_161 : memref<10000x128xf32, #tpu.memory_space<hbm>>) dst(%arg16 : memref<125x128xf32, #tpu.memory_space<vmem>>)
      "tpu.region"() ({
        %run_scoped3A = tpu.sem_alloc : memref<!tpu.dma_semaphore, #tpu.memory_space<semaphore_mem>>
        %dma_start3A_319 = arith.constant 0 : i32
        %dma_start3A_320 = arith.constant 0 : i32
        %dma_start3A_321 = tpu.memref_slice %arg24[%dma_start3A_319, %dma_start3A_320] : memref<10000x128xf32, #tpu.memory_space<vmem_shared>> -> memref<10000x128xf32, #tpu.memory_space<vmem_shared>>
        tpu.enqueue_indirect_dma source(%arg16 : memref<125x128xf32, #tpu.memory_space<vmem>>) target(%dma_start3A_321 : memref<10000x128xf32, #tpu.memory_space<vmem_shared>>) offsets(%arg12 : memref<125xi32, #tpu.memory_space<vmem>>) semaphore(%run_scoped3A : memref<!tpu.dma_semaphore, #tpu.memory_space<semaphore_mem>>) {add = true}
        %dma_wait3A_322 = arith.constant 0 : i32
        %dma_wait3A_323 = arith.constant 0 : i32
        %dma_wait3A_324 = tpu.memref_slice %arg24[%dma_wait3A_322, %dma_wait3A_323] : memref<10000x128xf32, #tpu.memory_space<vmem_shared>> -> memref<10000x128xf32, #tpu.memory_space<vmem_shared>>
        tpu.wait_indirect_dma semaphore(%run_scoped3A : memref<!tpu.dma_semaphore, #tpu.memory_space<semaphore_mem>>) src(%arg16 : memref<125x128xf32, #tpu.memory_space<vmem>>) dst(%dma_wait3A_324 : memref<10000x128xf32, #tpu.memory_space<vmem_shared>>)
        tpu.yield
      }) : () -> ()
      %add3A_162 = arith.constant 0 : i32
      %add3A_163 = arith.addi %add3A_158, %add3A_162 : i32
      %add3A_164 = arith.constant 4 : i32
      %add3A_165 = arith.addi %add3A_163, %add3A_164 : i32
      %dma_start3A_166 = arith.constant 0 : i32
      %dma_start3A_167 = tpu.memref_slice %arg2[%add3A, %add3A_165, %dma_start3A_166] : memref<32x80x125xi32, #tpu.memory_space<hbm>> -> memref<1x1x125xi32, #tpu.memory_space<hbm>>
      %dma_start3A_168 = tpu.memref_squeeze %dma_start3A_167 : memref<1x1x125xi32, #tpu.memory_space<hbm>> -> memref<125xi32, #tpu.memory_space<hbm>>
      %dma_start3A_169 = arith.constant 0 : i32
      %dma_start3A_170 = tpu.memref_slice %arg2[%add3A, %add3A_165, %dma_start3A_169] : memref<32x80x125xi32, #tpu.memory_space<hbm>> -> memref<1x1x125xi32, #tpu.memory_space<hbm>>
      %dma_start3A_171 = tpu.memref_squeeze %dma_start3A_170 : memref<1x1x125xi32, #tpu.memory_space<hbm>> -> memref<125xi32, #tpu.memory_space<hbm>>
      tpu.enqueue_dma source(%dma_start3A_171 : memref<125xi32, #tpu.memory_space<hbm>>) target(%arg8 : memref<125xi32, #tpu.memory_space<vmem>>) target_semaphore(%arg18 : memref<!tpu.dma_semaphore, #tpu.memory_space<semaphore_mem>>)
      %add3A_172 = arith.constant 0 : i32
      %add3A_173 = arith.addi %add3A_158, %add3A_172 : i32
      %add3A_174 = arith.constant 4 : i32
      %add3A_175 = arith.addi %add3A_173, %add3A_174 : i32
      %dma_start3A_176 = arith.constant 0 : i32
      %dma_start3A_177 = tpu.memref_slice %arg3[%add3A, %add3A_175, %dma_start3A_176] : memref<32x80x125xi32, #tpu.memory_space<hbm>> -> memref<1x1x125xi32, #tpu.memory_space<hbm>>
      %dma_start3A_178 = tpu.memref_squeeze %dma_start3A_177 : memref<1x1x125xi32, #tpu.memory_space<hbm>> -> memref<125xi32, #tpu.memory_space<hbm>>
      %dma_start3A_179 = arith.constant 0 : i32
      %dma_start3A_180 = tpu.memref_slice %arg3[%add3A, %add3A_175, %dma_start3A_179] : memref<32x80x125xi32, #tpu.memory_space<hbm>> -> memref<1x1x125xi32, #tpu.memory_space<hbm>>
      %dma_start3A_181 = tpu.memref_squeeze %dma_start3A_180 : memref<1x1x125xi32, #tpu.memory_space<hbm>> -> memref<125xi32, #tpu.memory_space<hbm>>
      tpu.enqueue_dma source(%dma_start3A_181 : memref<125xi32, #tpu.memory_space<hbm>>) target(%arg12 : memref<125xi32, #tpu.memory_space<vmem>>) target_semaphore(%arg18 : memref<!tpu.dma_semaphore, #tpu.memory_space<semaphore_mem>>)
      %dma_wait3A_182 = arith.constant 0 : i32
      %dma_wait3A_183 = arith.constant 0 : i32
      %dma_wait3A_184 = tpu.memref_slice %arg2[%add3A, %dma_wait3A_182, %dma_wait3A_183] : memref<32x80x125xi32, #tpu.memory_space<hbm>> -> memref<1x1x125xi32, #tpu.memory_space<hbm>>
      %dma_wait3A_185 = tpu.memref_squeeze %dma_wait3A_184 : memref<1x1x125xi32, #tpu.memory_space<hbm>> -> memref<125xi32, #tpu.memory_space<hbm>>
      %dma_wait3A_186 = arith.constant 0 : i32
      %dma_wait3A_187 = tpu.memref_slice %arg2[%add3A, %dma_wait3A_182, %dma_wait3A_186] : memref<32x80x125xi32, #tpu.memory_space<hbm>> -> memref<1x1x125xi32, #tpu.memory_space<hbm>>
      %dma_wait3A_188 = tpu.memref_squeeze %dma_wait3A_187 : memref<1x1x125xi32, #tpu.memory_space<hbm>> -> memref<125xi32, #tpu.memory_space<hbm>>
      tpu.wait_dma2 semaphore(%arg20 : memref<!tpu.dma_semaphore, #tpu.memory_space<semaphore_mem>>) src(%dma_wait3A_188 : memref<125xi32, #tpu.memory_space<hbm>>) dst(%arg10 : memref<125xi32, #tpu.memory_space<vmem>>)
      %dma_wait3A_189 = arith.constant 0 : i32
      %dma_wait3A_190 = arith.constant 0 : i32
      %dma_wait3A_191 = tpu.memref_slice %arg2[%add3A, %dma_wait3A_189, %dma_wait3A_190] : memref<32x80x125xi32, #tpu.memory_space<hbm>> -> memref<1x1x125xi32, #tpu.memory_space<hbm>>
      %dma_wait3A_192 = tpu.memref_squeeze %dma_wait3A_191 : memref<1x1x125xi32, #tpu.memory_space<hbm>> -> memref<125xi32, #tpu.memory_space<hbm>>
      %dma_wait3A_193 = arith.constant 0 : i32
      %dma_wait3A_194 = tpu.memref_slice %arg2[%add3A, %dma_wait3A_189, %dma_wait3A_193] : memref<32x80x125xi32, #tpu.memory_space<hbm>> -> memref<1x1x125xi32, #tpu.memory_space<hbm>>
      %dma_wait3A_195 = tpu.memref_squeeze %dma_wait3A_194 : memref<1x1x125xi32, #tpu.memory_space<hbm>> -> memref<125xi32, #tpu.memory_space<hbm>>
      tpu.wait_dma2 semaphore(%arg20 : memref<!tpu.dma_semaphore, #tpu.memory_space<semaphore_mem>>) src(%dma_wait3A_195 : memref<125xi32, #tpu.memory_space<hbm>>) dst(%arg14 : memref<125xi32, #tpu.memory_space<vmem>>)
      %dma_start3A_196 = arith.constant 0 : i32
      %dma_start3A_197 = arith.constant 0 : i32
      %dma_start3A_198 = tpu.memref_slice %arg4[%dma_start3A_196, %dma_start3A_197] : memref<10000x128xf32, #tpu.memory_space<hbm>> -> memref<10000x128xf32, #tpu.memory_space<hbm>>
      tpu.enqueue_indirect_dma source(%dma_start3A_198 : memref<10000x128xf32, #tpu.memory_space<hbm>>) target(%arg16 : memref<125x128xf32, #tpu.memory_space<vmem>>) offsets(%arg10 : memref<125xi32, #tpu.memory_space<vmem>>) semaphore(%arg22 : memref<!tpu.dma_semaphore, #tpu.memory_space<semaphore_mem>>)
      %dma_wait3A_199 = arith.constant 0 : i32
      %dma_wait3A_200 = arith.constant 0 : i32
      %dma_wait3A_201 = tpu.memref_slice %arg4[%dma_wait3A_199, %dma_wait3A_200] : memref<10000x128xf32, #tpu.memory_space<hbm>> -> memref<10000x128xf32, #tpu.memory_space<hbm>>
      tpu.wait_indirect_dma semaphore(%arg23 : memref<!tpu.dma_semaphore, #tpu.memory_space<semaphore_mem>>) src(%dma_wait3A_201 : memref<10000x128xf32, #tpu.memory_space<hbm>>) dst(%arg17 : memref<125x128xf32, #tpu.memory_space<vmem>>)
      "tpu.region"() ({
        %run_scoped3A = tpu.sem_alloc : memref<!tpu.dma_semaphore, #tpu.memory_space<semaphore_mem>>
        %dma_start3A_319 = arith.constant 0 : i32
        %dma_start3A_320 = arith.constant 0 : i32
        %dma_start3A_321 = tpu.memref_slice %arg24[%dma_start3A_319, %dma_start3A_320] : memref<10000x128xf32, #tpu.memory_space<vmem_shared>> -> memref<10000x128xf32, #tpu.memory_space<vmem_shared>>
        tpu.enqueue_indirect_dma source(%arg17 : memref<125x128xf32, #tpu.memory_space<vmem>>) target(%dma_start3A_321 : memref<10000x128xf32, #tpu.memory_space<vmem_shared>>) offsets(%arg13 : memref<125xi32, #tpu.memory_space<vmem>>) semaphore(%run_scoped3A : memref<!tpu.dma_semaphore, #tpu.memory_space<semaphore_mem>>) {add = true}
        %dma_wait3A_322 = arith.constant 0 : i32
        %dma_wait3A_323 = arith.constant 0 : i32
        %dma_wait3A_324 = tpu.memref_slice %arg24[%dma_wait3A_322, %dma_wait3A_323] : memref<10000x128xf32, #tpu.memory_space<vmem_shared>> -> memref<10000x128xf32, #tpu.memory_space<vmem_shared>>
        tpu.wait_indirect_dma semaphore(%run_scoped3A : memref<!tpu.dma_semaphore, #tpu.memory_space<semaphore_mem>>) src(%arg17 : memref<125x128xf32, #tpu.memory_space<vmem>>) dst(%dma_wait3A_324 : memref<10000x128xf32, #tpu.memory_space<vmem_shared>>)
        tpu.yield
      }) : () -> ()
      %add3A_202 = arith.constant 1 : i32
      %add3A_203 = arith.addi %add3A_158, %add3A_202 : i32
      %add3A_204 = arith.constant 4 : i32
      %add3A_205 = arith.addi %add3A_203, %add3A_204 : i32
      %dma_start3A_206 = arith.constant 0 : i32
      %dma_start3A_207 = tpu.memref_slice %arg2[%add3A, %add3A_205, %dma_start3A_206] : memref<32x80x125xi32, #tpu.memory_space<hbm>> -> memref<1x1x125xi32, #tpu.memory_space<hbm>>
      %dma_start3A_208 = tpu.memref_squeeze %dma_start3A_207 : memref<1x1x125xi32, #tpu.memory_space<hbm>> -> memref<125xi32, #tpu.memory_space<hbm>>
      %dma_start3A_209 = arith.constant 0 : i32
      %dma_start3A_210 = tpu.memref_slice %arg2[%add3A, %add3A_205, %dma_start3A_209] : memref<32x80x125xi32, #tpu.memory_space<hbm>> -> memref<1x1x125xi32, #tpu.memory_space<hbm>>
      %dma_start3A_211 = tpu.memref_squeeze %dma_start3A_210 : memref<1x1x125xi32, #tpu.memory_space<hbm>> -> memref<125xi32, #tpu.memory_space<hbm>>
      tpu.enqueue_dma source(%dma_start3A_211 : memref<125xi32, #tpu.memory_space<hbm>>) target(%arg9 : memref<125xi32, #tpu.memory_space<vmem>>) target_semaphore(%arg19 : memref<!tpu.dma_semaphore, #tpu.memory_space<semaphore_mem>>)
      %add3A_212 = arith.constant 1 : i32
      %add3A_213 = arith.addi %add3A_158, %add3A_212 : i32
      %add3A_214 = arith.constant 4 : i32
      %add3A_215 = arith.addi %add3A_213, %add3A_214 : i32
      %dma_start3A_216 = arith.constant 0 : i32
      %dma_start3A_217 = tpu.memref_slice %arg3[%add3A, %add3A_215, %dma_start3A_216] : memref<32x80x125xi32, #tpu.memory_space<hbm>> -> memref<1x1x125xi32, #tpu.memory_space<hbm>>
      %dma_start3A_218 = tpu.memref_squeeze %dma_start3A_217 : memref<1x1x125xi32, #tpu.memory_space<hbm>> -> memref<125xi32, #tpu.memory_space<hbm>>
      %dma_start3A_219 = arith.constant 0 : i32
      %dma_start3A_220 = tpu.memref_slice %arg3[%add3A, %add3A_215, %dma_start3A_219] : memref<32x80x125xi32, #tpu.memory_space<hbm>> -> memref<1x1x125xi32, #tpu.memory_space<hbm>>
      %dma_start3A_221 = tpu.memref_squeeze %dma_start3A_220 : memref<1x1x125xi32, #tpu.memory_space<hbm>> -> memref<125xi32, #tpu.memory_space<hbm>>
      tpu.enqueue_dma source(%dma_start3A_221 : memref<125xi32, #tpu.memory_space<hbm>>) target(%arg13 : memref<125xi32, #tpu.memory_space<vmem>>) target_semaphore(%arg19 : memref<!tpu.dma_semaphore, #tpu.memory_space<semaphore_mem>>)
      %dma_wait3A_222 = arith.constant 0 : i32
      %dma_wait3A_223 = arith.constant 0 : i32
      %dma_wait3A_224 = tpu.memref_slice %arg2[%add3A, %dma_wait3A_222, %dma_wait3A_223] : memref<32x80x125xi32, #tpu.memory_space<hbm>> -> memref<1x1x125xi32, #tpu.memory_space<hbm>>
      %dma_wait3A_225 = tpu.memref_squeeze %dma_wait3A_224 : memref<1x1x125xi32, #tpu.memory_space<hbm>> -> memref<125xi32, #tpu.memory_space<hbm>>
      %dma_wait3A_226 = arith.constant 0 : i32
      %dma_wait3A_227 = tpu.memref_slice %arg2[%add3A, %dma_wait3A_222, %dma_wait3A_226] : memref<32x80x125xi32, #tpu.memory_space<hbm>> -> memref<1x1x125xi32, #tpu.memory_space<hbm>>
      %dma_wait3A_228 = tpu.memref_squeeze %dma_wait3A_227 : memref<1x1x125xi32, #tpu.memory_space<hbm>> -> memref<125xi32, #tpu.memory_space<hbm>>
      tpu.wait_dma2 semaphore(%arg21 : memref<!tpu.dma_semaphore, #tpu.memory_space<semaphore_mem>>) src(%dma_wait3A_228 : memref<125xi32, #tpu.memory_space<hbm>>) dst(%arg11 : memref<125xi32, #tpu.memory_space<vmem>>)
      %dma_wait3A_229 = arith.constant 0 : i32
      %dma_wait3A_230 = arith.constant 0 : i32
      %dma_wait3A_231 = tpu.memref_slice %arg2[%add3A, %dma_wait3A_229, %dma_wait3A_230] : memref<32x80x125xi32, #tpu.memory_space<hbm>> -> memref<1x1x125xi32, #tpu.memory_space<hbm>>
      %dma_wait3A_232 = tpu.memref_squeeze %dma_wait3A_231 : memref<1x1x125xi32, #tpu.memory_space<hbm>> -> memref<125xi32, #tpu.memory_space<hbm>>
      %dma_wait3A_233 = arith.constant 0 : i32
      %dma_wait3A_234 = tpu.memref_slice %arg2[%add3A, %dma_wait3A_229, %dma_wait3A_233] : memref<32x80x125xi32, #tpu.memory_space<hbm>> -> memref<1x1x125xi32, #tpu.memory_space<hbm>>
      %dma_wait3A_235 = tpu.memref_squeeze %dma_wait3A_234 : memref<1x1x125xi32, #tpu.memory_space<hbm>> -> memref<125xi32, #tpu.memory_space<hbm>>
      tpu.wait_dma2 semaphore(%arg21 : memref<!tpu.dma_semaphore, #tpu.memory_space<semaphore_mem>>) src(%dma_wait3A_235 : memref<125xi32, #tpu.memory_space<hbm>>) dst(%arg15 : memref<125xi32, #tpu.memory_space<vmem>>)
      %dma_start3A_236 = arith.constant 0 : i32
      %dma_start3A_237 = arith.constant 0 : i32
      %dma_start3A_238 = tpu.memref_slice %arg4[%dma_start3A_236, %dma_start3A_237] : memref<10000x128xf32, #tpu.memory_space<hbm>> -> memref<10000x128xf32, #tpu.memory_space<hbm>>
      tpu.enqueue_indirect_dma source(%dma_start3A_238 : memref<10000x128xf32, #tpu.memory_space<hbm>>) target(%arg17 : memref<125x128xf32, #tpu.memory_space<vmem>>) offsets(%arg11 : memref<125xi32, #tpu.memory_space<vmem>>) semaphore(%arg23 : memref<!tpu.dma_semaphore, #tpu.memory_space<semaphore_mem>>)
      %dma_wait3A_239 = arith.constant 0 : i32
      %dma_wait3A_240 = arith.constant 0 : i32
      %dma_wait3A_241 = tpu.memref_slice %arg4[%dma_wait3A_239, %dma_wait3A_240] : memref<10000x128xf32, #tpu.memory_space<hbm>> -> memref<10000x128xf32, #tpu.memory_space<hbm>>
      tpu.wait_indirect_dma semaphore(%arg22 : memref<!tpu.dma_semaphore, #tpu.memory_space<semaphore_mem>>) src(%dma_wait3A_241 : memref<10000x128xf32, #tpu.memory_space<hbm>>) dst(%arg16 : memref<125x128xf32, #tpu.memory_space<vmem>>)
      "tpu.region"() ({
        %run_scoped3A = tpu.sem_alloc : memref<!tpu.dma_semaphore, #tpu.memory_space<semaphore_mem>>
        %dma_start3A_319 = arith.constant 0 : i32
        %dma_start3A_320 = arith.constant 0 : i32
        %dma_start3A_321 = tpu.memref_slice %arg24[%dma_start3A_319, %dma_start3A_320] : memref<10000x128xf32, #tpu.memory_space<vmem_shared>> -> memref<10000x128xf32, #tpu.memory_space<vmem_shared>>
        tpu.enqueue_indirect_dma source(%arg16 : memref<125x128xf32, #tpu.memory_space<vmem>>) target(%dma_start3A_321 : memref<10000x128xf32, #tpu.memory_space<vmem_shared>>) offsets(%arg14 : memref<125xi32, #tpu.memory_space<vmem>>) semaphore(%run_scoped3A : memref<!tpu.dma_semaphore, #tpu.memory_space<semaphore_mem>>) {add = true}
        %dma_wait3A_322 = arith.constant 0 : i32
        %dma_wait3A_323 = arith.constant 0 : i32
        %dma_wait3A_324 = tpu.memref_slice %arg24[%dma_wait3A_322, %dma_wait3A_323] : memref<10000x128xf32, #tpu.memory_space<vmem_shared>> -> memref<10000x128xf32, #tpu.memory_space<vmem_shared>>
        tpu.wait_indirect_dma semaphore(%run_scoped3A : memref<!tpu.dma_semaphore, #tpu.memory_space<semaphore_mem>>) src(%arg16 : memref<125x128xf32, #tpu.memory_space<vmem>>) dst(%dma_wait3A_324 : memref<10000x128xf32, #tpu.memory_space<vmem_shared>>)
        tpu.yield
      }) : () -> ()
      %add3A_242 = arith.constant 2 : i32
      %add3A_243 = arith.addi %add3A_158, %add3A_242 : i32
      %add3A_244 = arith.constant 4 : i32
      %add3A_245 = arith.addi %add3A_243, %add3A_244 : i32
      %dma_start3A_246 = arith.constant 0 : i32
      %dma_start3A_247 = tpu.memref_slice %arg2[%add3A, %add3A_245, %dma_start3A_246] : memref<32x80x125xi32, #tpu.memory_space<hbm>> -> memref<1x1x125xi32, #tpu.memory_space<hbm>>
      %dma_start3A_248 = tpu.memref_squeeze %dma_start3A_247 : memref<1x1x125xi32, #tpu.memory_space<hbm>> -> memref<125xi32, #tpu.memory_space<hbm>>
      %dma_start3A_249 = arith.constant 0 : i32
      %dma_start3A_250 = tpu.memref_slice %arg2[%add3A, %add3A_245, %dma_start3A_249] : memref<32x80x125xi32, #tpu.memory_space<hbm>> -> memref<1x1x125xi32, #tpu.memory_space<hbm>>
      %dma_start3A_251 = tpu.memref_squeeze %dma_start3A_250 : memref<1x1x125xi32, #tpu.memory_space<hbm>> -> memref<125xi32, #tpu.memory_space<hbm>>
      tpu.enqueue_dma source(%dma_start3A_251 : memref<125xi32, #tpu.memory_space<hbm>>) target(%arg10 : memref<125xi32, #tpu.memory_space<vmem>>) target_semaphore(%arg20 : memref<!tpu.dma_semaphore, #tpu.memory_space<semaphore_mem>>)
      %add3A_252 = arith.constant 2 : i32
      %add3A_253 = arith.addi %add3A_158, %add3A_252 : i32
      %add3A_254 = arith.constant 4 : i32
      %add3A_255 = arith.addi %add3A_253, %add3A_254 : i32
      %dma_start3A_256 = arith.constant 0 : i32
      %dma_start3A_257 = tpu.memref_slice %arg3[%add3A, %add3A_255, %dma_start3A_256] : memref<32x80x125xi32, #tpu.memory_space<hbm>> -> memref<1x1x125xi32, #tpu.memory_space<hbm>>
      %dma_start3A_258 = tpu.memref_squeeze %dma_start3A_257 : memref<1x1x125xi32, #tpu.memory_space<hbm>> -> memref<125xi32, #tpu.memory_space<hbm>>
      %dma_start3A_259 = arith.constant 0 : i32
      %dma_start3A_260 = tpu.memref_slice %arg3[%add3A, %add3A_255, %dma_start3A_259] : memref<32x80x125xi32, #tpu.memory_space<hbm>> -> memref<1x1x125xi32, #tpu.memory_space<hbm>>
      %dma_start3A_261 = tpu.memref_squeeze %dma_start3A_260 : memref<1x1x125xi32, #tpu.memory_space<hbm>> -> memref<125xi32, #tpu.memory_space<hbm>>
      tpu.enqueue_dma source(%dma_start3A_261 : memref<125xi32, #tpu.memory_space<hbm>>) target(%arg14 : memref<125xi32, #tpu.memory_space<vmem>>) target_semaphore(%arg20 : memref<!tpu.dma_semaphore, #tpu.memory_space<semaphore_mem>>)
      %dma_wait3A_262 = arith.constant 0 : i32
      %dma_wait3A_263 = arith.constant 0 : i32
      %dma_wait3A_264 = tpu.memref_slice %arg2[%add3A, %dma_wait3A_262, %dma_wait3A_263] : memref<32x80x125xi32, #tpu.memory_space<hbm>> -> memref<1x1x125xi32, #tpu.memory_space<hbm>>
      %dma_wait3A_265 = tpu.memref_squeeze %dma_wait3A_264 : memref<1x1x125xi32, #tpu.memory_space<hbm>> -> memref<125xi32, #tpu.memory_space<hbm>>
      %dma_wait3A_266 = arith.constant 0 : i32
      %dma_wait3A_267 = tpu.memref_slice %arg2[%add3A, %dma_wait3A_262, %dma_wait3A_266] : memref<32x80x125xi32, #tpu.memory_space<hbm>> -> memref<1x1x125xi32, #tpu.memory_space<hbm>>
      %dma_wait3A_268 = tpu.memref_squeeze %dma_wait3A_267 : memref<1x1x125xi32, #tpu.memory_space<hbm>> -> memref<125xi32, #tpu.memory_space<hbm>>
      tpu.wait_dma2 semaphore(%arg18 : memref<!tpu.dma_semaphore, #tpu.memory_space<semaphore_mem>>) src(%dma_wait3A_268 : memref<125xi32, #tpu.memory_space<hbm>>) dst(%arg8 : memref<125xi32, #tpu.memory_space<vmem>>)
      %dma_wait3A_269 = arith.constant 0 : i32
      %dma_wait3A_270 = arith.constant 0 : i32
      %dma_wait3A_271 = tpu.memref_slice %arg2[%add3A, %dma_wait3A_269, %dma_wait3A_270] : memref<32x80x125xi32, #tpu.memory_space<hbm>> -> memref<1x1x125xi32, #tpu.memory_space<hbm>>
      %dma_wait3A_272 = tpu.memref_squeeze %dma_wait3A_271 : memref<1x1x125xi32, #tpu.memory_space<hbm>> -> memref<125xi32, #tpu.memory_space<hbm>>
      %dma_wait3A_273 = arith.constant 0 : i32
      %dma_wait3A_274 = tpu.memref_slice %arg2[%add3A, %dma_wait3A_269, %dma_wait3A_273] : memref<32x80x125xi32, #tpu.memory_space<hbm>> -> memref<1x1x125xi32, #tpu.memory_space<hbm>>
      %dma_wait3A_275 = tpu.memref_squeeze %dma_wait3A_274 : memref<1x1x125xi32, #tpu.memory_space<hbm>> -> memref<125xi32, #tpu.memory_space<hbm>>
      tpu.wait_dma2 semaphore(%arg18 : memref<!tpu.dma_semaphore, #tpu.memory_space<semaphore_mem>>) src(%dma_wait3A_275 : memref<125xi32, #tpu.memory_space<hbm>>) dst(%arg12 : memref<125xi32, #tpu.memory_space<vmem>>)
      %dma_start3A_276 = arith.constant 0 : i32
      %dma_start3A_277 = arith.constant 0 : i32
      %dma_start3A_278 = tpu.memref_slice %arg4[%dma_start3A_276, %dma_start3A_277] : memref<10000x128xf32, #tpu.memory_space<hbm>> -> memref<10000x128xf32, #tpu.memory_space<hbm>>
      tpu.enqueue_indirect_dma source(%dma_start3A_278 : memref<10000x128xf32, #tpu.memory_space<hbm>>) target(%arg16 : memref<125x128xf32, #tpu.memory_space<vmem>>) offsets(%arg8 : memref<125xi32, #tpu.memory_space<vmem>>) semaphore(%arg22 : memref<!tpu.dma_semaphore, #tpu.memory_space<semaphore_mem>>)
      %dma_wait3A_279 = arith.constant 0 : i32
      %dma_wait3A_280 = arith.constant 0 : i32
      %dma_wait3A_281 = tpu.memref_slice %arg4[%dma_wait3A_279, %dma_wait3A_280] : memref<10000x128xf32, #tpu.memory_space<hbm>> -> memref<10000x128xf32, #tpu.memory_space<hbm>>
      tpu.wait_indirect_dma semaphore(%arg23 : memref<!tpu.dma_semaphore, #tpu.memory_space<semaphore_mem>>) src(%dma_wait3A_281 : memref<10000x128xf32, #tpu.memory_space<hbm>>) dst(%arg17 : memref<125x128xf32, #tpu.memory_space<vmem>>)
      "tpu.region"() ({
        %run_scoped3A = tpu.sem_alloc : memref<!tpu.dma_semaphore, #tpu.memory_space<semaphore_mem>>
        %dma_start3A_319 = arith.constant 0 : i32
        %dma_start3A_320 = arith.constant 0 : i32
        %dma_start3A_321 = tpu.memref_slice %arg24[%dma_start3A_319, %dma_start3A_320] : memref<10000x128xf32, #tpu.memory_space<vmem_shared>> -> memref<10000x128xf32, #tpu.memory_space<vmem_shared>>
        tpu.enqueue_indirect_dma source(%arg17 : memref<125x128xf32, #tpu.memory_space<vmem>>) target(%dma_start3A_321 : memref<10000x128xf32, #tpu.memory_space<vmem_shared>>) offsets(%arg15 : memref<125xi32, #tpu.memory_space<vmem>>) semaphore(%run_scoped3A : memref<!tpu.dma_semaphore, #tpu.memory_space<semaphore_mem>>) {add = true}
        %dma_wait3A_322 = arith.constant 0 : i32
        %dma_wait3A_323 = arith.constant 0 : i32
        %dma_wait3A_324 = tpu.memref_slice %arg24[%dma_wait3A_322, %dma_wait3A_323] : memref<10000x128xf32, #tpu.memory_space<vmem_shared>> -> memref<10000x128xf32, #tpu.memory_space<vmem_shared>>
        tpu.wait_indirect_dma semaphore(%run_scoped3A : memref<!tpu.dma_semaphore, #tpu.memory_space<semaphore_mem>>) src(%arg17 : memref<125x128xf32, #tpu.memory_space<vmem>>) dst(%dma_wait3A_324 : memref<10000x128xf32, #tpu.memory_space<vmem_shared>>)
        tpu.yield
      }) : () -> ()
      %add3A_282 = arith.constant 3 : i32
      %add3A_283 = arith.addi %add3A_158, %add3A_282 : i32
      %add3A_284 = arith.constant 4 : i32
      %add3A_285 = arith.addi %add3A_283, %add3A_284 : i32
      %dma_start3A_286 = arith.constant 0 : i32
      %dma_start3A_287 = tpu.memref_slice %arg2[%add3A, %add3A_285, %dma_start3A_286] : memref<32x80x125xi32, #tpu.memory_space<hbm>> -> memref<1x1x125xi32, #tpu.memory_space<hbm>>
      %dma_start3A_288 = tpu.memref_squeeze %dma_start3A_287 : memref<1x1x125xi32, #tpu.memory_space<hbm>> -> memref<125xi32, #tpu.memory_space<hbm>>
      %dma_start3A_289 = arith.constant 0 : i32
      %dma_start3A_290 = tpu.memref_slice %arg2[%add3A, %add3A_285, %dma_start3A_289] : memref<32x80x125xi32, #tpu.memory_space<hbm>> -> memref<1x1x125xi32, #tpu.memory_space<hbm>>
      %dma_start3A_291 = tpu.memref_squeeze %dma_start3A_290 : memref<1x1x125xi32, #tpu.memory_space<hbm>> -> memref<125xi32, #tpu.memory_space<hbm>>
      tpu.enqueue_dma source(%dma_start3A_291 : memref<125xi32, #tpu.memory_space<hbm>>) target(%arg11 : memref<125xi32, #tpu.memory_space<vmem>>) target_semaphore(%arg21 : memref<!tpu.dma_semaphore, #tpu.memory_space<semaphore_mem>>)
      %add3A_292 = arith.constant 3 : i32
      %add3A_293 = arith.addi %add3A_158, %add3A_292 : i32
      %add3A_294 = arith.constant 4 : i32
      %add3A_295 = arith.addi %add3A_293, %add3A_294 : i32
      %dma_start3A_296 = arith.constant 0 : i32
      %dma_start3A_297 = tpu.memref_slice %arg3[%add3A, %add3A_295, %dma_start3A_296] : memref<32x80x125xi32, #tpu.memory_space<hbm>> -> memref<1x1x125xi32, #tpu.memory_space<hbm>>
      %dma_start3A_298 = tpu.memref_squeeze %dma_start3A_297 : memref<1x1x125xi32, #tpu.memory_space<hbm>> -> memref<125xi32, #tpu.memory_space<hbm>>
      %dma_start3A_299 = arith.constant 0 : i32
      %dma_start3A_300 = tpu.memref_slice %arg3[%add3A, %add3A_295, %dma_start3A_299] : memref<32x80x125xi32, #tpu.memory_space<hbm>> -> memref<1x1x125xi32, #tpu.memory_space<hbm>>
      %dma_start3A_301 = tpu.memref_squeeze %dma_start3A_300 : memref<1x1x125xi32, #tpu.memory_space<hbm>> -> memref<125xi32, #tpu.memory_space<hbm>>
      tpu.enqueue_dma source(%dma_start3A_301 : memref<125xi32, #tpu.memory_space<hbm>>) target(%arg15 : memref<125xi32, #tpu.memory_space<vmem>>) target_semaphore(%arg21 : memref<!tpu.dma_semaphore, #tpu.memory_space<semaphore_mem>>)
      %dma_wait3A_302 = arith.constant 0 : i32
      %dma_wait3A_303 = arith.constant 0 : i32
      %dma_wait3A_304 = tpu.memref_slice %arg2[%add3A, %dma_wait3A_302, %dma_wait3A_303] : memref<32x80x125xi32, #tpu.memory_space<hbm>> -> memref<1x1x125xi32, #tpu.memory_space<hbm>>
      %dma_wait3A_305 = tpu.memref_squeeze %dma_wait3A_304 : memref<1x1x125xi32, #tpu.memory_space<hbm>> -> memref<125xi32, #tpu.memory_space<hbm>>
      %dma_wait3A_306 = arith.constant 0 : i32
      %dma_wait3A_307 = tpu.memref_slice %arg2[%add3A, %dma_wait3A_302, %dma_wait3A_306] : memref<32x80x125xi32, #tpu.memory_space<hbm>> -> memref<1x1x125xi32, #tpu.memory_space<hbm>>
      %dma_wait3A_308 = tpu.memref_squeeze %dma_wait3A_307 : memref<1x1x125xi32, #tpu.memory_space<hbm>> -> memref<125xi32, #tpu.memory_space<hbm>>
      tpu.wait_dma2 semaphore(%arg19 : memref<!tpu.dma_semaphore, #tpu.memory_space<semaphore_mem>>) src(%dma_wait3A_308 : memref<125xi32, #tpu.memory_space<hbm>>) dst(%arg9 : memref<125xi32, #tpu.memory_space<vmem>>)
      %dma_wait3A_309 = arith.constant 0 : i32
      %dma_wait3A_310 = arith.constant 0 : i32
      %dma_wait3A_311 = tpu.memref_slice %arg2[%add3A, %dma_wait3A_309, %dma_wait3A_310] : memref<32x80x125xi32, #tpu.memory_space<hbm>> -> memref<1x1x125xi32, #tpu.memory_space<hbm>>
      %dma_wait3A_312 = tpu.memref_squeeze %dma_wait3A_311 : memref<1x1x125xi32, #tpu.memory_space<hbm>> -> memref<125xi32, #tpu.memory_space<hbm>>
      %dma_wait3A_313 = arith.constant 0 : i32
      %dma_wait3A_314 = tpu.memref_slice %arg2[%add3A, %dma_wait3A_309, %dma_wait3A_313] : memref<32x80x125xi32, #tpu.memory_space<hbm>> -> memref<1x1x125xi32, #tpu.memory_space<hbm>>
      %dma_wait3A_315 = tpu.memref_squeeze %dma_wait3A_314 : memref<1x1x125xi32, #tpu.memory_space<hbm>> -> memref<125xi32, #tpu.memory_space<hbm>>
      tpu.wait_dma2 semaphore(%arg19 : memref<!tpu.dma_semaphore, #tpu.memory_space<semaphore_mem>>) src(%dma_wait3A_315 : memref<125xi32, #tpu.memory_space<hbm>>) dst(%arg13 : memref<125xi32, #tpu.memory_space<vmem>>)
      %dma_start3A_316 = arith.constant 0 : i32
      %dma_start3A_317 = arith.constant 0 : i32
      %dma_start3A_318 = tpu.memref_slice %arg4[%dma_start3A_316, %dma_start3A_317] : memref<10000x128xf32, #tpu.memory_space<hbm>> -> memref<10000x128xf32, #tpu.memory_space<hbm>>
      tpu.enqueue_indirect_dma source(%dma_start3A_318 : memref<10000x128xf32, #tpu.memory_space<hbm>>) target(%arg17 : memref<125x128xf32, #tpu.memory_space<vmem>>) offsets(%arg9 : memref<125xi32, #tpu.memory_space<vmem>>) semaphore(%arg23 : memref<!tpu.dma_semaphore, #tpu.memory_space<semaphore_mem>>)
    }
    %scan3A_96 = arith.constant 19 : i32
    %dma_wait3A_97 = arith.constant 0 : i32
    %dma_wait3A_98 = arith.constant 0 : i32
    %dma_wait3A_99 = tpu.memref_slice %arg4[%dma_wait3A_97, %dma_wait3A_98] : memref<10000x128xf32, #tpu.memory_space<hbm>> -> memref<10000x128xf32, #tpu.memory_space<hbm>>
    tpu.wait_indirect_dma semaphore(%arg22 : memref<!tpu.dma_semaphore, #tpu.memory_space<semaphore_mem>>) src(%dma_wait3A_99 : memref<10000x128xf32, #tpu.memory_space<hbm>>) dst(%arg16 : memref<125x128xf32, #tpu.memory_space<vmem>>)
    "tpu.region"() ({
      %run_scoped3A = tpu.sem_alloc : memref<!tpu.dma_semaphore, #tpu.memory_space<semaphore_mem>>
      %dma_start3A_154 = arith.constant 0 : i32
      %dma_start3A_155 = arith.constant 0 : i32
      %dma_start3A_156 = tpu.memref_slice %arg24[%dma_start3A_154, %dma_start3A_155] : memref<10000x128xf32, #tpu.memory_space<vmem_shared>> -> memref<10000x128xf32, #tpu.memory_space<vmem_shared>>
      tpu.enqueue_indirect_dma source(%arg16 : memref<125x128xf32, #tpu.memory_space<vmem>>) target(%dma_start3A_156 : memref<10000x128xf32, #tpu.memory_space<vmem_shared>>) offsets(%arg12 : memref<125xi32, #tpu.memory_space<vmem>>) semaphore(%run_scoped3A : memref<!tpu.dma_semaphore, #tpu.memory_space<semaphore_mem>>) {add = true}
      %dma_wait3A_157 = arith.constant 0 : i32
      %dma_wait3A_158 = arith.constant 0 : i32
      %dma_wait3A_159 = tpu.memref_slice %arg24[%dma_wait3A_157, %dma_wait3A_158] : memref<10000x128xf32, #tpu.memory_space<vmem_shared>> -> memref<10000x128xf32, #tpu.memory_space<vmem_shared>>
      tpu.wait_indirect_dma semaphore(%run_scoped3A : memref<!tpu.dma_semaphore, #tpu.memory_space<semaphore_mem>>) src(%arg16 : memref<125x128xf32, #tpu.memory_space<vmem>>) dst(%dma_wait3A_159 : memref<10000x128xf32, #tpu.memory_space<vmem_shared>>)
      tpu.yield
    }) : () -> ()
    %dma_wait3A_100 = arith.constant 0 : i32
    %dma_wait3A_101 = arith.constant 0 : i32
    %dma_wait3A_102 = tpu.memref_slice %arg2[%add3A, %dma_wait3A_100, %dma_wait3A_101] : memref<32x80x125xi32, #tpu.memory_space<hbm>> -> memref<1x1x125xi32, #tpu.memory_space<hbm>>
    %dma_wait3A_103 = tpu.memref_squeeze %dma_wait3A_102 : memref<1x1x125xi32, #tpu.memory_space<hbm>> -> memref<125xi32, #tpu.memory_space<hbm>>
    %dma_wait3A_104 = arith.constant 0 : i32
    %dma_wait3A_105 = tpu.memref_slice %arg2[%add3A, %dma_wait3A_100, %dma_wait3A_104] : memref<32x80x125xi32, #tpu.memory_space<hbm>> -> memref<1x1x125xi32, #tpu.memory_space<hbm>>
    %dma_wait3A_106 = tpu.memref_squeeze %dma_wait3A_105 : memref<1x1x125xi32, #tpu.memory_space<hbm>> -> memref<125xi32, #tpu.memory_space<hbm>>
    tpu.wait_dma2 semaphore(%arg20 : memref<!tpu.dma_semaphore, #tpu.memory_space<semaphore_mem>>) src(%dma_wait3A_106 : memref<125xi32, #tpu.memory_space<hbm>>) dst(%arg10 : memref<125xi32, #tpu.memory_space<vmem>>)
    %dma_wait3A_107 = arith.constant 0 : i32
    %dma_wait3A_108 = arith.constant 0 : i32
    %dma_wait3A_109 = tpu.memref_slice %arg2[%add3A, %dma_wait3A_107, %dma_wait3A_108] : memref<32x80x125xi32, #tpu.memory_space<hbm>> -> memref<1x1x125xi32, #tpu.memory_space<hbm>>
    %dma_wait3A_110 = tpu.memref_squeeze %dma_wait3A_109 : memref<1x1x125xi32, #tpu.memory_space<hbm>> -> memref<125xi32, #tpu.memory_space<hbm>>
    %dma_wait3A_111 = arith.constant 0 : i32
    %dma_wait3A_112 = tpu.memref_slice %arg2[%add3A, %dma_wait3A_107, %dma_wait3A_111] : memref<32x80x125xi32, #tpu.memory_space<hbm>> -> memref<1x1x125xi32, #tpu.memory_space<hbm>>
    %dma_wait3A_113 = tpu.memref_squeeze %dma_wait3A_112 : memref<1x1x125xi32, #tpu.memory_space<hbm>> -> memref<125xi32, #tpu.memory_space<hbm>>
    tpu.wait_dma2 semaphore(%arg20 : memref<!tpu.dma_semaphore, #tpu.memory_space<semaphore_mem>>) src(%dma_wait3A_113 : memref<125xi32, #tpu.memory_space<hbm>>) dst(%arg14 : memref<125xi32, #tpu.memory_space<vmem>>)
    %dma_start3A_114 = arith.constant 0 : i32
    %dma_start3A_115 = arith.constant 0 : i32
    %dma_start3A_116 = tpu.memref_slice %arg4[%dma_start3A_114, %dma_start3A_115] : memref<10000x128xf32, #tpu.memory_space<hbm>> -> memref<10000x128xf32, #tpu.memory_space<hbm>>
    tpu.enqueue_indirect_dma source(%dma_start3A_116 : memref<10000x128xf32, #tpu.memory_space<hbm>>) target(%arg16 : memref<125x128xf32, #tpu.memory_space<vmem>>) offsets(%arg10 : memref<125xi32, #tpu.memory_space<vmem>>) semaphore(%arg22 : memref<!tpu.dma_semaphore, #tpu.memory_space<semaphore_mem>>)
    %dma_wait3A_117 = arith.constant 0 : i32
    %dma_wait3A_118 = arith.constant 0 : i32
    %dma_wait3A_119 = tpu.memref_slice %arg4[%dma_wait3A_117, %dma_wait3A_118] : memref<10000x128xf32, #tpu.memory_space<hbm>> -> memref<10000x128xf32, #tpu.memory_space<hbm>>
    tpu.wait_indirect_dma semaphore(%arg23 : memref<!tpu.dma_semaphore, #tpu.memory_space<semaphore_mem>>) src(%dma_wait3A_119 : memref<10000x128xf32, #tpu.memory_space<hbm>>) dst(%arg17 : memref<125x128xf32, #tpu.memory_space<vmem>>)
    "tpu.region"() ({
      %run_scoped3A = tpu.sem_alloc : memref<!tpu.dma_semaphore, #tpu.memory_space<semaphore_mem>>
      %dma_start3A_154 = arith.constant 0 : i32
      %dma_start3A_155 = arith.constant 0 : i32
      %dma_start3A_156 = tpu.memref_slice %arg24[%dma_start3A_154, %dma_start3A_155] : memref<10000x128xf32, #tpu.memory_space<vmem_shared>> -> memref<10000x128xf32, #tpu.memory_space<vmem_shared>>
      tpu.enqueue_indirect_dma source(%arg17 : memref<125x128xf32, #tpu.memory_space<vmem>>) target(%dma_start3A_156 : memref<10000x128xf32, #tpu.memory_space<vmem_shared>>) offsets(%arg13 : memref<125xi32, #tpu.memory_space<vmem>>) semaphore(%run_scoped3A : memref<!tpu.dma_semaphore, #tpu.memory_space<semaphore_mem>>) {add = true}
      %dma_wait3A_157 = arith.constant 0 : i32
      %dma_wait3A_158 = arith.constant 0 : i32
      %dma_wait3A_159 = tpu.memref_slice %arg24[%dma_wait3A_157, %dma_wait3A_158] : memref<10000x128xf32, #tpu.memory_space<vmem_shared>> -> memref<10000x128xf32, #tpu.memory_space<vmem_shared>>
      tpu.wait_indirect_dma semaphore(%run_scoped3A : memref<!tpu.dma_semaphore, #tpu.memory_space<semaphore_mem>>) src(%arg17 : memref<125x128xf32, #tpu.memory_space<vmem>>) dst(%dma_wait3A_159 : memref<10000x128xf32, #tpu.memory_space<vmem_shared>>)
      tpu.yield
    }) : () -> ()
    %dma_wait3A_120 = arith.constant 0 : i32
    %dma_wait3A_121 = arith.constant 0 : i32
    %dma_wait3A_122 = tpu.memref_slice %arg2[%add3A, %dma_wait3A_120, %dma_wait3A_121] : memref<32x80x125xi32, #tpu.memory_space<hbm>> -> memref<1x1x125xi32, #tpu.memory_space<hbm>>
    %dma_wait3A_123 = tpu.memref_squeeze %dma_wait3A_122 : memref<1x1x125xi32, #tpu.memory_space<hbm>> -> memref<125xi32, #tpu.memory_space<hbm>>
    %dma_wait3A_124 = arith.constant 0 : i32
    %dma_wait3A_125 = tpu.memref_slice %arg2[%add3A, %dma_wait3A_120, %dma_wait3A_124] : memref<32x80x125xi32, #tpu.memory_space<hbm>> -> memref<1x1x125xi32, #tpu.memory_space<hbm>>
    %dma_wait3A_126 = tpu.memref_squeeze %dma_wait3A_125 : memref<1x1x125xi32, #tpu.memory_space<hbm>> -> memref<125xi32, #tpu.memory_space<hbm>>
    tpu.wait_dma2 semaphore(%arg21 : memref<!tpu.dma_semaphore, #tpu.memory_space<semaphore_mem>>) src(%dma_wait3A_126 : memref<125xi32, #tpu.memory_space<hbm>>) dst(%arg11 : memref<125xi32, #tpu.memory_space<vmem>>)
    %dma_wait3A_127 = arith.constant 0 : i32
    %dma_wait3A_128 = arith.constant 0 : i32
    %dma_wait3A_129 = tpu.memref_slice %arg2[%add3A, %dma_wait3A_127, %dma_wait3A_128] : memref<32x80x125xi32, #tpu.memory_space<hbm>> -> memref<1x1x125xi32, #tpu.memory_space<hbm>>
    %dma_wait3A_130 = tpu.memref_squeeze %dma_wait3A_129 : memref<1x1x125xi32, #tpu.memory_space<hbm>> -> memref<125xi32, #tpu.memory_space<hbm>>
    %dma_wait3A_131 = arith.constant 0 : i32
    %dma_wait3A_132 = tpu.memref_slice %arg2[%add3A, %dma_wait3A_127, %dma_wait3A_131] : memref<32x80x125xi32, #tpu.memory_space<hbm>> -> memref<1x1x125xi32, #tpu.memory_space<hbm>>
    %dma_wait3A_133 = tpu.memref_squeeze %dma_wait3A_132 : memref<1x1x125xi32, #tpu.memory_space<hbm>> -> memref<125xi32, #tpu.memory_space<hbm>>
    tpu.wait_dma2 semaphore(%arg21 : memref<!tpu.dma_semaphore, #tpu.memory_space<semaphore_mem>>) src(%dma_wait3A_133 : memref<125xi32, #tpu.memory_space<hbm>>) dst(%arg15 : memref<125xi32, #tpu.memory_space<vmem>>)
    %dma_start3A_134 = arith.constant 0 : i32
    %dma_start3A_135 = arith.constant 0 : i32
    %dma_start3A_136 = tpu.memref_slice %arg4[%dma_start3A_134, %dma_start3A_135] : memref<10000x128xf32, #tpu.memory_space<hbm>> -> memref<10000x128xf32, #tpu.memory_space<hbm>>
    tpu.enqueue_indirect_dma source(%dma_start3A_136 : memref<10000x128xf32, #tpu.memory_space<hbm>>) target(%arg17 : memref<125x128xf32, #tpu.memory_space<vmem>>) offsets(%arg11 : memref<125xi32, #tpu.memory_space<vmem>>) semaphore(%arg23 : memref<!tpu.dma_semaphore, #tpu.memory_space<semaphore_mem>>)
    %dma_wait3A_137 = arith.constant 0 : i32
    %dma_wait3A_138 = arith.constant 0 : i32
    %dma_wait3A_139 = tpu.memref_slice %arg4[%dma_wait3A_137, %dma_wait3A_138] : memref<10000x128xf32, #tpu.memory_space<hbm>> -> memref<10000x128xf32, #tpu.memory_space<hbm>>
    tpu.wait_indirect_dma semaphore(%arg22 : memref<!tpu.dma_semaphore, #tpu.memory_space<semaphore_mem>>) src(%dma_wait3A_139 : memref<10000x128xf32, #tpu.memory_space<hbm>>) dst(%arg16 : memref<125x128xf32, #tpu.memory_space<vmem>>)
    "tpu.region"() ({
      %run_scoped3A = tpu.sem_alloc : memref<!tpu.dma_semaphore, #tpu.memory_space<semaphore_mem>>
      %dma_start3A_154 = arith.constant 0 : i32
      %dma_start3A_155 = arith.constant 0 : i32
      %dma_start3A_156 = tpu.memref_slice %arg24[%dma_start3A_154, %dma_start3A_155] : memref<10000x128xf32, #tpu.memory_space<vmem_shared>> -> memref<10000x128xf32, #tpu.memory_space<vmem_shared>>
      tpu.enqueue_indirect_dma source(%arg16 : memref<125x128xf32, #tpu.memory_space<vmem>>) target(%dma_start3A_156 : memref<10000x128xf32, #tpu.memory_space<vmem_shared>>) offsets(%arg14 : memref<125xi32, #tpu.memory_space<vmem>>) semaphore(%run_scoped3A : memref<!tpu.dma_semaphore, #tpu.memory_space<semaphore_mem>>) {add = true}
      %dma_wait3A_157 = arith.constant 0 : i32
      %dma_wait3A_158 = arith.constant 0 : i32
      %dma_wait3A_159 = tpu.memref_slice %arg24[%dma_wait3A_157, %dma_wait3A_158] : memref<10000x128xf32, #tpu.memory_space<vmem_shared>> -> memref<10000x128xf32, #tpu.memory_space<vmem_shared>>
      tpu.wait_indirect_dma semaphore(%run_scoped3A : memref<!tpu.dma_semaphore, #tpu.memory_space<semaphore_mem>>) src(%arg16 : memref<125x128xf32, #tpu.memory_space<vmem>>) dst(%dma_wait3A_159 : memref<10000x128xf32, #tpu.memory_space<vmem_shared>>)
      tpu.yield
    }) : () -> ()
    %dma_wait3A_140 = arith.constant 0 : i32
    %dma_wait3A_141 = arith.constant 0 : i32
    %dma_wait3A_142 = tpu.memref_slice %arg4[%dma_wait3A_140, %dma_wait3A_141] : memref<10000x128xf32, #tpu.memory_space<hbm>> -> memref<10000x128xf32, #tpu.memory_space<hbm>>
    tpu.wait_indirect_dma semaphore(%arg23 : memref<!tpu.dma_semaphore, #tpu.memory_space<semaphore_mem>>) src(%dma_wait3A_142 : memref<10000x128xf32, #tpu.memory_space<hbm>>) dst(%arg17 : memref<125x128xf32, #tpu.memory_space<vmem>>)
    "tpu.region"() ({
      %run_scoped3A = tpu.sem_alloc : memref<!tpu.dma_semaphore, #tpu.memory_space<semaphore_mem>>
      %dma_start3A_154 = arith.constant 0 : i32
      %dma_start3A_155 = arith.constant 0 : i32
      %dma_start3A_156 = tpu.memref_slice %arg24[%dma_start3A_154, %dma_start3A_155] : memref<10000x128xf32, #tpu.memory_space<vmem_shared>> -> memref<10000x128xf32, #tpu.memory_space<vmem_shared>>
      tpu.enqueue_indirect_dma source(%arg17 : memref<125x128xf32, #tpu.memory_space<vmem>>) target(%dma_start3A_156 : memref<10000x128xf32, #tpu.memory_space<vmem_shared>>) offsets(%arg15 : memref<125xi32, #tpu.memory_space<vmem>>) semaphore(%run_scoped3A : memref<!tpu.dma_semaphore, #tpu.memory_space<semaphore_mem>>) {add = true}
      %dma_wait3A_157 = arith.constant 0 : i32
      %dma_wait3A_158 = arith.constant 0 : i32
      %dma_wait3A_159 = tpu.memref_slice %arg24[%dma_wait3A_157, %dma_wait3A_158] : memref<10000x128xf32, #tpu.memory_space<vmem_shared>> -> memref<10000x128xf32, #tpu.memory_space<vmem_shared>>
      tpu.wait_indirect_dma semaphore(%run_scoped3A : memref<!tpu.dma_semaphore, #tpu.memory_space<semaphore_mem>>) src(%arg17 : memref<125x128xf32, #tpu.memory_space<vmem>>) dst(%dma_wait3A_159 : memref<10000x128xf32, #tpu.memory_space<vmem_shared>>)
      tpu.yield
    }) : () -> ()
    %barrier3A_143 = arith.constant 0 : index
    tpu.barrier barrier_id(%barrier3A_143)
    %eq3A_144 = arith.constant 0 : i32
    %eq3A_145 = arith.cmpi eq, %arg0, %eq3A_144 : i32
    %convert_element_type3A_146 = arith.extui %eq3A_145 : i1 to i32
    %cond3A_147 = arith.constant 0 : i32
    %cond3A_148 = arith.cmpi ne, %convert_element_type3A_146, %cond3A_147 : i32
    scf.if %cond3A_148 {
      %mul3A_154 = arith.constant 624 : i32
      %mul3A_155 = arith.muli %arg1, %mul3A_154 : i32
      %multiple_of3A_156 = tpu.assume_multiple %mul3A_155, 8 : i32
      "tpu.region"() ({
        %run_scoped3A = tpu.sem_alloc : memref<!tpu.dma_semaphore, #tpu.memory_space<semaphore_mem>>
        %dma_start3A_162 = arith.constant 0 : i32
        %dma_start3A_163 = tpu.memref_slice %arg6[%multiple_of3A_156, %dma_start3A_162] : memref<10000x128xf32, #tpu.memory_space<hbm>> -> memref<624x128xf32, #tpu.memory_space<hbm>>
        %dma_start3A_164 = arith.constant 0 : i32
        %dma_start3A_165 = tpu.memref_slice %arg24[%multiple_of3A_156, %dma_start3A_164] : memref<10000x128xf32, #tpu.memory_space<vmem_shared>> -> memref<624x128xf32, #tpu.memory_space<vmem_shared>>
        tpu.enqueue_dma source(%dma_start3A_165 : memref<624x128xf32, #tpu.memory_space<vmem_shared>>) target(%dma_start3A_163 : memref<624x128xf32, #tpu.memory_space<hbm>>) target_semaphore(%run_scoped3A : memref<!tpu.dma_semaphore, #tpu.memory_space<semaphore_mem>>)
        %dma_wait3A_166 = arith.constant 0 : i32
        %dma_wait3A_167 = tpu.memref_slice %arg6[%multiple_of3A_156, %dma_wait3A_166] : memref<10000x128xf32, #tpu.memory_space<hbm>> -> memref<624x128xf32, #tpu.memory_space<hbm>>
        %dma_wait3A_168 = arith.constant 0 : i32
        %dma_wait3A_169 = tpu.memref_slice %arg24[%multiple_of3A_156, %dma_wait3A_168] : memref<10000x128xf32, #tpu.memory_space<vmem_shared>> -> memref<624x128xf32, #tpu.memory_space<vmem_shared>>
        tpu.wait_dma2 semaphore(%run_scoped3A : memref<!tpu.dma_semaphore, #tpu.memory_space<semaphore_mem>>) src(%dma_wait3A_169 : memref<624x128xf32, #tpu.memory_space<vmem_shared>>) dst(%dma_wait3A_167 : memref<624x128xf32, #tpu.memory_space<hbm>>)
        tpu.yield
      }) : () -> ()
      %eq3A_157 = arith.constant 15 : i32
      %eq3A_158 = arith.cmpi eq, %arg1, %eq3A_157 : i32
      %convert_element_type3A_159 = arith.extui %eq3A_158 : i1 to i32
      %cond3A_160 = arith.constant 0 : i32
      %cond3A_161 = arith.cmpi ne, %convert_element_type3A_159, %cond3A_160 : i32
      scf.if %cond3A_161 {
        "tpu.region"() ({
          %run_scoped3A = tpu.sem_alloc : memref<!tpu.dma_semaphore, #tpu.memory_space<semaphore_mem>>
          %dma_start3A_162 = arith.constant 9984 : i32
          %dma_start3A_163 = arith.constant 0 : i32
          %dma_start3A_164 = tpu.memref_slice %arg6[%dma_start3A_162, %dma_start3A_163] : memref<10000x128xf32, #tpu.memory_space<hbm>> -> memref<16x128xf32, #tpu.memory_space<hbm>>
          %dma_start3A_165 = arith.constant 9984 : i32
          %dma_start3A_166 = arith.constant 0 : i32
          %dma_start3A_167 = tpu.memref_slice %arg24[%dma_start3A_165, %dma_start3A_166] : memref<10000x128xf32, #tpu.memory_space<vmem_shared>> -> memref<16x128xf32, #tpu.memory_space<vmem_shared>>
          tpu.enqueue_dma source(%dma_start3A_167 : memref<16x128xf32, #tpu.memory_space<vmem_shared>>) target(%dma_start3A_164 : memref<16x128xf32, #tpu.memory_space<hbm>>) target_semaphore(%run_scoped3A : memref<!tpu.dma_semaphore, #tpu.memory_space<semaphore_mem>>)
          %dma_wait3A_168 = arith.constant 9984 : i32
          %dma_wait3A_169 = arith.constant 0 : i32
          %dma_wait3A_170 = tpu.memref_slice %arg6[%dma_wait3A_168, %dma_wait3A_169] : memref<10000x128xf32, #tpu.memory_space<hbm>> -> memref<16x128xf32, #tpu.memory_space<hbm>>
          %dma_wait3A_171 = arith.constant 9984 : i32
          %dma_wait3A_172 = arith.constant 0 : i32
          %dma_wait3A_173 = tpu.memref_slice %arg24[%dma_wait3A_171, %dma_wait3A_172] : memref<10000x128xf32, #tpu.memory_space<vmem_shared>> -> memref<16x128xf32, #tpu.memory_space<vmem_shared>>
          tpu.wait_dma2 semaphore(%run_scoped3A : memref<!tpu.dma_semaphore, #tpu.memory_space<semaphore_mem>>) src(%dma_wait3A_173 : memref<16x128xf32, #tpu.memory_space<vmem_shared>>) dst(%dma_wait3A_170 : memref<16x128xf32, #tpu.memory_space<hbm>>)
          tpu.yield
        }) : () -> ()
      } else {
      }
    } else {
    }
    %eq3A_149 = arith.constant 1 : i32
    %eq3A_150 = arith.cmpi eq, %arg0, %eq3A_149 : i32
    %convert_element_type3A_151 = arith.extui %eq3A_150 : i1 to i32
    %cond3A_152 = arith.constant 0 : i32
    %cond3A_153 = arith.cmpi ne, %convert_element_type3A_151, %cond3A_152 : i32
    scf.if %cond3A_153 {
      %mul3A_154 = arith.constant 624 : i32
      %mul3A_155 = arith.muli %arg1, %mul3A_154 : i32
      %multiple_of3A_156 = tpu.assume_multiple %mul3A_155, 8 : i32
      "tpu.region"() ({
        %run_scoped3A = tpu.sem_alloc : memref<!tpu.dma_semaphore, #tpu.memory_space<semaphore_mem>>
        %dma_start3A_162 = arith.constant 0 : i32
        %dma_start3A_163 = tpu.memref_slice %arg7[%multiple_of3A_156, %dma_start3A_162] : memref<10000x128xf32, #tpu.memory_space<hbm>> -> memref<624x128xf32, #tpu.memory_space<hbm>>
        %dma_start3A_164 = arith.constant 0 : i32
        %dma_start3A_165 = tpu.memref_slice %arg24[%multiple_of3A_156, %dma_start3A_164] : memref<10000x128xf32, #tpu.memory_space<vmem_shared>> -> memref<624x128xf32, #tpu.memory_space<vmem_shared>>
        tpu.enqueue_dma source(%dma_start3A_165 : memref<624x128xf32, #tpu.memory_space<vmem_shared>>) target(%dma_start3A_163 : memref<624x128xf32, #tpu.memory_space<hbm>>) target_semaphore(%run_scoped3A : memref<!tpu.dma_semaphore, #tpu.memory_space<semaphore_mem>>)
        %dma_wait3A_166 = arith.constant 0 : i32
        %dma_wait3A_167 = tpu.memref_slice %arg7[%multiple_of3A_156, %dma_wait3A_166] : memref<10000x128xf32, #tpu.memory_space<hbm>> -> memref<624x128xf32, #tpu.memory_space<hbm>>
        %dma_wait3A_168 = arith.constant 0 : i32
        %dma_wait3A_169 = tpu.memref_slice %arg24[%multiple_of3A_156, %dma_wait3A_168] : memref<10000x128xf32, #tpu.memory_space<vmem_shared>> -> memref<624x128xf32, #tpu.memory_space<vmem_shared>>
        tpu.wait_dma2 semaphore(%run_scoped3A : memref<!tpu.dma_semaphore, #tpu.memory_space<semaphore_mem>>) src(%dma_wait3A_169 : memref<624x128xf32, #tpu.memory_space<vmem_shared>>) dst(%dma_wait3A_167 : memref<624x128xf32, #tpu.memory_space<hbm>>)
        tpu.yield
      }) : () -> ()
      %eq3A_157 = arith.constant 15 : i32
      %eq3A_158 = arith.cmpi eq, %arg1, %eq3A_157 : i32
      %convert_element_type3A_159 = arith.extui %eq3A_158 : i1 to i32
      %cond3A_160 = arith.constant 0 : i32
      %cond3A_161 = arith.cmpi ne, %convert_element_type3A_159, %cond3A_160 : i32
      scf.if %cond3A_161 {
        "tpu.region"() ({
          %run_scoped3A = tpu.sem_alloc : memref<!tpu.dma_semaphore, #tpu.memory_space<semaphore_mem>>
          %dma_start3A_162 = arith.constant 9984 : i32
          %dma_start3A_163 = arith.constant 0 : i32
          %dma_start3A_164 = tpu.memref_slice %arg7[%dma_start3A_162, %dma_start3A_163] : memref<10000x128xf32, #tpu.memory_space<hbm>> -> memref<16x128xf32, #tpu.memory_space<hbm>>
          %dma_start3A_165 = arith.constant 9984 : i32
          %dma_start3A_166 = arith.constant 0 : i32
          %dma_start3A_167 = tpu.memref_slice %arg24[%dma_start3A_165, %dma_start3A_166] : memref<10000x128xf32, #tpu.memory_space<vmem_shared>> -> memref<16x128xf32, #tpu.memory_space<vmem_shared>>
          tpu.enqueue_dma source(%dma_start3A_167 : memref<16x128xf32, #tpu.memory_space<vmem_shared>>) target(%dma_start3A_164 : memref<16x128xf32, #tpu.memory_space<hbm>>) target_semaphore(%run_scoped3A : memref<!tpu.dma_semaphore, #tpu.memory_space<semaphore_mem>>)
          %dma_wait3A_168 = arith.constant 9984 : i32
          %dma_wait3A_169 = arith.constant 0 : i32
          %dma_wait3A_170 = tpu.memref_slice %arg7[%dma_wait3A_168, %dma_wait3A_169] : memref<10000x128xf32, #tpu.memory_space<hbm>> -> memref<16x128xf32, #tpu.memory_space<hbm>>
          %dma_wait3A_171 = arith.constant 9984 : i32
          %dma_wait3A_172 = arith.constant 0 : i32
          %dma_wait3A_173 = tpu.memref_slice %arg24[%dma_wait3A_171, %dma_wait3A_172] : memref<10000x128xf32, #tpu.memory_space<vmem_shared>> -> memref<16x128xf32, #tpu.memory_space<vmem_shared>>
          tpu.wait_dma2 semaphore(%run_scoped3A : memref<!tpu.dma_semaphore, #tpu.memory_space<semaphore_mem>>) src(%dma_wait3A_173 : memref<16x128xf32, #tpu.memory_space<vmem_shared>>) dst(%dma_wait3A_170 : memref<16x128xf32, #tpu.memory_space<hbm>>)
          tpu.yield
        }) : () -> ()
      } else {
      }
    } else {
    }
    return
  }
}

#map = affine_map<(d0, d1) -> (0, 0, 0)>
#map1 = affine_map<(d0, d1) -> (0, 0)>
module attributes {stable_mosaic.version = 14 : i64} {
  func.func @_agg2_body(%arg0: i32, %arg1: i32, %arg2: memref<32x80x125xi32, #tpu.memory_space<hbm>>, %arg3: memref<32x80x125xi32, #tpu.memory_space<hbm>>, %arg4: memref<10000x128xf32, #tpu.memory_space<hbm>>, %arg5: memref<10000x128xf32, #tpu.memory_space<hbm>>, %arg6: memref<10000x128xf32, #tpu.memory_space<hbm>>, %arg7: memref<10000x128xf32, #tpu.memory_space<hbm>>, %arg8: memref<125xi32, #tpu.memory_space<vmem>>, %arg9: memref<125xi32, #tpu.memory_space<vmem>>, %arg10: memref<125xi32, #tpu.memory_space<vmem>>, %arg11: memref<125xi32, #tpu.memory_space<vmem>>, %arg12: memref<125xi32, #tpu.memory_space<vmem>>, %arg13: memref<125xi32, #tpu.memory_space<vmem>>, %arg14: memref<125xi32, #tpu.memory_space<vmem>>, %arg15: memref<125xi32, #tpu.memory_space<vmem>>, %arg16: memref<125x128xf32, #tpu.memory_space<vmem>>, %arg17: memref<125x128xf32, #tpu.memory_space<vmem>>, %arg18: memref<!tpu.dma_semaphore, #tpu.memory_space<semaphore_mem>>, %arg19: memref<!tpu.dma_semaphore, #tpu.memory_space<semaphore_mem>>, %arg20: memref<!tpu.dma_semaphore, #tpu.memory_space<semaphore_mem>>, %arg21: memref<!tpu.dma_semaphore, #tpu.memory_space<semaphore_mem>>, %arg22: memref<!tpu.dma_semaphore, #tpu.memory_space<semaphore_mem>>, %arg23: memref<!tpu.dma_semaphore, #tpu.memory_space<semaphore_mem>>, %arg24: memref<10000x128xf32, #tpu.memory_space<vmem_shared>>) attributes {dimension_semantics = [#tpu.dimension_semantics<core_parallel>, #tpu.dimension_semantics<subcore_parallel>], iteration_bounds = array<i64: 2, 16>, scalar_prefetch = 0 : i64, scratch_operands = 17 : i64, tpu.core_type = #tpu.core_type<sc_vector_subcore>, window_params = [{transform_indices = #map}, {transform_indices = #map}, {transform_indices = #map1}, {transform_indices = #map1}, {transform_indices = #map1}, {transform_indices = #map1}]} {
    %mul3A = arith.constant 16 : i32
    %mul3A_0 = arith.muli %arg0, %mul3A : i32
    %add3A = arith.addi %mul3A_0, %arg1 : i32
    %mul3A_1 = arith.constant 624 : i32
    %mul3A_2 = arith.muli %arg1, %mul3A_1 : i32
    %multiple_of3A = tpu.assume_multiple %mul3A_2, 8 : i32
    "tpu.region"() ({
      %run_scoped3A = tpu.sem_alloc : memref<!tpu.dma_semaphore, #tpu.memory_space<semaphore_mem>>
      %dma_start3A_154 = arith.constant 0 : i32
      %dma_start3A_155 = tpu.memref_slice %arg24[%multiple_of3A, %dma_start3A_154] : memref<10000x128xf32, #tpu.memory_space<vmem_shared>> -> memref<624x128xf32, #tpu.memory_space<vmem_shared>>
      %dma_start3A_156 = arith.constant 0 : i32
      %dma_start3A_157 = tpu.memref_slice %arg5[%multiple_of3A, %dma_start3A_156] : memref<10000x128xf32, #tpu.memory_space<hbm>> -> memref<624x128xf32, #tpu.memory_space<hbm>>
      tpu.enqueue_dma source(%dma_start3A_157 : memref<624x128xf32, #tpu.memory_space<hbm>>) target(%dma_start3A_155 : memref<624x128xf32, #tpu.memory_space<vmem_shared>>) target_semaphore(%run_scoped3A : memref<!tpu.dma_semaphore, #tpu.memory_space<semaphore_mem>>)
      %dma_wait3A_158 = arith.constant 0 : i32
      %dma_wait3A_159 = tpu.memref_slice %arg24[%multiple_of3A, %dma_wait3A_158] : memref<10000x128xf32, #tpu.memory_space<vmem_shared>> -> memref<624x128xf32, #tpu.memory_space<vmem_shared>>
      %dma_wait3A_160 = arith.constant 0 : i32
      %dma_wait3A_161 = tpu.memref_slice %arg5[%multiple_of3A, %dma_wait3A_160] : memref<10000x128xf32, #tpu.memory_space<hbm>> -> memref<624x128xf32, #tpu.memory_space<hbm>>
      tpu.wait_dma2 semaphore(%run_scoped3A : memref<!tpu.dma_semaphore, #tpu.memory_space<semaphore_mem>>) src(%dma_wait3A_161 : memref<624x128xf32, #tpu.memory_space<hbm>>) dst(%dma_wait3A_159 : memref<624x128xf32, #tpu.memory_space<vmem_shared>>)
      tpu.yield
    }) : () -> ()
    %eq3A = arith.constant 15 : i32
    %eq3A_3 = arith.cmpi eq, %arg1, %eq3A : i32
    %convert_element_type3A = arith.extui %eq3A_3 : i1 to i32
    %cond3A = arith.constant 0 : i32
    %cond3A_4 = arith.cmpi ne, %convert_element_type3A, %cond3A : i32
    scf.if %cond3A_4 {
      "tpu.region"() ({
        %run_scoped3A = tpu.sem_alloc : memref<!tpu.dma_semaphore, #tpu.memory_space<semaphore_mem>>
        %dma_start3A_154 = arith.constant 9984 : i32
        %dma_start3A_155 = arith.constant 0 : i32
        %dma_start3A_156 = tpu.memref_slice %arg24[%dma_start3A_154, %dma_start3A_155] : memref<10000x128xf32, #tpu.memory_space<vmem_shared>> -> memref<16x128xf32, #tpu.memory_space<vmem_shared>>
        %dma_start3A_157 = arith.constant 9984 : i32
        %dma_start3A_158 = arith.constant 0 : i32
        %dma_start3A_159 = tpu.memref_slice %arg5[%dma_start3A_157, %dma_start3A_158] : memref<10000x128xf32, #tpu.memory_space<hbm>> -> memref<16x128xf32, #tpu.memory_space<hbm>>
        tpu.enqueue_dma source(%dma_start3A_159 : memref<16x128xf32, #tpu.memory_space<hbm>>) target(%dma_start3A_156 : memref<16x128xf32, #tpu.memory_space<vmem_shared>>) target_semaphore(%run_scoped3A : memref<!tpu.dma_semaphore, #tpu.memory_space<semaphore_mem>>)
        %dma_wait3A_160 = arith.constant 9984 : i32
        %dma_wait3A_161 = arith.constant 0 : i32
        %dma_wait3A_162 = tpu.memref_slice %arg24[%dma_wait3A_160, %dma_wait3A_161] : memref<10000x128xf32, #tpu.memory_space<vmem_shared>> -> memref<16x128xf32, #tpu.memory_space<vmem_shared>>
        %dma_wait3A_163 = arith.constant 9984 : i32
        %dma_wait3A_164 = arith.constant 0 : i32
        %dma_wait3A_165 = tpu.memref_slice %arg5[%dma_wait3A_163, %dma_wait3A_164] : memref<10000x128xf32, #tpu.memory_space<hbm>> -> memref<16x128xf32, #tpu.memory_space<hbm>>
        tpu.wait_dma2 semaphore(%run_scoped3A : memref<!tpu.dma_semaphore, #tpu.memory_space<semaphore_mem>>) src(%dma_wait3A_165 : memref<16x128xf32, #tpu.memory_space<hbm>>) dst(%dma_wait3A_162 : memref<16x128xf32, #tpu.memory_space<vmem_shared>>)
        tpu.yield
      }) : () -> ()
    } else {
    }
    %barrier3A = arith.constant 0 : index
    tpu.barrier barrier_id(%barrier3A)
    %dma_start3A = arith.constant 0 : i32
    %dma_start3A_5 = arith.constant 0 : i32
    %dma_start3A_6 = tpu.memref_slice %arg2[%add3A, %dma_start3A, %dma_start3A_5] : memref<32x80x125xi32, #tpu.memory_space<hbm>> -> memref<1x1x125xi32, #tpu.memory_space<hbm>>
    %dma_start3A_7 = tpu.memref_squeeze %dma_start3A_6 : memref<1x1x125xi32, #tpu.memory_space<hbm>> -> memref<125xi32, #tpu.memory_space<hbm>>
    %dma_start3A_8 = arith.constant 0 : i32
    %dma_start3A_9 = tpu.memref_slice %arg2[%add3A, %dma_start3A, %dma_start3A_8] : memref<32x80x125xi32, #tpu.memory_space<hbm>> -> memref<1x1x125xi32, #tpu.memory_space<hbm>>
    %dma_start3A_10 = tpu.memref_squeeze %dma_start3A_9 : memref<1x1x125xi32, #tpu.memory_space<hbm>> -> memref<125xi32, #tpu.memory_space<hbm>>
    tpu.enqueue_dma source(%dma_start3A_10 : memref<125xi32, #tpu.memory_space<hbm>>) target(%arg8 : memref<125xi32, #tpu.memory_space<vmem>>) target_semaphore(%arg18 : memref<!tpu.dma_semaphore, #tpu.memory_space<semaphore_mem>>)
    %dma_start3A_11 = arith.constant 0 : i32
    %dma_start3A_12 = arith.constant 0 : i32
    %dma_start3A_13 = tpu.memref_slice %arg3[%add3A, %dma_start3A_11, %dma_start3A_12] : memref<32x80x125xi32, #tpu.memory_space<hbm>> -> memref<1x1x125xi32, #tpu.memory_space<hbm>>
    %dma_start3A_14 = tpu.memref_squeeze %dma_start3A_13 : memref<1x1x125xi32, #tpu.memory_space<hbm>> -> memref<125xi32, #tpu.memory_space<hbm>>
    %dma_start3A_15 = arith.constant 0 : i32
    %dma_start3A_16 = tpu.memref_slice %arg3[%add3A, %dma_start3A_11, %dma_start3A_15] : memref<32x80x125xi32, #tpu.memory_space<hbm>> -> memref<1x1x125xi32, #tpu.memory_space<hbm>>
    %dma_start3A_17 = tpu.memref_squeeze %dma_start3A_16 : memref<1x1x125xi32, #tpu.memory_space<hbm>> -> memref<125xi32, #tpu.memory_space<hbm>>
    tpu.enqueue_dma source(%dma_start3A_17 : memref<125xi32, #tpu.memory_space<hbm>>) target(%arg12 : memref<125xi32, #tpu.memory_space<vmem>>) target_semaphore(%arg18 : memref<!tpu.dma_semaphore, #tpu.memory_space<semaphore_mem>>)
    %dma_start3A_18 = arith.constant 1 : i32
    %dma_start3A_19 = arith.constant 0 : i32
    %dma_start3A_20 = tpu.memref_slice %arg2[%add3A, %dma_start3A_18, %dma_start3A_19] : memref<32x80x125xi32, #tpu.memory_space<hbm>> -> memref<1x1x125xi32, #tpu.memory_space<hbm>>
    %dma_start3A_21 = tpu.memref_squeeze %dma_start3A_20 : memref<1x1x125xi32, #tpu.memory_space<hbm>> -> memref<125xi32, #tpu.memory_space<hbm>>
    %dma_start3A_22 = arith.constant 0 : i32
    %dma_start3A_23 = tpu.memref_slice %arg2[%add3A, %dma_start3A_18, %dma_start3A_22] : memref<32x80x125xi32, #tpu.memory_space<hbm>> -> memref<1x1x125xi32, #tpu.memory_space<hbm>>
    %dma_start3A_24 = tpu.memref_squeeze %dma_start3A_23 : memref<1x1x125xi32, #tpu.memory_space<hbm>> -> memref<125xi32, #tpu.memory_space<hbm>>
    tpu.enqueue_dma source(%dma_start3A_24 : memref<125xi32, #tpu.memory_space<hbm>>) target(%arg9 : memref<125xi32, #tpu.memory_space<vmem>>) target_semaphore(%arg19 : memref<!tpu.dma_semaphore, #tpu.memory_space<semaphore_mem>>)
    %dma_start3A_25 = arith.constant 1 : i32
    %dma_start3A_26 = arith.constant 0 : i32
    %dma_start3A_27 = tpu.memref_slice %arg3[%add3A, %dma_start3A_25, %dma_start3A_26] : memref<32x80x125xi32, #tpu.memory_space<hbm>> -> memref<1x1x125xi32, #tpu.memory_space<hbm>>
    %dma_start3A_28 = tpu.memref_squeeze %dma_start3A_27 : memref<1x1x125xi32, #tpu.memory_space<hbm>> -> memref<125xi32, #tpu.memory_space<hbm>>
    %dma_start3A_29 = arith.constant 0 : i32
    %dma_start3A_30 = tpu.memref_slice %arg3[%add3A, %dma_start3A_25, %dma_start3A_29] : memref<32x80x125xi32, #tpu.memory_space<hbm>> -> memref<1x1x125xi32, #tpu.memory_space<hbm>>
    %dma_start3A_31 = tpu.memref_squeeze %dma_start3A_30 : memref<1x1x125xi32, #tpu.memory_space<hbm>> -> memref<125xi32, #tpu.memory_space<hbm>>
    tpu.enqueue_dma source(%dma_start3A_31 : memref<125xi32, #tpu.memory_space<hbm>>) target(%arg13 : memref<125xi32, #tpu.memory_space<vmem>>) target_semaphore(%arg19 : memref<!tpu.dma_semaphore, #tpu.memory_space<semaphore_mem>>)
    %dma_start3A_32 = arith.constant 2 : i32
    %dma_start3A_33 = arith.constant 0 : i32
    %dma_start3A_34 = tpu.memref_slice %arg2[%add3A, %dma_start3A_32, %dma_start3A_33] : memref<32x80x125xi32, #tpu.memory_space<hbm>> -> memref<1x1x125xi32, #tpu.memory_space<hbm>>
    %dma_start3A_35 = tpu.memref_squeeze %dma_start3A_34 : memref<1x1x125xi32, #tpu.memory_space<hbm>> -> memref<125xi32, #tpu.memory_space<hbm>>
    %dma_start3A_36 = arith.constant 0 : i32
    %dma_start3A_37 = tpu.memref_slice %arg2[%add3A, %dma_start3A_32, %dma_start3A_36] : memref<32x80x125xi32, #tpu.memory_space<hbm>> -> memref<1x1x125xi32, #tpu.memory_space<hbm>>
    %dma_start3A_38 = tpu.memref_squeeze %dma_start3A_37 : memref<1x1x125xi32, #tpu.memory_space<hbm>> -> memref<125xi32, #tpu.memory_space<hbm>>
    tpu.enqueue_dma source(%dma_start3A_38 : memref<125xi32, #tpu.memory_space<hbm>>) target(%arg10 : memref<125xi32, #tpu.memory_space<vmem>>) target_semaphore(%arg20 : memref<!tpu.dma_semaphore, #tpu.memory_space<semaphore_mem>>)
    %dma_start3A_39 = arith.constant 2 : i32
    %dma_start3A_40 = arith.constant 0 : i32
    %dma_start3A_41 = tpu.memref_slice %arg3[%add3A, %dma_start3A_39, %dma_start3A_40] : memref<32x80x125xi32, #tpu.memory_space<hbm>> -> memref<1x1x125xi32, #tpu.memory_space<hbm>>
    %dma_start3A_42 = tpu.memref_squeeze %dma_start3A_41 : memref<1x1x125xi32, #tpu.memory_space<hbm>> -> memref<125xi32, #tpu.memory_space<hbm>>
    %dma_start3A_43 = arith.constant 0 : i32
    %dma_start3A_44 = tpu.memref_slice %arg3[%add3A, %dma_start3A_39, %dma_start3A_43] : memref<32x80x125xi32, #tpu.memory_space<hbm>> -> memref<1x1x125xi32, #tpu.memory_space<hbm>>
    %dma_start3A_45 = tpu.memref_squeeze %dma_start3A_44 : memref<1x1x125xi32, #tpu.memory_space<hbm>> -> memref<125xi32, #tpu.memory_space<hbm>>
    tpu.enqueue_dma source(%dma_start3A_45 : memref<125xi32, #tpu.memory_space<hbm>>) target(%arg14 : memref<125xi32, #tpu.memory_space<vmem>>) target_semaphore(%arg20 : memref<!tpu.dma_semaphore, #tpu.memory_space<semaphore_mem>>)
    %dma_start3A_46 = arith.constant 3 : i32
    %dma_start3A_47 = arith.constant 0 : i32
    %dma_start3A_48 = tpu.memref_slice %arg2[%add3A, %dma_start3A_46, %dma_start3A_47] : memref<32x80x125xi32, #tpu.memory_space<hbm>> -> memref<1x1x125xi32, #tpu.memory_space<hbm>>
    %dma_start3A_49 = tpu.memref_squeeze %dma_start3A_48 : memref<1x1x125xi32, #tpu.memory_space<hbm>> -> memref<125xi32, #tpu.memory_space<hbm>>
    %dma_start3A_50 = arith.constant 0 : i32
    %dma_start3A_51 = tpu.memref_slice %arg2[%add3A, %dma_start3A_46, %dma_start3A_50] : memref<32x80x125xi32, #tpu.memory_space<hbm>> -> memref<1x1x125xi32, #tpu.memory_space<hbm>>
    %dma_start3A_52 = tpu.memref_squeeze %dma_start3A_51 : memref<1x1x125xi32, #tpu.memory_space<hbm>> -> memref<125xi32, #tpu.memory_space<hbm>>
    tpu.enqueue_dma source(%dma_start3A_52 : memref<125xi32, #tpu.memory_space<hbm>>) target(%arg11 : memref<125xi32, #tpu.memory_space<vmem>>) target_semaphore(%arg21 : memref<!tpu.dma_semaphore, #tpu.memory_space<semaphore_mem>>)
    %dma_start3A_53 = arith.constant 3 : i32
    %dma_start3A_54 = arith.constant 0 : i32
    %dma_start3A_55 = tpu.memref_slice %arg3[%add3A, %dma_start3A_53, %dma_start3A_54] : memref<32x80x125xi32, #tpu.memory_space<hbm>> -> memref<1x1x125xi32, #tpu.memory_space<hbm>>
    %dma_start3A_56 = tpu.memref_squeeze %dma_start3A_55 : memref<1x1x125xi32, #tpu.memory_space<hbm>> -> memref<125xi32, #tpu.memory_space<hbm>>
    %dma_start3A_57 = arith.constant 0 : i32
    %dma_start3A_58 = tpu.memref_slice %arg3[%add3A, %dma_start3A_53, %dma_start3A_57] : memref<32x80x125xi32, #tpu.memory_space<hbm>> -> memref<1x1x125xi32, #tpu.memory_space<hbm>>
    %dma_start3A_59 = tpu.memref_squeeze %dma_start3A_58 : memref<1x1x125xi32, #tpu.memory_space<hbm>> -> memref<125xi32, #tpu.memory_space<hbm>>
    tpu.enqueue_dma source(%dma_start3A_59 : memref<125xi32, #tpu.memory_space<hbm>>) target(%arg15 : memref<125xi32, #tpu.memory_space<vmem>>) target_semaphore(%arg21 : memref<!tpu.dma_semaphore, #tpu.memory_space<semaphore_mem>>)
    %dma_wait3A = arith.constant 0 : i32
    %dma_wait3A_60 = arith.constant 0 : i32
    %dma_wait3A_61 = tpu.memref_slice %arg2[%add3A, %dma_wait3A, %dma_wait3A_60] : memref<32x80x125xi32, #tpu.memory_space<hbm>> -> memref<1x1x125xi32, #tpu.memory_space<hbm>>
    %dma_wait3A_62 = tpu.memref_squeeze %dma_wait3A_61 : memref<1x1x125xi32, #tpu.memory_space<hbm>> -> memref<125xi32, #tpu.memory_space<hbm>>
    %dma_wait3A_63 = arith.constant 0 : i32
    %dma_wait3A_64 = tpu.memref_slice %arg2[%add3A, %dma_wait3A, %dma_wait3A_63] : memref<32x80x125xi32, #tpu.memory_space<hbm>> -> memref<1x1x125xi32, #tpu.memory_space<hbm>>
    %dma_wait3A_65 = tpu.memref_squeeze %dma_wait3A_64 : memref<1x1x125xi32, #tpu.memory_space<hbm>> -> memref<125xi32, #tpu.memory_space<hbm>>
    tpu.wait_dma2 semaphore(%arg18 : memref<!tpu.dma_semaphore, #tpu.memory_space<semaphore_mem>>) src(%dma_wait3A_65 : memref<125xi32, #tpu.memory_space<hbm>>) dst(%arg8 : memref<125xi32, #tpu.memory_space<vmem>>)
    %dma_wait3A_66 = arith.constant 0 : i32
    %dma_wait3A_67 = arith.constant 0 : i32
    %dma_wait3A_68 = tpu.memref_slice %arg2[%add3A, %dma_wait3A_66, %dma_wait3A_67] : memref<32x80x125xi32, #tpu.memory_space<hbm>> -> memref<1x1x125xi32, #tpu.memory_space<hbm>>
    %dma_wait3A_69 = tpu.memref_squeeze %dma_wait3A_68 : memref<1x1x125xi32, #tpu.memory_space<hbm>> -> memref<125xi32, #tpu.memory_space<hbm>>
    %dma_wait3A_70 = arith.constant 0 : i32
    %dma_wait3A_71 = tpu.memref_slice %arg2[%add3A, %dma_wait3A_66, %dma_wait3A_70] : memref<32x80x125xi32, #tpu.memory_space<hbm>> -> memref<1x1x125xi32, #tpu.memory_space<hbm>>
    %dma_wait3A_72 = tpu.memref_squeeze %dma_wait3A_71 : memref<1x1x125xi32, #tpu.memory_space<hbm>> -> memref<125xi32, #tpu.memory_space<hbm>>
    tpu.wait_dma2 semaphore(%arg18 : memref<!tpu.dma_semaphore, #tpu.memory_space<semaphore_mem>>) src(%dma_wait3A_72 : memref<125xi32, #tpu.memory_space<hbm>>) dst(%arg12 : memref<125xi32, #tpu.memory_space<vmem>>)
    %dma_start3A_73 = arith.constant 0 : i32
    %dma_start3A_74 = arith.constant 0 : i32
    %dma_start3A_75 = tpu.memref_slice %arg4[%dma_start3A_73, %dma_start3A_74] : memref<10000x128xf32, #tpu.memory_space<hbm>> -> memref<10000x128xf32, #tpu.memory_space<hbm>>
    tpu.enqueue_indirect_dma source(%dma_start3A_75 : memref<10000x128xf32, #tpu.memory_space<hbm>>) target(%arg16 : memref<125x128xf32, #tpu.memory_space<vmem>>) offsets(%arg8 : memref<125xi32, #tpu.memory_space<vmem>>) semaphore(%arg22 : memref<!tpu.dma_semaphore, #tpu.memory_space<semaphore_mem>>)
    %dma_wait3A_76 = arith.constant 0 : i32
    %dma_wait3A_77 = arith.constant 0 : i32
    %dma_wait3A_78 = tpu.memref_slice %arg2[%add3A, %dma_wait3A_76, %dma_wait3A_77] : memref<32x80x125xi32, #tpu.memory_space<hbm>> -> memref<1x1x125xi32, #tpu.memory_space<hbm>>
    %dma_wait3A_79 = tpu.memref_squeeze %dma_wait3A_78 : memref<1x1x125xi32, #tpu.memory_space<hbm>> -> memref<125xi32, #tpu.memory_space<hbm>>
    %dma_wait3A_80 = arith.constant 0 : i32
    %dma_wait3A_81 = tpu.memref_slice %arg2[%add3A, %dma_wait3A_76, %dma_wait3A_80] : memref<32x80x125xi32, #tpu.memory_space<hbm>> -> memref<1x1x125xi32, #tpu.memory_space<hbm>>
    %dma_wait3A_82 = tpu.memref_squeeze %dma_wait3A_81 : memref<1x1x125xi32, #tpu.memory_space<hbm>> -> memref<125xi32, #tpu.memory_space<hbm>>
    tpu.wait_dma2 semaphore(%arg19 : memref<!tpu.dma_semaphore, #tpu.memory_space<semaphore_mem>>) src(%dma_wait3A_82 : memref<125xi32, #tpu.memory_space<hbm>>) dst(%arg9 : memref<125xi32, #tpu.memory_space<vmem>>)
    %dma_wait3A_83 = arith.constant 0 : i32
    %dma_wait3A_84 = arith.constant 0 : i32
    %dma_wait3A_85 = tpu.memref_slice %arg2[%add3A, %dma_wait3A_83, %dma_wait3A_84] : memref<32x80x125xi32, #tpu.memory_space<hbm>> -> memref<1x1x125xi32, #tpu.memory_space<hbm>>
    %dma_wait3A_86 = tpu.memref_squeeze %dma_wait3A_85 : memref<1x1x125xi32, #tpu.memory_space<hbm>> -> memref<125xi32, #tpu.memory_space<hbm>>
    %dma_wait3A_87 = arith.constant 0 : i32
    %dma_wait3A_88 = tpu.memref_slice %arg2[%add3A, %dma_wait3A_83, %dma_wait3A_87] : memref<32x80x125xi32, #tpu.memory_space<hbm>> -> memref<1x1x125xi32, #tpu.memory_space<hbm>>
    %dma_wait3A_89 = tpu.memref_squeeze %dma_wait3A_88 : memref<1x1x125xi32, #tpu.memory_space<hbm>> -> memref<125xi32, #tpu.memory_space<hbm>>
    tpu.wait_dma2 semaphore(%arg19 : memref<!tpu.dma_semaphore, #tpu.memory_space<semaphore_mem>>) src(%dma_wait3A_89 : memref<125xi32, #tpu.memory_space<hbm>>) dst(%arg13 : memref<125xi32, #tpu.memory_space<vmem>>)
    %dma_start3A_90 = arith.constant 0 : i32
    %dma_start3A_91 = arith.constant 0 : i32
    %dma_start3A_92 = tpu.memref_slice %arg4[%dma_start3A_90, %dma_start3A_91] : memref<10000x128xf32, #tpu.memory_space<hbm>> -> memref<10000x128xf32, #tpu.memory_space<hbm>>
    tpu.enqueue_indirect_dma source(%dma_start3A_92 : memref<10000x128xf32, #tpu.memory_space<hbm>>) target(%arg17 : memref<125x128xf32, #tpu.memory_space<vmem>>) offsets(%arg9 : memref<125xi32, #tpu.memory_space<vmem>>) semaphore(%arg23 : memref<!tpu.dma_semaphore, #tpu.memory_space<semaphore_mem>>)
    %scan3A = arith.constant 0 : i32
    %scan3A_93 = arith.constant 19 : i32
    %scan3A_94 = arith.addi %scan3A, %scan3A_93 : i32
    %scan3A_95 = arith.constant 1 : i32
    scf.for %scan3A_154 = %scan3A to %scan3A_94 step %scan3A_95  : i32 {
      %mul3A_155 = arith.constant 4 : i32
      %mul3A_156 = arith.muli %scan3A_154, %mul3A_155 : i32
      %add3A_157 = arith.constant 0 : i32
      %add3A_158 = arith.addi %add3A_157, %mul3A_156 : i32
      %dma_wait3A_159 = arith.constant 0 : i32
      %dma_wait3A_160 = arith.constant 0 : i32
      %dma_wait3A_161 = tpu.memref_slice %arg4[%dma_wait3A_159, %dma_wait3A_160] : memref<10000x128xf32, #tpu.memory_space<hbm>> -> memref<10000x128xf32, #tpu.memory_space<hbm>>
      tpu.wait_indirect_dma semaphore(%arg22 : memref<!tpu.dma_semaphore, #tpu.memory_space<semaphore_mem>>) src(%dma_wait3A_161 : memref<10000x128xf32, #tpu.memory_space<hbm>>) dst(%arg16 : memref<125x128xf32, #tpu.memory_space<vmem>>)
      "tpu.region"() ({
        %run_scoped3A = tpu.sem_alloc : memref<!tpu.dma_semaphore, #tpu.memory_space<semaphore_mem>>
        %dma_start3A_319 = arith.constant 0 : i32
        %dma_start3A_320 = arith.constant 0 : i32
        %dma_start3A_321 = tpu.memref_slice %arg24[%dma_start3A_319, %dma_start3A_320] : memref<10000x128xf32, #tpu.memory_space<vmem_shared>> -> memref<10000x128xf32, #tpu.memory_space<vmem_shared>>
        tpu.enqueue_indirect_dma source(%arg16 : memref<125x128xf32, #tpu.memory_space<vmem>>) target(%dma_start3A_321 : memref<10000x128xf32, #tpu.memory_space<vmem_shared>>) offsets(%arg12 : memref<125xi32, #tpu.memory_space<vmem>>) semaphore(%run_scoped3A : memref<!tpu.dma_semaphore, #tpu.memory_space<semaphore_mem>>) {add = true}
        %dma_wait3A_322 = arith.constant 0 : i32
        %dma_wait3A_323 = arith.constant 0 : i32
        %dma_wait3A_324 = tpu.memref_slice %arg24[%dma_wait3A_322, %dma_wait3A_323] : memref<10000x128xf32, #tpu.memory_space<vmem_shared>> -> memref<10000x128xf32, #tpu.memory_space<vmem_shared>>
        tpu.wait_indirect_dma semaphore(%run_scoped3A : memref<!tpu.dma_semaphore, #tpu.memory_space<semaphore_mem>>) src(%arg16 : memref<125x128xf32, #tpu.memory_space<vmem>>) dst(%dma_wait3A_324 : memref<10000x128xf32, #tpu.memory_space<vmem_shared>>)
        tpu.yield
      }) : () -> ()
      %add3A_162 = arith.constant 0 : i32
      %add3A_163 = arith.addi %add3A_158, %add3A_162 : i32
      %add3A_164 = arith.constant 4 : i32
      %add3A_165 = arith.addi %add3A_163, %add3A_164 : i32
      %dma_start3A_166 = arith.constant 0 : i32
      %dma_start3A_167 = tpu.memref_slice %arg2[%add3A, %add3A_165, %dma_start3A_166] : memref<32x80x125xi32, #tpu.memory_space<hbm>> -> memref<1x1x125xi32, #tpu.memory_space<hbm>>
      %dma_start3A_168 = tpu.memref_squeeze %dma_start3A_167 : memref<1x1x125xi32, #tpu.memory_space<hbm>> -> memref<125xi32, #tpu.memory_space<hbm>>
      %dma_start3A_169 = arith.constant 0 : i32
      %dma_start3A_170 = tpu.memref_slice %arg2[%add3A, %add3A_165, %dma_start3A_169] : memref<32x80x125xi32, #tpu.memory_space<hbm>> -> memref<1x1x125xi32, #tpu.memory_space<hbm>>
      %dma_start3A_171 = tpu.memref_squeeze %dma_start3A_170 : memref<1x1x125xi32, #tpu.memory_space<hbm>> -> memref<125xi32, #tpu.memory_space<hbm>>
      tpu.enqueue_dma source(%dma_start3A_171 : memref<125xi32, #tpu.memory_space<hbm>>) target(%arg8 : memref<125xi32, #tpu.memory_space<vmem>>) target_semaphore(%arg18 : memref<!tpu.dma_semaphore, #tpu.memory_space<semaphore_mem>>)
      %add3A_172 = arith.constant 0 : i32
      %add3A_173 = arith.addi %add3A_158, %add3A_172 : i32
      %add3A_174 = arith.constant 4 : i32
      %add3A_175 = arith.addi %add3A_173, %add3A_174 : i32
      %dma_start3A_176 = arith.constant 0 : i32
      %dma_start3A_177 = tpu.memref_slice %arg3[%add3A, %add3A_175, %dma_start3A_176] : memref<32x80x125xi32, #tpu.memory_space<hbm>> -> memref<1x1x125xi32, #tpu.memory_space<hbm>>
      %dma_start3A_178 = tpu.memref_squeeze %dma_start3A_177 : memref<1x1x125xi32, #tpu.memory_space<hbm>> -> memref<125xi32, #tpu.memory_space<hbm>>
      %dma_start3A_179 = arith.constant 0 : i32
      %dma_start3A_180 = tpu.memref_slice %arg3[%add3A, %add3A_175, %dma_start3A_179] : memref<32x80x125xi32, #tpu.memory_space<hbm>> -> memref<1x1x125xi32, #tpu.memory_space<hbm>>
      %dma_start3A_181 = tpu.memref_squeeze %dma_start3A_180 : memref<1x1x125xi32, #tpu.memory_space<hbm>> -> memref<125xi32, #tpu.memory_space<hbm>>
      tpu.enqueue_dma source(%dma_start3A_181 : memref<125xi32, #tpu.memory_space<hbm>>) target(%arg12 : memref<125xi32, #tpu.memory_space<vmem>>) target_semaphore(%arg18 : memref<!tpu.dma_semaphore, #tpu.memory_space<semaphore_mem>>)
      %dma_wait3A_182 = arith.constant 0 : i32
      %dma_wait3A_183 = arith.constant 0 : i32
      %dma_wait3A_184 = tpu.memref_slice %arg2[%add3A, %dma_wait3A_182, %dma_wait3A_183] : memref<32x80x125xi32, #tpu.memory_space<hbm>> -> memref<1x1x125xi32, #tpu.memory_space<hbm>>
      %dma_wait3A_185 = tpu.memref_squeeze %dma_wait3A_184 : memref<1x1x125xi32, #tpu.memory_space<hbm>> -> memref<125xi32, #tpu.memory_space<hbm>>
      %dma_wait3A_186 = arith.constant 0 : i32
      %dma_wait3A_187 = tpu.memref_slice %arg2[%add3A, %dma_wait3A_182, %dma_wait3A_186] : memref<32x80x125xi32, #tpu.memory_space<hbm>> -> memref<1x1x125xi32, #tpu.memory_space<hbm>>
      %dma_wait3A_188 = tpu.memref_squeeze %dma_wait3A_187 : memref<1x1x125xi32, #tpu.memory_space<hbm>> -> memref<125xi32, #tpu.memory_space<hbm>>
      tpu.wait_dma2 semaphore(%arg20 : memref<!tpu.dma_semaphore, #tpu.memory_space<semaphore_mem>>) src(%dma_wait3A_188 : memref<125xi32, #tpu.memory_space<hbm>>) dst(%arg10 : memref<125xi32, #tpu.memory_space<vmem>>)
      %dma_wait3A_189 = arith.constant 0 : i32
      %dma_wait3A_190 = arith.constant 0 : i32
      %dma_wait3A_191 = tpu.memref_slice %arg2[%add3A, %dma_wait3A_189, %dma_wait3A_190] : memref<32x80x125xi32, #tpu.memory_space<hbm>> -> memref<1x1x125xi32, #tpu.memory_space<hbm>>
      %dma_wait3A_192 = tpu.memref_squeeze %dma_wait3A_191 : memref<1x1x125xi32, #tpu.memory_space<hbm>> -> memref<125xi32, #tpu.memory_space<hbm>>
      %dma_wait3A_193 = arith.constant 0 : i32
      %dma_wait3A_194 = tpu.memref_slice %arg2[%add3A, %dma_wait3A_189, %dma_wait3A_193] : memref<32x80x125xi32, #tpu.memory_space<hbm>> -> memref<1x1x125xi32, #tpu.memory_space<hbm>>
      %dma_wait3A_195 = tpu.memref_squeeze %dma_wait3A_194 : memref<1x1x125xi32, #tpu.memory_space<hbm>> -> memref<125xi32, #tpu.memory_space<hbm>>
      tpu.wait_dma2 semaphore(%arg20 : memref<!tpu.dma_semaphore, #tpu.memory_space<semaphore_mem>>) src(%dma_wait3A_195 : memref<125xi32, #tpu.memory_space<hbm>>) dst(%arg14 : memref<125xi32, #tpu.memory_space<vmem>>)
      %dma_start3A_196 = arith.constant 0 : i32
      %dma_start3A_197 = arith.constant 0 : i32
      %dma_start3A_198 = tpu.memref_slice %arg4[%dma_start3A_196, %dma_start3A_197] : memref<10000x128xf32, #tpu.memory_space<hbm>> -> memref<10000x128xf32, #tpu.memory_space<hbm>>
      tpu.enqueue_indirect_dma source(%dma_start3A_198 : memref<10000x128xf32, #tpu.memory_space<hbm>>) target(%arg16 : memref<125x128xf32, #tpu.memory_space<vmem>>) offsets(%arg10 : memref<125xi32, #tpu.memory_space<vmem>>) semaphore(%arg22 : memref<!tpu.dma_semaphore, #tpu.memory_space<semaphore_mem>>)
      %dma_wait3A_199 = arith.constant 0 : i32
      %dma_wait3A_200 = arith.constant 0 : i32
      %dma_wait3A_201 = tpu.memref_slice %arg4[%dma_wait3A_199, %dma_wait3A_200] : memref<10000x128xf32, #tpu.memory_space<hbm>> -> memref<10000x128xf32, #tpu.memory_space<hbm>>
      tpu.wait_indirect_dma semaphore(%arg23 : memref<!tpu.dma_semaphore, #tpu.memory_space<semaphore_mem>>) src(%dma_wait3A_201 : memref<10000x128xf32, #tpu.memory_space<hbm>>) dst(%arg17 : memref<125x128xf32, #tpu.memory_space<vmem>>)
      "tpu.region"() ({
        %run_scoped3A = tpu.sem_alloc : memref<!tpu.dma_semaphore, #tpu.memory_space<semaphore_mem>>
        %dma_start3A_319 = arith.constant 0 : i32
        %dma_start3A_320 = arith.constant 0 : i32
        %dma_start3A_321 = tpu.memref_slice %arg24[%dma_start3A_319, %dma_start3A_320] : memref<10000x128xf32, #tpu.memory_space<vmem_shared>> -> memref<10000x128xf32, #tpu.memory_space<vmem_shared>>
        tpu.enqueue_indirect_dma source(%arg17 : memref<125x128xf32, #tpu.memory_space<vmem>>) target(%dma_start3A_321 : memref<10000x128xf32, #tpu.memory_space<vmem_shared>>) offsets(%arg13 : memref<125xi32, #tpu.memory_space<vmem>>) semaphore(%run_scoped3A : memref<!tpu.dma_semaphore, #tpu.memory_space<semaphore_mem>>) {add = true}
        %dma_wait3A_322 = arith.constant 0 : i32
        %dma_wait3A_323 = arith.constant 0 : i32
        %dma_wait3A_324 = tpu.memref_slice %arg24[%dma_wait3A_322, %dma_wait3A_323] : memref<10000x128xf32, #tpu.memory_space<vmem_shared>> -> memref<10000x128xf32, #tpu.memory_space<vmem_shared>>
        tpu.wait_indirect_dma semaphore(%run_scoped3A : memref<!tpu.dma_semaphore, #tpu.memory_space<semaphore_mem>>) src(%arg17 : memref<125x128xf32, #tpu.memory_space<vmem>>) dst(%dma_wait3A_324 : memref<10000x128xf32, #tpu.memory_space<vmem_shared>>)
        tpu.yield
      }) : () -> ()
      %add3A_202 = arith.constant 1 : i32
      %add3A_203 = arith.addi %add3A_158, %add3A_202 : i32
      %add3A_204 = arith.constant 4 : i32
      %add3A_205 = arith.addi %add3A_203, %add3A_204 : i32
      %dma_start3A_206 = arith.constant 0 : i32
      %dma_start3A_207 = tpu.memref_slice %arg2[%add3A, %add3A_205, %dma_start3A_206] : memref<32x80x125xi32, #tpu.memory_space<hbm>> -> memref<1x1x125xi32, #tpu.memory_space<hbm>>
      %dma_start3A_208 = tpu.memref_squeeze %dma_start3A_207 : memref<1x1x125xi32, #tpu.memory_space<hbm>> -> memref<125xi32, #tpu.memory_space<hbm>>
      %dma_start3A_209 = arith.constant 0 : i32
      %dma_start3A_210 = tpu.memref_slice %arg2[%add3A, %add3A_205, %dma_start3A_209] : memref<32x80x125xi32, #tpu.memory_space<hbm>> -> memref<1x1x125xi32, #tpu.memory_space<hbm>>
      %dma_start3A_211 = tpu.memref_squeeze %dma_start3A_210 : memref<1x1x125xi32, #tpu.memory_space<hbm>> -> memref<125xi32, #tpu.memory_space<hbm>>
      tpu.enqueue_dma source(%dma_start3A_211 : memref<125xi32, #tpu.memory_space<hbm>>) target(%arg9 : memref<125xi32, #tpu.memory_space<vmem>>) target_semaphore(%arg19 : memref<!tpu.dma_semaphore, #tpu.memory_space<semaphore_mem>>)
      %add3A_212 = arith.constant 1 : i32
      %add3A_213 = arith.addi %add3A_158, %add3A_212 : i32
      %add3A_214 = arith.constant 4 : i32
      %add3A_215 = arith.addi %add3A_213, %add3A_214 : i32
      %dma_start3A_216 = arith.constant 0 : i32
      %dma_start3A_217 = tpu.memref_slice %arg3[%add3A, %add3A_215, %dma_start3A_216] : memref<32x80x125xi32, #tpu.memory_space<hbm>> -> memref<1x1x125xi32, #tpu.memory_space<hbm>>
      %dma_start3A_218 = tpu.memref_squeeze %dma_start3A_217 : memref<1x1x125xi32, #tpu.memory_space<hbm>> -> memref<125xi32, #tpu.memory_space<hbm>>
      %dma_start3A_219 = arith.constant 0 : i32
      %dma_start3A_220 = tpu.memref_slice %arg3[%add3A, %add3A_215, %dma_start3A_219] : memref<32x80x125xi32, #tpu.memory_space<hbm>> -> memref<1x1x125xi32, #tpu.memory_space<hbm>>
      %dma_start3A_221 = tpu.memref_squeeze %dma_start3A_220 : memref<1x1x125xi32, #tpu.memory_space<hbm>> -> memref<125xi32, #tpu.memory_space<hbm>>
      tpu.enqueue_dma source(%dma_start3A_221 : memref<125xi32, #tpu.memory_space<hbm>>) target(%arg13 : memref<125xi32, #tpu.memory_space<vmem>>) target_semaphore(%arg19 : memref<!tpu.dma_semaphore, #tpu.memory_space<semaphore_mem>>)
      %dma_wait3A_222 = arith.constant 0 : i32
      %dma_wait3A_223 = arith.constant 0 : i32
      %dma_wait3A_224 = tpu.memref_slice %arg2[%add3A, %dma_wait3A_222, %dma_wait3A_223] : memref<32x80x125xi32, #tpu.memory_space<hbm>> -> memref<1x1x125xi32, #tpu.memory_space<hbm>>
      %dma_wait3A_225 = tpu.memref_squeeze %dma_wait3A_224 : memref<1x1x125xi32, #tpu.memory_space<hbm>> -> memref<125xi32, #tpu.memory_space<hbm>>
      %dma_wait3A_226 = arith.constant 0 : i32
      %dma_wait3A_227 = tpu.memref_slice %arg2[%add3A, %dma_wait3A_222, %dma_wait3A_226] : memref<32x80x125xi32, #tpu.memory_space<hbm>> -> memref<1x1x125xi32, #tpu.memory_space<hbm>>
      %dma_wait3A_228 = tpu.memref_squeeze %dma_wait3A_227 : memref<1x1x125xi32, #tpu.memory_space<hbm>> -> memref<125xi32, #tpu.memory_space<hbm>>
      tpu.wait_dma2 semaphore(%arg21 : memref<!tpu.dma_semaphore, #tpu.memory_space<semaphore_mem>>) src(%dma_wait3A_228 : memref<125xi32, #tpu.memory_space<hbm>>) dst(%arg11 : memref<125xi32, #tpu.memory_space<vmem>>)
      %dma_wait3A_229 = arith.constant 0 : i32
      %dma_wait3A_230 = arith.constant 0 : i32
      %dma_wait3A_231 = tpu.memref_slice %arg2[%add3A, %dma_wait3A_229, %dma_wait3A_230] : memref<32x80x125xi32, #tpu.memory_space<hbm>> -> memref<1x1x125xi32, #tpu.memory_space<hbm>>
      %dma_wait3A_232 = tpu.memref_squeeze %dma_wait3A_231 : memref<1x1x125xi32, #tpu.memory_space<hbm>> -> memref<125xi32, #tpu.memory_space<hbm>>
      %dma_wait3A_233 = arith.constant 0 : i32
      %dma_wait3A_234 = tpu.memref_slice %arg2[%add3A, %dma_wait3A_229, %dma_wait3A_233] : memref<32x80x125xi32, #tpu.memory_space<hbm>> -> memref<1x1x125xi32, #tpu.memory_space<hbm>>
      %dma_wait3A_235 = tpu.memref_squeeze %dma_wait3A_234 : memref<1x1x125xi32, #tpu.memory_space<hbm>> -> memref<125xi32, #tpu.memory_space<hbm>>
      tpu.wait_dma2 semaphore(%arg21 : memref<!tpu.dma_semaphore, #tpu.memory_space<semaphore_mem>>) src(%dma_wait3A_235 : memref<125xi32, #tpu.memory_space<hbm>>) dst(%arg15 : memref<125xi32, #tpu.memory_space<vmem>>)
      %dma_start3A_236 = arith.constant 0 : i32
      %dma_start3A_237 = arith.constant 0 : i32
      %dma_start3A_238 = tpu.memref_slice %arg4[%dma_start3A_236, %dma_start3A_237] : memref<10000x128xf32, #tpu.memory_space<hbm>> -> memref<10000x128xf32, #tpu.memory_space<hbm>>
      tpu.enqueue_indirect_dma source(%dma_start3A_238 : memref<10000x128xf32, #tpu.memory_space<hbm>>) target(%arg17 : memref<125x128xf32, #tpu.memory_space<vmem>>) offsets(%arg11 : memref<125xi32, #tpu.memory_space<vmem>>) semaphore(%arg23 : memref<!tpu.dma_semaphore, #tpu.memory_space<semaphore_mem>>)
      %dma_wait3A_239 = arith.constant 0 : i32
      %dma_wait3A_240 = arith.constant 0 : i32
      %dma_wait3A_241 = tpu.memref_slice %arg4[%dma_wait3A_239, %dma_wait3A_240] : memref<10000x128xf32, #tpu.memory_space<hbm>> -> memref<10000x128xf32, #tpu.memory_space<hbm>>
      tpu.wait_indirect_dma semaphore(%arg22 : memref<!tpu.dma_semaphore, #tpu.memory_space<semaphore_mem>>) src(%dma_wait3A_241 : memref<10000x128xf32, #tpu.memory_space<hbm>>) dst(%arg16 : memref<125x128xf32, #tpu.memory_space<vmem>>)
      "tpu.region"() ({
        %run_scoped3A = tpu.sem_alloc : memref<!tpu.dma_semaphore, #tpu.memory_space<semaphore_mem>>
        %dma_start3A_319 = arith.constant 0 : i32
        %dma_start3A_320 = arith.constant 0 : i32
        %dma_start3A_321 = tpu.memref_slice %arg24[%dma_start3A_319, %dma_start3A_320] : memref<10000x128xf32, #tpu.memory_space<vmem_shared>> -> memref<10000x128xf32, #tpu.memory_space<vmem_shared>>
        tpu.enqueue_indirect_dma source(%arg16 : memref<125x128xf32, #tpu.memory_space<vmem>>) target(%dma_start3A_321 : memref<10000x128xf32, #tpu.memory_space<vmem_shared>>) offsets(%arg14 : memref<125xi32, #tpu.memory_space<vmem>>) semaphore(%run_scoped3A : memref<!tpu.dma_semaphore, #tpu.memory_space<semaphore_mem>>) {add = true}
        %dma_wait3A_322 = arith.constant 0 : i32
        %dma_wait3A_323 = arith.constant 0 : i32
        %dma_wait3A_324 = tpu.memref_slice %arg24[%dma_wait3A_322, %dma_wait3A_323] : memref<10000x128xf32, #tpu.memory_space<vmem_shared>> -> memref<10000x128xf32, #tpu.memory_space<vmem_shared>>
        tpu.wait_indirect_dma semaphore(%run_scoped3A : memref<!tpu.dma_semaphore, #tpu.memory_space<semaphore_mem>>) src(%arg16 : memref<125x128xf32, #tpu.memory_space<vmem>>) dst(%dma_wait3A_324 : memref<10000x128xf32, #tpu.memory_space<vmem_shared>>)
        tpu.yield
      }) : () -> ()
      %add3A_242 = arith.constant 2 : i32
      %add3A_243 = arith.addi %add3A_158, %add3A_242 : i32
      %add3A_244 = arith.constant 4 : i32
      %add3A_245 = arith.addi %add3A_243, %add3A_244 : i32
      %dma_start3A_246 = arith.constant 0 : i32
      %dma_start3A_247 = tpu.memref_slice %arg2[%add3A, %add3A_245, %dma_start3A_246] : memref<32x80x125xi32, #tpu.memory_space<hbm>> -> memref<1x1x125xi32, #tpu.memory_space<hbm>>
      %dma_start3A_248 = tpu.memref_squeeze %dma_start3A_247 : memref<1x1x125xi32, #tpu.memory_space<hbm>> -> memref<125xi32, #tpu.memory_space<hbm>>
      %dma_start3A_249 = arith.constant 0 : i32
      %dma_start3A_250 = tpu.memref_slice %arg2[%add3A, %add3A_245, %dma_start3A_249] : memref<32x80x125xi32, #tpu.memory_space<hbm>> -> memref<1x1x125xi32, #tpu.memory_space<hbm>>
      %dma_start3A_251 = tpu.memref_squeeze %dma_start3A_250 : memref<1x1x125xi32, #tpu.memory_space<hbm>> -> memref<125xi32, #tpu.memory_space<hbm>>
      tpu.enqueue_dma source(%dma_start3A_251 : memref<125xi32, #tpu.memory_space<hbm>>) target(%arg10 : memref<125xi32, #tpu.memory_space<vmem>>) target_semaphore(%arg20 : memref<!tpu.dma_semaphore, #tpu.memory_space<semaphore_mem>>)
      %add3A_252 = arith.constant 2 : i32
      %add3A_253 = arith.addi %add3A_158, %add3A_252 : i32
      %add3A_254 = arith.constant 4 : i32
      %add3A_255 = arith.addi %add3A_253, %add3A_254 : i32
      %dma_start3A_256 = arith.constant 0 : i32
      %dma_start3A_257 = tpu.memref_slice %arg3[%add3A, %add3A_255, %dma_start3A_256] : memref<32x80x125xi32, #tpu.memory_space<hbm>> -> memref<1x1x125xi32, #tpu.memory_space<hbm>>
      %dma_start3A_258 = tpu.memref_squeeze %dma_start3A_257 : memref<1x1x125xi32, #tpu.memory_space<hbm>> -> memref<125xi32, #tpu.memory_space<hbm>>
      %dma_start3A_259 = arith.constant 0 : i32
      %dma_start3A_260 = tpu.memref_slice %arg3[%add3A, %add3A_255, %dma_start3A_259] : memref<32x80x125xi32, #tpu.memory_space<hbm>> -> memref<1x1x125xi32, #tpu.memory_space<hbm>>
      %dma_start3A_261 = tpu.memref_squeeze %dma_start3A_260 : memref<1x1x125xi32, #tpu.memory_space<hbm>> -> memref<125xi32, #tpu.memory_space<hbm>>
      tpu.enqueue_dma source(%dma_start3A_261 : memref<125xi32, #tpu.memory_space<hbm>>) target(%arg14 : memref<125xi32, #tpu.memory_space<vmem>>) target_semaphore(%arg20 : memref<!tpu.dma_semaphore, #tpu.memory_space<semaphore_mem>>)
      %dma_wait3A_262 = arith.constant 0 : i32
      %dma_wait3A_263 = arith.constant 0 : i32
      %dma_wait3A_264 = tpu.memref_slice %arg2[%add3A, %dma_wait3A_262, %dma_wait3A_263] : memref<32x80x125xi32, #tpu.memory_space<hbm>> -> memref<1x1x125xi32, #tpu.memory_space<hbm>>
      %dma_wait3A_265 = tpu.memref_squeeze %dma_wait3A_264 : memref<1x1x125xi32, #tpu.memory_space<hbm>> -> memref<125xi32, #tpu.memory_space<hbm>>
      %dma_wait3A_266 = arith.constant 0 : i32
      %dma_wait3A_267 = tpu.memref_slice %arg2[%add3A, %dma_wait3A_262, %dma_wait3A_266] : memref<32x80x125xi32, #tpu.memory_space<hbm>> -> memref<1x1x125xi32, #tpu.memory_space<hbm>>
      %dma_wait3A_268 = tpu.memref_squeeze %dma_wait3A_267 : memref<1x1x125xi32, #tpu.memory_space<hbm>> -> memref<125xi32, #tpu.memory_space<hbm>>
      tpu.wait_dma2 semaphore(%arg18 : memref<!tpu.dma_semaphore, #tpu.memory_space<semaphore_mem>>) src(%dma_wait3A_268 : memref<125xi32, #tpu.memory_space<hbm>>) dst(%arg8 : memref<125xi32, #tpu.memory_space<vmem>>)
      %dma_wait3A_269 = arith.constant 0 : i32
      %dma_wait3A_270 = arith.constant 0 : i32
      %dma_wait3A_271 = tpu.memref_slice %arg2[%add3A, %dma_wait3A_269, %dma_wait3A_270] : memref<32x80x125xi32, #tpu.memory_space<hbm>> -> memref<1x1x125xi32, #tpu.memory_space<hbm>>
      %dma_wait3A_272 = tpu.memref_squeeze %dma_wait3A_271 : memref<1x1x125xi32, #tpu.memory_space<hbm>> -> memref<125xi32, #tpu.memory_space<hbm>>
      %dma_wait3A_273 = arith.constant 0 : i32
      %dma_wait3A_274 = tpu.memref_slice %arg2[%add3A, %dma_wait3A_269, %dma_wait3A_273] : memref<32x80x125xi32, #tpu.memory_space<hbm>> -> memref<1x1x125xi32, #tpu.memory_space<hbm>>
      %dma_wait3A_275 = tpu.memref_squeeze %dma_wait3A_274 : memref<1x1x125xi32, #tpu.memory_space<hbm>> -> memref<125xi32, #tpu.memory_space<hbm>>
      tpu.wait_dma2 semaphore(%arg18 : memref<!tpu.dma_semaphore, #tpu.memory_space<semaphore_mem>>) src(%dma_wait3A_275 : memref<125xi32, #tpu.memory_space<hbm>>) dst(%arg12 : memref<125xi32, #tpu.memory_space<vmem>>)
      %dma_start3A_276 = arith.constant 0 : i32
      %dma_start3A_277 = arith.constant 0 : i32
      %dma_start3A_278 = tpu.memref_slice %arg4[%dma_start3A_276, %dma_start3A_277] : memref<10000x128xf32, #tpu.memory_space<hbm>> -> memref<10000x128xf32, #tpu.memory_space<hbm>>
      tpu.enqueue_indirect_dma source(%dma_start3A_278 : memref<10000x128xf32, #tpu.memory_space<hbm>>) target(%arg16 : memref<125x128xf32, #tpu.memory_space<vmem>>) offsets(%arg8 : memref<125xi32, #tpu.memory_space<vmem>>) semaphore(%arg22 : memref<!tpu.dma_semaphore, #tpu.memory_space<semaphore_mem>>)
      %dma_wait3A_279 = arith.constant 0 : i32
      %dma_wait3A_280 = arith.constant 0 : i32
      %dma_wait3A_281 = tpu.memref_slice %arg4[%dma_wait3A_279, %dma_wait3A_280] : memref<10000x128xf32, #tpu.memory_space<hbm>> -> memref<10000x128xf32, #tpu.memory_space<hbm>>
      tpu.wait_indirect_dma semaphore(%arg23 : memref<!tpu.dma_semaphore, #tpu.memory_space<semaphore_mem>>) src(%dma_wait3A_281 : memref<10000x128xf32, #tpu.memory_space<hbm>>) dst(%arg17 : memref<125x128xf32, #tpu.memory_space<vmem>>)
      "tpu.region"() ({
        %run_scoped3A = tpu.sem_alloc : memref<!tpu.dma_semaphore, #tpu.memory_space<semaphore_mem>>
        %dma_start3A_319 = arith.constant 0 : i32
        %dma_start3A_320 = arith.constant 0 : i32
        %dma_start3A_321 = tpu.memref_slice %arg24[%dma_start3A_319, %dma_start3A_320] : memref<10000x128xf32, #tpu.memory_space<vmem_shared>> -> memref<10000x128xf32, #tpu.memory_space<vmem_shared>>
        tpu.enqueue_indirect_dma source(%arg17 : memref<125x128xf32, #tpu.memory_space<vmem>>) target(%dma_start3A_321 : memref<10000x128xf32, #tpu.memory_space<vmem_shared>>) offsets(%arg15 : memref<125xi32, #tpu.memory_space<vmem>>) semaphore(%run_scoped3A : memref<!tpu.dma_semaphore, #tpu.memory_space<semaphore_mem>>) {add = true}
        %dma_wait3A_322 = arith.constant 0 : i32
        %dma_wait3A_323 = arith.constant 0 : i32
        %dma_wait3A_324 = tpu.memref_slice %arg24[%dma_wait3A_322, %dma_wait3A_323] : memref<10000x128xf32, #tpu.memory_space<vmem_shared>> -> memref<10000x128xf32, #tpu.memory_space<vmem_shared>>
        tpu.wait_indirect_dma semaphore(%run_scoped3A : memref<!tpu.dma_semaphore, #tpu.memory_space<semaphore_mem>>) src(%arg17 : memref<125x128xf32, #tpu.memory_space<vmem>>) dst(%dma_wait3A_324 : memref<10000x128xf32, #tpu.memory_space<vmem_shared>>)
        tpu.yield
      }) : () -> ()
      %add3A_282 = arith.constant 3 : i32
      %add3A_283 = arith.addi %add3A_158, %add3A_282 : i32
      %add3A_284 = arith.constant 4 : i32
      %add3A_285 = arith.addi %add3A_283, %add3A_284 : i32
      %dma_start3A_286 = arith.constant 0 : i32
      %dma_start3A_287 = tpu.memref_slice %arg2[%add3A, %add3A_285, %dma_start3A_286] : memref<32x80x125xi32, #tpu.memory_space<hbm>> -> memref<1x1x125xi32, #tpu.memory_space<hbm>>
      %dma_start3A_288 = tpu.memref_squeeze %dma_start3A_287 : memref<1x1x125xi32, #tpu.memory_space<hbm>> -> memref<125xi32, #tpu.memory_space<hbm>>
      %dma_start3A_289 = arith.constant 0 : i32
      %dma_start3A_290 = tpu.memref_slice %arg2[%add3A, %add3A_285, %dma_start3A_289] : memref<32x80x125xi32, #tpu.memory_space<hbm>> -> memref<1x1x125xi32, #tpu.memory_space<hbm>>
      %dma_start3A_291 = tpu.memref_squeeze %dma_start3A_290 : memref<1x1x125xi32, #tpu.memory_space<hbm>> -> memref<125xi32, #tpu.memory_space<hbm>>
      tpu.enqueue_dma source(%dma_start3A_291 : memref<125xi32, #tpu.memory_space<hbm>>) target(%arg11 : memref<125xi32, #tpu.memory_space<vmem>>) target_semaphore(%arg21 : memref<!tpu.dma_semaphore, #tpu.memory_space<semaphore_mem>>)
      %add3A_292 = arith.constant 3 : i32
      %add3A_293 = arith.addi %add3A_158, %add3A_292 : i32
      %add3A_294 = arith.constant 4 : i32
      %add3A_295 = arith.addi %add3A_293, %add3A_294 : i32
      %dma_start3A_296 = arith.constant 0 : i32
      %dma_start3A_297 = tpu.memref_slice %arg3[%add3A, %add3A_295, %dma_start3A_296] : memref<32x80x125xi32, #tpu.memory_space<hbm>> -> memref<1x1x125xi32, #tpu.memory_space<hbm>>
      %dma_start3A_298 = tpu.memref_squeeze %dma_start3A_297 : memref<1x1x125xi32, #tpu.memory_space<hbm>> -> memref<125xi32, #tpu.memory_space<hbm>>
      %dma_start3A_299 = arith.constant 0 : i32
      %dma_start3A_300 = tpu.memref_slice %arg3[%add3A, %add3A_295, %dma_start3A_299] : memref<32x80x125xi32, #tpu.memory_space<hbm>> -> memref<1x1x125xi32, #tpu.memory_space<hbm>>
      %dma_start3A_301 = tpu.memref_squeeze %dma_start3A_300 : memref<1x1x125xi32, #tpu.memory_space<hbm>> -> memref<125xi32, #tpu.memory_space<hbm>>
      tpu.enqueue_dma source(%dma_start3A_301 : memref<125xi32, #tpu.memory_space<hbm>>) target(%arg15 : memref<125xi32, #tpu.memory_space<vmem>>) target_semaphore(%arg21 : memref<!tpu.dma_semaphore, #tpu.memory_space<semaphore_mem>>)
      %dma_wait3A_302 = arith.constant 0 : i32
      %dma_wait3A_303 = arith.constant 0 : i32
      %dma_wait3A_304 = tpu.memref_slice %arg2[%add3A, %dma_wait3A_302, %dma_wait3A_303] : memref<32x80x125xi32, #tpu.memory_space<hbm>> -> memref<1x1x125xi32, #tpu.memory_space<hbm>>
      %dma_wait3A_305 = tpu.memref_squeeze %dma_wait3A_304 : memref<1x1x125xi32, #tpu.memory_space<hbm>> -> memref<125xi32, #tpu.memory_space<hbm>>
      %dma_wait3A_306 = arith.constant 0 : i32
      %dma_wait3A_307 = tpu.memref_slice %arg2[%add3A, %dma_wait3A_302, %dma_wait3A_306] : memref<32x80x125xi32, #tpu.memory_space<hbm>> -> memref<1x1x125xi32, #tpu.memory_space<hbm>>
      %dma_wait3A_308 = tpu.memref_squeeze %dma_wait3A_307 : memref<1x1x125xi32, #tpu.memory_space<hbm>> -> memref<125xi32, #tpu.memory_space<hbm>>
      tpu.wait_dma2 semaphore(%arg19 : memref<!tpu.dma_semaphore, #tpu.memory_space<semaphore_mem>>) src(%dma_wait3A_308 : memref<125xi32, #tpu.memory_space<hbm>>) dst(%arg9 : memref<125xi32, #tpu.memory_space<vmem>>)
      %dma_wait3A_309 = arith.constant 0 : i32
      %dma_wait3A_310 = arith.constant 0 : i32
      %dma_wait3A_311 = tpu.memref_slice %arg2[%add3A, %dma_wait3A_309, %dma_wait3A_310] : memref<32x80x125xi32, #tpu.memory_space<hbm>> -> memref<1x1x125xi32, #tpu.memory_space<hbm>>
      %dma_wait3A_312 = tpu.memref_squeeze %dma_wait3A_311 : memref<1x1x125xi32, #tpu.memory_space<hbm>> -> memref<125xi32, #tpu.memory_space<hbm>>
      %dma_wait3A_313 = arith.constant 0 : i32
      %dma_wait3A_314 = tpu.memref_slice %arg2[%add3A, %dma_wait3A_309, %dma_wait3A_313] : memref<32x80x125xi32, #tpu.memory_space<hbm>> -> memref<1x1x125xi32, #tpu.memory_space<hbm>>
      %dma_wait3A_315 = tpu.memref_squeeze %dma_wait3A_314 : memref<1x1x125xi32, #tpu.memory_space<hbm>> -> memref<125xi32, #tpu.memory_space<hbm>>
      tpu.wait_dma2 semaphore(%arg19 : memref<!tpu.dma_semaphore, #tpu.memory_space<semaphore_mem>>) src(%dma_wait3A_315 : memref<125xi32, #tpu.memory_space<hbm>>) dst(%arg13 : memref<125xi32, #tpu.memory_space<vmem>>)
      %dma_start3A_316 = arith.constant 0 : i32
      %dma_start3A_317 = arith.constant 0 : i32
      %dma_start3A_318 = tpu.memref_slice %arg4[%dma_start3A_316, %dma_start3A_317] : memref<10000x128xf32, #tpu.memory_space<hbm>> -> memref<10000x128xf32, #tpu.memory_space<hbm>>
      tpu.enqueue_indirect_dma source(%dma_start3A_318 : memref<10000x128xf32, #tpu.memory_space<hbm>>) target(%arg17 : memref<125x128xf32, #tpu.memory_space<vmem>>) offsets(%arg9 : memref<125xi32, #tpu.memory_space<vmem>>) semaphore(%arg23 : memref<!tpu.dma_semaphore, #tpu.memory_space<semaphore_mem>>)
    }
    %scan3A_96 = arith.constant 19 : i32
    %dma_wait3A_97 = arith.constant 0 : i32
    %dma_wait3A_98 = arith.constant 0 : i32
    %dma_wait3A_99 = tpu.memref_slice %arg4[%dma_wait3A_97, %dma_wait3A_98] : memref<10000x128xf32, #tpu.memory_space<hbm>> -> memref<10000x128xf32, #tpu.memory_space<hbm>>
    tpu.wait_indirect_dma semaphore(%arg22 : memref<!tpu.dma_semaphore, #tpu.memory_space<semaphore_mem>>) src(%dma_wait3A_99 : memref<10000x128xf32, #tpu.memory_space<hbm>>) dst(%arg16 : memref<125x128xf32, #tpu.memory_space<vmem>>)
    "tpu.region"() ({
      %run_scoped3A = tpu.sem_alloc : memref<!tpu.dma_semaphore, #tpu.memory_space<semaphore_mem>>
      %dma_start3A_154 = arith.constant 0 : i32
      %dma_start3A_155 = arith.constant 0 : i32
      %dma_start3A_156 = tpu.memref_slice %arg24[%dma_start3A_154, %dma_start3A_155] : memref<10000x128xf32, #tpu.memory_space<vmem_shared>> -> memref<10000x128xf32, #tpu.memory_space<vmem_shared>>
      tpu.enqueue_indirect_dma source(%arg16 : memref<125x128xf32, #tpu.memory_space<vmem>>) target(%dma_start3A_156 : memref<10000x128xf32, #tpu.memory_space<vmem_shared>>) offsets(%arg12 : memref<125xi32, #tpu.memory_space<vmem>>) semaphore(%run_scoped3A : memref<!tpu.dma_semaphore, #tpu.memory_space<semaphore_mem>>) {add = true}
      %dma_wait3A_157 = arith.constant 0 : i32
      %dma_wait3A_158 = arith.constant 0 : i32
      %dma_wait3A_159 = tpu.memref_slice %arg24[%dma_wait3A_157, %dma_wait3A_158] : memref<10000x128xf32, #tpu.memory_space<vmem_shared>> -> memref<10000x128xf32, #tpu.memory_space<vmem_shared>>
      tpu.wait_indirect_dma semaphore(%run_scoped3A : memref<!tpu.dma_semaphore, #tpu.memory_space<semaphore_mem>>) src(%arg16 : memref<125x128xf32, #tpu.memory_space<vmem>>) dst(%dma_wait3A_159 : memref<10000x128xf32, #tpu.memory_space<vmem_shared>>)
      tpu.yield
    }) : () -> ()
    %dma_wait3A_100 = arith.constant 0 : i32
    %dma_wait3A_101 = arith.constant 0 : i32
    %dma_wait3A_102 = tpu.memref_slice %arg2[%add3A, %dma_wait3A_100, %dma_wait3A_101] : memref<32x80x125xi32, #tpu.memory_space<hbm>> -> memref<1x1x125xi32, #tpu.memory_space<hbm>>
    %dma_wait3A_103 = tpu.memref_squeeze %dma_wait3A_102 : memref<1x1x125xi32, #tpu.memory_space<hbm>> -> memref<125xi32, #tpu.memory_space<hbm>>
    %dma_wait3A_104 = arith.constant 0 : i32
    %dma_wait3A_105 = tpu.memref_slice %arg2[%add3A, %dma_wait3A_100, %dma_wait3A_104] : memref<32x80x125xi32, #tpu.memory_space<hbm>> -> memref<1x1x125xi32, #tpu.memory_space<hbm>>
    %dma_wait3A_106 = tpu.memref_squeeze %dma_wait3A_105 : memref<1x1x125xi32, #tpu.memory_space<hbm>> -> memref<125xi32, #tpu.memory_space<hbm>>
    tpu.wait_dma2 semaphore(%arg20 : memref<!tpu.dma_semaphore, #tpu.memory_space<semaphore_mem>>) src(%dma_wait3A_106 : memref<125xi32, #tpu.memory_space<hbm>>) dst(%arg10 : memref<125xi32, #tpu.memory_space<vmem>>)
    %dma_wait3A_107 = arith.constant 0 : i32
    %dma_wait3A_108 = arith.constant 0 : i32
    %dma_wait3A_109 = tpu.memref_slice %arg2[%add3A, %dma_wait3A_107, %dma_wait3A_108] : memref<32x80x125xi32, #tpu.memory_space<hbm>> -> memref<1x1x125xi32, #tpu.memory_space<hbm>>
    %dma_wait3A_110 = tpu.memref_squeeze %dma_wait3A_109 : memref<1x1x125xi32, #tpu.memory_space<hbm>> -> memref<125xi32, #tpu.memory_space<hbm>>
    %dma_wait3A_111 = arith.constant 0 : i32
    %dma_wait3A_112 = tpu.memref_slice %arg2[%add3A, %dma_wait3A_107, %dma_wait3A_111] : memref<32x80x125xi32, #tpu.memory_space<hbm>> -> memref<1x1x125xi32, #tpu.memory_space<hbm>>
    %dma_wait3A_113 = tpu.memref_squeeze %dma_wait3A_112 : memref<1x1x125xi32, #tpu.memory_space<hbm>> -> memref<125xi32, #tpu.memory_space<hbm>>
    tpu.wait_dma2 semaphore(%arg20 : memref<!tpu.dma_semaphore, #tpu.memory_space<semaphore_mem>>) src(%dma_wait3A_113 : memref<125xi32, #tpu.memory_space<hbm>>) dst(%arg14 : memref<125xi32, #tpu.memory_space<vmem>>)
    %dma_start3A_114 = arith.constant 0 : i32
    %dma_start3A_115 = arith.constant 0 : i32
    %dma_start3A_116 = tpu.memref_slice %arg4[%dma_start3A_114, %dma_start3A_115] : memref<10000x128xf32, #tpu.memory_space<hbm>> -> memref<10000x128xf32, #tpu.memory_space<hbm>>
    tpu.enqueue_indirect_dma source(%dma_start3A_116 : memref<10000x128xf32, #tpu.memory_space<hbm>>) target(%arg16 : memref<125x128xf32, #tpu.memory_space<vmem>>) offsets(%arg10 : memref<125xi32, #tpu.memory_space<vmem>>) semaphore(%arg22 : memref<!tpu.dma_semaphore, #tpu.memory_space<semaphore_mem>>)
    %dma_wait3A_117 = arith.constant 0 : i32
    %dma_wait3A_118 = arith.constant 0 : i32
    %dma_wait3A_119 = tpu.memref_slice %arg4[%dma_wait3A_117, %dma_wait3A_118] : memref<10000x128xf32, #tpu.memory_space<hbm>> -> memref<10000x128xf32, #tpu.memory_space<hbm>>
    tpu.wait_indirect_dma semaphore(%arg23 : memref<!tpu.dma_semaphore, #tpu.memory_space<semaphore_mem>>) src(%dma_wait3A_119 : memref<10000x128xf32, #tpu.memory_space<hbm>>) dst(%arg17 : memref<125x128xf32, #tpu.memory_space<vmem>>)
    "tpu.region"() ({
      %run_scoped3A = tpu.sem_alloc : memref<!tpu.dma_semaphore, #tpu.memory_space<semaphore_mem>>
      %dma_start3A_154 = arith.constant 0 : i32
      %dma_start3A_155 = arith.constant 0 : i32
      %dma_start3A_156 = tpu.memref_slice %arg24[%dma_start3A_154, %dma_start3A_155] : memref<10000x128xf32, #tpu.memory_space<vmem_shared>> -> memref<10000x128xf32, #tpu.memory_space<vmem_shared>>
      tpu.enqueue_indirect_dma source(%arg17 : memref<125x128xf32, #tpu.memory_space<vmem>>) target(%dma_start3A_156 : memref<10000x128xf32, #tpu.memory_space<vmem_shared>>) offsets(%arg13 : memref<125xi32, #tpu.memory_space<vmem>>) semaphore(%run_scoped3A : memref<!tpu.dma_semaphore, #tpu.memory_space<semaphore_mem>>) {add = true}
      %dma_wait3A_157 = arith.constant 0 : i32
      %dma_wait3A_158 = arith.constant 0 : i32
      %dma_wait3A_159 = tpu.memref_slice %arg24[%dma_wait3A_157, %dma_wait3A_158] : memref<10000x128xf32, #tpu.memory_space<vmem_shared>> -> memref<10000x128xf32, #tpu.memory_space<vmem_shared>>
      tpu.wait_indirect_dma semaphore(%run_scoped3A : memref<!tpu.dma_semaphore, #tpu.memory_space<semaphore_mem>>) src(%arg17 : memref<125x128xf32, #tpu.memory_space<vmem>>) dst(%dma_wait3A_159 : memref<10000x128xf32, #tpu.memory_space<vmem_shared>>)
      tpu.yield
    }) : () -> ()
    %dma_wait3A_120 = arith.constant 0 : i32
    %dma_wait3A_121 = arith.constant 0 : i32
    %dma_wait3A_122 = tpu.memref_slice %arg2[%add3A, %dma_wait3A_120, %dma_wait3A_121] : memref<32x80x125xi32, #tpu.memory_space<hbm>> -> memref<1x1x125xi32, #tpu.memory_space<hbm>>
    %dma_wait3A_123 = tpu.memref_squeeze %dma_wait3A_122 : memref<1x1x125xi32, #tpu.memory_space<hbm>> -> memref<125xi32, #tpu.memory_space<hbm>>
    %dma_wait3A_124 = arith.constant 0 : i32
    %dma_wait3A_125 = tpu.memref_slice %arg2[%add3A, %dma_wait3A_120, %dma_wait3A_124] : memref<32x80x125xi32, #tpu.memory_space<hbm>> -> memref<1x1x125xi32, #tpu.memory_space<hbm>>
    %dma_wait3A_126 = tpu.memref_squeeze %dma_wait3A_125 : memref<1x1x125xi32, #tpu.memory_space<hbm>> -> memref<125xi32, #tpu.memory_space<hbm>>
    tpu.wait_dma2 semaphore(%arg21 : memref<!tpu.dma_semaphore, #tpu.memory_space<semaphore_mem>>) src(%dma_wait3A_126 : memref<125xi32, #tpu.memory_space<hbm>>) dst(%arg11 : memref<125xi32, #tpu.memory_space<vmem>>)
    %dma_wait3A_127 = arith.constant 0 : i32
    %dma_wait3A_128 = arith.constant 0 : i32
    %dma_wait3A_129 = tpu.memref_slice %arg2[%add3A, %dma_wait3A_127, %dma_wait3A_128] : memref<32x80x125xi32, #tpu.memory_space<hbm>> -> memref<1x1x125xi32, #tpu.memory_space<hbm>>
    %dma_wait3A_130 = tpu.memref_squeeze %dma_wait3A_129 : memref<1x1x125xi32, #tpu.memory_space<hbm>> -> memref<125xi32, #tpu.memory_space<hbm>>
    %dma_wait3A_131 = arith.constant 0 : i32
    %dma_wait3A_132 = tpu.memref_slice %arg2[%add3A, %dma_wait3A_127, %dma_wait3A_131] : memref<32x80x125xi32, #tpu.memory_space<hbm>> -> memref<1x1x125xi32, #tpu.memory_space<hbm>>
    %dma_wait3A_133 = tpu.memref_squeeze %dma_wait3A_132 : memref<1x1x125xi32, #tpu.memory_space<hbm>> -> memref<125xi32, #tpu.memory_space<hbm>>
    tpu.wait_dma2 semaphore(%arg21 : memref<!tpu.dma_semaphore, #tpu.memory_space<semaphore_mem>>) src(%dma_wait3A_133 : memref<125xi32, #tpu.memory_space<hbm>>) dst(%arg15 : memref<125xi32, #tpu.memory_space<vmem>>)
    %dma_start3A_134 = arith.constant 0 : i32
    %dma_start3A_135 = arith.constant 0 : i32
    %dma_start3A_136 = tpu.memref_slice %arg4[%dma_start3A_134, %dma_start3A_135] : memref<10000x128xf32, #tpu.memory_space<hbm>> -> memref<10000x128xf32, #tpu.memory_space<hbm>>
    tpu.enqueue_indirect_dma source(%dma_start3A_136 : memref<10000x128xf32, #tpu.memory_space<hbm>>) target(%arg17 : memref<125x128xf32, #tpu.memory_space<vmem>>) offsets(%arg11 : memref<125xi32, #tpu.memory_space<vmem>>) semaphore(%arg23 : memref<!tpu.dma_semaphore, #tpu.memory_space<semaphore_mem>>)
    %dma_wait3A_137 = arith.constant 0 : i32
    %dma_wait3A_138 = arith.constant 0 : i32
    %dma_wait3A_139 = tpu.memref_slice %arg4[%dma_wait3A_137, %dma_wait3A_138] : memref<10000x128xf32, #tpu.memory_space<hbm>> -> memref<10000x128xf32, #tpu.memory_space<hbm>>
    tpu.wait_indirect_dma semaphore(%arg22 : memref<!tpu.dma_semaphore, #tpu.memory_space<semaphore_mem>>) src(%dma_wait3A_139 : memref<10000x128xf32, #tpu.memory_space<hbm>>) dst(%arg16 : memref<125x128xf32, #tpu.memory_space<vmem>>)
    "tpu.region"() ({
      %run_scoped3A = tpu.sem_alloc : memref<!tpu.dma_semaphore, #tpu.memory_space<semaphore_mem>>
      %dma_start3A_154 = arith.constant 0 : i32
      %dma_start3A_155 = arith.constant 0 : i32
      %dma_start3A_156 = tpu.memref_slice %arg24[%dma_start3A_154, %dma_start3A_155] : memref<10000x128xf32, #tpu.memory_space<vmem_shared>> -> memref<10000x128xf32, #tpu.memory_space<vmem_shared>>
      tpu.enqueue_indirect_dma source(%arg16 : memref<125x128xf32, #tpu.memory_space<vmem>>) target(%dma_start3A_156 : memref<10000x128xf32, #tpu.memory_space<vmem_shared>>) offsets(%arg14 : memref<125xi32, #tpu.memory_space<vmem>>) semaphore(%run_scoped3A : memref<!tpu.dma_semaphore, #tpu.memory_space<semaphore_mem>>) {add = true}
      %dma_wait3A_157 = arith.constant 0 : i32
      %dma_wait3A_158 = arith.constant 0 : i32
      %dma_wait3A_159 = tpu.memref_slice %arg24[%dma_wait3A_157, %dma_wait3A_158] : memref<10000x128xf32, #tpu.memory_space<vmem_shared>> -> memref<10000x128xf32, #tpu.memory_space<vmem_shared>>
      tpu.wait_indirect_dma semaphore(%run_scoped3A : memref<!tpu.dma_semaphore, #tpu.memory_space<semaphore_mem>>) src(%arg16 : memref<125x128xf32, #tpu.memory_space<vmem>>) dst(%dma_wait3A_159 : memref<10000x128xf32, #tpu.memory_space<vmem_shared>>)
      tpu.yield
    }) : () -> ()
    %dma_wait3A_140 = arith.constant 0 : i32
    %dma_wait3A_141 = arith.constant 0 : i32
    %dma_wait3A_142 = tpu.memref_slice %arg4[%dma_wait3A_140, %dma_wait3A_141] : memref<10000x128xf32, #tpu.memory_space<hbm>> -> memref<10000x128xf32, #tpu.memory_space<hbm>>
    tpu.wait_indirect_dma semaphore(%arg23 : memref<!tpu.dma_semaphore, #tpu.memory_space<semaphore_mem>>) src(%dma_wait3A_142 : memref<10000x128xf32, #tpu.memory_space<hbm>>) dst(%arg17 : memref<125x128xf32, #tpu.memory_space<vmem>>)
    "tpu.region"() ({
      %run_scoped3A = tpu.sem_alloc : memref<!tpu.dma_semaphore, #tpu.memory_space<semaphore_mem>>
      %dma_start3A_154 = arith.constant 0 : i32
      %dma_start3A_155 = arith.constant 0 : i32
      %dma_start3A_156 = tpu.memref_slice %arg24[%dma_start3A_154, %dma_start3A_155] : memref<10000x128xf32, #tpu.memory_space<vmem_shared>> -> memref<10000x128xf32, #tpu.memory_space<vmem_shared>>
      tpu.enqueue_indirect_dma source(%arg17 : memref<125x128xf32, #tpu.memory_space<vmem>>) target(%dma_start3A_156 : memref<10000x128xf32, #tpu.memory_space<vmem_shared>>) offsets(%arg15 : memref<125xi32, #tpu.memory_space<vmem>>) semaphore(%run_scoped3A : memref<!tpu.dma_semaphore, #tpu.memory_space<semaphore_mem>>) {add = true}
      %dma_wait3A_157 = arith.constant 0 : i32
      %dma_wait3A_158 = arith.constant 0 : i32
      %dma_wait3A_159 = tpu.memref_slice %arg24[%dma_wait3A_157, %dma_wait3A_158] : memref<10000x128xf32, #tpu.memory_space<vmem_shared>> -> memref<10000x128xf32, #tpu.memory_space<vmem_shared>>
      tpu.wait_indirect_dma semaphore(%run_scoped3A : memref<!tpu.dma_semaphore, #tpu.memory_space<semaphore_mem>>) src(%arg17 : memref<125x128xf32, #tpu.memory_space<vmem>>) dst(%dma_wait3A_159 : memref<10000x128xf32, #tpu.memory_space<vmem_shared>>)
      tpu.yield
    }) : () -> ()
    %barrier3A_143 = arith.constant 0 : index
    tpu.barrier barrier_id(%barrier3A_143)
    %eq3A_144 = arith.constant 0 : i32
    %eq3A_145 = arith.cmpi eq, %arg0, %eq3A_144 : i32
    %convert_element_type3A_146 = arith.extui %eq3A_145 : i1 to i32
    %cond3A_147 = arith.constant 0 : i32
    %cond3A_148 = arith.cmpi ne, %convert_element_type3A_146, %cond3A_147 : i32
    scf.if %cond3A_148 {
      %mul3A_154 = arith.constant 624 : i32
      %mul3A_155 = arith.muli %arg1, %mul3A_154 : i32
      %multiple_of3A_156 = tpu.assume_multiple %mul3A_155, 8 : i32
      "tpu.region"() ({
        %run_scoped3A = tpu.sem_alloc : memref<!tpu.dma_semaphore, #tpu.memory_space<semaphore_mem>>
        %dma_start3A_162 = arith.constant 0 : i32
        %dma_start3A_163 = tpu.memref_slice %arg6[%multiple_of3A_156, %dma_start3A_162] : memref<10000x128xf32, #tpu.memory_space<hbm>> -> memref<624x128xf32, #tpu.memory_space<hbm>>
        %dma_start3A_164 = arith.constant 0 : i32
        %dma_start3A_165 = tpu.memref_slice %arg24[%multiple_of3A_156, %dma_start3A_164] : memref<10000x128xf32, #tpu.memory_space<vmem_shared>> -> memref<624x128xf32, #tpu.memory_space<vmem_shared>>
        tpu.enqueue_dma source(%dma_start3A_165 : memref<624x128xf32, #tpu.memory_space<vmem_shared>>) target(%dma_start3A_163 : memref<624x128xf32, #tpu.memory_space<hbm>>) target_semaphore(%run_scoped3A : memref<!tpu.dma_semaphore, #tpu.memory_space<semaphore_mem>>)
        %dma_wait3A_166 = arith.constant 0 : i32
        %dma_wait3A_167 = tpu.memref_slice %arg6[%multiple_of3A_156, %dma_wait3A_166] : memref<10000x128xf32, #tpu.memory_space<hbm>> -> memref<624x128xf32, #tpu.memory_space<hbm>>
        %dma_wait3A_168 = arith.constant 0 : i32
        %dma_wait3A_169 = tpu.memref_slice %arg24[%multiple_of3A_156, %dma_wait3A_168] : memref<10000x128xf32, #tpu.memory_space<vmem_shared>> -> memref<624x128xf32, #tpu.memory_space<vmem_shared>>
        tpu.wait_dma2 semaphore(%run_scoped3A : memref<!tpu.dma_semaphore, #tpu.memory_space<semaphore_mem>>) src(%dma_wait3A_169 : memref<624x128xf32, #tpu.memory_space<vmem_shared>>) dst(%dma_wait3A_167 : memref<624x128xf32, #tpu.memory_space<hbm>>)
        tpu.yield
      }) : () -> ()
      %eq3A_157 = arith.constant 15 : i32
      %eq3A_158 = arith.cmpi eq, %arg1, %eq3A_157 : i32
      %convert_element_type3A_159 = arith.extui %eq3A_158 : i1 to i32
      %cond3A_160 = arith.constant 0 : i32
      %cond3A_161 = arith.cmpi ne, %convert_element_type3A_159, %cond3A_160 : i32
      scf.if %cond3A_161 {
        "tpu.region"() ({
          %run_scoped3A = tpu.sem_alloc : memref<!tpu.dma_semaphore, #tpu.memory_space<semaphore_mem>>
          %dma_start3A_162 = arith.constant 9984 : i32
          %dma_start3A_163 = arith.constant 0 : i32
          %dma_start3A_164 = tpu.memref_slice %arg6[%dma_start3A_162, %dma_start3A_163] : memref<10000x128xf32, #tpu.memory_space<hbm>> -> memref<16x128xf32, #tpu.memory_space<hbm>>
          %dma_start3A_165 = arith.constant 9984 : i32
          %dma_start3A_166 = arith.constant 0 : i32
          %dma_start3A_167 = tpu.memref_slice %arg24[%dma_start3A_165, %dma_start3A_166] : memref<10000x128xf32, #tpu.memory_space<vmem_shared>> -> memref<16x128xf32, #tpu.memory_space<vmem_shared>>
          tpu.enqueue_dma source(%dma_start3A_167 : memref<16x128xf32, #tpu.memory_space<vmem_shared>>) target(%dma_start3A_164 : memref<16x128xf32, #tpu.memory_space<hbm>>) target_semaphore(%run_scoped3A : memref<!tpu.dma_semaphore, #tpu.memory_space<semaphore_mem>>)
          %dma_wait3A_168 = arith.constant 9984 : i32
          %dma_wait3A_169 = arith.constant 0 : i32
          %dma_wait3A_170 = tpu.memref_slice %arg6[%dma_wait3A_168, %dma_wait3A_169] : memref<10000x128xf32, #tpu.memory_space<hbm>> -> memref<16x128xf32, #tpu.memory_space<hbm>>
          %dma_wait3A_171 = arith.constant 9984 : i32
          %dma_wait3A_172 = arith.constant 0 : i32
          %dma_wait3A_173 = tpu.memref_slice %arg24[%dma_wait3A_171, %dma_wait3A_172] : memref<10000x128xf32, #tpu.memory_space<vmem_shared>> -> memref<16x128xf32, #tpu.memory_space<vmem_shared>>
          tpu.wait_dma2 semaphore(%run_scoped3A : memref<!tpu.dma_semaphore, #tpu.memory_space<semaphore_mem>>) src(%dma_wait3A_173 : memref<16x128xf32, #tpu.memory_space<vmem_shared>>) dst(%dma_wait3A_170 : memref<16x128xf32, #tpu.memory_space<hbm>>)
          tpu.yield
        }) : () -> ()
      } else {
      }
    } else {
    }
    %eq3A_149 = arith.constant 1 : i32
    %eq3A_150 = arith.cmpi eq, %arg0, %eq3A_149 : i32
    %convert_element_type3A_151 = arith.extui %eq3A_150 : i1 to i32
    %cond3A_152 = arith.constant 0 : i32
    %cond3A_153 = arith.cmpi ne, %convert_element_type3A_151, %cond3A_152 : i32
    scf.if %cond3A_153 {
      %mul3A_154 = arith.constant 624 : i32
      %mul3A_155 = arith.muli %arg1, %mul3A_154 : i32
      %multiple_of3A_156 = tpu.assume_multiple %mul3A_155, 8 : i32
      "tpu.region"() ({
        %run_scoped3A = tpu.sem_alloc : memref<!tpu.dma_semaphore, #tpu.memory_space<semaphore_mem>>
        %dma_start3A_162 = arith.constant 0 : i32
        %dma_start3A_163 = tpu.memref_slice %arg7[%multiple_of3A_156, %dma_start3A_162] : memref<10000x128xf32, #tpu.memory_space<hbm>> -> memref<624x128xf32, #tpu.memory_space<hbm>>
        %dma_start3A_164 = arith.constant 0 : i32
        %dma_start3A_165 = tpu.memref_slice %arg24[%multiple_of3A_156, %dma_start3A_164] : memref<10000x128xf32, #tpu.memory_space<vmem_shared>> -> memref<624x128xf32, #tpu.memory_space<vmem_shared>>
        tpu.enqueue_dma source(%dma_start3A_165 : memref<624x128xf32, #tpu.memory_space<vmem_shared>>) target(%dma_start3A_163 : memref<624x128xf32, #tpu.memory_space<hbm>>) target_semaphore(%run_scoped3A : memref<!tpu.dma_semaphore, #tpu.memory_space<semaphore_mem>>)
        %dma_wait3A_166 = arith.constant 0 : i32
        %dma_wait3A_167 = tpu.memref_slice %arg7[%multiple_of3A_156, %dma_wait3A_166] : memref<10000x128xf32, #tpu.memory_space<hbm>> -> memref<624x128xf32, #tpu.memory_space<hbm>>
        %dma_wait3A_168 = arith.constant 0 : i32
        %dma_wait3A_169 = tpu.memref_slice %arg24[%multiple_of3A_156, %dma_wait3A_168] : memref<10000x128xf32, #tpu.memory_space<vmem_shared>> -> memref<624x128xf32, #tpu.memory_space<vmem_shared>>
        tpu.wait_dma2 semaphore(%run_scoped3A : memref<!tpu.dma_semaphore, #tpu.memory_space<semaphore_mem>>) src(%dma_wait3A_169 : memref<624x128xf32, #tpu.memory_space<vmem_shared>>) dst(%dma_wait3A_167 : memref<624x128xf32, #tpu.memory_space<hbm>>)
        tpu.yield
      }) : () -> ()
      %eq3A_157 = arith.constant 15 : i32
      %eq3A_158 = arith.cmpi eq, %arg1, %eq3A_157 : i32
      %convert_element_type3A_159 = arith.extui %eq3A_158 : i1 to i32
      %cond3A_160 = arith.constant 0 : i32
      %cond3A_161 = arith.cmpi ne, %convert_element_type3A_159, %cond3A_160 : i32
      scf.if %cond3A_161 {
        "tpu.region"() ({
          %run_scoped3A = tpu.sem_alloc : memref<!tpu.dma_semaphore, #tpu.memory_space<semaphore_mem>>
          %dma_start3A_162 = arith.constant 9984 : i32
          %dma_start3A_163 = arith.constant 0 : i32
          %dma_start3A_164 = tpu.memref_slice %arg7[%dma_start3A_162, %dma_start3A_163] : memref<10000x128xf32, #tpu.memory_space<hbm>> -> memref<16x128xf32, #tpu.memory_space<hbm>>
          %dma_start3A_165 = arith.constant 9984 : i32
          %dma_start3A_166 = arith.constant 0 : i32
          %dma_start3A_167 = tpu.memref_slice %arg24[%dma_start3A_165, %dma_start3A_166] : memref<10000x128xf32, #tpu.memory_space<vmem_shared>> -> memref<16x128xf32, #tpu.memory_space<vmem_shared>>
          tpu.enqueue_dma source(%dma_start3A_167 : memref<16x128xf32, #tpu.memory_space<vmem_shared>>) target(%dma_start3A_164 : memref<16x128xf32, #tpu.memory_space<hbm>>) target_semaphore(%run_scoped3A : memref<!tpu.dma_semaphore, #tpu.memory_space<semaphore_mem>>)
          %dma_wait3A_168 = arith.constant 9984 : i32
          %dma_wait3A_169 = arith.constant 0 : i32
          %dma_wait3A_170 = tpu.memref_slice %arg7[%dma_wait3A_168, %dma_wait3A_169] : memref<10000x128xf32, #tpu.memory_space<hbm>> -> memref<16x128xf32, #tpu.memory_space<hbm>>
          %dma_wait3A_171 = arith.constant 9984 : i32
          %dma_wait3A_172 = arith.constant 0 : i32
          %dma_wait3A_173 = tpu.memref_slice %arg24[%dma_wait3A_171, %dma_wait3A_172] : memref<10000x128xf32, #tpu.memory_space<vmem_shared>> -> memref<16x128xf32, #tpu.memory_space<vmem_shared>>
          tpu.wait_dma2 semaphore(%run_scoped3A : memref<!tpu.dma_semaphore, #tpu.memory_space<semaphore_mem>>) src(%dma_wait3A_173 : memref<16x128xf32, #tpu.memory_space<vmem_shared>>) dst(%dma_wait3A_170 : memref<16x128xf32, #tpu.memory_space<hbm>>)
          tpu.yield
        }) : () -> ()
      } else {
      }
    } else {
    }
    return
  }
}

module attributes {stable_mosaic.version = 14 : i64} {
  func.func @_mmx_body(%arg0: i32, %arg1: memref<2000x128xf32, #tpu.memory_space<vmem>>, %arg2: memref<2000x128xf32, #tpu.memory_space<vmem>>, %arg3: memref<2000x128xf32, #tpu.memory_space<vmem>>, %arg4: memref<2000x128xf32, #tpu.memory_space<vmem>>, %arg5: memref<2000x16xf32, #tpu.memory_space<vmem>>) attributes {dimension_semantics = [#tpu.dimension_semantics<arbitrary>], iteration_bounds = array<i64: 5>, scalar_prefetch = 0 : i64, scratch_operands = 0 : i64, tpu.core_type = #tpu.core_type<tc>, window_params = [{transform_indices = @transform_0, window_bounds = array<i64: 2000, 128>}, {transform_indices = @transform_1, window_bounds = array<i64: 2000, 128>}, {transform_indices = @transform_2, window_bounds = array<i64: 2000, 128>}, {transform_indices = @transform_3, window_bounds = array<i64: 2000, 128>}, {transform_indices = @transform_4, window_bounds = array<i64: 2000, 16>}]} {
    %get3A = arith.constant 0 : index
    %get3A_0 = arith.constant 0 : index
    %get3A_1 = vector.load %arg2[%get3A, %get3A_0] : memref<2000x128xf32, #tpu.memory_space<vmem>>, vector<2000x1xf32>
    %get3A_2 = arith.constant 0 : index
    %get3A_3 = arith.constant 0 : index
    %get3A_4 = vector.load %arg3[%get3A_2, %get3A_3] : memref<2000x128xf32, #tpu.memory_space<vmem>>, vector<2000x1xf32>
    %add3A = arith.addf %get3A_1, %get3A_4 : vector<2000x1xf32>
    %add3A_5 = arith.constant 1.000000e+00 : f32
    %add3A_6 = vector.broadcast %add3A_5 : f32 to vector<2000x1xf32>
    %add3A_7 = arith.addf %add3A, %add3A_6 : vector<2000x1xf32>
    %rsqrt3A = math.rsqrt %add3A_7 : vector<2000x1xf32>
    %broadcast_in_dim3A = vector.shape_cast %rsqrt3A : vector<2000x1xf32> to vector<2000x1xf32>
    %broadcast_in_dim3A_8 = vector.broadcast %broadcast_in_dim3A : vector<2000x1xf32> to vector<2000x16xf32>
    %swap3A = arith.constant 0 : index
    %swap3A_9 = arith.constant 0 : index
    %swap3A_10 = vector.load %arg5[%swap3A, %swap3A_9] : memref<2000x16xf32, #tpu.memory_space<vmem>>, vector<2000x16xf32>
    tpu.vector_store %arg5[%swap3A, %swap3A_9], %broadcast_in_dim3A_8 {strides = array<i32>} : memref<2000x16xf32, #tpu.memory_space<vmem>>, vector<2000x16xf32>,
    %get3A_11 = arith.constant 0 : index
    %get3A_12 = arith.constant 0 : index
    %get3A_13 = vector.load %arg1[%get3A_11, %get3A_12] : memref<2000x128xf32, #tpu.memory_space<vmem>>, vector<2000x128xf32>
    %mul3A = vector.broadcast %rsqrt3A : vector<2000x1xf32> to vector<2000x128xf32>
    %mul3A_14 = arith.mulf %get3A_13, %mul3A : vector<2000x128xf32>
    %swap3A_15 = arith.constant 0 : index
    %swap3A_16 = arith.constant 0 : index
    %swap3A_17 = vector.load %arg4[%swap3A_15, %swap3A_16] : memref<2000x128xf32, #tpu.memory_space<vmem>>, vector<2000x128xf32>
    tpu.vector_store %arg4[%swap3A_15, %swap3A_16], %mul3A_14 {strides = array<i32>} : memref<2000x128xf32, #tpu.memory_space<vmem>>, vector<2000x128xf32>,
    return
  }
  func.func @transform_0(%arg0: i32) -> (i32, i32) {
    %c0_i32 = arith.constant 0 : i32
    %c0_i32_0 = arith.constant 0 : i32
    return %arg0, %c0_i32 : i32, i32
  }
  func.func @transform_1(%arg0: i32) -> (i32, i32) {
    %c0_i32 = arith.constant 0 : i32
    %c0_i32_0 = arith.constant 0 : i32
    return %arg0, %c0_i32 : i32, i32
  }
  func.func @transform_2(%arg0: i32) -> (i32, i32) {
    %c0_i32 = arith.constant 0 : i32
    %c0_i32_0 = arith.constant 0 : i32
    return %arg0, %c0_i32 : i32, i32
  }
  func.func @transform_3(%arg0: i32) -> (i32, i32) {
    %c0_i32 = arith.constant 0 : i32
    %c0_i32_0 = arith.constant 0 : i32
    return %arg0, %c0_i32 : i32, i32
  }
  func.func @transform_4(%arg0: i32) -> (i32, i32) {
    %c0_i32 = arith.constant 0 : i32
    %c0_i32_0 = arith.constant 0 : i32
    return %arg0, %c0_i32 : i32, i32
  }
}

module attributes {stable_mosaic.version = 14 : i64} {
  func.func @_postx_body(%arg0: i32, %arg1: memref<2000x128xf32, #tpu.memory_space<vmem>>, %arg2: memref<2000x128xf32, #tpu.memory_space<vmem>>, %arg3: memref<2000x128xf32, #tpu.memory_space<vmem>>, %arg4: memref<2000x16xf32, #tpu.memory_space<vmem>>, %arg5: memref<2000x128xi32, #tpu.memory_space<vmem>>, %arg6: memref<128x256xf32, #tpu.memory_space<vmem>>, %arg7: memref<256x128xf32, #tpu.memory_space<vmem>>, %arg8: memref<2000x256xf32, #tpu.memory_space<vmem>>, %arg9: memref<128x256xf32, #tpu.memory_space<vmem>>, %arg10: memref<128x128xf32, #tpu.memory_space<vmem>>, %arg11: memref<2000x128xf32, #tpu.memory_space<vmem>>) attributes {dimension_semantics = [#tpu.dimension_semantics<arbitrary>], iteration_bounds = array<i64: 5>, scalar_prefetch = 0 : i64, scratch_operands = 0 : i64, tpu.core_type = #tpu.core_type<tc>, window_params = [{transform_indices = @transform_0, window_bounds = array<i64: 2000, 128>}, {transform_indices = @transform_1, window_bounds = array<i64: 2000, 128>}, {transform_indices = @transform_2, window_bounds = array<i64: 2000, 128>}, {transform_indices = @transform_3, window_bounds = array<i64: 2000, 16>}, {transform_indices = @transform_4, window_bounds = array<i64: 2000, 128>}, {pipeline_mode = #tpu.pipeline_mode<synchronous>, transform_indices = @transform_5, window_bounds = array<i64: 128, 256>}, {pipeline_mode = #tpu.pipeline_mode<synchronous>, transform_indices = @transform_6, window_bounds = array<i64: 256, 128>}, {transform_indices = @transform_7, window_bounds = array<i64: 2000, 256>}, {pipeline_mode = #tpu.pipeline_mode<synchronous>, transform_indices = @transform_8, window_bounds = array<i64: 128, 256>}, {pipeline_mode = #tpu.pipeline_mode<synchronous>, transform_indices = @transform_9, window_bounds = array<i64: 128, 128>}, {transform_indices = @transform_10, window_bounds = array<i64: 2000, 128>}]} {
    %get3A = arith.constant 0 : index
    %get3A_0 = arith.constant 0 : index
    %get3A_1 = vector.load %arg4[%get3A, %get3A_0] : memref<2000x16xf32, #tpu.memory_space<vmem>>, vector<2000x1xf32>
    %get3A_2 = arith.constant 0 : index
    %get3A_3 = arith.constant 0 : index
    %get3A_4 = vector.load %arg1[%get3A_2, %get3A_3] : memref<2000x128xf32, #tpu.memory_space<vmem>>, vector<2000x128xf32>
    %get3A_5 = arith.constant 0 : index
    %get3A_6 = arith.constant 0 : index
    %get3A_7 = vector.load %arg2[%get3A_5, %get3A_6] : memref<2000x128xf32, #tpu.memory_space<vmem>>, vector<2000x128xf32>
    %add3A = arith.addf %get3A_4, %get3A_7 : vector<2000x128xf32>
    %get3A_8 = arith.constant 0 : index
    %get3A_9 = arith.constant 0 : index
    %get3A_10 = vector.load %arg3[%get3A_8, %get3A_9] : memref<2000x128xf32, #tpu.memory_space<vmem>>, vector<2000x128xf32>
    %add3A_11 = arith.addf %add3A, %get3A_10 : vector<2000x128xf32>
    %mul3A = vector.broadcast %get3A_1 : vector<2000x1xf32> to vector<2000x128xf32>
    %mul3A_12 = arith.mulf %add3A_11, %mul3A : vector<2000x128xf32>
    %get3A_13 = arith.constant 0 : index
    %get3A_14 = arith.constant 0 : index
    %get3A_15 = vector.load %arg6[%get3A_13, %get3A_14] : memref<128x256xf32, #tpu.memory_space<vmem>>, vector<128x256xf32>
    %dot_general3A = arith.constant dense<0.000000e+00> : vector<2000x256xf32>
    %dot_general3A_16 = tpu.matmul %mul3A_12, %get3A_15, %dot_general3A {dimension_numbers = #tpu.dot_dimension_numbers<[1], [0], [0], [1], [0, 0, 1, 1], [], []>, transpose_lhs_hint = false} : vector<2000x128xf32>, vector<128x256xf32>, vector<2000x256xf32> -> vector<2000x256xf32>
    %max3A = arith.constant 0.000000e+00 : f32
    %max3A_17 = vector.broadcast %max3A : f32 to vector<2000x256xf32>
    %max3A_18 = arith.maximumf %dot_general3A_16, %max3A_17 : vector<2000x256xf32>
    %swap3A = arith.constant 0 : index
    %swap3A_19 = arith.constant 0 : index
    %swap3A_20 = vector.load %arg8[%swap3A, %swap3A_19] : memref<2000x256xf32, #tpu.memory_space<vmem>>, vector<2000x256xf32>
    tpu.vector_store %arg8[%swap3A, %swap3A_19], %max3A_18 {strides = array<i32>} : memref<2000x256xf32, #tpu.memory_space<vmem>>, vector<2000x256xf32>,
    %get3A_21 = arith.constant 0 : index
    %get3A_22 = arith.constant 0 : index
    %get3A_23 = vector.load %arg7[%get3A_21, %get3A_22] : memref<256x128xf32, #tpu.memory_space<vmem>>, vector<256x128xf32>
    %dot_general3A_24 = arith.constant dense<0.000000e+00> : vector<2000x128xf32>
    %dot_general3A_25 = tpu.matmul %max3A_18, %get3A_23, %dot_general3A_24 {dimension_numbers = #tpu.dot_dimension_numbers<[1], [0], [0], [1], [0, 0, 1, 1], [], []>, transpose_lhs_hint = false} : vector<2000x256xf32>, vector<256x128xf32>, vector<2000x128xf32> -> vector<2000x128xf32>
    %mul3A_26 = vector.broadcast %get3A_1 : vector<2000x1xf32> to vector<2000x128xf32>
    %mul3A_27 = arith.mulf %dot_general3A_25, %mul3A_26 : vector<2000x128xf32>
    %swap3A_28 = arith.constant 0 : index
    %swap3A_29 = arith.constant 0 : index
    %swap3A_30 = vector.load %arg11[%swap3A_28, %swap3A_29] : memref<2000x128xf32, #tpu.memory_space<vmem>>, vector<2000x128xf32>
    tpu.vector_store %arg11[%swap3A_28, %swap3A_29], %mul3A_27 {strides = array<i32>} : memref<2000x128xf32, #tpu.memory_space<vmem>>, vector<2000x128xf32>,
    %get3A_31 = arith.constant 0 : index
    %get3A_32 = arith.constant 0 : index
    %get3A_33 = vector.load %arg5[%get3A_31, %get3A_32] : memref<2000x128xi32, #tpu.memory_space<vmem>>, vector<2000x128xi32>
    %iota3A = tpu.iota {dimensions = array<i32: 1>} : vector<2000x128xi32>
    %eq3A = arith.cmpi eq, %get3A_33, %iota3A : vector<2000x128xi32>
    %convert_element_type3A = arith.extui %eq3A : vector<2000x128xi1> to vector<2000x128xi32>
    %convert_element_type3A_34 = arith.sitofp %convert_element_type3A : vector<2000x128xi32> to vector<2000x128xf32>
    %dot_general3A_35 = arith.constant dense<0.000000e+00> : vector<128x256xf32>
    %dot_general3A_36 = tpu.matmul %convert_element_type3A_34, %max3A_18, %dot_general3A_35 {dimension_numbers = #tpu.dot_dimension_numbers<[0], [0], [1], [1], [0, 1, 1, 1], [], []>, transpose_lhs_hint = false} : vector<2000x128xf32>, vector<2000x256xf32>, vector<128x256xf32> -> vector<128x256xf32>
    %broadcast_in_dim3A = arith.constant 1.000000e+00 : f32
    %broadcast_in_dim3A_37 = vector.broadcast %broadcast_in_dim3A : f32 to vector<2000x128xf32>
    %dot_general3A_38 = arith.constant dense<0.000000e+00> : vector<128x128xf32>
    %dot_general3A_39 = tpu.matmul %convert_element_type3A_34, %broadcast_in_dim3A_37, %dot_general3A_38 {dimension_numbers = #tpu.dot_dimension_numbers<[0], [0], [1], [1], [0, 1, 1, 1], [], []>, transpose_lhs_hint = false} : vector<2000x128xf32>, vector<2000x128xf32>, vector<128x128xf32> -> vector<128x128xf32>
    %eq3A_40 = arith.constant 0 : i32
    %eq3A_41 = arith.cmpi eq, %arg0, %eq3A_40 : i32
    %convert_element_type3A_42 = arith.extui %eq3A_41 : i1 to i32
    %cond3A = arith.constant 0 : i32
    %cond3A_43 = arith.cmpi ne, %convert_element_type3A_42, %cond3A : i32
    scf.if %cond3A_43 {
      %broadcast_in_dim3A_58 = arith.constant 0.000000e+00 : f32
      %broadcast_in_dim3A_59 = vector.broadcast %broadcast_in_dim3A_58 : f32 to vector<128x256xf32>
      %swap3A_60 = arith.constant 0 : index
      %swap3A_61 = arith.constant 0 : index
      %swap3A_62 = vector.load %arg9[%swap3A_60, %swap3A_61] : memref<128x256xf32, #tpu.memory_space<vmem>>, vector<128x256xf32>
      tpu.vector_store %arg9[%swap3A_60, %swap3A_61], %broadcast_in_dim3A_59 {strides = array<i32>} : memref<128x256xf32, #tpu.memory_space<vmem>>, vector<128x256xf32>,
      %broadcast_in_dim3A_63 = arith.constant 0.000000e+00 : f32
      %broadcast_in_dim3A_64 = vector.broadcast %broadcast_in_dim3A_63 : f32 to vector<128x128xf32>
      %swap3A_65 = arith.constant 0 : index
      %swap3A_66 = arith.constant 0 : index
      %swap3A_67 = vector.load %arg10[%swap3A_65, %swap3A_66] : memref<128x128xf32, #tpu.memory_space<vmem>>, vector<128x128xf32>
      tpu.vector_store %arg10[%swap3A_65, %swap3A_66], %broadcast_in_dim3A_64 {strides = array<i32>} : memref<128x128xf32, #tpu.memory_space<vmem>>, vector<128x128xf32>,
    } else {
    }
    %get3A_44 = arith.constant 0 : index
    %get3A_45 = arith.constant 0 : index
    %get3A_46 = vector.load %arg9[%get3A_44, %get3A_45] : memref<128x256xf32, #tpu.memory_space<vmem>>, vector<128x256xf32>
    %add3A_47 = arith.addf %get3A_46, %dot_general3A_36 : vector<128x256xf32>
    %swap3A_48 = arith.constant 0 : index
    %swap3A_49 = arith.constant 0 : index
    %swap3A_50 = vector.load %arg9[%swap3A_48, %swap3A_49] : memref<128x256xf32, #tpu.memory_space<vmem>>, vector<128x256xf32>
    tpu.vector_store %arg9[%swap3A_48, %swap3A_49], %add3A_47 {strides = array<i32>} : memref<128x256xf32, #tpu.memory_space<vmem>>, vector<128x256xf32>,
    %get3A_51 = arith.constant 0 : index
    %get3A_52 = arith.constant 0 : index
    %get3A_53 = vector.load %arg10[%get3A_51, %get3A_52] : memref<128x128xf32, #tpu.memory_space<vmem>>, vector<128x128xf32>
    %add3A_54 = arith.addf %get3A_53, %dot_general3A_39 : vector<128x128xf32>
    %swap3A_55 = arith.constant 0 : index
    %swap3A_56 = arith.constant 0 : index
    %swap3A_57 = vector.load %arg10[%swap3A_55, %swap3A_56] : memref<128x128xf32, #tpu.memory_space<vmem>>, vector<128x128xf32>
    tpu.vector_store %arg10[%swap3A_55, %swap3A_56], %add3A_54 {strides = array<i32>} : memref<128x128xf32, #tpu.memory_space<vmem>>, vector<128x128xf32>,
    return
  }
  func.func @transform_0(%arg0: i32) -> (i32, i32) {
    %c0_i32 = arith.constant 0 : i32
    %c0_i32_0 = arith.constant 0 : i32
    return %arg0, %c0_i32 : i32, i32
  }
  func.func @transform_1(%arg0: i32) -> (i32, i32) {
    %c0_i32 = arith.constant 0 : i32
    %c0_i32_0 = arith.constant 0 : i32
    return %arg0, %c0_i32 : i32, i32
  }
  func.func @transform_2(%arg0: i32) -> (i32, i32) {
    %c0_i32 = arith.constant 0 : i32
    %c0_i32_0 = arith.constant 0 : i32
    return %arg0, %c0_i32 : i32, i32
  }
  func.func @transform_3(%arg0: i32) -> (i32, i32) {
    %c0_i32 = arith.constant 0 : i32
    %c0_i32_0 = arith.constant 0 : i32
    return %arg0, %c0_i32 : i32, i32
  }
  func.func @transform_4(%arg0: i32) -> (i32, i32) {
    %c0_i32 = arith.constant 0 : i32
    %c0_i32_0 = arith.constant 0 : i32
    return %arg0, %c0_i32 : i32, i32
  }
  func.func @transform_5(%arg0: i32) -> (i32, i32) {
    %c0_i32 = arith.constant 0 : i32
    %c0_i32_0 = arith.constant 0 : i32
    %c0_i32_1 = arith.constant 0 : i32
    return %c0_i32, %c0_i32_0 : i32, i32
  }
  func.func @transform_6(%arg0: i32) -> (i32, i32) {
    %c0_i32 = arith.constant 0 : i32
    %c0_i32_0 = arith.constant 0 : i32
    %c0_i32_1 = arith.constant 0 : i32
    return %c0_i32, %c0_i32_0 : i32, i32
  }
  func.func @transform_7(%arg0: i32) -> (i32, i32) {
    %c0_i32 = arith.constant 0 : i32
    %c0_i32_0 = arith.constant 0 : i32
    return %arg0, %c0_i32 : i32, i32
  }
  func.func @transform_8(%arg0: i32) -> (i32, i32) {
    %c0_i32 = arith.constant 0 : i32
    %c0_i32_0 = arith.constant 0 : i32
    %c0_i32_1 = arith.constant 0 : i32
    return %c0_i32, %c0_i32_0 : i32, i32
  }
  func.func @transform_9(%arg0: i32) -> (i32, i32) {
    %c0_i32 = arith.constant 0 : i32
    %c0_i32_0 = arith.constant 0 : i32
    %c0_i32_1 = arith.constant 0 : i32
    return %c0_i32, %c0_i32_0 : i32, i32
  }
  func.func @transform_10(%arg0: i32) -> (i32, i32) {
    %c0_i32 = arith.constant 0 : i32
    %c0_i32_0 = arith.constant 0 : i32
    return %arg0, %c0_i32 : i32, i32
  }
}

module attributes {stable_mosaic.version = 14 : i64} {
  func.func @_post2w_body(%arg0: i32, %arg1: memref<2000x128xf32, #tpu.memory_space<vmem>>, %arg2: memref<2000x128xf32, #tpu.memory_space<vmem>>, %arg3: memref<2000x128xf32, #tpu.memory_space<vmem>>, %arg4: memref<2000x16xf32, #tpu.memory_space<vmem>>, %arg5: memref<2000x128xi32, #tpu.memory_space<vmem>>, %arg6: memref<128x128xf32, #tpu.memory_space<vmem>>, %arg7: memref<2000x128xf32, #tpu.memory_space<vmem>>, %arg8: memref<128x128xf32, #tpu.memory_space<vmem>>, %arg9: memref<2000x128xf32, #tpu.memory_space<vmem>>) attributes {dimension_semantics = [#tpu.dimension_semantics<arbitrary>], iteration_bounds = array<i64: 5>, scalar_prefetch = 0 : i64, scratch_operands = 0 : i64, tpu.core_type = #tpu.core_type<tc>, window_params = [{transform_indices = @transform_0, window_bounds = array<i64: 2000, 128>}, {transform_indices = @transform_1, window_bounds = array<i64: 2000, 128>}, {transform_indices = @transform_2, window_bounds = array<i64: 2000, 128>}, {transform_indices = @transform_3, window_bounds = array<i64: 2000, 16>}, {transform_indices = @transform_4, window_bounds = array<i64: 2000, 128>}, {pipeline_mode = #tpu.pipeline_mode<synchronous>, transform_indices = @transform_5, window_bounds = array<i64: 128, 128>}, {transform_indices = @transform_6, window_bounds = array<i64: 2000, 128>}, {pipeline_mode = #tpu.pipeline_mode<synchronous>, transform_indices = @transform_7, window_bounds = array<i64: 128, 128>}, {transform_indices = @transform_8, window_bounds = array<i64: 2000, 128>}]} {
    %get3A = arith.constant 0 : index
    %get3A_0 = arith.constant 0 : index
    %get3A_1 = vector.load %arg4[%get3A, %get3A_0] : memref<2000x16xf32, #tpu.memory_space<vmem>>, vector<2000x1xf32>
    %get3A_2 = arith.constant 0 : index
    %get3A_3 = arith.constant 0 : index
    %get3A_4 = vector.load %arg1[%get3A_2, %get3A_3] : memref<2000x128xf32, #tpu.memory_space<vmem>>, vector<2000x128xf32>
    %get3A_5 = arith.constant 0 : index
    %get3A_6 = arith.constant 0 : index
    %get3A_7 = vector.load %arg2[%get3A_5, %get3A_6] : memref<2000x128xf32, #tpu.memory_space<vmem>>, vector<2000x128xf32>
    %add3A = arith.addf %get3A_4, %get3A_7 : vector<2000x128xf32>
    %get3A_8 = arith.constant 0 : index
    %get3A_9 = arith.constant 0 : index
    %get3A_10 = vector.load %arg3[%get3A_8, %get3A_9] : memref<2000x128xf32, #tpu.memory_space<vmem>>, vector<2000x128xf32>
    %add3A_11 = arith.addf %add3A, %get3A_10 : vector<2000x128xf32>
    %mul3A = vector.broadcast %get3A_1 : vector<2000x1xf32> to vector<2000x128xf32>
    %mul3A_12 = arith.mulf %add3A_11, %mul3A : vector<2000x128xf32>
    %max3A = arith.constant 0.000000e+00 : f32
    %max3A_13 = vector.broadcast %max3A : f32 to vector<2000x128xf32>
    %max3A_14 = arith.maximumf %mul3A_12, %max3A_13 : vector<2000x128xf32>
    %swap3A = arith.constant 0 : index
    %swap3A_15 = arith.constant 0 : index
    %swap3A_16 = vector.load %arg7[%swap3A, %swap3A_15] : memref<2000x128xf32, #tpu.memory_space<vmem>>, vector<2000x128xf32>
    tpu.vector_store %arg7[%swap3A, %swap3A_15], %max3A_14 {strides = array<i32>} : memref<2000x128xf32, #tpu.memory_space<vmem>>, vector<2000x128xf32>,
    %get3A_17 = arith.constant 0 : index
    %get3A_18 = arith.constant 0 : index
    %get3A_19 = vector.load %arg6[%get3A_17, %get3A_18] : memref<128x128xf32, #tpu.memory_space<vmem>>, vector<128x128xf32>
    %dot_general3A = arith.constant dense<0.000000e+00> : vector<2000x128xf32>
    %dot_general3A_20 = tpu.matmul %max3A_14, %get3A_19, %dot_general3A {dimension_numbers = #tpu.dot_dimension_numbers<[1], [0], [0], [1], [0, 0, 1, 1], [], []>, transpose_lhs_hint = false} : vector<2000x128xf32>, vector<128x128xf32>, vector<2000x128xf32> -> vector<2000x128xf32>
    %mul3A_21 = vector.broadcast %get3A_1 : vector<2000x1xf32> to vector<2000x128xf32>
    %mul3A_22 = arith.mulf %dot_general3A_20, %mul3A_21 : vector<2000x128xf32>
    %swap3A_23 = arith.constant 0 : index
    %swap3A_24 = arith.constant 0 : index
    %swap3A_25 = vector.load %arg9[%swap3A_23, %swap3A_24] : memref<2000x128xf32, #tpu.memory_space<vmem>>, vector<2000x128xf32>
    tpu.vector_store %arg9[%swap3A_23, %swap3A_24], %mul3A_22 {strides = array<i32>} : memref<2000x128xf32, #tpu.memory_space<vmem>>, vector<2000x128xf32>,
    %get3A_26 = arith.constant 0 : index
    %get3A_27 = arith.constant 0 : index
    %get3A_28 = vector.load %arg5[%get3A_26, %get3A_27] : memref<2000x128xi32, #tpu.memory_space<vmem>>, vector<2000x128xi32>
    %iota3A = tpu.iota {dimensions = array<i32: 1>} : vector<2000x128xi32>
    %eq3A = arith.cmpi eq, %get3A_28, %iota3A : vector<2000x128xi32>
    %convert_element_type3A = arith.extui %eq3A : vector<2000x128xi1> to vector<2000x128xi32>
    %convert_element_type3A_29 = arith.sitofp %convert_element_type3A : vector<2000x128xi32> to vector<2000x128xf32>
    %dot_general3A_30 = arith.constant dense<0.000000e+00> : vector<128x128xf32>
    %dot_general3A_31 = tpu.matmul %convert_element_type3A_29, %max3A_14, %dot_general3A_30 {dimension_numbers = #tpu.dot_dimension_numbers<[0], [0], [1], [1], [0, 1, 1, 1], [], []>, transpose_lhs_hint = false} : vector<2000x128xf32>, vector<2000x128xf32>, vector<128x128xf32> -> vector<128x128xf32>
    %eq3A_32 = arith.constant 0 : i32
    %eq3A_33 = arith.cmpi eq, %arg0, %eq3A_32 : i32
    %convert_element_type3A_34 = arith.extui %eq3A_33 : i1 to i32
    %cond3A = arith.constant 0 : i32
    %cond3A_35 = arith.cmpi ne, %convert_element_type3A_34, %cond3A : i32
    scf.if %cond3A_35 {
      %broadcast_in_dim3A = arith.constant 0.000000e+00 : f32
      %broadcast_in_dim3A_43 = vector.broadcast %broadcast_in_dim3A : f32 to vector<128x128xf32>
      %swap3A_44 = arith.constant 0 : index
      %swap3A_45 = arith.constant 0 : index
      %swap3A_46 = vector.load %arg8[%swap3A_44, %swap3A_45] : memref<128x128xf32, #tpu.memory_space<vmem>>, vector<128x128xf32>
      tpu.vector_store %arg8[%swap3A_44, %swap3A_45], %broadcast_in_dim3A_43 {strides = array<i32>} : memref<128x128xf32, #tpu.memory_space<vmem>>, vector<128x128xf32>,
    } else {
    }
    %get3A_36 = arith.constant 0 : index
    %get3A_37 = arith.constant 0 : index
    %get3A_38 = vector.load %arg8[%get3A_36, %get3A_37] : memref<128x128xf32, #tpu.memory_space<vmem>>, vector<128x128xf32>
    %add3A_39 = arith.addf %get3A_38, %dot_general3A_31 : vector<128x128xf32>
    %swap3A_40 = arith.constant 0 : index
    %swap3A_41 = arith.constant 0 : index
    %swap3A_42 = vector.load %arg8[%swap3A_40, %swap3A_41] : memref<128x128xf32, #tpu.memory_space<vmem>>, vector<128x128xf32>
    tpu.vector_store %arg8[%swap3A_40, %swap3A_41], %add3A_39 {strides = array<i32>} : memref<128x128xf32, #tpu.memory_space<vmem>>, vector<128x128xf32>,
    return
  }
  func.func @transform_0(%arg0: i32) -> (i32, i32) {
    %c0_i32 = arith.constant 0 : i32
    %c0_i32_0 = arith.constant 0 : i32
    return %arg0, %c0_i32 : i32, i32
  }
  func.func @transform_1(%arg0: i32) -> (i32, i32) {
    %c0_i32 = arith.constant 0 : i32
    %c0_i32_0 = arith.constant 0 : i32
    return %arg0, %c0_i32 : i32, i32
  }
  func.func @transform_2(%arg0: i32) -> (i32, i32) {
    %c0_i32 = arith.constant 0 : i32
    %c0_i32_0 = arith.constant 0 : i32
    return %arg0, %c0_i32 : i32, i32
  }
  func.func @transform_3(%arg0: i32) -> (i32, i32) {
    %c0_i32 = arith.constant 0 : i32
    %c0_i32_0 = arith.constant 0 : i32
    return %arg0, %c0_i32 : i32, i32
  }
  func.func @transform_4(%arg0: i32) -> (i32, i32) {
    %c0_i32 = arith.constant 0 : i32
    %c0_i32_0 = arith.constant 0 : i32
    return %arg0, %c0_i32 : i32, i32
  }
  func.func @transform_5(%arg0: i32) -> (i32, i32) {
    %c0_i32 = arith.constant 0 : i32
    %c0_i32_0 = arith.constant 0 : i32
    %c0_i32_1 = arith.constant 0 : i32
    return %c0_i32, %c0_i32_0 : i32, i32
  }
  func.func @transform_6(%arg0: i32) -> (i32, i32) {
    %c0_i32 = arith.constant 0 : i32
    %c0_i32_0 = arith.constant 0 : i32
    return %arg0, %c0_i32 : i32, i32
  }
  func.func @transform_7(%arg0: i32) -> (i32, i32) {
    %c0_i32 = arith.constant 0 : i32
    %c0_i32_0 = arith.constant 0 : i32
    %c0_i32_1 = arith.constant 0 : i32
    return %c0_i32, %c0_i32_0 : i32, i32
  }
  func.func @transform_8(%arg0: i32) -> (i32, i32) {
    %c0_i32 = arith.constant 0 : i32
    %c0_i32_0 = arith.constant 0 : i32
    return %arg0, %c0_i32 : i32, i32
  }
}

module attributes {stable_mosaic.version = 14 : i64} {
  func.func @_pool_body(%arg0: i32, %arg1: memref<2000x256xf32, #tpu.memory_space<vmem>>, %arg2: memref<2000x128xi32, #tpu.memory_space<vmem>>, %arg3: memref<128x256xf32, #tpu.memory_space<vmem>>, %arg4: memref<128x128xf32, #tpu.memory_space<vmem>>, %arg5: memref<256x256xf32, #tpu.memory_space<vmem>>, %arg6: memref<128x256xf32, #tpu.memory_space<vmem>>) attributes {dimension_semantics = [#tpu.dimension_semantics<arbitrary>], iteration_bounds = array<i64: 5>, scalar_prefetch = 0 : i64, scratch_operands = 0 : i64, tpu.core_type = #tpu.core_type<tc>, window_params = [{transform_indices = @transform_0, window_bounds = array<i64: 2000, 256>}, {transform_indices = @transform_1, window_bounds = array<i64: 2000, 128>}, {pipeline_mode = #tpu.pipeline_mode<synchronous>, transform_indices = @transform_2, window_bounds = array<i64: 128, 256>}, {pipeline_mode = #tpu.pipeline_mode<synchronous>, transform_indices = @transform_3, window_bounds = array<i64: 128, 128>}, {pipeline_mode = #tpu.pipeline_mode<synchronous>, transform_indices = @transform_4, window_bounds = array<i64: 256, 256>}, {pipeline_mode = #tpu.pipeline_mode<synchronous>, transform_indices = @transform_5, window_bounds = array<i64: 128, 256>}]} {
    %get3A = arith.constant 0 : index
    %get3A_0 = arith.constant 0 : index
    %get3A_1 = vector.load %arg3[%get3A, %get3A_0] : memref<128x256xf32, #tpu.memory_space<vmem>>, vector<128x256xf32>
    %get3A_2 = arith.constant 0 : index
    %get3A_3 = arith.constant 0 : index
    %get3A_4 = vector.load %arg4[%get3A_2, %get3A_3] : memref<128x128xf32, #tpu.memory_space<vmem>>, vector<128x1xf32>
    %max3A = arith.constant 1.000000e+00 : f32
    %max3A_5 = vector.broadcast %max3A : f32 to vector<128x1xf32>
    %max3A_6 = arith.maximumf %get3A_4, %max3A_5 : vector<128x1xf32>
    %div3A = vector.broadcast %max3A_6 : vector<128x1xf32> to vector<128x256xf32>
    %div3A_7 = arith.divf %get3A_1, %div3A : vector<128x256xf32>
    %get3A_8 = arith.constant 0 : index
    %get3A_9 = arith.constant 0 : index
    %get3A_10 = vector.load %arg5[%get3A_8, %get3A_9] : memref<256x256xf32, #tpu.memory_space<vmem>>, vector<256x256xf32>
    %dot_general3A = arith.constant dense<0.000000e+00> : vector<128x256xf32>
    %dot_general3A_11 = tpu.matmul %div3A_7, %get3A_10, %dot_general3A {dimension_numbers = #tpu.dot_dimension_numbers<[1], [0], [0], [1], [0, 0, 1, 1], [], []>, transpose_lhs_hint = false} : vector<128x256xf32>, vector<256x256xf32>, vector<128x256xf32> -> vector<128x256xf32>
    %tanh3A = math.tanh %dot_general3A_11 : vector<128x256xf32>
    %get3A_12 = arith.constant 0 : index
    %get3A_13 = arith.constant 0 : index
    %get3A_14 = vector.load %arg2[%get3A_12, %get3A_13] : memref<2000x128xi32, #tpu.memory_space<vmem>>, vector<2000x128xi32>
    %iota3A = tpu.iota {dimensions = array<i32: 1>} : vector<2000x128xi32>
    %eq3A = arith.cmpi eq, %get3A_14, %iota3A : vector<2000x128xi32>
    %convert_element_type3A = arith.extui %eq3A : vector<2000x128xi1> to vector<2000x128xi32>
    %convert_element_type3A_15 = arith.sitofp %convert_element_type3A : vector<2000x128xi32> to vector<2000x128xf32>
    %dot_general3A_16 = arith.constant dense<0.000000e+00> : vector<2000x256xf32>
    %dot_general3A_17 = tpu.matmul %convert_element_type3A_15, %tanh3A, %dot_general3A_16 {dimension_numbers = #tpu.dot_dimension_numbers<[1], [0], [0], [1], [0, 0, 1, 1], [], []>, transpose_lhs_hint = false} : vector<2000x128xf32>, vector<128x256xf32>, vector<2000x256xf32> -> vector<2000x256xf32>
    %get3A_18 = arith.constant 0 : index
    %get3A_19 = arith.constant 0 : index
    %get3A_20 = vector.load %arg1[%get3A_18, %get3A_19] : memref<2000x256xf32, #tpu.memory_space<vmem>>, vector<2000x256xf32>
    %mul3A = arith.mulf %get3A_20, %dot_general3A_17 : vector<2000x256xf32>
    %reduce_sum3A = arith.constant dense<0.000000e+00> : vector<2000xf32>
    %reduce_sum3A_21 = vector.multi_reduction <add>, %mul3A, %reduce_sum3A [1] : vector<2000x256xf32> to vector<2000xf32>
    %broadcast_in_dim3A = vector.shape_cast %reduce_sum3A_21 : vector<2000xf32> to vector<2000x1xf32>
    %neg3A = arith.constant 0.000000e+00 : f32
    %neg3A_22 = vector.broadcast %neg3A : f32 to vector<2000x1xf32>
    %neg3A_23 = arith.subf %neg3A_22, %broadcast_in_dim3A : vector<2000x1xf32>
    %exp3A = math.exp %neg3A_23 : vector<2000x1xf32>
    %add3A = arith.constant 1.000000e+00 : f32
    %add3A_24 = vector.broadcast %add3A : f32 to vector<2000x1xf32>
    %add3A_25 = arith.addf %add3A_24, %exp3A : vector<2000x1xf32>
    %div3A_26 = arith.constant 1.000000e+00 : f32
    %div3A_27 = vector.broadcast %div3A_26 : f32 to vector<2000x1xf32>
    %div3A_28 = arith.divf %div3A_27, %add3A_25 : vector<2000x1xf32>
    %eq3A_29 = arith.constant 0 : i32
    %eq3A_30 = arith.cmpi eq, %arg0, %eq3A_29 : i32
    %convert_element_type3A_31 = arith.extui %eq3A_30 : i1 to i32
    %cond3A = arith.constant 0 : i32
    %cond3A_32 = arith.cmpi ne, %convert_element_type3A_31, %cond3A : i32
    scf.if %cond3A_32 {
      %broadcast_in_dim3A_43 = arith.constant 0.000000e+00 : f32
      %broadcast_in_dim3A_44 = vector.broadcast %broadcast_in_dim3A_43 : f32 to vector<128x256xf32>
      %swap3A_45 = arith.constant 0 : index
      %swap3A_46 = arith.constant 0 : index
      %swap3A_47 = vector.load %arg6[%swap3A_45, %swap3A_46] : memref<128x256xf32, #tpu.memory_space<vmem>>, vector<128x256xf32>
      tpu.vector_store %arg6[%swap3A_45, %swap3A_46], %broadcast_in_dim3A_44 {strides = array<i32>} : memref<128x256xf32, #tpu.memory_space<vmem>>, vector<128x256xf32>,
    } else {
    }
    %get3A_33 = arith.constant 0 : index
    %get3A_34 = arith.constant 0 : index
    %get3A_35 = vector.load %arg6[%get3A_33, %get3A_34] : memref<128x256xf32, #tpu.memory_space<vmem>>, vector<128x256xf32>
    %mul3A_36 = vector.broadcast %div3A_28 : vector<2000x1xf32> to vector<2000x256xf32>
    %mul3A_37 = arith.mulf %mul3A_36, %get3A_20 : vector<2000x256xf32>
    %dot_general3A_38 = arith.constant dense<0.000000e+00> : vector<128x256xf32>
    %dot_general3A_39 = tpu.matmul %convert_element_type3A_15, %mul3A_37, %dot_general3A_38 {dimension_numbers = #tpu.dot_dimension_numbers<[0], [0], [1], [1], [0, 1, 1, 1], [], []>, transpose_lhs_hint = false} : vector<2000x128xf32>, vector<2000x256xf32>, vector<128x256xf32> -> vector<128x256xf32>
    %add3A_40 = arith.addf %get3A_35, %dot_general3A_39 : vector<128x256xf32>
    %swap3A = arith.constant 0 : index
    %swap3A_41 = arith.constant 0 : index
    %swap3A_42 = vector.load %arg6[%swap3A, %swap3A_41] : memref<128x256xf32, #tpu.memory_space<vmem>>, vector<128x256xf32>
    tpu.vector_store %arg6[%swap3A, %swap3A_41], %add3A_40 {strides = array<i32>} : memref<128x256xf32, #tpu.memory_space<vmem>>, vector<128x256xf32>,
    return
  }
  func.func @transform_0(%arg0: i32) -> (i32, i32) {
    %c0_i32 = arith.constant 0 : i32
    %c0_i32_0 = arith.constant 0 : i32
    return %arg0, %c0_i32 : i32, i32
  }
  func.func @transform_1(%arg0: i32) -> (i32, i32) {
    %c0_i32 = arith.constant 0 : i32
    %c0_i32_0 = arith.constant 0 : i32
    return %arg0, %c0_i32 : i32, i32
  }
  func.func @transform_2(%arg0: i32) -> (i32, i32) {
    %c0_i32 = arith.constant 0 : i32
    %c0_i32_0 = arith.constant 0 : i32
    %c0_i32_1 = arith.constant 0 : i32
    return %c0_i32, %c0_i32_0 : i32, i32
  }
  func.func @transform_3(%arg0: i32) -> (i32, i32) {
    %c0_i32 = arith.constant 0 : i32
    %c0_i32_0 = arith.constant 0 : i32
    %c0_i32_1 = arith.constant 0 : i32
    return %c0_i32, %c0_i32_0 : i32, i32
  }
  func.func @transform_4(%arg0: i32) -> (i32, i32) {
    %c0_i32 = arith.constant 0 : i32
    %c0_i32_0 = arith.constant 0 : i32
    %c0_i32_1 = arith.constant 0 : i32
    return %c0_i32, %c0_i32_0 : i32, i32
  }
  func.func @transform_5(%arg0: i32) -> (i32, i32) {
    %c0_i32 = arith.constant 0 : i32
    %c0_i32_0 = arith.constant 0 : i32
    %c0_i32_1 = arith.constant 0 : i32
    return %c0_i32, %c0_i32_0 : i32, i32
  }
}

module attributes {stable_mosaic.version = 14 : i64} {
  func.func @_pool_body(%arg0: i32, %arg1: memref<2000x128xf32, #tpu.memory_space<vmem>>, %arg2: memref<2000x128xi32, #tpu.memory_space<vmem>>, %arg3: memref<128x128xf32, #tpu.memory_space<vmem>>, %arg4: memref<128x128xf32, #tpu.memory_space<vmem>>, %arg5: memref<128x128xf32, #tpu.memory_space<vmem>>, %arg6: memref<128x128xf32, #tpu.memory_space<vmem>>) attributes {dimension_semantics = [#tpu.dimension_semantics<arbitrary>], iteration_bounds = array<i64: 5>, scalar_prefetch = 0 : i64, scratch_operands = 0 : i64, tpu.core_type = #tpu.core_type<tc>, window_params = [{transform_indices = @transform_0, window_bounds = array<i64: 2000, 128>}, {transform_indices = @transform_1, window_bounds = array<i64: 2000, 128>}, {pipeline_mode = #tpu.pipeline_mode<synchronous>, transform_indices = @transform_2, window_bounds = array<i64: 128, 128>}, {pipeline_mode = #tpu.pipeline_mode<synchronous>, transform_indices = @transform_3, window_bounds = array<i64: 128, 128>}, {pipeline_mode = #tpu.pipeline_mode<synchronous>, transform_indices = @transform_4, window_bounds = array<i64: 128, 128>}, {pipeline_mode = #tpu.pipeline_mode<synchronous>, transform_indices = @transform_5, window_bounds = array<i64: 128, 128>}]} {
    %get3A = arith.constant 0 : index
    %get3A_0 = arith.constant 0 : index
    %get3A_1 = vector.load %arg3[%get3A, %get3A_0] : memref<128x128xf32, #tpu.memory_space<vmem>>, vector<128x128xf32>
    %get3A_2 = arith.constant 0 : index
    %get3A_3 = arith.constant 0 : index
    %get3A_4 = vector.load %arg4[%get3A_2, %get3A_3] : memref<128x128xf32, #tpu.memory_space<vmem>>, vector<128x1xf32>
    %max3A = arith.constant 1.000000e+00 : f32
    %max3A_5 = vector.broadcast %max3A : f32 to vector<128x1xf32>
    %max3A_6 = arith.maximumf %get3A_4, %max3A_5 : vector<128x1xf32>
    %div3A = vector.broadcast %max3A_6 : vector<128x1xf32> to vector<128x128xf32>
    %div3A_7 = arith.divf %get3A_1, %div3A : vector<128x128xf32>
    %get3A_8 = arith.constant 0 : index
    %get3A_9 = arith.constant 0 : index
    %get3A_10 = vector.load %arg5[%get3A_8, %get3A_9] : memref<128x128xf32, #tpu.memory_space<vmem>>, vector<128x128xf32>
    %dot_general3A = arith.constant dense<0.000000e+00> : vector<128x128xf32>
    %dot_general3A_11 = tpu.matmul %div3A_7, %get3A_10, %dot_general3A {dimension_numbers = #tpu.dot_dimension_numbers<[1], [0], [0], [1], [0, 0, 1, 1], [], []>, transpose_lhs_hint = false} : vector<128x128xf32>, vector<128x128xf32>, vector<128x128xf32> -> vector<128x128xf32>
    %tanh3A = math.tanh %dot_general3A_11 : vector<128x128xf32>
    %get3A_12 = arith.constant 0 : index
    %get3A_13 = arith.constant 0 : index
    %get3A_14 = vector.load %arg2[%get3A_12, %get3A_13] : memref<2000x128xi32, #tpu.memory_space<vmem>>, vector<2000x128xi32>
    %iota3A = tpu.iota {dimensions = array<i32: 1>} : vector<2000x128xi32>
    %eq3A = arith.cmpi eq, %get3A_14, %iota3A : vector<2000x128xi32>
    %convert_element_type3A = arith.extui %eq3A : vector<2000x128xi1> to vector<2000x128xi32>
    %convert_element_type3A_15 = arith.sitofp %convert_element_type3A : vector<2000x128xi32> to vector<2000x128xf32>
    %dot_general3A_16 = arith.constant dense<0.000000e+00> : vector<2000x128xf32>
    %dot_general3A_17 = tpu.matmul %convert_element_type3A_15, %tanh3A, %dot_general3A_16 {dimension_numbers = #tpu.dot_dimension_numbers<[1], [0], [0], [1], [0, 0, 1, 1], [], []>, transpose_lhs_hint = false} : vector<2000x128xf32>, vector<128x128xf32>, vector<2000x128xf32> -> vector<2000x128xf32>
    %get3A_18 = arith.constant 0 : index
    %get3A_19 = arith.constant 0 : index
    %get3A_20 = vector.load %arg1[%get3A_18, %get3A_19] : memref<2000x128xf32, #tpu.memory_space<vmem>>, vector<2000x128xf32>
    %mul3A = arith.mulf %get3A_20, %dot_general3A_17 : vector<2000x128xf32>
    %reduce_sum3A = arith.constant dense<0.000000e+00> : vector<2000xf32>
    %reduce_sum3A_21 = vector.multi_reduction <add>, %mul3A, %reduce_sum3A [1] : vector<2000x128xf32> to vector<2000xf32>
    %broadcast_in_dim3A = vector.shape_cast %reduce_sum3A_21 : vector<2000xf32> to vector<2000x1xf32>
    %neg3A = arith.constant 0.000000e+00 : f32
    %neg3A_22 = vector.broadcast %neg3A : f32 to vector<2000x1xf32>
    %neg3A_23 = arith.subf %neg3A_22, %broadcast_in_dim3A : vector<2000x1xf32>
    %exp3A = math.exp %neg3A_23 : vector<2000x1xf32>
    %add3A = arith.constant 1.000000e+00 : f32
    %add3A_24 = vector.broadcast %add3A : f32 to vector<2000x1xf32>
    %add3A_25 = arith.addf %add3A_24, %exp3A : vector<2000x1xf32>
    %div3A_26 = arith.constant 1.000000e+00 : f32
    %div3A_27 = vector.broadcast %div3A_26 : f32 to vector<2000x1xf32>
    %div3A_28 = arith.divf %div3A_27, %add3A_25 : vector<2000x1xf32>
    %eq3A_29 = arith.constant 0 : i32
    %eq3A_30 = arith.cmpi eq, %arg0, %eq3A_29 : i32
    %convert_element_type3A_31 = arith.extui %eq3A_30 : i1 to i32
    %cond3A = arith.constant 0 : i32
    %cond3A_32 = arith.cmpi ne, %convert_element_type3A_31, %cond3A : i32
    scf.if %cond3A_32 {
      %broadcast_in_dim3A_43 = arith.constant 0.000000e+00 : f32
      %broadcast_in_dim3A_44 = vector.broadcast %broadcast_in_dim3A_43 : f32 to vector<128x128xf32>
      %swap3A_45 = arith.constant 0 : index
      %swap3A_46 = arith.constant 0 : index
      %swap3A_47 = vector.load %arg6[%swap3A_45, %swap3A_46] : memref<128x128xf32, #tpu.memory_space<vmem>>, vector<128x128xf32>
      tpu.vector_store %arg6[%swap3A_45, %swap3A_46], %broadcast_in_dim3A_44 {strides = array<i32>} : memref<128x128xf32, #tpu.memory_space<vmem>>, vector<128x128xf32>,
    } else {
    }
    %get3A_33 = arith.constant 0 : index
    %get3A_34 = arith.constant 0 : index
    %get3A_35 = vector.load %arg6[%get3A_33, %get3A_34] : memref<128x128xf32, #tpu.memory_space<vmem>>, vector<128x128xf32>
    %mul3A_36 = vector.broadcast %div3A_28 : vector<2000x1xf32> to vector<2000x128xf32>
    %mul3A_37 = arith.mulf %mul3A_36, %get3A_20 : vector<2000x128xf32>
    %dot_general3A_38 = arith.constant dense<0.000000e+00> : vector<128x128xf32>
    %dot_general3A_39 = tpu.matmul %convert_element_type3A_15, %mul3A_37, %dot_general3A_38 {dimension_numbers = #tpu.dot_dimension_numbers<[0], [0], [1], [1], [0, 1, 1, 1], [], []>, transpose_lhs_hint = false} : vector<2000x128xf32>, vector<2000x128xf32>, vector<128x128xf32> -> vector<128x128xf32>
    %add3A_40 = arith.addf %get3A_35, %dot_general3A_39 : vector<128x128xf32>
    %swap3A = arith.constant 0 : index
    %swap3A_41 = arith.constant 0 : index
    %swap3A_42 = vector.load %arg6[%swap3A, %swap3A_41] : memref<128x128xf32, #tpu.memory_space<vmem>>, vector<128x128xf32>
    tpu.vector_store %arg6[%swap3A, %swap3A_41], %add3A_40 {strides = array<i32>} : memref<128x128xf32, #tpu.memory_space<vmem>>, vector<128x128xf32>,
    return
  }
  func.func @transform_0(%arg0: i32) -> (i32, i32) {
    %c0_i32 = arith.constant 0 : i32
    %c0_i32_0 = arith.constant 0 : i32
    return %arg0, %c0_i32 : i32, i32
  }
  func.func @transform_1(%arg0: i32) -> (i32, i32) {
    %c0_i32 = arith.constant 0 : i32
    %c0_i32_0 = arith.constant 0 : i32
    return %arg0, %c0_i32 : i32, i32
  }
  func.func @transform_2(%arg0: i32) -> (i32, i32) {
    %c0_i32 = arith.constant 0 : i32
    %c0_i32_0 = arith.constant 0 : i32
    %c0_i32_1 = arith.constant 0 : i32
    return %c0_i32, %c0_i32_0 : i32, i32
  }
  func.func @transform_3(%arg0: i32) -> (i32, i32) {
    %c0_i32 = arith.constant 0 : i32
    %c0_i32_0 = arith.constant 0 : i32
    %c0_i32_1 = arith.constant 0 : i32
    return %c0_i32, %c0_i32_0 : i32, i32
  }
  func.func @transform_4(%arg0: i32) -> (i32, i32) {
    %c0_i32 = arith.constant 0 : i32
    %c0_i32_0 = arith.constant 0 : i32
    %c0_i32_1 = arith.constant 0 : i32
    return %c0_i32, %c0_i32_0 : i32, i32
  }
  func.func @transform_5(%arg0: i32) -> (i32, i32) {
    %c0_i32 = arith.constant 0 : i32
    %c0_i32_0 = arith.constant 0 : i32
    %c0_i32_1 = arith.constant 0 : i32
    return %c0_i32, %c0_i32_0 : i32, i32
  }
}

module attributes {stable_mosaic.version = 14 : i64} {
  func.func @_post2_body(%arg0: i32, %arg1: memref<2000x128xf32, #tpu.memory_space<vmem>>, %arg2: memref<2000x128xf32, #tpu.memory_space<vmem>>, %arg3: memref<2000x128xf32, #tpu.memory_space<vmem>>, %arg4: memref<2000x16xf32, #tpu.memory_space<vmem>>, %arg5: memref<2000x128xi32, #tpu.memory_space<vmem>>, %arg6: memref<2000x128xf32, #tpu.memory_space<vmem>>, %arg7: memref<128x128xf32, #tpu.memory_space<vmem>>) attributes {dimension_semantics = [#tpu.dimension_semantics<arbitrary>], iteration_bounds = array<i64: 5>, scalar_prefetch = 0 : i64, scratch_operands = 0 : i64, tpu.core_type = #tpu.core_type<tc>, window_params = [{transform_indices = @transform_0, window_bounds = array<i64: 2000, 128>}, {transform_indices = @transform_1, window_bounds = array<i64: 2000, 128>}, {transform_indices = @transform_2, window_bounds = array<i64: 2000, 128>}, {transform_indices = @transform_3, window_bounds = array<i64: 2000, 16>}, {transform_indices = @transform_4, window_bounds = array<i64: 2000, 128>}, {transform_indices = @transform_5, window_bounds = array<i64: 2000, 128>}, {pipeline_mode = #tpu.pipeline_mode<synchronous>, transform_indices = @transform_6, window_bounds = array<i64: 128, 128>}]} {
    %get3A = arith.constant 0 : index
    %get3A_0 = arith.constant 0 : index
    %get3A_1 = vector.load %arg4[%get3A, %get3A_0] : memref<2000x16xf32, #tpu.memory_space<vmem>>, vector<2000x1xf32>
    %get3A_2 = arith.constant 0 : index
    %get3A_3 = arith.constant 0 : index
    %get3A_4 = vector.load %arg1[%get3A_2, %get3A_3] : memref<2000x128xf32, #tpu.memory_space<vmem>>, vector<2000x128xf32>
    %get3A_5 = arith.constant 0 : index
    %get3A_6 = arith.constant 0 : index
    %get3A_7 = vector.load %arg2[%get3A_5, %get3A_6] : memref<2000x128xf32, #tpu.memory_space<vmem>>, vector<2000x128xf32>
    %add3A = arith.addf %get3A_4, %get3A_7 : vector<2000x128xf32>
    %get3A_8 = arith.constant 0 : index
    %get3A_9 = arith.constant 0 : index
    %get3A_10 = vector.load %arg3[%get3A_8, %get3A_9] : memref<2000x128xf32, #tpu.memory_space<vmem>>, vector<2000x128xf32>
    %add3A_11 = arith.addf %add3A, %get3A_10 : vector<2000x128xf32>
    %mul3A = vector.broadcast %get3A_1 : vector<2000x1xf32> to vector<2000x128xf32>
    %mul3A_12 = arith.mulf %add3A_11, %mul3A : vector<2000x128xf32>
    %max3A = arith.constant 0.000000e+00 : f32
    %max3A_13 = vector.broadcast %max3A : f32 to vector<2000x128xf32>
    %max3A_14 = arith.maximumf %mul3A_12, %max3A_13 : vector<2000x128xf32>
    %swap3A = arith.constant 0 : index
    %swap3A_15 = arith.constant 0 : index
    %swap3A_16 = vector.load %arg6[%swap3A, %swap3A_15] : memref<2000x128xf32, #tpu.memory_space<vmem>>, vector<2000x128xf32>
    tpu.vector_store %arg6[%swap3A, %swap3A_15], %max3A_14 {strides = array<i32>} : memref<2000x128xf32, #tpu.memory_space<vmem>>, vector<2000x128xf32>,
    %get3A_17 = arith.constant 0 : index
    %get3A_18 = arith.constant 0 : index
    %get3A_19 = vector.load %arg5[%get3A_17, %get3A_18] : memref<2000x128xi32, #tpu.memory_space<vmem>>, vector<2000x128xi32>
    %iota3A = tpu.iota {dimensions = array<i32: 1>} : vector<2000x128xi32>
    %eq3A = arith.cmpi eq, %get3A_19, %iota3A : vector<2000x128xi32>
    %convert_element_type3A = arith.extui %eq3A : vector<2000x128xi1> to vector<2000x128xi32>
    %convert_element_type3A_20 = arith.sitofp %convert_element_type3A : vector<2000x128xi32> to vector<2000x128xf32>
    %dot_general3A = arith.constant dense<0.000000e+00> : vector<128x128xf32>
    %dot_general3A_21 = tpu.matmul %convert_element_type3A_20, %max3A_14, %dot_general3A {dimension_numbers = #tpu.dot_dimension_numbers<[0], [0], [1], [1], [0, 1, 1, 1], [], []>, transpose_lhs_hint = false} : vector<2000x128xf32>, vector<2000x128xf32>, vector<128x128xf32> -> vector<128x128xf32>
    %eq3A_22 = arith.constant 0 : i32
    %eq3A_23 = arith.cmpi eq, %arg0, %eq3A_22 : i32
    %convert_element_type3A_24 = arith.extui %eq3A_23 : i1 to i32
    %cond3A = arith.constant 0 : i32
    %cond3A_25 = arith.cmpi ne, %convert_element_type3A_24, %cond3A : i32
    scf.if %cond3A_25 {
      %broadcast_in_dim3A = arith.constant 0.000000e+00 : f32
      %broadcast_in_dim3A_33 = vector.broadcast %broadcast_in_dim3A : f32 to vector<128x128xf32>
      %swap3A_34 = arith.constant 0 : index
      %swap3A_35 = arith.constant 0 : index
      %swap3A_36 = vector.load %arg7[%swap3A_34, %swap3A_35] : memref<128x128xf32, #tpu.memory_space<vmem>>, vector<128x128xf32>
      tpu.vector_store %arg7[%swap3A_34, %swap3A_35], %broadcast_in_dim3A_33 {strides = array<i32>} : memref<128x128xf32, #tpu.memory_space<vmem>>, vector<128x128xf32>,
    } else {
    }
    %get3A_26 = arith.constant 0 : index
    %get3A_27 = arith.constant 0 : index
    %get3A_28 = vector.load %arg7[%get3A_26, %get3A_27] : memref<128x128xf32, #tpu.memory_space<vmem>>, vector<128x128xf32>
    %add3A_29 = arith.addf %get3A_28, %dot_general3A_21 : vector<128x128xf32>
    %swap3A_30 = arith.constant 0 : index
    %swap3A_31 = arith.constant 0 : index
    %swap3A_32 = vector.load %arg7[%swap3A_30, %swap3A_31] : memref<128x128xf32, #tpu.memory_space<vmem>>, vector<128x128xf32>
    tpu.vector_store %arg7[%swap3A_30, %swap3A_31], %add3A_29 {strides = array<i32>} : memref<128x128xf32, #tpu.memory_space<vmem>>, vector<128x128xf32>,
    return
  }
  func.func @transform_0(%arg0: i32) -> (i32, i32) {
    %c0_i32 = arith.constant 0 : i32
    %c0_i32_0 = arith.constant 0 : i32
    return %arg0, %c0_i32 : i32, i32
  }
  func.func @transform_1(%arg0: i32) -> (i32, i32) {
    %c0_i32 = arith.constant 0 : i32
    %c0_i32_0 = arith.constant 0 : i32
    return %arg0, %c0_i32 : i32, i32
  }
  func.func @transform_2(%arg0: i32) -> (i32, i32) {
    %c0_i32 = arith.constant 0 : i32
    %c0_i32_0 = arith.constant 0 : i32
    return %arg0, %c0_i32 : i32, i32
  }
  func.func @transform_3(%arg0: i32) -> (i32, i32) {
    %c0_i32 = arith.constant 0 : i32
    %c0_i32_0 = arith.constant 0 : i32
    return %arg0, %c0_i32 : i32, i32
  }
  func.func @transform_4(%arg0: i32) -> (i32, i32) {
    %c0_i32 = arith.constant 0 : i32
    %c0_i32_0 = arith.constant 0 : i32
    return %arg0, %c0_i32 : i32, i32
  }
  func.func @transform_5(%arg0: i32) -> (i32, i32) {
    %c0_i32 = arith.constant 0 : i32
    %c0_i32_0 = arith.constant 0 : i32
    return %arg0, %c0_i32 : i32, i32
  }
  func.func @transform_6(%arg0: i32) -> (i32, i32) {
    %c0_i32 = arith.constant 0 : i32
    %c0_i32_0 = arith.constant 0 : i32
    %c0_i32_1 = arith.constant 0 : i32
    return %c0_i32, %c0_i32_0 : i32, i32
  }
}

module attributes {stable_mosaic.version = 14 : i64} {
  func.func @_p3h_body(%arg0: i32, %arg1: memref<2000x128xf32, #tpu.memory_space<vmem>>, %arg2: memref<2000x128xi32, #tpu.memory_space<vmem>>, %arg3: memref<128x128xf32, #tpu.memory_space<vmem>>, %arg4: memref<128x128xf32, #tpu.memory_space<vmem>>, %arg5: memref<128x128xf32, #tpu.memory_space<vmem>>, %arg6: memref<128x256xf32, #tpu.memory_space<vmem>>, %arg7: memref<128x128xf32, #tpu.memory_space<vmem>>, %arg8: memref<256x512xf32, #tpu.memory_space<vmem>>, %arg9: memref<128x512xf32, #tpu.memory_space<vmem>>, %arg10: memref<128x512xf32, #tpu.memory_space<vmem>>, %arg11: memref<1x512xf32, #tpu.memory_space<vmem>>, %arg12: memref<512x256xf32, #tpu.memory_space<vmem>>, %arg13: memref<1x256xf32, #tpu.memory_space<vmem>>, %arg14: memref<256x256xf32, #tpu.memory_space<vmem>>, %arg15: memref<1x256xf32, #tpu.memory_space<vmem>>, %arg16: memref<256x64xf32, #tpu.memory_space<vmem>>, %arg17: memref<1x64xf32, #tpu.memory_space<vmem>>, %arg18: memref<64x32xf32, #tpu.memory_space<vmem>>, %arg19: memref<1x32xf32, #tpu.memory_space<vmem>>, %arg20: memref<128x32xf32, #tpu.memory_space<vmem>>, %arg21: memref<128x128xf32, #tpu.memory_space<vmem>>) attributes {dimension_semantics = [#tpu.dimension_semantics<arbitrary>], iteration_bounds = array<i64: 5>, scalar_prefetch = 0 : i64, scratch_operands = 1 : i64, tpu.core_type = #tpu.core_type<tc>, window_params = [{transform_indices = @transform_0, window_bounds = array<i64: 2000, 128>}, {transform_indices = @transform_1, window_bounds = array<i64: 2000, 128>}, {pipeline_mode = #tpu.pipeline_mode<synchronous>, transform_indices = @transform_2, window_bounds = array<i64: 128, 128>}, {pipeline_mode = #tpu.pipeline_mode<synchronous>, transform_indices = @transform_3, window_bounds = array<i64: 128, 128>}, {pipeline_mode = #tpu.pipeline_mode<synchronous>, transform_indices = @transform_4, window_bounds = array<i64: 128, 128>}, {pipeline_mode = #tpu.pipeline_mode<synchronous>, transform_indices = @transform_5, window_bounds = array<i64: 128, 256>}, {pipeline_mode = #tpu.pipeline_mode<synchronous>, transform_indices = @transform_6, window_bounds = array<i64: 128, 128>}, {pipeline_mode = #tpu.pipeline_mode<synchronous>, transform_indices = @transform_7, window_bounds = array<i64: 256, 512>}, {pipeline_mode = #tpu.pipeline_mode<synchronous>, transform_indices = @transform_8, window_bounds = array<i64: 128, 512>}, {pipeline_mode = #tpu.pipeline_mode<synchronous>, transform_indices = @transform_9, window_bounds = array<i64: 128, 512>}, {pipeline_mode = #tpu.pipeline_mode<synchronous>, transform_indices = @transform_10, window_bounds = array<i64: 1, 512>}, {pipeline_mode = #tpu.pipeline_mode<synchronous>, transform_indices = @transform_11, window_bounds = array<i64: 512, 256>}, {pipeline_mode = #tpu.pipeline_mode<synchronous>, transform_indices = @transform_12, window_bounds = array<i64: 1, 256>}, {pipeline_mode = #tpu.pipeline_mode<synchronous>, transform_indices = @transform_13, window_bounds = array<i64: 256, 256>}, {pipeline_mode = #tpu.pipeline_mode<synchronous>, transform_indices = @transform_14, window_bounds = array<i64: 1, 256>}, {pipeline_mode = #tpu.pipeline_mode<synchronous>, transform_indices = @transform_15, window_bounds = array<i64: 256, 64>}, {pipeline_mode = #tpu.pipeline_mode<synchronous>, transform_indices = @transform_16, window_bounds = array<i64: 1, 64>}, {pipeline_mode = #tpu.pipeline_mode<synchronous>, transform_indices = @transform_17, window_bounds = array<i64: 64, 32>}, {pipeline_mode = #tpu.pipeline_mode<synchronous>, transform_indices = @transform_18, window_bounds = array<i64: 1, 32>}, {pipeline_mode = #tpu.pipeline_mode<synchronous>, transform_indices = @transform_19, window_bounds = array<i64: 128, 32>}]} {
    %get3A = arith.constant 0 : index
    %get3A_0 = arith.constant 0 : index
    %get3A_1 = vector.load %arg3[%get3A, %get3A_0] : memref<128x128xf32, #tpu.memory_space<vmem>>, vector<128x128xf32>
    %get3A_2 = arith.constant 0 : index
    %get3A_3 = arith.constant 0 : index
    %get3A_4 = vector.load %arg4[%get3A_2, %get3A_3] : memref<128x128xf32, #tpu.memory_space<vmem>>, vector<128x1xf32>
    %max3A = arith.constant 1.000000e+00 : f32
    %max3A_5 = vector.broadcast %max3A : f32 to vector<128x1xf32>
    %max3A_6 = arith.maximumf %get3A_4, %max3A_5 : vector<128x1xf32>
    %div3A = vector.broadcast %max3A_6 : vector<128x1xf32> to vector<128x128xf32>
    %div3A_7 = arith.divf %get3A_1, %div3A : vector<128x128xf32>
    %get3A_8 = arith.constant 0 : index
    %get3A_9 = arith.constant 0 : index
    %get3A_10 = vector.load %arg5[%get3A_8, %get3A_9] : memref<128x128xf32, #tpu.memory_space<vmem>>, vector<128x128xf32>
    %dot_general3A = arith.constant dense<0.000000e+00> : vector<128x128xf32>
    %dot_general3A_11 = tpu.matmul %div3A_7, %get3A_10, %dot_general3A {dimension_numbers = #tpu.dot_dimension_numbers<[1], [0], [0], [1], [0, 0, 1, 1], [], []>, transpose_lhs_hint = false} : vector<128x128xf32>, vector<128x128xf32>, vector<128x128xf32> -> vector<128x128xf32>
    %tanh3A = math.tanh %dot_general3A_11 : vector<128x128xf32>
    %get3A_12 = arith.constant 0 : index
    %get3A_13 = arith.constant 0 : index
    %get3A_14 = vector.load %arg2[%get3A_12, %get3A_13] : memref<2000x128xi32, #tpu.memory_space<vmem>>, vector<2000x128xi32>
    %iota3A = tpu.iota {dimensions = array<i32: 1>} : vector<2000x128xi32>
    %eq3A = arith.cmpi eq, %get3A_14, %iota3A : vector<2000x128xi32>
    %convert_element_type3A = arith.extui %eq3A : vector<2000x128xi1> to vector<2000x128xi32>
    %convert_element_type3A_15 = arith.sitofp %convert_element_type3A : vector<2000x128xi32> to vector<2000x128xf32>
    %dot_general3A_16 = arith.constant dense<0.000000e+00> : vector<2000x128xf32>
    %dot_general3A_17 = tpu.matmul %convert_element_type3A_15, %tanh3A, %dot_general3A_16 {dimension_numbers = #tpu.dot_dimension_numbers<[1], [0], [0], [1], [0, 0, 1, 1], [], []>, transpose_lhs_hint = false} : vector<2000x128xf32>, vector<128x128xf32>, vector<2000x128xf32> -> vector<2000x128xf32>
    %get3A_18 = arith.constant 0 : index
    %get3A_19 = arith.constant 0 : index
    %get3A_20 = vector.load %arg1[%get3A_18, %get3A_19] : memref<2000x128xf32, #tpu.memory_space<vmem>>, vector<2000x128xf32>
    %mul3A = arith.mulf %get3A_20, %dot_general3A_17 : vector<2000x128xf32>
    %reduce_sum3A = arith.constant dense<0.000000e+00> : vector<2000xf32>
    %reduce_sum3A_21 = vector.multi_reduction <add>, %mul3A, %reduce_sum3A [1] : vector<2000x128xf32> to vector<2000xf32>
    %broadcast_in_dim3A = vector.shape_cast %reduce_sum3A_21 : vector<2000xf32> to vector<2000x1xf32>
    %neg3A = arith.constant 0.000000e+00 : f32
    %neg3A_22 = vector.broadcast %neg3A : f32 to vector<2000x1xf32>
    %neg3A_23 = arith.subf %neg3A_22, %broadcast_in_dim3A : vector<2000x1xf32>
    %exp3A = math.exp %neg3A_23 : vector<2000x1xf32>
    %add3A = arith.constant 1.000000e+00 : f32
    %add3A_24 = vector.broadcast %add3A : f32 to vector<2000x1xf32>
    %add3A_25 = arith.addf %add3A_24, %exp3A : vector<2000x1xf32>
    %div3A_26 = arith.constant 1.000000e+00 : f32
    %div3A_27 = vector.broadcast %div3A_26 : f32 to vector<2000x1xf32>
    %div3A_28 = arith.divf %div3A_27, %add3A_25 : vector<2000x1xf32>
    %eq3A_29 = arith.constant 0 : i32
    %eq3A_30 = arith.cmpi eq, %arg0, %eq3A_29 : i32
    %convert_element_type3A_31 = arith.extui %eq3A_30 : i1 to i32
    %cond3A = arith.constant 0 : i32
    %cond3A_32 = arith.cmpi ne, %convert_element_type3A_31, %cond3A : i32
    scf.if %cond3A_32 {
      %broadcast_in_dim3A_48 = arith.constant 0.000000e+00 : f32
      %broadcast_in_dim3A_49 = vector.broadcast %broadcast_in_dim3A_48 : f32 to vector<128x128xf32>
      %swap3A_50 = arith.constant 0 : index
      %swap3A_51 = arith.constant 0 : index
      %swap3A_52 = vector.load %arg21[%swap3A_50, %swap3A_51] : memref<128x128xf32, #tpu.memory_space<vmem>>, vector<128x128xf32>
      tpu.vector_store %arg21[%swap3A_50, %swap3A_51], %broadcast_in_dim3A_49 {strides = array<i32>} : memref<128x128xf32, #tpu.memory_space<vmem>>, vector<128x128xf32>,
    } else {
    }
    %get3A_33 = arith.constant 0 : index
    %get3A_34 = arith.constant 0 : index
    %get3A_35 = vector.load %arg21[%get3A_33, %get3A_34] : memref<128x128xf32, #tpu.memory_space<vmem>>, vector<128x128xf32>
    %mul3A_36 = vector.broadcast %div3A_28 : vector<2000x1xf32> to vector<2000x128xf32>
    %mul3A_37 = arith.mulf %mul3A_36, %get3A_20 : vector<2000x128xf32>
    %dot_general3A_38 = arith.constant dense<0.000000e+00> : vector<128x128xf32>
    %dot_general3A_39 = tpu.matmul %convert_element_type3A_15, %mul3A_37, %dot_general3A_38 {dimension_numbers = #tpu.dot_dimension_numbers<[0], [0], [1], [1], [0, 1, 1, 1], [], []>, transpose_lhs_hint = false} : vector<2000x128xf32>, vector<2000x128xf32>, vector<128x128xf32> -> vector<128x128xf32>
    %add3A_40 = arith.addf %get3A_35, %dot_general3A_39 : vector<128x128xf32>
    %swap3A = arith.constant 0 : index
    %swap3A_41 = arith.constant 0 : index
    %swap3A_42 = vector.load %arg21[%swap3A, %swap3A_41] : memref<128x128xf32, #tpu.memory_space<vmem>>, vector<128x128xf32>
    tpu.vector_store %arg21[%swap3A, %swap3A_41], %add3A_40 {strides = array<i32>} : memref<128x128xf32, #tpu.memory_space<vmem>>, vector<128x128xf32>,
    %eq3A_43 = arith.constant 4 : i32
    %eq3A_44 = arith.cmpi eq, %arg0, %eq3A_43 : i32
    %convert_element_type3A_45 = arith.extui %eq3A_44 : i1 to i32
    %cond3A_46 = arith.constant 0 : i32
    %cond3A_47 = arith.cmpi ne, %convert_element_type3A_45, %cond3A_46 : i32
    scf.if %cond3A_47 {
      %get3A_48 = arith.constant 0 : index
      %get3A_49 = arith.constant 0 : index
      %get3A_50 = vector.load %arg6[%get3A_48, %get3A_49] : memref<128x256xf32, #tpu.memory_space<vmem>>, vector<128x256xf32>
      %get3A_51 = arith.constant 0 : index
      %get3A_52 = arith.constant 0 : index
      %get3A_53 = vector.load %arg8[%get3A_51, %get3A_52] : memref<256x512xf32, #tpu.memory_space<vmem>>, vector<256x512xf32>
      %dot_general3A_54 = arith.constant dense<0.000000e+00> : vector<128x512xf32>
      %dot_general3A_55 = tpu.matmul %get3A_50, %get3A_53, %dot_general3A_54 {dimension_numbers = #tpu.dot_dimension_numbers<[1], [0], [0], [1], [0, 0, 1, 1], [], []>, transpose_lhs_hint = false} : vector<128x256xf32>, vector<256x512xf32>, vector<128x512xf32> -> vector<128x512xf32>
      %get3A_56 = arith.constant 0 : index
      %get3A_57 = arith.constant 0 : index
      %get3A_58 = vector.load %arg7[%get3A_56, %get3A_57] : memref<128x128xf32, #tpu.memory_space<vmem>>, vector<128x128xf32>
      %get3A_59 = arith.constant 0 : index
      %get3A_60 = arith.constant 0 : index
      %get3A_61 = vector.load %arg9[%get3A_59, %get3A_60] : memref<128x512xf32, #tpu.memory_space<vmem>>, vector<128x512xf32>
      %dot_general3A_62 = arith.constant dense<0.000000e+00> : vector<128x512xf32>
      %dot_general3A_63 = tpu.matmul %get3A_58, %get3A_61, %dot_general3A_62 {dimension_numbers = #tpu.dot_dimension_numbers<[1], [0], [0], [1], [0, 0, 1, 1], [], []>, transpose_lhs_hint = false} : vector<128x128xf32>, vector<128x512xf32>, vector<128x512xf32> -> vector<128x512xf32>
      %add3A_64 = arith.addf %dot_general3A_55, %dot_general3A_63 : vector<128x512xf32>
      %get3A_65 = arith.constant 0 : index
      %get3A_66 = arith.constant 0 : index
      %get3A_67 = vector.load %arg21[%get3A_65, %get3A_66] : memref<128x128xf32, #tpu.memory_space<vmem>>, vector<128x128xf32>
      %get3A_68 = arith.constant 0 : index
      %get3A_69 = arith.constant 0 : index
      %get3A_70 = vector.load %arg10[%get3A_68, %get3A_69] : memref<128x512xf32, #tpu.memory_space<vmem>>, vector<128x512xf32>
      %dot_general3A_71 = arith.constant dense<0.000000e+00> : vector<128x512xf32>
      %dot_general3A_72 = tpu.matmul %get3A_67, %get3A_70, %dot_general3A_71 {dimension_numbers = #tpu.dot_dimension_numbers<[1], [0], [0], [1], [0, 0, 1, 1], [], []>, transpose_lhs_hint = false} : vector<128x128xf32>, vector<128x512xf32>, vector<128x512xf32> -> vector<128x512xf32>
      %add3A_73 = arith.addf %add3A_64, %dot_general3A_72 : vector<128x512xf32>
      %get3A_74 = arith.constant 0 : index
      %get3A_75 = arith.constant 0 : index
      %get3A_76 = vector.load %arg11[%get3A_74, %get3A_75] : memref<1x512xf32, #tpu.memory_space<vmem>>, vector<1x512xf32>
      %add3A_77 = vector.broadcast %get3A_76 : vector<1x512xf32> to vector<128x512xf32>
      %add3A_78 = arith.addf %add3A_73, %add3A_77 : vector<128x512xf32>
      %max3A_79 = arith.constant 0.000000e+00 : f32
      %max3A_80 = vector.broadcast %max3A_79 : f32 to vector<128x512xf32>
      %max3A_81 = arith.maximumf %add3A_78, %max3A_80 : vector<128x512xf32>
      %get3A_82 = arith.constant 0 : index
      %get3A_83 = arith.constant 0 : index
      %get3A_84 = vector.load %arg12[%get3A_82, %get3A_83] : memref<512x256xf32, #tpu.memory_space<vmem>>, vector<512x256xf32>
      %dot_general3A_85 = arith.constant dense<0.000000e+00> : vector<128x256xf32>
      %dot_general3A_86 = tpu.matmul %max3A_81, %get3A_84, %dot_general3A_85 {dimension_numbers = #tpu.dot_dimension_numbers<[1], [0], [0], [1], [0, 0, 1, 1], [], []>, transpose_lhs_hint = false} : vector<128x512xf32>, vector<512x256xf32>, vector<128x256xf32> -> vector<128x256xf32>
      %get3A_87 = arith.constant 0 : index
      %get3A_88 = arith.constant 0 : index
      %get3A_89 = vector.load %arg13[%get3A_87, %get3A_88] : memref<1x256xf32, #tpu.memory_space<vmem>>, vector<1x256xf32>
      %add3A_90 = vector.broadcast %get3A_89 : vector<1x256xf32> to vector<128x256xf32>
      %add3A_91 = arith.addf %dot_general3A_86, %add3A_90 : vector<128x256xf32>
      %max3A_92 = arith.constant 0.000000e+00 : f32
      %max3A_93 = vector.broadcast %max3A_92 : f32 to vector<128x256xf32>
      %max3A_94 = arith.maximumf %add3A_91, %max3A_93 : vector<128x256xf32>
      %get3A_95 = arith.constant 0 : index
      %get3A_96 = arith.constant 0 : index
      %get3A_97 = vector.load %arg14[%get3A_95, %get3A_96] : memref<256x256xf32, #tpu.memory_space<vmem>>, vector<256x256xf32>
      %dot_general3A_98 = arith.constant dense<0.000000e+00> : vector<128x256xf32>
      %dot_general3A_99 = tpu.matmul %max3A_94, %get3A_97, %dot_general3A_98 {dimension_numbers = #tpu.dot_dimension_numbers<[1], [0], [0], [1], [0, 0, 1, 1], [], []>, transpose_lhs_hint = false} : vector<128x256xf32>, vector<256x256xf32>, vector<128x256xf32> -> vector<128x256xf32>
      %get3A_100 = arith.constant 0 : index
      %get3A_101 = arith.constant 0 : index
      %get3A_102 = vector.load %arg15[%get3A_100, %get3A_101] : memref<1x256xf32, #tpu.memory_space<vmem>>, vector<1x256xf32>
      %add3A_103 = vector.broadcast %get3A_102 : vector<1x256xf32> to vector<128x256xf32>
      %add3A_104 = arith.addf %dot_general3A_99, %add3A_103 : vector<128x256xf32>
      %get3A_105 = arith.constant 0 : index
      %get3A_106 = arith.constant 0 : index
      %get3A_107 = vector.load %arg16[%get3A_105, %get3A_106] : memref<256x64xf32, #tpu.memory_space<vmem>>, vector<256x64xf32>
      %dot_general3A_108 = arith.constant dense<0.000000e+00> : vector<128x64xf32>
      %dot_general3A_109 = tpu.matmul %add3A_104, %get3A_107, %dot_general3A_108 {dimension_numbers = #tpu.dot_dimension_numbers<[1], [0], [0], [1], [0, 0, 1, 1], [], []>, transpose_lhs_hint = false} : vector<128x256xf32>, vector<256x64xf32>, vector<128x64xf32> -> vector<128x64xf32>
      %get3A_110 = arith.constant 0 : index
      %get3A_111 = arith.constant 0 : index
      %get3A_112 = vector.load %arg17[%get3A_110, %get3A_111] : memref<1x64xf32, #tpu.memory_space<vmem>>, vector<1x64xf32>
      %add3A_113 = vector.broadcast %get3A_112 : vector<1x64xf32> to vector<128x64xf32>
      %add3A_114 = arith.addf %dot_general3A_109, %add3A_113 : vector<128x64xf32>
      %max3A_115 = arith.constant 0.000000e+00 : f32
      %max3A_116 = vector.broadcast %max3A_115 : f32 to vector<128x64xf32>
      %max3A_117 = arith.maximumf %add3A_114, %max3A_116 : vector<128x64xf32>
      %get3A_118 = arith.constant 0 : index
      %get3A_119 = arith.constant 0 : index
      %get3A_120 = vector.load %arg18[%get3A_118, %get3A_119] : memref<64x32xf32, #tpu.memory_space<vmem>>, vector<64x32xf32>
      %dot_general3A_121 = arith.constant dense<0.000000e+00> : vector<128x32xf32>
      %dot_general3A_122 = tpu.matmul %max3A_117, %get3A_120, %dot_general3A_121 {dimension_numbers = #tpu.dot_dimension_numbers<[1], [0], [0], [1], [0, 0, 1, 1], [], []>, transpose_lhs_hint = false} : vector<128x64xf32>, vector<64x32xf32>, vector<128x32xf32> -> vector<128x32xf32>
      %get3A_123 = arith.constant 0 : index
      %get3A_124 = arith.constant 0 : index
      %get3A_125 = vector.load %arg19[%get3A_123, %get3A_124] : memref<1x32xf32, #tpu.memory_space<vmem>>, vector<1x32xf32>
      %add3A_126 = vector.broadcast %get3A_125 : vector<1x32xf32> to vector<128x32xf32>
      %add3A_127 = arith.addf %dot_general3A_122, %add3A_126 : vector<128x32xf32>
      %tanh3A_128 = math.tanh %add3A_127 : vector<128x32xf32>
      %mul3A_129 = arith.constant 5.000000e-01 : f32
      %mul3A_130 = vector.broadcast %mul3A_129 : f32 to vector<128x32xf32>
      %mul3A_131 = arith.mulf %mul3A_130, %tanh3A_128 : vector<128x32xf32>
      %swap3A_132 = arith.constant 0 : index
      %swap3A_133 = arith.constant 0 : index
      %swap3A_134 = vector.load %arg20[%swap3A_132, %swap3A_133] : memref<128x32xf32, #tpu.memory_space<vmem>>, vector<128x32xf32>
      tpu.vector_store %arg20[%swap3A_132, %swap3A_133], %mul3A_131 {strides = array<i32>} : memref<128x32xf32, #tpu.memory_space<vmem>>, vector<128x32xf32>,
    } else {
    }
    return
  }
  func.func @transform_0(%arg0: i32) -> (i32, i32) {
    %c0_i32 = arith.constant 0 : i32
    %c0_i32_0 = arith.constant 0 : i32
    return %arg0, %c0_i32 : i32, i32
  }
  func.func @transform_1(%arg0: i32) -> (i32, i32) {
    %c0_i32 = arith.constant 0 : i32
    %c0_i32_0 = arith.constant 0 : i32
    return %arg0, %c0_i32 : i32, i32
  }
  func.func @transform_2(%arg0: i32) -> (i32, i32) {
    %c0_i32 = arith.constant 0 : i32
    %c0_i32_0 = arith.constant 0 : i32
    %c0_i32_1 = arith.constant 0 : i32
    return %c0_i32, %c0_i32_0 : i32, i32
  }
  func.func @transform_3(%arg0: i32) -> (i32, i32) {
    %c0_i32 = arith.constant 0 : i32
    %c0_i32_0 = arith.constant 0 : i32
    %c0_i32_1 = arith.constant 0 : i32
    return %c0_i32, %c0_i32_0 : i32, i32
  }
  func.func @transform_4(%arg0: i32) -> (i32, i32) {
    %c0_i32 = arith.constant 0 : i32
    %c0_i32_0 = arith.constant 0 : i32
    %c0_i32_1 = arith.constant 0 : i32
    return %c0_i32, %c0_i32_0 : i32, i32
  }
  func.func @transform_5(%arg0: i32) -> (i32, i32) {
    %c0_i32 = arith.constant 0 : i32
    %c0_i32_0 = arith.constant 0 : i32
    %c0_i32_1 = arith.constant 0 : i32
    return %c0_i32, %c0_i32_0 : i32, i32
  }
  func.func @transform_6(%arg0: i32) -> (i32, i32) {
    %c0_i32 = arith.constant 0 : i32
    %c0_i32_0 = arith.constant 0 : i32
    %c0_i32_1 = arith.constant 0 : i32
    return %c0_i32, %c0_i32_0 : i32, i32
  }
  func.func @transform_7(%arg0: i32) -> (i32, i32) {
    %c0_i32 = arith.constant 0 : i32
    %c0_i32_0 = arith.constant 0 : i32
    %c0_i32_1 = arith.constant 0 : i32
    return %c0_i32, %c0_i32_0 : i32, i32
  }
  func.func @transform_8(%arg0: i32) -> (i32, i32) {
    %c0_i32 = arith.constant 0 : i32
    %c0_i32_0 = arith.constant 0 : i32
    %c0_i32_1 = arith.constant 0 : i32
    return %c0_i32, %c0_i32_0 : i32, i32
  }
  func.func @transform_9(%arg0: i32) -> (i32, i32) {
    %c0_i32 = arith.constant 0 : i32
    %c0_i32_0 = arith.constant 0 : i32
    %c0_i32_1 = arith.constant 0 : i32
    return %c0_i32, %c0_i32_0 : i32, i32
  }
  func.func @transform_10(%arg0: i32) -> (i32, i32) {
    %c0_i32 = arith.constant 0 : i32
    %c0_i32_0 = arith.constant 0 : i32
    %c0_i32_1 = arith.constant 0 : i32
    return %c0_i32, %c0_i32_0 : i32, i32
  }
  func.func @transform_11(%arg0: i32) -> (i32, i32) {
    %c0_i32 = arith.constant 0 : i32
    %c0_i32_0 = arith.constant 0 : i32
    %c0_i32_1 = arith.constant 0 : i32
    return %c0_i32, %c0_i32_0 : i32, i32
  }
  func.func @transform_12(%arg0: i32) -> (i32, i32) {
    %c0_i32 = arith.constant 0 : i32
    %c0_i32_0 = arith.constant 0 : i32
    %c0_i32_1 = arith.constant 0 : i32
    return %c0_i32, %c0_i32_0 : i32, i32
  }
  func.func @transform_13(%arg0: i32) -> (i32, i32) {
    %c0_i32 = arith.constant 0 : i32
    %c0_i32_0 = arith.constant 0 : i32
    %c0_i32_1 = arith.constant 0 : i32
    return %c0_i32, %c0_i32_0 : i32, i32
  }
  func.func @transform_14(%arg0: i32) -> (i32, i32) {
    %c0_i32 = arith.constant 0 : i32
    %c0_i32_0 = arith.constant 0 : i32
    %c0_i32_1 = arith.constant 0 : i32
    return %c0_i32, %c0_i32_0 : i32, i32
  }
  func.func @transform_15(%arg0: i32) -> (i32, i32) {
    %c0_i32 = arith.constant 0 : i32
    %c0_i32_0 = arith.constant 0 : i32
    %c0_i32_1 = arith.constant 0 : i32
    return %c0_i32, %c0_i32_0 : i32, i32
  }
  func.func @transform_16(%arg0: i32) -> (i32, i32) {
    %c0_i32 = arith.constant 0 : i32
    %c0_i32_0 = arith.constant 0 : i32
    %c0_i32_1 = arith.constant 0 : i32
    return %c0_i32, %c0_i32_0 : i32, i32
  }
  func.func @transform_17(%arg0: i32) -> (i32, i32) {
    %c0_i32 = arith.constant 0 : i32
    %c0_i32_0 = arith.constant 0 : i32
    %c0_i32_1 = arith.constant 0 : i32
    return %c0_i32, %c0_i32_0 : i32, i32
  }
  func.func @transform_18(%arg0: i32) -> (i32, i32) {
    %c0_i32 = arith.constant 0 : i32
    %c0_i32_0 = arith.constant 0 : i32
    %c0_i32_1 = arith.constant 0 : i32
    return %c0_i32, %c0_i32_0 : i32, i32
  }
  func.func @transform_19(%arg0: i32) -> (i32, i32) {
    %c0_i32 = arith.constant 0 : i32
    %c0_i32_0 = arith.constant 0 : i32
    %c0_i32_1 = arith.constant 0 : i32
    return %c0_i32, %c0_i32_0 : i32, i32
  }
}

</mosaic_0001>

<sc_bundles>
// kernel: kernel.13.cloned.1.call-start
scs
__scs_entry_jumppad:
0x0: {  	(pc) =	sbr.rel $0x88, $3  }
0x1: {  	(tag) =	ssettag $0x0;
	lr =	simm.s32 $0x1  }
0x2: {  	[smem:$0x3F8E] =	sst lr;
	_ =	strace $0xD0000000  }
0x3: {  	_ = 	snop  }
0x4: {  	_ = 	snop  }
0x5: {  	_ = 	snop  }
0x6: {  	_ = 	snop  }
0x7: {  	_ = 	snop  }
__scs_overlays_trampoline_lowered:
0x8: {  	[smem:$0x3F9D] =	sst s0  }
0x9: {  	[smem:$0x3F9E] =	sst s1  }
0xa: {  	[smem:$0x3F9F] =	sst s2  }
0xb: {  	[smem:$0x3FA0] =	sst s3  }
0xc: {  	[smem:$0x3FA1] =	sst s4  }
0xd: {  	[smem:$0x3FA2] =	sst s5  }
0xe: {  	[smem:$0x3FA3] =	sst s6  }
0xf: {  	[smem:$0x3FA4] =	sst s7  }
0x10: {  	[smem:$0x3FA5] =	sst s8  }
0x11: {  	[smem:$0x3FA6] =	sst s9;
	s0 =	simm.s32 @!p0 $0x0  }
0x12: {  	s1 =	sld [smem:$0x3F8C];
	s0 =	simm.s32 @p0 $0x1  }
0x13: {  	[smem:$0x3FA7] =	sst s0;
	s0 =	simm.s32 @!p1 $0x0  }
0x14: {  	s2 =	sld [smem:$0x3F8B];
	s0 =	simm.s32 @p1 $0x1  }
0x15: {  	[smem:$0x3FA8] =	sst s0;
	s0 =	simm.s32 @!p2 $0x0  }
0x16: {  	s3 =	sld [smem:$0x3FDB];
	s0 =	simm.s32 @p2 $0x1  }
0x17: {  	s4 =	simm.s32 $0x1BF5;
	[smem:$0x3FAA] =	sst s0  }
0x18: {  	s0 =	sld [smem:$0x3F8D];
	_ =	swait.ge [sflag:s4], $0x0  }
0x19: {  	s7 =	sld [smem:$0x3F8E]  }
0x1a: {  	s8 =	sadd.s32 $0xFFFFE003, lr  }
0x1b: {  	s9 =	sadd.s32 $0xFFFFFEF7, lr;
	s5 =	simm.s32 $0xFFFFFFFF;
	p2 =	slt.u32 s8, $0xFFFFF086  }
0x1c: {  	p1 =	slt.u32 s9, $0xF7A;
	s5 =	simm.s32 @!p2 $0x0  }
0x1d: {  	s5 =	simm.s32 @p1 $0x1;
	p0 =	seq.s32 s7, s2  }
0x1e: {  	s7 =	smul.u32 @!p0 $0xF7A, s2;
	p2 =	seq.s32 @!p0 s5, $0x0  }
0x1f: {  	s9 =	smul.u32 $0xF7A, s1;
	s8 =	simm.s32 @!p0 $0x1BF5;
	p2 =	por !p2, p0  }
0x20: {  	[sflag:s8] =	ssyncset.s32 @!p0 $0xFFFFF086;
	s6 =	sadd.s32 @!p0 s3, s7;
	s7 =	simm.s32 @!p0 $0x108  }
0x21: {  	s3 =	sadd.s32 s3, s9;
	s6 =	sadd.s32 @!p0 $0x88, s6;
	s7 =	simm.s32 @p2 $0x1082  }
0x22: {  	[simem:s7], [sflag:s8] =	dma.local @!p0 [hbm:s6], $0xF7A  }
0x23: {  	s9 =	sor.u32 $0xD0000000, s2;
	s6 =	simm.s32 $0x108;
	_ =	swait.ge @!p0 [sflag:s8], $0x0  }
0x24: {  	s3 =	sadd.s32 $0x88, s3;
	s6 =	simm.s32 @!p1 $0x1082;
	[sflag:s4] =	ssyncset.s32 $0xFFFFF086  }
0x25: {  	[simem:s6], [sflag:s4] =	dma.local [hbm:s3], $0xF7A  }
0x26: {  	[smem:$0x3F8E] =	sst s1;
	(tag) =	ssettag s2;
	_ =	strace s9  }
0x27: {  	s1 =	sld [smem:$0x3F9E]  }
0x28: {  	s2 =	sld [smem:$0x3F9F]  }
0x29: {  	s4 =	sld [smem:$0x3FA1]  }
0x2a: {  	p0 =	seq.s32 s5, $0x0;
	s5 =	sld [smem:$0x3FA2]  }
0x2b: {  	s6 =	sld [smem:$0x3FA3]  }
0x2c: {  	s7 =	sld [smem:$0x3FA4]  }
0x2d: {  	s3 =	simm.s32 $0x108;
	s8 =	sld [smem:$0x3FA5]  }
0x2e: {  	s3 =	simm.s32 @!p0 $0x1082;
	s9 =	sld [smem:$0x3FA6]  }
0x2f: {  	lr =	sadd.s32 s0, s3;
	s0 =	sld [smem:$0x3F9D]  }
0x30: {  	s3 =	sld [smem:$0x3FA0]  }
0x31: {  	[smem:$0x3FA9] =	sst s10  }
0x32: {  	s10 =	sld [smem:$0x3FA7];
	_ =	sdelay $0x3  }
0x33: {  	p0 =	seq.s32 s10, $0x1;
	s10 =	sld [smem:$0x3FA9];
	_ =	sdelay $0x3  }
0x34: {  	[smem:$0x3FA9] =	sst s10  }
0x35: {  	s10 =	sld [smem:$0x3FA8];
	_ =	sdelay $0x3  }
0x36: {  	p1 =	seq.s32 s10, $0x1;
	s10 =	sld [smem:$0x3FA9];
	_ =	sdelay $0x3  }
0x37: {  	[smem:$0x3FA9] =	sst s10  }
0x38: {  	s10 =	sld [smem:$0x3FAA]  }
0x39: {  	_ = 	snop;
	(pc) =	sbr.ind lr, $3  }
0x3a: {  	_ = 	snop  }
0x3b: {  	_ = 	snop  }
0x3c: {  	p2 =	seq.s32 s10, $0x1;
	s10 =	sld [smem:$0x3FA9]  }
0x3d: {  	_ =	shalt  }
0x3e: {  	_ =	shalt  }
0x3f: {  	_ =	shalt  }
0x40: {  	_ =	shalt  }
0x41: {  	_ =	shalt  }
0x42: {  	_ =	shalt  }
0x43: {  	_ =	shalt  }
0x44: {  	_ =	shalt  }
0x45: {  	_ =	shalt  }
0x46: {  	_ =	shalt  }
0x47: {  	_ =	shalt  }
0x48: {  	_ =	shalt  }
0x49: {  	_ =	shalt  }
0x4a: {  	_ =	shalt  }
0x4b: {  	_ =	shalt  }
0x4c: {  	_ =	shalt  }
0x4d: {  	_ =	shalt  }
0x4e: {  	_ =	shalt  }
0x4f: {  	_ =	shalt  }
0x50: {  	_ =	shalt  }
0x51: {  	_ =	shalt  }
0x52: {  	_ =	shalt  }
0x53: {  	_ =	shalt  }
0x54: {  	_ =	shalt  }
0x55: {  	_ =	shalt  }
0x56: {  	_ =	shalt  }
0x57: {  	_ =	shalt  }
0x58: {  	_ =	shalt  }
0x59: {  	_ =	shalt  }
0x5a: {  	_ =	shalt  }
0x5b: {  	_ =	shalt  }
0x5c: {  	_ =	shalt  }
0x5d: {  	_ =	shalt  }
0x5e: {  	_ =	shalt  }
0x5f: {  	_ =	shalt  }
0x60: {  	_ =	shalt  }
0x61: {  	_ =	shalt  }
0x62: {  	_ =	shalt  }
0x63: {  	_ =	shalt  }
0x64: {  	_ =	shalt  }
0x65: {  	_ =	shalt  }
0x66: {  	_ =	shalt  }
0x67: {  	_ =	shalt  }
0x68: {  	_ =	shalt  }
0x69: {  	_ =	shalt  }
0x6a: {  	_ =	shalt  }
0x6b: {  	_ =	shalt  }
0x6c: {  	_ =	shalt  }
0x6d: {  	_ =	shalt  }
0x6e: {  	_ =	shalt  }
0x6f: {  	_ =	shalt  }
0x70: {  	_ =	shalt  }
0x71: {  	_ =	shalt  }
0x72: {  	_ =	shalt  }
0x73: {  	_ =	shalt  }
0x74: {  	_ =	shalt  }
0x75: {  	_ =	shalt  }
0x76: {  	_ =	shalt  }
0x77: {  	_ =	shalt  }
0x78: {  	_ =	shalt  }
0x79: {  	_ =	shalt  }
0x7a: {  	_ =	shalt  }
0x7b: {  	_ =	shalt  }
0x7c: {  	_ =	shalt  }
0x7d: {  	_ =	shalt  }
0x7e: {  	_ =	shalt  }
0x7f: {  	_ =	shalt  }
0x80: {  	_ =	shalt  }
0x81: {  	_ =	shalt  }
0x82: {  	_ =	shalt  }
0x83: {  	_ =	shalt  }
0x84: {  	_ =	shalt  }
0x85: {  	_ =	shalt  }
0x86: {  	_ =	shalt  }
0x87: {  	_ =	shalt  }
.Lfunc_end0:
.L_simem_size_0:
called_computation_lowered:
.L_overlay_start_0:
0x88: {  	s2 =	sld [smem:$0x3FD9]  }
0x89: {  	s3 =	sld [smem:$0x3FFE];
	_ =	sdelay $0x1  }
0x8a: {  	s1 =	srdreg.scid  }
0x8b: {  	s0 =	sand.u32 $0x1, s1  }
0x8c: {  	s16 =	sshll.u32 s0, $0xA;
	s2 =	sadd.s32 s3, s2  }
0x8d: {  	s2 =	sadd.s32 s2, s16  }
0x8e: {  	[smem:$0x3FB5] =	sst s2  }
0x8f: {  	_ = 	snop  }
0x90: {  	(tm) =	ssettm $0x1  }
0x91: {  	s17 =	sld [smem:$0x3FFB];
	_ =	sdelay $0x3  }
0x92: {  	_ =	strace s17  }
0x93: {  	s2 =	sld [smem:$0x3FFC];
	_ =	sdelay $0x3  }
0x94: {  	_ =	strace s2  }
0x95: {  	s2 =	sld [smem:$0x3FFD];
	_ =	sdelay $0x3  }
0x96: {  	_ =	strace s2  }
0x97: {  	_ =	strace $0x8FFFFFFF  }
0x98: {  	s18 =	sld [smem:$0x3FDB];
	_ =	sdelay $0x1  }
0x99: {  	s19 =	simm.s32 $_scs_section_size  }
0x9a: {  	s4 =	simm.s32 $_size__tile_overlayer_lowered;
	s5 =	simm.s32 $_tile_overlayer_lowered  }
0x9b: {  	s22 =	simm.s32 $0x1BFF;
	s21 =	sshll.u32 s5, $0x1;
	s2 =	sadd.s32 s19, s18  }
0x9c: {  	s6 =	simm.s32 $0x0;
	s20 =	sshll.u32 s4, $0x1;
	s4 =	sadd.s32 s21, s2  }
0x9d: {  	[timem:s6], [sflag:s22] =	dma.local [hbm:s4], s20  }
0x9e: {  	_ =	swait.ge [sflag:s22], s20  }
0x9f: {  	s3 =	ssub.s32 $0x0, s20;
	[sflag:s22] =	ssyncset.done $0x0  }
0xa0: {  	[sflag:s22] =	ssyncadd.s32 s3;
	_ =	sdelay $0x1  }
0xa1: {  	s23 =	simm.s32 $0x1B8B  }
0xa2: {  	_ =	swait.ge [sflag:s23], $0x1  }
0xa3: {  	[sflag:s23] =	ssyncset.done $0x0  }
0xa4: {  	s25 =	simm.s32 $0x1B8E;
	s24 =	sld [smem:$0x3FFE];
	[sflag:s23] =	ssyncadd.s32 $0xFFFFFFFF  }
0xa5: {  	s26 =	simm.s32 $execute0_lowered;
	[smem:$0x3FD2] =	sst s25  }
0xa6: {  	s4 =	sshll.u32 s26, $0x1;
	_ =	strace $0x80000046;
	[dreg:$0x1] =	wrdreg $0xFFFFFFFF  }
0xa7: {  	s28 =	simm.s32 $_size_execute0_lowered;
	s2 =	sadd.s32 s2, s4;
	[dreg:$0x0] =	wrdreg $0x0  }
0xa8: {  	s4 =	sshll.u32 s28, $0x1;
	[dreg:$0x2] =	wrdreg s2  }
0xa9: {  	[dreg:$0x3] =	wrdreg s4  }
0xaa: {  	[dreg:$0x4] =	wrdreg $0xC0  }
0xab: {  	_ =	task [dreg:s6], $0x5FFFF  }
0xac: {  	[dreg:$0x1] =	wrdreg $0xFFFFFFFF  }
0xad: {  	[dreg:$0x0] =	wrdreg $0x60  }
0xae: {  	[dreg:$0x2] =	wrdreg s24  }
0xaf: {  	[dreg:$0x3] =	wrdreg $0x68000  }
0xb0: {  	[dreg:$0x4] =	wrdreg $0x9  }
0xb1: {  	_ =	task.clear_ibuf [dreg:s6], $0x5FFFF;
	_ =	strace $0x90000046  }
0xb2: {  	s29 =	simm.s32 $0x9;
	_ =	strace $0x80000048  }
0xb3: {  	_ =	swait.ge [sflag:s29], $0x1  }
0xb4: {  	[sflag:s29] =	ssyncadd.s32 $0xFFFFFFFF  }
0xb5: {  	_ =	strace $0x90000048  }
0xb6: {  	_ =	sfence  }
0xb7: {  	s30 =	sld [smem:$0x0];
	_ =	sdelay $0x2  }
0xb8: {  	s31 =	sshll.u32 s1, $0xD;
	s1 =	sshrl.u32 s1, $0x2  }
0xb9: {  	s3 =	sand.u32 $0x4000, s31;
	s1 =	sadd.s32 s1, s30  }
0xba: {  	s0 =	sor.u32 s3, s0;
	s1 =	sshll.u32 s1, $0x11  }
0xbb: {  	s0 =	sor.u32 s1, s0  }
0xbc: {  	s0 =	sadd.s32 $0x8F2B, s0  }
0xbd: {  	[sflag:s0] =	ssyncadd.remote.s32 $0x1  }
0xbe: {  	_ =	sfence.sel $0xFFFF  }
0xbf: {  	[dreg:$0x0] =	wrdreg $0xFFFFFFFF;
	(pc) =	sbr.abs _section_cstart, $3  }
0xc0: {  	[dreg:$0x1] =	wrdreg $0xFFFFFFFF  }
0xc1: {  	_ =	task.clear_ibuf [dreg:s6], $0x2FFFF;
	_ =	strace $0x9FFFFFFF  }
0xc2: {  	(tm) =	ssettm $0x7FFFFFFF  }
0xc3: {  	_ =	shalt  }
tec
execute0_lowered:
.L_overlay_start_1:
0x0: {  	(tag) =	ssettag $0x1  }
0x1: {  	s9 =	rddreg [dreg:$0x0]  }
0x2: {  	s0 =	srdreg.scid;
	s2 =	rddreg [dreg:$0x1]  }
0x3: {  	s3 =	simm.s32 $0x0;
	s18 =	simm.s32 $0x7D;
	s19 =	simm.s32 $0x1  }
0x4: {  	s21 =	simm.s32 $0x0;
	s10 =	sand.u32 $0x1, s0;
	s0 =	stileid.u32  }
0x5: {  	[smem:$0x7FF] =	sst s3;
	s5 =	sadd.s32 $0x3AA00, s9;
	s6 =	sadd.s32 $0x61C00, s9  }
0x6: {  	s20 =	sadd.s32 $0x138000, s2;
	s1 =	sshll.u32 s10, $0x4;
	s11 =	smul.u32 $0x2700, s0  }
0x7: {  	s12 =	ssub.s32 $0x2, s10;
	s13 =	smul.u32 $0x4E000, s0;
	p0 =	seq.s32 s10, $0x1  }
0x8: {  	p1 =	sne.s32 s0, $0xF;
	s15 =	sshll.u32 s0, $0x6;
	p2 =	seq.s32 s0, $0xF  }
0x9: {  	s4 =	sor.u32 s0, s1;
	s1 =	rddreg [dreg:$0x2];
	_ =	strace $0x80000047  }
0xa: {  	s14 =	sshrl.u32 s12, $0x1;
	s15 =	sor.u32 $0x1C02, s15;
	s17 =	sshrl.u32 @!p1 s20, $0x3  }
0xb: {  	s20 =	sshrl.u32 s20, $0x3;
	s4 =	smul.u32 $0x500, s4;
	s8 =	sadd.s32 s11, s9  }
.Ltmp0:
0xc: {  	s12 =	ssub.s32 s12, s14;
	s13 =	sshrl.u32 s13, $0x2;
	(pc) =	sbr.rel .LBB2_1-.Ltmp0, $4  }
0xd: {  	s10 =	sadd.s32 s5, s11;
	s11 =	sadd.s32 s6, s11;
	s14 =	simm.s32 $0x2  }
0xe: {  	s16 =	sadd.s32 s13, s2;
	s8 =	sadd.s32 $0x13800, s8;
	s12 =	smax.u32 s12, $0x1  }
0xf: {  	s13 =	simm.s32 $0x2800;
	s7 =	sadd.s32 s4, s9;
	s4 =	sadd.s32 $0x13000, s9  }
0x10: {  	s9 =	sadd.s32 $0x3A800, s9;
	s16 =	sshrl.u32 s16, $0x3;
	s7 =	sadd.s32 $0x9000, s7  }
.LBB2_6:
0x11: {  	s22 =	sadd.s32 $0x27000, s22  }
0x12: {  	[hbm:s22], [sflag:s15] =	dma.local [spmem:s20], $0x100  }
0x13: {  	_ =	swait.ge [sflag:s14], $0x100  }
0x14: {  	[sflag:s14] =	ssyncset.done $0x0  }
0x15: {  	[sflag:s14] =	ssyncadd.s32 $0xFFFFFF00  }
.LBB2_7:
0x16: {  	s21 =	sadd.s32 $0x1, s21  }
0x17: {  	p3 =	sne.s32 s21, s12  }
.Ltmp1:
0x18: {  	_ = 	snop;
	(pc) =	sbr.rel @!p3 .LBB2_8-.Ltmp1, $1  }
0x19: {  	_ =	sdelay $0x3  }
.LBB2_1:
0x1a: {  	[tilespmem:s13], [sflag:$0x2] =	stream.linear.gather [hbm4b:s4+s3], $0x3E80, $0x38;
	[tilespmem:$0x1A080] =	vst v63  }
0x1b: {  	_ =	swait.ge [sflag:s14], $0x3E80  }
0x1c: {  	[sflag:s14] =	ssyncset.done $0x0  }
0x1d: {  	[sflag:s14] =	ssyncadd.s32 $0xFFFFC180  }
0x1e: {  	[tilespmem:s3], [sflag:$0x2] =	stream.linear.gather [hbm4b:s7+s3], $0x2800, $0x38;
	[tilespmem:$0x1A080] =	vst v63  }
0x1f: {  	_ =	swait.ge [sflag:s14], $0x2800  }
0x20: {  	[sflag:s14] =	ssyncset.done $0x0  }
0x21: {  	[sflag:s14] =	ssyncadd.s32 $0xFFFFD800  }
0x22: {  	[spmem:s16], [sflag:s15] =	dma.local [hbm:s8], $0x2700  }
0x23: {  	_ =	swait.ge [sflag:s14], $0x2700  }
0x24: {  	[sflag:s14] =	ssyncset.done $0x0  }
0x25: {  	s22 =	simm.s32 @!p1 $0x2;
	[sflag:s14] =	ssyncadd.s32 $0xFFFFD900  }
0x26: {  	[spmem:s17], [sflag:s15] =	dma.local @!p1 [hbm:s9], $0x100  }
0x27: {  	_ =	swait.ge @!p1 [sflag:s22], $0x100  }
0x28: {  	[sflag:s22] =	ssyncset.done @!p1 $0x0  }
0x29: {  	[sflag:s22] =	ssyncadd.s32 @!p1 $0xFFFFFF00  }
0x2a: {  	s23 =	simm.s32 $0x0;
	[bflag:$0x0] =	sbarrier.arrive $0xFFFF  }
0x2b: {  	[spmem:s2] =	stream.indirect.scatter.add.f32 [tilespmem:s13], [sflag:$0x1], $0x80, s23, s18, $0xb8;
	[tilespmem:$0x1A080] =	vst v63  }
0x2c: {  	s24 =	simm.s32 $0x80  }
0x2d: {  	[spmem:s2] =	stream.indirect.scatter.add.f32 [tilespmem:s13], [sflag:$0x1], $0x80, s24, s18, $0xb8;
	[tilespmem:$0x1A080] =	vst v63  }
0x2e: {  	s25 =	simm.s32 $0x100  }
0x2f: {  	[spmem:s2] =	stream.indirect.scatter.add.f32 [tilespmem:s13], [sflag:$0x1], $0x80, s25, s18, $0xb8;
	[tilespmem:$0x1A080] =	vst v63  }
0x30: {  	s26 =	simm.s32 $0x180  }
0x31: {  	[spmem:s2] =	stream.indirect.scatter.add.f32 [tilespmem:s13], [sflag:$0x1], $0x80, s26, s18, $0xb8;
	[tilespmem:$0x1A080] =	vst v63  }
0x32: {  	s28 =	simm.s32 $0x200  }
0x33: {  	[spmem:s2] =	stream.indirect.scatter.add.f32 [tilespmem:s13], [sflag:$0x1], $0x80, s28, s18, $0xb8;
	[tilespmem:$0x1A080] =	vst v63  }
0x34: {  	s29 =	simm.s32 $0x280  }
0x35: {  	[spmem:s2] =	stream.indirect.scatter.add.f32 [tilespmem:s13], [sflag:$0x1], $0x80, s29, s18, $0xb8;
	[tilespmem:$0x1A080] =	vst v63  }
0x36: {  	s30 =	simm.s32 $0x300  }
0x37: {  	[spmem:s2] =	stream.indirect.scatter.add.f32 [tilespmem:s13], [sflag:$0x1], $0x80, s30, s18, $0xb8;
	[tilespmem:$0x1A080] =	vst v63  }
0x38: {  	s31 =	simm.s32 $0x380  }
0x39: {  	[spmem:s2] =	stream.indirect.scatter.add.f32 [tilespmem:s13], [sflag:$0x1], $0x80, s31, s18, $0xb8;
	[tilespmem:$0x1A080] =	vst v63  }
0x3a: {  	_ =	swait.ge [sflag:s19], $0x3E80  }
0x3b: {  	[sflag:s19] =	ssyncset.done $0x0  }
0x3c: {  	[sflag:s19] =	ssyncadd.s32 $0xFFFFC180  }
0x3d: {  	_ =	swait.ge [sflag:s19], $0x3E80  }
0x3e: {  	[sflag:s19] =	ssyncset.done $0x0  }
0x3f: {  	[sflag:s19] =	ssyncadd.s32 $0xFFFFC180  }
0x40: {  	_ =	swait.ge [sflag:s19], $0x3E80  }
0x41: {  	[sflag:s19] =	ssyncset.done $0x0  }
0x42: {  	[sflag:s19] =	ssyncadd.s32 $0xFFFFC180  }
0x43: {  	_ =	swait.ge [sflag:s19], $0x3E80  }
0x44: {  	[sflag:s19] =	ssyncset.done $0x0  }
0x45: {  	[sflag:s19] =	ssyncadd.s32 $0xFFFFC180  }
0x46: {  	_ =	swait.ge [sflag:s19], $0x3E80  }
0x47: {  	[sflag:s19] =	ssyncset.done $0x0  }
0x48: {  	[sflag:s19] =	ssyncadd.s32 $0xFFFFC180  }
0x49: {  	_ =	swait.ge [sflag:s19], $0x3E80  }
0x4a: {  	[sflag:s19] =	ssyncset.done $0x0  }
0x4b: {  	[sflag:s19] =	ssyncadd.s32 $0xFFFFC180  }
0x4c: {  	_ =	swait.ge [sflag:s19], $0x3E80  }
0x4d: {  	[sflag:s19] =	ssyncset.done $0x0  }
0x4e: {  	[sflag:s19] =	ssyncadd.s32 $0xFFFFC180  }
0x4f: {  	_ =	swait.ge [sflag:s19], $0x3E80  }
0x50: {  	s22 =	simm.s32 $0x1000;
	s24 =	simm.s32 $0x2000;
	[sflag:s19] =	ssyncset.done $0x0  }
.LBB2_2:
0x51: {  	s25 =	sshra.s32 s22, $0x2  }
0x52: {  	[sflag:s19] =	ssyncadd.s32 $0xFFFFC180;
	s22 =	smov.u32 s24;
	s23 =	sadd.s32 $0x1000, s24  }
0x53: {  	[spmem:s2] =	stream.indirect.scatter.add.f32 [tilespmem:s13], [sflag:$0x1], $0x80, s25, s18, $0xb8;
	[tilespmem:$0x1A080] =	vst v63  }
0x54: {  	p3 =	sne.s32 s24, $0x9000;
	s24 =	sadd.s32 $0x80, s25  }
0x55: {  	[spmem:s2] =	stream.indirect.scatter.add.f32 [tilespmem:s13], [sflag:$0x1], $0x80, s24, s18, $0xb8;
	[tilespmem:$0x1A080] =	vst v63  }
0x56: {  	s24 =	sadd.s32 $0x100, s25  }
0x57: {  	[spmem:s2] =	stream.indirect.scatter.add.f32 [tilespmem:s13], [sflag:$0x1], $0x80, s24, s18, $0xb8;
	[tilespmem:$0x1A080] =	vst v63  }
0x58: {  	s24 =	sadd.s32 $0x180, s25  }
0x59: {  	[spmem:s2] =	stream.indirect.scatter.add.f32 [tilespmem:s13], [sflag:$0x1], $0x80, s24, s18, $0xb8;
	[tilespmem:$0x1A080] =	vst v63  }
0x5a: {  	s24 =	sadd.s32 $0x200, s25  }
0x5b: {  	[spmem:s2] =	stream.indirect.scatter.add.f32 [tilespmem:s13], [sflag:$0x1], $0x80, s24, s18, $0xb8;
	[tilespmem:$0x1A080] =	vst v63  }
0x5c: {  	s24 =	sadd.s32 $0x280, s25  }
0x5d: {  	[spmem:s2] =	stream.indirect.scatter.add.f32 [tilespmem:s13], [sflag:$0x1], $0x80, s24, s18, $0xb8;
	[tilespmem:$0x1A080] =	vst v63  }
0x5e: {  	s24 =	sadd.s32 $0x300, s25  }
0x5f: {  	[spmem:s2] =	stream.indirect.scatter.add.f32 [tilespmem:s13], [sflag:$0x1], $0x80, s24, s18, $0xb8;
	[tilespmem:$0x1A080] =	vst v63  }
0x60: {  	s24 =	sadd.s32 $0x380, s25  }
0x61: {  	[spmem:s2] =	stream.indirect.scatter.add.f32 [tilespmem:s13], [sflag:$0x1], $0x80, s24, s18, $0xb8;
	[tilespmem:$0x1A080] =	vst v63  }
0x62: {  	_ =	swait.ge [sflag:s19], $0x3E80  }
0x63: {  	[sflag:s19] =	ssyncset.done $0x0  }
0x64: {  	[sflag:s19] =	ssyncadd.s32 $0xFFFFC180  }
0x65: {  	_ =	swait.ge [sflag:s19], $0x3E80  }
0x66: {  	[sflag:s19] =	ssyncset.done $0x0  }
0x67: {  	[sflag:s19] =	ssyncadd.s32 $0xFFFFC180  }
0x68: {  	_ =	swait.ge [sflag:s19], $0x3E80  }
0x69: {  	[sflag:s19] =	ssyncset.done $0x0  }
0x6a: {  	[sflag:s19] =	ssyncadd.s32 $0xFFFFC180  }
0x6b: {  	_ =	swait.ge [sflag:s19], $0x3E80  }
0x6c: {  	[sflag:s19] =	ssyncset.done $0x0  }
0x6d: {  	[sflag:s19] =	ssyncadd.s32 $0xFFFFC180  }
0x6e: {  	_ =	swait.ge [sflag:s19], $0x3E80  }
0x6f: {  	[sflag:s19] =	ssyncset.done $0x0  }
0x70: {  	[sflag:s19] =	ssyncadd.s32 $0xFFFFC180  }
0x71: {  	_ =	swait.ge [sflag:s19], $0x3E80  }
0x72: {  	[sflag:s19] =	ssyncset.done $0x0  }
0x73: {  	[sflag:s19] =	ssyncadd.s32 $0xFFFFC180  }
.Ltmp2:
0x74: {  	_ =	swait.ge [sflag:s19], $0x3E80;
	(pc) =	sbr.rel @p3 .LBB2_2-.Ltmp2, $4  }
0x75: {  	[sflag:s19] =	ssyncset.done $0x0  }
0x76: {  	[sflag:s19] =	ssyncadd.s32 $0xFFFFC180  }
0x77: {  	_ =	swait.ge [sflag:s19], $0x3E80  }
0x78: {  	s24 =	smov.u32 s23;
	[sflag:s19] =	ssyncset.done $0x0  }
0x79: {  	s22 =	sshra.s32 s22, $0x2;
	[sflag:s19] =	ssyncadd.s32 $0xFFFFC180  }
0x7a: {  	[spmem:s2] =	stream.indirect.scatter.add.f32 [tilespmem:s13], [sflag:$0x1], $0x80, s22, s18, $0xb8;
	[tilespmem:$0x1A080] =	vst v63  }
0x7b: {  	s23 =	sadd.s32 $0x80, s22  }
0x7c: {  	[spmem:s2] =	stream.indirect.scatter.add.f32 [tilespmem:s13], [sflag:$0x1], $0x80, s23, s18, $0xb8;
	[tilespmem:$0x1A080] =	vst v63  }
0x7d: {  	s26 =	sadd.s32 $0x100, s22  }
0x7e: {  	[spmem:s2] =	stream.indirect.scatter.add.f32 [tilespmem:s13], [sflag:$0x1], $0x80, s26, s18, $0xb8;
	[tilespmem:$0x1A080] =	vst v63  }
0x7f: {  	s28 =	sadd.s32 $0x180, s22  }
0x80: {  	[spmem:s2] =	stream.indirect.scatter.add.f32 [tilespmem:s13], [sflag:$0x1], $0x80, s28, s18, $0xb8;
	[tilespmem:$0x1A080] =	vst v63  }
0x81: {  	s29 =	sadd.s32 $0x200, s22  }
0x82: {  	[spmem:s2] =	stream.indirect.scatter.add.f32 [tilespmem:s13], [sflag:$0x1], $0x80, s29, s18, $0xb8;
	[tilespmem:$0x1A080] =	vst v63  }
0x83: {  	s30 =	sadd.s32 $0x280, s22  }
0x84: {  	[spmem:s2] =	stream.indirect.scatter.add.f32 [tilespmem:s13], [sflag:$0x1], $0x80, s30, s18, $0xb8;
	[tilespmem:$0x1A080] =	vst v63  }
0x85: {  	s31 =	sadd.s32 $0x300, s22  }
0x86: {  	[spmem:s2] =	stream.indirect.scatter.add.f32 [tilespmem:s13], [sflag:$0x1], $0x80, s31, s18, $0xb8;
	[tilespmem:$0x1A080] =	vst v63  }
0x87: {  	s22 =	sadd.s32 $0x380, s22  }
0x88: {  	[spmem:s2] =	stream.indirect.scatter.add.f32 [tilespmem:s13], [sflag:$0x1], $0x80, s22, s18, $0xb8;
	[tilespmem:$0x1A080] =	vst v63  }
0x89: {  	_ =	swait.ge [sflag:s19], $0x3E80  }
0x8a: {  	[sflag:s19] =	ssyncset.done $0x0  }
0x8b: {  	[sflag:s19] =	ssyncadd.s32 $0xFFFFC180  }
0x8c: {  	_ =	swait.ge [sflag:s19], $0x3E80  }
0x8d: {  	[sflag:s19] =	ssyncset.done $0x0  }
0x8e: {  	[sflag:s19] =	ssyncadd.s32 $0xFFFFC180  }
0x8f: {  	_ =	swait.ge [sflag:s19], $0x3E80  }
0x90: {  	[sflag:s19] =	ssyncset.done $0x0  }
0x91: {  	[sflag:s19] =	ssyncadd.s32 $0xFFFFC180  }
0x92: {  	_ =	swait.ge [sflag:s19], $0x3E80  }
0x93: {  	[sflag:s19] =	ssyncset.done $0x0  }
0x94: {  	[sflag:s19] =	ssyncadd.s32 $0xFFFFC180  }
0x95: {  	_ =	swait.ge [sflag:s19], $0x3E80  }
0x96: {  	[sflag:s19] =	ssyncset.done $0x0  }
0x97: {  	[sflag:s19] =	ssyncadd.s32 $0xFFFFC180  }
0x98: {  	_ =	swait.ge [sflag:s19], $0x3E80  }
0x99: {  	[sflag:s19] =	ssyncset.done $0x0  }
0x9a: {  	[sflag:s19] =	ssyncadd.s32 $0xFFFFC180  }
0x9b: {  	_ =	swait.ge [sflag:s19], $0x3E80  }
0x9c: {  	[sflag:s19] =	ssyncset.done $0x0  }
0x9d: {  	[sflag:s19] =	ssyncadd.s32 $0xFFFFC180  }
.Ltmp3:
0x9e: {  	_ =	swait.ge [sflag:s19], $0x3E80;
	(pc) =	sbr.rel @!p0 .LBB2_4-.Ltmp3, $3  }
0x9f: {  	[sflag:s19] =	ssyncset.done $0x0  }
0xa0: {  	[sflag:s19] =	ssyncadd.s32 $0xFFFFC180  }
0xa1: {  	[bflag:$0x0] =	sbarrier.arrive $0xFFFF;
	_ =	sdelay $0x1  }
0xa2: {  	[hbm:s11], [sflag:s15] =	dma.local [spmem:s16], $0x2700  }
.Ltmp4:
0xa3: {  	_ = 	snop;
	(pc) =	sbr.rel @p1 .LBB2_7-.Ltmp4, $4  }
.Ltmp5:
0xa4: {  	_ = 	snop;
	(pc) =	sbr.rel @!p1 .LBB2_6-.Ltmp5, $4  }
0xa5: {  	_ =	swait.ge [sflag:s14], $0x2700  }
0xa6: {  	[sflag:s14] =	ssyncset.done $0x0  }
0xa7: {  	s22 =	smov.u32 s6;
	[sflag:s14] =	ssyncadd.s32 $0xFFFFD900  }
0xa8: {  	_ = 	snop  }
.LBB2_4:
0xa9: {  	[hbm:s10], [sflag:s15] =	dma.local [spmem:s16], $0x2700  }
.Ltmp6:
0xaa: {  	_ = 	snop;
	(pc) =	sbr.rel @p2 .LBB2_6-.Ltmp6, $4  }
.Ltmp7:
0xab: {  	_ = 	snop;
	(pc) =	sbr.rel @!p2 .LBB2_7-.Ltmp7, $4  }
0xac: {  	_ =	swait.ge [sflag:s14], $0x2700  }
0xad: {  	[sflag:s14] =	ssyncset.done $0x0  }
0xae: {  	s22 =	smov.u32 s5;
	[sflag:s14] =	ssyncadd.s32 $0xFFFFD900  }
0xaf: {  	_ = 	snop  }
.LBB2_8:
0xb0: {  	_ =	sfence.sel $0x180000  }
0xb1: {  	[bflag:$0x0] =	sbarrier.arrive $0xFFFF  }
0xb2: {  	p0 =	sne.s32 s0, $0x0;
	_ =	strace $0x90000047  }
0xb3: {  	s0 =	sadd.s32 @!p0 $0x100000, s1;
	[bflag:$0x2] =	sbarrier.arrive $0xFFFF  }
0xb4: {  	[sflag:s0] =	ssyncadd.tile.s32 @!p0 $0x1;
	_ =	shalt  }
.Lfunc_end2:
_tile_overlayer_lowered:
.L_overlay_start_2:
0xb5: {  	(tag) =	ssettag $0x2  }
0xb6: {  	s0 =	rddreg [dreg:$0x0];
	s2 =	stileid.u32  }
0xb7: {  	s1 =	rddreg [dreg:$0x1];
	p0 =	sne.s32 s2, $0x0  }
0xb8: {  	s3 =	rddreg [dreg:$0x2];
	[bflag:$0x3] =	sbarrier.arrive $0xFFFF;
	s2 =	simm.s32 @!p0 $0x1C02  }
0xb9: {  	[timem:s3], [sflag:s2] =	dma.local @!p0 [hbm:s0], s1  }
0xba: {  	s0 =	simm.s32 @!p0 $0x2  }
0xbb: {  	_ =	swait.ge @!p0 [sflag:s0], s1  }
0xbc: {  	s1 =	ssub.s32 @!p0 $0x0, s1;
	[sflag:s0] =	ssyncset.done @!p0 $0x0  }
0xbd: {  	[sflag:s0] =	ssyncadd.s32 @!p0 s1  }
0xbe: {  	[bflag:$0x3] =	sbarrier.arrive $0xFFFF  }
0xbf: {  	_ =	shalt  }

// kernel: kernel.16.cloned.1.call-start
scs
__scs_entry_jumppad:
0x0: {  	(pc) =	sbr.rel $0x88, $3  }
0x1: {  	(tag) =	ssettag $0x0;
	lr =	simm.s32 $0x1  }
0x2: {  	[smem:$0x3F8E] =	sst lr;
	_ =	strace $0xD0000000  }
0x3: {  	_ = 	snop  }
0x4: {  	_ = 	snop  }
0x5: {  	_ = 	snop  }
0x6: {  	_ = 	snop  }
0x7: {  	_ = 	snop  }
__scs_overlays_trampoline_lowered:
0x8: {  	[smem:$0x3F9D] =	sst s0  }
0x9: {  	[smem:$0x3F9E] =	sst s1  }
0xa: {  	[smem:$0x3F9F] =	sst s2  }
0xb: {  	[smem:$0x3FA0] =	sst s3  }
0xc: {  	[smem:$0x3FA1] =	sst s4  }
0xd: {  	[smem:$0x3FA2] =	sst s5  }
0xe: {  	[smem:$0x3FA3] =	sst s6  }
0xf: {  	[smem:$0x3FA4] =	sst s7  }
0x10: {  	[smem:$0x3FA5] =	sst s8  }
0x11: {  	[smem:$0x3FA6] =	sst s9;
	s0 =	simm.s32 @!p0 $0x0  }
0x12: {  	s1 =	sld [smem:$0x3F8C];
	s0 =	simm.s32 @p0 $0x1  }
0x13: {  	[smem:$0x3FA7] =	sst s0;
	s0 =	simm.s32 @!p1 $0x0  }
0x14: {  	s2 =	sld [smem:$0x3F8B];
	s0 =	simm.s32 @p1 $0x1  }
0x15: {  	[smem:$0x3FA8] =	sst s0;
	s0 =	simm.s32 @!p2 $0x0  }
0x16: {  	s3 =	sld [smem:$0x3FDB];
	s0 =	simm.s32 @p2 $0x1  }
0x17: {  	s4 =	simm.s32 $0x1BF5;
	[smem:$0x3FAA] =	sst s0  }
0x18: {  	s0 =	sld [smem:$0x3F8D];
	_ =	swait.ge [sflag:s4], $0x0  }
0x19: {  	s7 =	sld [smem:$0x3F8E]  }
0x1a: {  	s8 =	sadd.s32 $0xFFFFE003, lr  }
0x1b: {  	s9 =	sadd.s32 $0xFFFFFEF7, lr;
	s5 =	simm.s32 $0xFFFFFFFF;
	p2 =	slt.u32 s8, $0xFFFFF086  }
0x1c: {  	p1 =	slt.u32 s9, $0xF7A;
	s5 =	simm.s32 @!p2 $0x0  }
0x1d: {  	s5 =	simm.s32 @p1 $0x1;
	p0 =	seq.s32 s7, s2  }
0x1e: {  	s7 =	smul.u32 @!p0 $0xF7A, s2;
	p2 =	seq.s32 @!p0 s5, $0x0  }
0x1f: {  	s9 =	smul.u32 $0xF7A, s1;
	s8 =	simm.s32 @!p0 $0x1BF5;
	p2 =	por !p2, p0  }
0x20: {  	[sflag:s8] =	ssyncset.s32 @!p0 $0xFFFFF086;
	s6 =	sadd.s32 @!p0 s3, s7;
	s7 =	simm.s32 @!p0 $0x108  }
0x21: {  	s3 =	sadd.s32 s3, s9;
	s6 =	sadd.s32 @!p0 $0x88, s6;
	s7 =	simm.s32 @p2 $0x1082  }
0x22: {  	[simem:s7], [sflag:s8] =	dma.local @!p0 [hbm:s6], $0xF7A  }
0x23: {  	s9 =	sor.u32 $0xD0000000, s2;
	s6 =	simm.s32 $0x108;
	_ =	swait.ge @!p0 [sflag:s8], $0x0  }
0x24: {  	s3 =	sadd.s32 $0x88, s3;
	s6 =	simm.s32 @!p1 $0x1082;
	[sflag:s4] =	ssyncset.s32 $0xFFFFF086  }
0x25: {  	[simem:s6], [sflag:s4] =	dma.local [hbm:s3], $0xF7A  }
0x26: {  	[smem:$0x3F8E] =	sst s1;
	(tag) =	ssettag s2;
	_ =	strace s9  }
0x27: {  	s1 =	sld [smem:$0x3F9E]  }
0x28: {  	s2 =	sld [smem:$0x3F9F]  }
0x29: {  	s4 =	sld [smem:$0x3FA1]  }
0x2a: {  	p0 =	seq.s32 s5, $0x0;
	s5 =	sld [smem:$0x3FA2]  }
0x2b: {  	s6 =	sld [smem:$0x3FA3]  }
0x2c: {  	s7 =	sld [smem:$0x3FA4]  }
0x2d: {  	s3 =	simm.s32 $0x108;
	s8 =	sld [smem:$0x3FA5]  }
0x2e: {  	s3 =	simm.s32 @!p0 $0x1082;
	s9 =	sld [smem:$0x3FA6]  }
0x2f: {  	lr =	sadd.s32 s0, s3;
	s0 =	sld [smem:$0x3F9D]  }
0x30: {  	s3 =	sld [smem:$0x3FA0]  }
0x31: {  	[smem:$0x3FA9] =	sst s10  }
0x32: {  	s10 =	sld [smem:$0x3FA7];
	_ =	sdelay $0x3  }
0x33: {  	p0 =	seq.s32 s10, $0x1;
	s10 =	sld [smem:$0x3FA9];
	_ =	sdelay $0x3  }
0x34: {  	[smem:$0x3FA9] =	sst s10  }
0x35: {  	s10 =	sld [smem:$0x3FA8];
	_ =	sdelay $0x3  }
0x36: {  	p1 =	seq.s32 s10, $0x1;
	s10 =	sld [smem:$0x3FA9];
	_ =	sdelay $0x3  }
0x37: {  	[smem:$0x3FA9] =	sst s10  }
0x38: {  	s10 =	sld [smem:$0x3FAA]  }
0x39: {  	_ = 	snop;
	(pc) =	sbr.ind lr, $3  }
0x3a: {  	_ = 	snop  }
0x3b: {  	_ = 	snop  }
0x3c: {  	p2 =	seq.s32 s10, $0x1;
	s10 =	sld [smem:$0x3FA9]  }
0x3d: {  	_ =	shalt  }
0x3e: {  	_ =	shalt  }
0x3f: {  	_ =	shalt  }
0x40: {  	_ =	shalt  }
0x41: {  	_ =	shalt  }
0x42: {  	_ =	shalt  }
0x43: {  	_ =	shalt  }
0x44: {  	_ =	shalt  }
0x45: {  	_ =	shalt  }
0x46: {  	_ =	shalt  }
0x47: {  	_ =	shalt  }
0x48: {  	_ =	shalt  }
0x49: {  	_ =	shalt  }
0x4a: {  	_ =	shalt  }
0x4b: {  	_ =	shalt  }
0x4c: {  	_ =	shalt  }
0x4d: {  	_ =	shalt  }
0x4e: {  	_ =	shalt  }
0x4f: {  	_ =	shalt  }
0x50: {  	_ =	shalt  }
0x51: {  	_ =	shalt  }
0x52: {  	_ =	shalt  }
0x53: {  	_ =	shalt  }
0x54: {  	_ =	shalt  }
0x55: {  	_ =	shalt  }
0x56: {  	_ =	shalt  }
0x57: {  	_ =	shalt  }
0x58: {  	_ =	shalt  }
0x59: {  	_ =	shalt  }
0x5a: {  	_ =	shalt  }
0x5b: {  	_ =	shalt  }
0x5c: {  	_ =	shalt  }
0x5d: {  	_ =	shalt  }
0x5e: {  	_ =	shalt  }
0x5f: {  	_ =	shalt  }
0x60: {  	_ =	shalt  }
0x61: {  	_ =	shalt  }
0x62: {  	_ =	shalt  }
0x63: {  	_ =	shalt  }
0x64: {  	_ =	shalt  }
0x65: {  	_ =	shalt  }
0x66: {  	_ =	shalt  }
0x67: {  	_ =	shalt  }
0x68: {  	_ =	shalt  }
0x69: {  	_ =	shalt  }
0x6a: {  	_ =	shalt  }
0x6b: {  	_ =	shalt  }
0x6c: {  	_ =	shalt  }
0x6d: {  	_ =	shalt  }
0x6e: {  	_ =	shalt  }
0x6f: {  	_ =	shalt  }
0x70: {  	_ =	shalt  }
0x71: {  	_ =	shalt  }
0x72: {  	_ =	shalt  }
0x73: {  	_ =	shalt  }
0x74: {  	_ =	shalt  }
0x75: {  	_ =	shalt  }
0x76: {  	_ =	shalt  }
0x77: {  	_ =	shalt  }
0x78: {  	_ =	shalt  }
0x79: {  	_ =	shalt  }
0x7a: {  	_ =	shalt  }
0x7b: {  	_ =	shalt  }
0x7c: {  	_ =	shalt  }
0x7d: {  	_ =	shalt  }
0x7e: {  	_ =	shalt  }
0x7f: {  	_ =	shalt  }
0x80: {  	_ =	shalt  }
0x81: {  	_ =	shalt  }
0x82: {  	_ =	shalt  }
0x83: {  	_ =	shalt  }
0x84: {  	_ =	shalt  }
0x85: {  	_ =	shalt  }
0x86: {  	_ =	shalt  }
0x87: {  	_ =	shalt  }
.Lfunc_end0:
.L_simem_size_0:
called_computation.1_lowered:
.L_overlay_start_0:
0x88: {  	s2 =	sld [smem:$0x3FD9]  }
0x89: {  	s3 =	sld [smem:$0x3FFE];
	_ =	sdelay $0x1  }
0x8a: {  	s1 =	srdreg.scid  }
0x8b: {  	s0 =	sand.u32 $0x1, s1  }
0x8c: {  	s16 =	sshll.u32 s0, $0xA;
	s2 =	sadd.s32 s3, s2  }
0x8d: {  	s2 =	sadd.s32 s2, s16  }
0x8e: {  	[smem:$0x3FB5] =	sst s2  }
0x8f: {  	_ = 	snop  }
0x90: {  	(tm) =	ssettm $0x1  }
0x91: {  	s17 =	sld [smem:$0x3FFB];
	_ =	sdelay $0x3  }
0x92: {  	_ =	strace s17  }
0x93: {  	s2 =	sld [smem:$0x3FFC];
	_ =	sdelay $0x3  }
0x94: {  	_ =	strace s2  }
0x95: {  	s2 =	sld [smem:$0x3FFD];
	_ =	sdelay $0x3  }
0x96: {  	_ =	strace s2  }
0x97: {  	_ =	strace $0x8FFFFFFF  }
0x98: {  	s18 =	sld [smem:$0x3FDB];
	_ =	sdelay $0x1  }
0x99: {  	s19 =	simm.s32 $_scs_section_size  }
0x9a: {  	s4 =	simm.s32 $_size__tile_overlayer_lowered;
	s5 =	simm.s32 $_tile_overlayer_lowered  }
0x9b: {  	s22 =	simm.s32 $0x1BFF;
	s21 =	sshll.u32 s5, $0x1;
	s2 =	sadd.s32 s19, s18  }
0x9c: {  	s6 =	simm.s32 $0x0;
	s20 =	sshll.u32 s4, $0x1;
	s4 =	sadd.s32 s21, s2  }
0x9d: {  	[timem:s6], [sflag:s22] =	dma.local [hbm:s4], s20  }
0x9e: {  	_ =	swait.ge [sflag:s22], s20  }
0x9f: {  	s3 =	ssub.s32 $0x0, s20;
	[sflag:s22] =	ssyncset.done $0x0  }
0xa0: {  	[sflag:s22] =	ssyncadd.s32 s3;
	_ =	sdelay $0x1  }
0xa1: {  	s23 =	simm.s32 $0x1B8B  }
0xa2: {  	_ =	swait.ge [sflag:s23], $0x1  }
0xa3: {  	[sflag:s23] =	ssyncset.done $0x0  }
0xa4: {  	s25 =	simm.s32 $0x1B8E;
	s24 =	sld [smem:$0x3FFE];
	[sflag:s23] =	ssyncadd.s32 $0xFFFFFFFF  }
0xa5: {  	s26 =	simm.s32 $execute0_lowered;
	[smem:$0x3FD2] =	sst s25  }
0xa6: {  	s4 =	sshll.u32 s26, $0x1;
	_ =	strace $0x80000049;
	[dreg:$0x1] =	wrdreg $0xFFFFFFFF  }
0xa7: {  	s28 =	simm.s32 $_size_execute0_lowered;
	s2 =	sadd.s32 s2, s4;
	[dreg:$0x0] =	wrdreg $0x0  }
0xa8: {  	s4 =	sshll.u32 s28, $0x1;
	[dreg:$0x2] =	wrdreg s2  }
0xa9: {  	[dreg:$0x3] =	wrdreg s4  }
0xaa: {  	[dreg:$0x4] =	wrdreg $0xC0  }
0xab: {  	_ =	task [dreg:s6], $0x5FFFF  }
0xac: {  	[dreg:$0x1] =	wrdreg $0xFFFFFFFF  }
0xad: {  	[dreg:$0x0] =	wrdreg $0x60  }
0xae: {  	[dreg:$0x2] =	wrdreg s24  }
0xaf: {  	[dreg:$0x3] =	wrdreg $0x84000  }
0xb0: {  	[dreg:$0x4] =	wrdreg $0x9  }
0xb1: {  	_ =	task.clear_ibuf [dreg:s6], $0x5FFFF;
	_ =	strace $0x90000049  }
0xb2: {  	s29 =	simm.s32 $0x9;
	_ =	strace $0x8000004B  }
0xb3: {  	_ =	swait.ge [sflag:s29], $0x1  }
0xb4: {  	[sflag:s29] =	ssyncadd.s32 $0xFFFFFFFF  }
0xb5: {  	_ =	strace $0x9000004B  }
0xb6: {  	_ =	sfence  }
0xb7: {  	s30 =	sld [smem:$0x0];
	_ =	sdelay $0x2  }
0xb8: {  	s31 =	sshll.u32 s1, $0xD;
	s1 =	sshrl.u32 s1, $0x2  }
0xb9: {  	s3 =	sand.u32 $0x4000, s31;
	s1 =	sadd.s32 s1, s30  }
0xba: {  	s0 =	sor.u32 s3, s0;
	s1 =	sshll.u32 s1, $0x11  }
0xbb: {  	s0 =	sor.u32 s1, s0  }
0xbc: {  	s0 =	sadd.s32 $0x8F2B, s0  }
0xbd: {  	[sflag:s0] =	ssyncadd.remote.s32 $0x1  }
0xbe: {  	_ =	sfence.sel $0xFFFF  }
0xbf: {  	[dreg:$0x0] =	wrdreg $0xFFFFFFFF;
	(pc) =	sbr.abs _section_cstart, $3  }
0xc0: {  	[dreg:$0x1] =	wrdreg $0xFFFFFFFF  }
0xc1: {  	_ =	task.clear_ibuf [dreg:s6], $0x2FFFF;
	_ =	strace $0x9FFFFFFF  }
0xc2: {  	(tm) =	ssettm $0x7FFFFFFF  }
0xc3: {  	_ =	shalt  }
tec
execute0_lowered:
.L_overlay_start_1:
0x0: {  	(tag) =	ssettag $0x1  }
0x1: {  	s0 =	rddreg [dreg:$0x0]  }
0x2: {  	s2 =	rddreg [dreg:$0x1];
	s3 =	simm.s32 $0x0;
	s15 =	stileid.u32  }
0x3: {  	s7 =	srdreg.scid;
	s28 =	simm.s32 $0x200;
	s29 =	simm.s32 $0x80  }
0x4: {  	s30 =	simm.s32 $0x280;
	s31 =	simm.s32 $0x100;
	[smem:$0x7FF] =	sst s3  }
0x5: {  	s4 =	sadd.s32 $0x88E00, s0;
	s1 =	smul.u32 $0x2700, s15;
	s5 =	sadd.s32 $0x9000, s0  }
0x6: {  	s6 =	sadd.s32 $0x3AA00, s0;
	s16 =	sadd.s32 $0x92E00, s0;
	s7 =	sand.u32 $0x1, s7  }
0x7: {  	s11 =	smul.u32 $0x4E000, s15;
	s17 =	sadd.s32 $0xBA000, s0;
	s23 =	sshll.u32 s15, $0x6  }
0x8: {  	s13 =	sadd.s32 $0x138000, s2;
	p1 =	sne.s32 s15, $0xF;
	p2 =	seq.s32 s15, $0xF  }
0x9: {  	_ =	strace $0x8000004A;
	s9 =	ssub.s32 $0x2, s7;
	[dreg:$0x3] =	wrdreg s16  }
0xa: {  	s10 =	sshll.u32 s7, $0x4;
	p0 =	seq.s32 s7, $0x1;
	[dreg:$0x4] =	wrdreg s17  }
0xb: {  	s7 =	simm.s32 $0x1;
	s8 =	sadd.s32 s1, s0;
	s12 =	sshrl.u32 s9, $0x1  }
0xc: {  	s10 =	sor.u32 s15, s10;
	s11 =	sshrl.u32 s11, $0x2;
	s0 =	sadd.s32 $0x3A800, s0  }
0xd: {  	s15 =	simm.s32 $0x6;
	s14 =	ssub.s32 s9, s12;
	s9 =	smul.u32 $0x2800, s10  }
0xe: {  	s22 =	sadd.s32 s11, s2;
	s8 =	sadd.s32 $0x13800, s8;
	[dreg:$0x7] =	wrdreg s0  }
0xf: {  	s12 =	sor.u32 $0x1C07, s23;
	s10 =	simm.s32 $0x4400;
	[dreg:$0x5] =	wrdreg s22  }
0x10: {  	[dreg:$0x6] =	wrdreg s8;
	s8 =	simm.s32 $0x2;
	s24 =	sshrl.u32 s9, $0x3  }
0x11: {  	s25 =	sadd.s32 s4, s24;
	s26 =	sor.u32 $0x10, s24;
	s11 =	sadd.s32 s5, s24  }
0x12: {  	s19 =	sor.u32 $0x20, s24;
	s21 =	sor.u32 $0x30, s24;
	[dreg:$0x8] =	wrdreg s25  }
0x13: {  	s24 =	sadd.s32 s16, s1;
	s16 =	simm.s32 $0x4;
	[dreg:$0x9] =	wrdreg s11  }
0x14: {  	s18 =	sadd.s32 s4, s26;
	s0 =	sadd.s32 s5, s26;
	[dreg:$0x10] =	wrdreg s24  }
0x15: {  	s20 =	sadd.s32 s4, s19;
	s22 =	sadd.s32 s5, s19;
	[dreg:$0xa] =	wrdreg s18  }
0x16: {  	s23 =	sadd.s32 s4, s21;
	s25 =	sadd.s32 s17, s1;
	[dreg:$0xb] =	wrdreg s0  }
0x17: {  	s26 =	smax.u32 s14, $0x1;
	s1 =	simm.s32 $0x180;
	[dreg:$0xc] =	wrdreg s20  }
.Ltmp0:
0x18: {  	s24 =	simm.s32 $0x400;
	[dreg:$0xd] =	wrdreg s22;
	(pc) =	sbr.rel .LBB2_1-.Ltmp0, $4  }
0x19: {  	s11 =	simm.s32 $0x5;
	s14 =	simm.s32 $0x3;
	[dreg:$0xe] =	wrdreg s23  }
0x1a: {  	s17 =	simm.s32 $0x380;
	s0 =	sadd.s32 s5, s21;
	[dreg:$0x11] =	wrdreg s25  }
0x1b: {  	[dreg:$0x12] =	wrdreg s26;
	s26 =	simm.s32 $0x7;
	s23 =	simm.s32 $0x7D  }
0x1c: {  	s18 =	simm.s32 $0x0;
	[dreg:$0xf] =	wrdreg s0;
	s0 =	simm.s32 $0x300  }
.LBB2_6:
0x1d: {  	s19 =	sadd.s32 $0x27000, s19;
	s20 =	sshrl.u32 s13, $0x3  }
0x1e: {  	[hbm:s19], [sflag:s12] =	dma.local [spmem:s20], $0x100  }
0x1f: {  	_ =	swait.ge [sflag:s26], $0x100  }
0x20: {  	[sflag:s26] =	ssyncset.done $0x0  }
0x21: {  	[sflag:s26] =	ssyncadd.s32 $0xFFFFFF00  }
.LBB2_7:
0x22: {  	s18 =	sadd.s32 $0x1, s18;
	s19 =	rddreg [dreg:$0x12]  }
0x23: {  	p3 =	sne.s32 s18, s19  }
.Ltmp1:
0x24: {  	_ = 	snop;
	(pc) =	sbr.rel @!p3 .LBB2_8-.Ltmp1, $1  }
0x25: {  	_ =	sdelay $0x3  }
.LBB2_1:
0x26: {  	s19 =	rddreg [dreg:$0x5]  }
0x27: {  	s20 =	rddreg [dreg:$0x6];
	s19 =	sshrl.u32 s19, $0x3  }
0x28: {  	[spmem:s19], [sflag:s12] =	dma.local [hbm:s20], $0x2700  }
0x29: {  	_ =	swait.ge [sflag:s26], $0x2700  }
0x2a: {  	[sflag:s26] =	ssyncset.done $0x0  }
0x2b: {  	s20 =	sshrl.u32 @!p1 s13, $0x3;
	s21 =	rddreg [dreg:$0x7];
	[sflag:s26] =	ssyncadd.s32 $0xFFFFD900  }
0x2c: {  	[spmem:s20], [sflag:s12] =	dma.local @!p1 [hbm:s21], $0x100  }
0x2d: {  	s20 =	simm.s32 @!p1 $0x7  }
0x2e: {  	_ =	swait.ge @!p1 [sflag:s20], $0x100  }
0x2f: {  	[sflag:s20] =	ssyncset.done @!p1 $0x0  }
0x30: {  	[sflag:s20] =	ssyncadd.s32 @!p1 $0xFFFFFF00  }
0x31: {  	[bflag:$0x0] =	sbarrier.arrive $0xFFFF  }
0x32: {  	s25 =	rddreg [dreg:$0x8]  }
0x33: {  	[tilespmem:s3], [sflag:$0x1] =	stream.linear.gather [hbm4b:s25+s3], $0x80, $0x38;
	[tilespmem:$0x1BC80] =	vst v63  }
0x34: {  	s21 =	rddreg [dreg:$0x9]  }
0x35: {  	[tilespmem:s28], [sflag:$0x1] =	stream.linear.gather [hbm4b:s21+s3], $0x80, $0x38;
	[tilespmem:$0x1BC80] =	vst v63  }
0x36: {  	s22 =	rddreg [dreg:$0xa]  }
0x37: {  	[tilespmem:s29], [sflag:$0x2] =	stream.linear.gather [hbm4b:s22+s3], $0x80, $0x38;
	[tilespmem:$0x1BC80] =	vst v63  }
0x38: {  	s25 =	rddreg [dreg:$0xb]  }
0x39: {  	[tilespmem:s30], [sflag:$0x2] =	stream.linear.gather [hbm4b:s25+s3], $0x80, $0x38;
	[tilespmem:$0x1BC80] =	vst v63  }
0x3a: {  	s21 =	rddreg [dreg:$0xc]  }
0x3b: {  	[tilespmem:s31], [sflag:$0x3] =	stream.linear.gather [hbm4b:s21+s3], $0x80, $0x38;
	[tilespmem:$0x1BC80] =	vst v63  }
0x3c: {  	s22 =	rddreg [dreg:$0xd]  }
0x3d: {  	[tilespmem:s0], [sflag:$0x3] =	stream.linear.gather [hbm4b:s22+s3], $0x80, $0x38;
	[tilespmem:$0x1BC80] =	vst v63  }
0x3e: {  	s25 =	rddreg [dreg:$0xe]  }
0x3f: {  	[tilespmem:s1], [sflag:$0x4] =	stream.linear.gather [hbm4b:s25+s3], $0x80, $0x38;
	[tilespmem:$0x1BC80] =	vst v63  }
0x40: {  	s21 =	rddreg [dreg:$0xf]  }
0x41: {  	[tilespmem:s17], [sflag:$0x4] =	stream.linear.gather [hbm4b:s21+s3], $0x80, $0x38;
	[tilespmem:$0x1BC80] =	vst v63  }
0x42: {  	_ =	swait.ge [sflag:s7], $0x80  }
0x43: {  	[sflag:s7] =	ssyncset.done $0x0  }
0x44: {  	[sflag:s7] =	ssyncadd.s32 $0xFFFFFF80  }
0x45: {  	_ =	swait.ge [sflag:s7], $0x80  }
0x46: {  	[sflag:s7] =	ssyncset.done $0x0  }
0x47: {  	[sflag:s7] =	ssyncadd.s32 $0xFFFFFF80  }
0x48: {  	[tilespmem:s24], [sflag:$0x5] =	stream.indirect.gather [hbm4b:s6+s23], $0x80, s3, s23, $0xb8;
	[tilespmem:$0x1BC80] =	vst v63  }
0x49: {  	_ =	swait.ge [sflag:s8], $0x80  }
0x4a: {  	[sflag:s8] =	ssyncset.done $0x0  }
0x4b: {  	[sflag:s8] =	ssyncadd.s32 $0xFFFFFF80  }
0x4c: {  	_ =	swait.ge [sflag:s8], $0x80  }
0x4d: {  	[sflag:s8] =	ssyncset.done $0x0  }
0x4e: {  	[sflag:s8] =	ssyncadd.s32 $0xFFFFFF80  }
0x4f: {  	[tilespmem:s10], [sflag:$0x6] =	stream.indirect.gather [hbm4b:s6+s23], $0x80, s29, s23, $0xb8;
	[tilespmem:$0x1BC80] =	vst v63  }
0x50: {  	s22 =	simm.s32 $0x200;
	_ =	swait.ge [sflag:s11], $0x3E80  }
0x51: {  	s25 =	sand.u32 $0x7C00, s22;
	[sflag:s11] =	ssyncset.done $0x0  }
0x52: {  	s20 =	sand.u32 $0x200, s22;
	s21 =	sadd.s32 s9, s25;
	[sflag:s11] =	ssyncadd.s32 $0xFFFFC180  }
0x53: {  	[spmem:s2] =	stream.indirect.scatter.add.f32 [tilespmem:s24], [sflag:$0x7], $0x80, s28, s23, $0xb8;
	[tilespmem:$0x1BC80] =	vst v63  }
0x54: {  	s20 =	sor.u32 s20, s21;
	_ =	swait.ge [sflag:s26], $0x3E80  }
0x55: {  	s20 =	sshrl.u32 s20, $0x3;
	[sflag:s26] =	ssyncset.done $0x0  }
0x56: {  	s22 =	sadd.s32 s4, s20;
	[sflag:s26] =	ssyncadd.s32 $0xFFFFC180  }
0x57: {  	[tilespmem:s3], [sflag:$0x1] =	stream.linear.gather [hbm4b:s22+s3], $0x80, $0x38;
	[tilespmem:$0x1BC80] =	vst v63  }
0x58: {  	s20 =	sadd.s32 s5, s20  }
0x59: {  	[tilespmem:s28], [sflag:$0x1] =	stream.linear.gather [hbm4b:s20+s3], $0x80, $0x38;
	[tilespmem:$0x1BC80] =	vst v63  }
0x5a: {  	_ =	swait.ge [sflag:s14], $0x80  }
0x5b: {  	[sflag:s14] =	ssyncset.done $0x0  }
0x5c: {  	[sflag:s14] =	ssyncadd.s32 $0xFFFFFF80  }
0x5d: {  	_ =	swait.ge [sflag:s14], $0x80  }
0x5e: {  	[sflag:s14] =	ssyncset.done $0x0  }
0x5f: {  	[sflag:s14] =	ssyncadd.s32 $0xFFFFFF80  }
0x60: {  	[tilespmem:s24], [sflag:$0x5] =	stream.indirect.gather [hbm4b:s6+s23], $0x80, s31, s23, $0xb8;
	[tilespmem:$0x1BC80] =	vst v63  }
0x61: {  	s25 =	simm.s32 $0x280;
	_ =	swait.ge [sflag:s15], $0x3E80  }
0x62: {  	s22 =	sand.u32 $0x7C00, s25;
	[sflag:s15] =	ssyncset.done $0x0  }
0x63: {  	s21 =	sadd.s32 s9, s22;
	s20 =	sand.u32 $0x280, s25;
	[sflag:s15] =	ssyncadd.s32 $0xFFFFC180  }
0x64: {  	[spmem:s2] =	stream.indirect.scatter.add.f32 [tilespmem:s10], [sflag:$0x7], $0x80, s30, s23, $0xb8;
	[tilespmem:$0x1BC80] =	vst v63  }
0x65: {  	s20 =	sor.u32 s20, s21;
	_ =	swait.ge [sflag:s26], $0x3E80  }
0x66: {  	s20 =	sshrl.u32 s20, $0x3;
	[sflag:s26] =	ssyncset.done $0x0  }
0x67: {  	s25 =	sadd.s32 s4, s20;
	[sflag:s26] =	ssyncadd.s32 $0xFFFFC180  }
0x68: {  	[tilespmem:s29], [sflag:$0x2] =	stream.linear.gather [hbm4b:s25+s3], $0x80, $0x38;
	[tilespmem:$0x1BC80] =	vst v63  }
0x69: {  	s20 =	sadd.s32 s5, s20  }
0x6a: {  	[tilespmem:s30], [sflag:$0x2] =	stream.linear.gather [hbm4b:s20+s3], $0x80, $0x38;
	[tilespmem:$0x1BC80] =	vst v63  }
0x6b: {  	_ =	swait.ge [sflag:s16], $0x80  }
0x6c: {  	[sflag:s16] =	ssyncset.done $0x0  }
0x6d: {  	[sflag:s16] =	ssyncadd.s32 $0xFFFFFF80  }
0x6e: {  	_ =	swait.ge [sflag:s16], $0x80  }
0x6f: {  	[sflag:s16] =	ssyncset.done $0x0  }
0x70: {  	[sflag:s16] =	ssyncadd.s32 $0xFFFFFF80  }
0x71: {  	[tilespmem:s10], [sflag:$0x6] =	stream.indirect.gather [hbm4b:s6+s23], $0x80, s1, s23, $0xb8;
	[tilespmem:$0x1BC80] =	vst v63  }
0x72: {  	s21 =	simm.s32 $0x300;
	_ =	swait.ge [sflag:s11], $0x3E80  }
0x73: {  	s22 =	sand.u32 $0x7C00, s21;
	[sflag:s11] =	ssyncset.done $0x0  }
0x74: {  	s20 =	sand.u32 $0x300, s21;
	s21 =	sadd.s32 s9, s22;
	[sflag:s11] =	ssyncadd.s32 $0xFFFFC180  }
0x75: {  	[spmem:s2] =	stream.indirect.scatter.add.f32 [tilespmem:s24], [sflag:$0x7], $0x80, s0, s23, $0xb8;
	[tilespmem:$0x1BC80] =	vst v63  }
0x76: {  	s20 =	sor.u32 s20, s21;
	_ =	swait.ge [sflag:s26], $0x3E80  }
0x77: {  	s20 =	sshrl.u32 s20, $0x3;
	[sflag:s26] =	ssyncset.done $0x0  }
0x78: {  	s25 =	sadd.s32 s4, s20;
	[sflag:s26] =	ssyncadd.s32 $0xFFFFC180  }
0x79: {  	[tilespmem:s31], [sflag:$0x3] =	stream.linear.gather [hbm4b:s25+s3], $0x80, $0x38;
	[tilespmem:$0x1BC80] =	vst v63  }
0x7a: {  	s20 =	sadd.s32 s5, s20  }
0x7b: {  	[tilespmem:s0], [sflag:$0x3] =	stream.linear.gather [hbm4b:s20+s3], $0x80, $0x38;
	[tilespmem:$0x1BC80] =	vst v63  }
0x7c: {  	_ =	swait.ge [sflag:s7], $0x80  }
0x7d: {  	[sflag:s7] =	ssyncset.done $0x0  }
0x7e: {  	[sflag:s7] =	ssyncadd.s32 $0xFFFFFF80  }
0x7f: {  	_ =	swait.ge [sflag:s7], $0x80  }
0x80: {  	[sflag:s7] =	ssyncset.done $0x0  }
0x81: {  	[sflag:s7] =	ssyncadd.s32 $0xFFFFFF80  }
0x82: {  	[tilespmem:s24], [sflag:$0x5] =	stream.indirect.gather [hbm4b:s6+s23], $0x80, s3, s23, $0xb8;
	[tilespmem:$0x1BC80] =	vst v63  }
0x83: {  	_ =	swait.ge [sflag:s15], $0x3E80  }
0x84: {  	s21 =	sand.u32 $0x7C00, s17;
	[sflag:s15] =	ssyncset.done $0x0  }
0x85: {  	s22 =	sand.u32 $0x380, s17;
	s20 =	sadd.s32 s9, s21;
	[sflag:s15] =	ssyncadd.s32 $0xFFFFC180  }
0x86: {  	[spmem:s2] =	stream.indirect.scatter.add.f32 [tilespmem:s10], [sflag:$0x7], $0x80, s17, s23, $0xb8;
	[tilespmem:$0x1BC80] =	vst v63  }
0x87: {  	s20 =	sor.u32 s22, s20;
	_ =	swait.ge [sflag:s26], $0x3E80  }
0x88: {  	s20 =	sshrl.u32 s20, $0x3;
	[sflag:s26] =	ssyncset.done $0x0  }
0x89: {  	s25 =	sadd.s32 s4, s20;
	[sflag:s26] =	ssyncadd.s32 $0xFFFFC180  }
0x8a: {  	[tilespmem:s1], [sflag:$0x4] =	stream.linear.gather [hbm4b:s25+s3], $0x80, $0x38;
	[tilespmem:$0x1BC80] =	vst v63  }
0x8b: {  	s20 =	sadd.s32 s5, s20  }
0x8c: {  	[tilespmem:s17], [sflag:$0x4] =	stream.linear.gather [hbm4b:s20+s3], $0x80, $0x38;
	[tilespmem:$0x1BC80] =	vst v63  }
0x8d: {  	_ =	swait.ge [sflag:s8], $0x80  }
0x8e: {  	[sflag:s8] =	ssyncset.done $0x0  }
0x8f: {  	[sflag:s8] =	ssyncadd.s32 $0xFFFFFF80  }
0x90: {  	_ =	swait.ge [sflag:s8], $0x80  }
0x91: {  	s20 =	simm.s32 $0x580;
	[sflag:s8] =	ssyncset.done $0x0  }
.LBB2_2:
0x92: {  	p3 =	sne.s32 s20, $0x2780  }
0x93: {  	[sflag:s8] =	ssyncadd.s32 $0xFFFFFF80;
	s21 =	smov.u32 s20;
	s20 =	sadd.s32 $0x200, s20  }
0x94: {  	[tilespmem:s10], [sflag:$0x6] =	stream.indirect.gather [hbm4b:s6+s23], $0x80, s29, s23, $0xb8;
	[tilespmem:$0x1BC80] =	vst v63  }
0x95: {  	s22 =	sadd.s32 $0xFFFFFE80, s21;
	_ =	swait.ge [sflag:s11], $0x3E80  }
0x96: {  	s25 =	sand.u32 $0x7C00, s22;
	s22 =	sand.u32 $0x200, s22;
	[sflag:s11] =	ssyncset.done $0x0  }
0x97: {  	s25 =	sadd.s32 s9, s25;
	[sflag:s11] =	ssyncadd.s32 $0xFFFFC180  }
0x98: {  	[spmem:s2] =	stream.indirect.scatter.add.f32 [tilespmem:s24], [sflag:$0x7], $0x80, s28, s23, $0xb8;
	[tilespmem:$0x1BC80] =	vst v63  }
0x99: {  	s22 =	sor.u32 s22, s25;
	_ =	swait.ge [sflag:s26], $0x3E80  }
0x9a: {  	s22 =	sshrl.u32 s22, $0x3;
	[sflag:s26] =	ssyncset.done $0x0  }
0x9b: {  	s25 =	sadd.s32 s4, s22;
	s22 =	sadd.s32 s5, s22;
	[sflag:s26] =	ssyncadd.s32 $0xFFFFC180  }
0x9c: {  	[tilespmem:s3], [sflag:$0x1] =	stream.linear.gather [hbm4b:s25+s3], $0x80, $0x38;
	[tilespmem:$0x1BC80] =	vst v63  }
0x9d: {  	_ = 	snop  }
0x9e: {  	[tilespmem:s28], [sflag:$0x1] =	stream.linear.gather [hbm4b:s22+s3], $0x80, $0x38;
	[tilespmem:$0x1BC80] =	vst v63  }
0x9f: {  	_ =	swait.ge [sflag:s14], $0x80  }
0xa0: {  	[sflag:s14] =	ssyncset.done $0x0  }
0xa1: {  	[sflag:s14] =	ssyncadd.s32 $0xFFFFFF80  }
0xa2: {  	_ =	swait.ge [sflag:s14], $0x80  }
0xa3: {  	[sflag:s14] =	ssyncset.done $0x0  }
0xa4: {  	[sflag:s14] =	ssyncadd.s32 $0xFFFFFF80  }
0xa5: {  	[tilespmem:s24], [sflag:$0x5] =	stream.indirect.gather [hbm4b:s6+s23], $0x80, s31, s23, $0xb8;
	[tilespmem:$0x1BC80] =	vst v63  }
0xa6: {  	s22 =	sadd.s32 $0xFFFFFF00, s21;
	_ =	swait.ge [sflag:s15], $0x3E80  }
0xa7: {  	s25 =	sand.u32 $0x7C00, s22;
	[sflag:s15] =	ssyncset.done $0x0  }
0xa8: {  	s22 =	sand.u32 $0x280, s22;
	s25 =	sadd.s32 s9, s25;
	[sflag:s15] =	ssyncadd.s32 $0xFFFFC180  }
0xa9: {  	[spmem:s2] =	stream.indirect.scatter.add.f32 [tilespmem:s10], [sflag:$0x7], $0x80, s30, s23, $0xb8;
	[tilespmem:$0x1BC80] =	vst v63  }
0xaa: {  	s22 =	sor.u32 s22, s25;
	_ =	swait.ge [sflag:s26], $0x3E80  }
0xab: {  	s22 =	sshrl.u32 s22, $0x3;
	[sflag:s26] =	ssyncset.done $0x0  }
0xac: {  	s25 =	sadd.s32 s4, s22;
	s22 =	sadd.s32 s5, s22;
	[sflag:s26] =	ssyncadd.s32 $0xFFFFC180  }
0xad: {  	[tilespmem:s29], [sflag:$0x2] =	stream.linear.gather [hbm4b:s25+s3], $0x80, $0x38;
	[tilespmem:$0x1BC80] =	vst v63  }
0xae: {  	_ = 	snop  }
0xaf: {  	[tilespmem:s30], [sflag:$0x2] =	stream.linear.gather [hbm4b:s22+s3], $0x80, $0x38;
	[tilespmem:$0x1BC80] =	vst v63  }
0xb0: {  	_ =	swait.ge [sflag:s16], $0x80  }
0xb1: {  	[sflag:s16] =	ssyncset.done $0x0  }
0xb2: {  	[sflag:s16] =	ssyncadd.s32 $0xFFFFFF80  }
0xb3: {  	_ =	swait.ge [sflag:s16], $0x80  }
0xb4: {  	[sflag:s16] =	ssyncset.done $0x0  }
0xb5: {  	[sflag:s16] =	ssyncadd.s32 $0xFFFFFF80  }
0xb6: {  	[tilespmem:s10], [sflag:$0x6] =	stream.indirect.gather [hbm4b:s6+s23], $0x80, s1, s23, $0xb8;
	[tilespmem:$0x1BC80] =	vst v63  }
0xb7: {  	s22 =	sadd.s32 $0xFFFFFF80, s21;
	_ =	swait.ge [sflag:s11], $0x3E80  }
0xb8: {  	s25 =	sand.u32 $0x7C00, s22;
	s22 =	sand.u32 $0x300, s22;
	[sflag:s11] =	ssyncset.done $0x0  }
0xb9: {  	s25 =	sadd.s32 s9, s25;
	[sflag:s11] =	ssyncadd.s32 $0xFFFFC180  }
0xba: {  	[spmem:s2] =	stream.indirect.scatter.add.f32 [tilespmem:s24], [sflag:$0x7], $0x80, s0, s23, $0xb8;
	[tilespmem:$0x1BC80] =	vst v63  }
0xbb: {  	s22 =	sor.u32 s22, s25;
	_ =	swait.ge [sflag:s26], $0x3E80  }
0xbc: {  	s22 =	sshrl.u32 s22, $0x3;
	[sflag:s26] =	ssyncset.done $0x0  }
0xbd: {  	s25 =	sadd.s32 s4, s22;
	s22 =	sadd.s32 s5, s22;
	[sflag:s26] =	ssyncadd.s32 $0xFFFFC180  }
0xbe: {  	[tilespmem:s31], [sflag:$0x3] =	stream.linear.gather [hbm4b:s25+s3], $0x80, $0x38;
	[tilespmem:$0x1BC80] =	vst v63  }
0xbf: {  	_ = 	snop  }
0xc0: {  	[tilespmem:s0], [sflag:$0x3] =	stream.linear.gather [hbm4b:s22+s3], $0x80, $0x38;
	[tilespmem:$0x1BC80] =	vst v63  }
0xc1: {  	_ =	swait.ge [sflag:s7], $0x80  }
0xc2: {  	[sflag:s7] =	ssyncset.done $0x0  }
0xc3: {  	[sflag:s7] =	ssyncadd.s32 $0xFFFFFF80  }
0xc4: {  	_ =	swait.ge [sflag:s7], $0x80  }
0xc5: {  	[sflag:s7] =	ssyncset.done $0x0  }
0xc6: {  	[sflag:s7] =	ssyncadd.s32 $0xFFFFFF80  }
0xc7: {  	[tilespmem:s24], [sflag:$0x5] =	stream.indirect.gather [hbm4b:s6+s23], $0x80, s3, s23, $0xb8;
	[tilespmem:$0x1BC80] =	vst v63  }
0xc8: {  	_ =	swait.ge [sflag:s15], $0x3E80  }
0xc9: {  	s22 =	sand.u32 $0x7C00, s21;
	[sflag:s15] =	ssyncset.done $0x0  }
0xca: {  	s21 =	sand.u32 $0x380, s21;
	s22 =	sadd.s32 s9, s22;
	[sflag:s15] =	ssyncadd.s32 $0xFFFFC180  }
0xcb: {  	[spmem:s2] =	stream.indirect.scatter.add.f32 [tilespmem:s10], [sflag:$0x7], $0x80, s17, s23, $0xb8;
	[tilespmem:$0x1BC80] =	vst v63  }
0xcc: {  	s21 =	sor.u32 s21, s22;
	_ =	swait.ge [sflag:s26], $0x3E80  }
0xcd: {  	s21 =	sshrl.u32 s21, $0x3;
	[sflag:s26] =	ssyncset.done $0x0  }
0xce: {  	s22 =	sadd.s32 s4, s21;
	s21 =	sadd.s32 s5, s21;
	[sflag:s26] =	ssyncadd.s32 $0xFFFFC180  }
0xcf: {  	[tilespmem:s1], [sflag:$0x4] =	stream.linear.gather [hbm4b:s22+s3], $0x80, $0x38;
	[tilespmem:$0x1BC80] =	vst v63  }
0xd0: {  	_ = 	snop  }
0xd1: {  	[tilespmem:s17], [sflag:$0x4] =	stream.linear.gather [hbm4b:s21+s3], $0x80, $0x38;
	[tilespmem:$0x1BC80] =	vst v63  }
.Ltmp2:
0xd2: {  	_ =	swait.ge [sflag:s8], $0x80;
	(pc) =	sbr.rel @p3 .LBB2_2-.Ltmp2, $4  }
0xd3: {  	[sflag:s8] =	ssyncset.done $0x0  }
0xd4: {  	[sflag:s8] =	ssyncadd.s32 $0xFFFFFF80  }
0xd5: {  	_ =	swait.ge [sflag:s8], $0x80  }
0xd6: {  	[sflag:s8] =	ssyncset.done $0x0  }
0xd7: {  	[sflag:s8] =	ssyncadd.s32 $0xFFFFFF80  }
0xd8: {  	[tilespmem:s10], [sflag:$0x6] =	stream.indirect.gather [hbm4b:s6+s23], $0x80, s29, s23, $0xb8;
	[tilespmem:$0x1BC80] =	vst v63  }
0xd9: {  	_ =	swait.ge [sflag:s11], $0x3E80  }
0xda: {  	[sflag:s11] =	ssyncset.done $0x0  }
0xdb: {  	[sflag:s11] =	ssyncadd.s32 $0xFFFFC180  }
0xdc: {  	[spmem:s2] =	stream.indirect.scatter.add.f32 [tilespmem:s24], [sflag:$0x7], $0x80, s28, s23, $0xb8;
	[tilespmem:$0x1BC80] =	vst v63  }
0xdd: {  	_ =	swait.ge [sflag:s26], $0x3E80  }
0xde: {  	[sflag:s26] =	ssyncset.done $0x0  }
0xdf: {  	[sflag:s26] =	ssyncadd.s32 $0xFFFFC180  }
0xe0: {  	_ =	swait.ge [sflag:s14], $0x80  }
0xe1: {  	[sflag:s14] =	ssyncset.done $0x0  }
0xe2: {  	[sflag:s14] =	ssyncadd.s32 $0xFFFFFF80  }
0xe3: {  	_ =	swait.ge [sflag:s14], $0x80  }
0xe4: {  	[sflag:s14] =	ssyncset.done $0x0  }
0xe5: {  	[sflag:s14] =	ssyncadd.s32 $0xFFFFFF80  }
0xe6: {  	[tilespmem:s24], [sflag:$0x5] =	stream.indirect.gather [hbm4b:s6+s23], $0x80, s31, s23, $0xb8;
	[tilespmem:$0x1BC80] =	vst v63  }
0xe7: {  	_ =	swait.ge [sflag:s15], $0x3E80  }
0xe8: {  	[sflag:s15] =	ssyncset.done $0x0  }
0xe9: {  	[sflag:s15] =	ssyncadd.s32 $0xFFFFC180  }
0xea: {  	[spmem:s2] =	stream.indirect.scatter.add.f32 [tilespmem:s10], [sflag:$0x7], $0x80, s30, s23, $0xb8;
	[tilespmem:$0x1BC80] =	vst v63  }
0xeb: {  	_ =	swait.ge [sflag:s26], $0x3E80  }
0xec: {  	[sflag:s26] =	ssyncset.done $0x0  }
0xed: {  	[sflag:s26] =	ssyncadd.s32 $0xFFFFC180  }
0xee: {  	_ =	swait.ge [sflag:s16], $0x80  }
0xef: {  	[sflag:s16] =	ssyncset.done $0x0  }
0xf0: {  	[sflag:s16] =	ssyncadd.s32 $0xFFFFFF80  }
0xf1: {  	_ =	swait.ge [sflag:s16], $0x80  }
0xf2: {  	[sflag:s16] =	ssyncset.done $0x0  }
0xf3: {  	[sflag:s16] =	ssyncadd.s32 $0xFFFFFF80  }
0xf4: {  	[tilespmem:s10], [sflag:$0x6] =	stream.indirect.gather [hbm4b:s6+s23], $0x80, s1, s23, $0xb8;
	[tilespmem:$0x1BC80] =	vst v63  }
0xf5: {  	_ =	swait.ge [sflag:s11], $0x3E80  }
0xf6: {  	[sflag:s11] =	ssyncset.done $0x0  }
0xf7: {  	[sflag:s11] =	ssyncadd.s32 $0xFFFFC180  }
0xf8: {  	[spmem:s2] =	stream.indirect.scatter.add.f32 [tilespmem:s24], [sflag:$0x7], $0x80, s0, s23, $0xb8;
	[tilespmem:$0x1BC80] =	vst v63  }
0xf9: {  	_ =	swait.ge [sflag:s26], $0x3E80  }
0xfa: {  	[sflag:s26] =	ssyncset.done $0x0  }
0xfb: {  	[sflag:s26] =	ssyncadd.s32 $0xFFFFC180  }
0xfc: {  	_ =	swait.ge [sflag:s15], $0x3E80  }
0xfd: {  	[sflag:s15] =	ssyncset.done $0x0  }
0xfe: {  	[sflag:s15] =	ssyncadd.s32 $0xFFFFC180  }
0xff: {  	[spmem:s2] =	stream.indirect.scatter.add.f32 [tilespmem:s10], [sflag:$0x7], $0x80, s17, s23, $0xb8;
	[tilespmem:$0x1BC80] =	vst v63  }
.Ltmp3:
0x100: {  	_ =	swait.ge [sflag:s26], $0x3E80;
	(pc) =	sbr.rel @!p0 .LBB2_4-.Ltmp3, $3  }
0x101: {  	[sflag:s26] =	ssyncset.done $0x0  }
0x102: {  	[sflag:s26] =	ssyncadd.s32 $0xFFFFC180  }
0x103: {  	[bflag:$0x0] =	sbarrier.arrive $0xFFFF;
	_ =	sdelay $0x1  }
0x104: {  	s20 =	rddreg [dreg:$0x11]  }
0x105: {  	[hbm:s20], [sflag:s12] =	dma.local [spmem:s19], $0x2700  }
.Ltmp4:
0x106: {  	_ = 	snop;
	(pc) =	sbr.rel @p1 .LBB2_7-.Ltmp4, $4  }
.Ltmp5:
0x107: {  	_ = 	snop;
	(pc) =	sbr.rel @!p1 .LBB2_6-.Ltmp5, $4  }
0x108: {  	_ =	swait.ge [sflag:s26], $0x2700  }
0x109: {  	[sflag:s26] =	ssyncset.done $0x0  }
0x10a: {  	s19 =	rddreg [dreg:$0x4];
	[sflag:s26] =	ssyncadd.s32 $0xFFFFD900  }
0x10b: {  	_ = 	snop  }
.LBB2_4:
0x10c: {  	s20 =	rddreg [dreg:$0x10]  }
0x10d: {  	[hbm:s20], [sflag:s12] =	dma.local [spmem:s19], $0x2700  }
.Ltmp6:
0x10e: {  	_ = 	snop;
	(pc) =	sbr.rel @p2 .LBB2_6-.Ltmp6, $4  }
.Ltmp7:
0x10f: {  	_ = 	snop;
	(pc) =	sbr.rel @!p2 .LBB2_7-.Ltmp7, $4  }
0x110: {  	_ =	swait.ge [sflag:s26], $0x2700  }
0x111: {  	[sflag:s26] =	ssyncset.done $0x0  }
0x112: {  	s19 =	rddreg [dreg:$0x3];
	[sflag:s26] =	ssyncadd.s32 $0xFFFFD900  }
0x113: {  	_ = 	snop  }
.LBB2_8:
0x114: {  	_ =	sfence.sel $0x180000  }
0x115: {  	[bflag:$0x0] =	sbarrier.arrive $0xFFFF  }
0x116: {  	_ =	strace $0x9000004A  }
0x117: {  	s0 =	stileid.u32;
	[bflag:$0x2] =	sbarrier.arrive $0xFFFF  }
0x118: {  	p0 =	sne.s32 s0, $0x0;
	s0 =	rddreg [dreg:$0x2]  }
0x119: {  	s0 =	sadd.s32 @!p0 $0x100000, s0  }
0x11a: {  	[sflag:s0] =	ssyncadd.tile.s32 @!p0 $0x1;
	_ =	shalt  }
.Lfunc_end2:
_tile_overlayer_lowered:
.L_overlay_start_2:
0x11b: {  	(tag) =	ssettag $0x2  }
0x11c: {  	s0 =	rddreg [dreg:$0x0];
	s2 =	stileid.u32  }
0x11d: {  	s1 =	rddreg [dreg:$0x1];
	p0 =	sne.s32 s2, $0x0  }
0x11e: {  	s3 =	rddreg [dreg:$0x2];
	[bflag:$0x3] =	sbarrier.arrive $0xFFFF;
	s2 =	simm.s32 @!p0 $0x1C07  }
0x11f: {  	[timem:s3], [sflag:s2] =	dma.local @!p0 [hbm:s0], s1  }
0x120: {  	s0 =	simm.s32 @!p0 $0x7  }
0x121: {  	_ =	swait.ge @!p0 [sflag:s0], s1  }
0x122: {  	s1 =	ssub.s32 @!p0 $0x0, s1;
	[sflag:s0] =	ssyncset.done @!p0 $0x0  }
0x123: {  	[sflag:s0] =	ssyncadd.s32 @!p0 s1  }
0x124: {  	[bflag:$0x3] =	sbarrier.arrive $0xFFFF  }
0x125: {  	_ =	shalt  }

// kernel: kernel.19.cloned.1.call-start
scs
__scs_entry_jumppad:
0x0: {  	(pc) =	sbr.rel $0x88, $3  }
0x1: {  	(tag) =	ssettag $0x0;
	lr =	simm.s32 $0x1  }
0x2: {  	[smem:$0x3F8E] =	sst lr;
	_ =	strace $0xD0000000  }
0x3: {  	_ = 	snop  }
0x4: {  	_ = 	snop  }
0x5: {  	_ = 	snop  }
0x6: {  	_ = 	snop  }
0x7: {  	_ = 	snop  }
__scs_overlays_trampoline_lowered:
0x8: {  	[smem:$0x3F9D] =	sst s0  }
0x9: {  	[smem:$0x3F9E] =	sst s1  }
0xa: {  	[smem:$0x3F9F] =	sst s2  }
0xb: {  	[smem:$0x3FA0] =	sst s3  }
0xc: {  	[smem:$0x3FA1] =	sst s4  }
0xd: {  	[smem:$0x3FA2] =	sst s5  }
0xe: {  	[smem:$0x3FA3] =	sst s6  }
0xf: {  	[smem:$0x3FA4] =	sst s7  }
0x10: {  	[smem:$0x3FA5] =	sst s8  }
0x11: {  	[smem:$0x3FA6] =	sst s9;
	s0 =	simm.s32 @!p0 $0x0  }
0x12: {  	s1 =	sld [smem:$0x3F8C];
	s0 =	simm.s32 @p0 $0x1  }
0x13: {  	[smem:$0x3FA7] =	sst s0;
	s0 =	simm.s32 @!p1 $0x0  }
0x14: {  	s2 =	sld [smem:$0x3F8B];
	s0 =	simm.s32 @p1 $0x1  }
0x15: {  	[smem:$0x3FA8] =	sst s0;
	s0 =	simm.s32 @!p2 $0x0  }
0x16: {  	s3 =	sld [smem:$0x3FDB];
	s0 =	simm.s32 @p2 $0x1  }
0x17: {  	s4 =	simm.s32 $0x1BF5;
	[smem:$0x3FAA] =	sst s0  }
0x18: {  	s0 =	sld [smem:$0x3F8D];
	_ =	swait.ge [sflag:s4], $0x0  }
0x19: {  	s7 =	sld [smem:$0x3F8E]  }
0x1a: {  	s8 =	sadd.s32 $0xFFFFE003, lr  }
0x1b: {  	s9 =	sadd.s32 $0xFFFFFEF7, lr;
	s5 =	simm.s32 $0xFFFFFFFF;
	p2 =	slt.u32 s8, $0xFFFFF086  }
0x1c: {  	p1 =	slt.u32 s9, $0xF7A;
	s5 =	simm.s32 @!p2 $0x0  }
0x1d: {  	s5 =	simm.s32 @p1 $0x1;
	p0 =	seq.s32 s7, s2  }
0x1e: {  	s7 =	smul.u32 @!p0 $0xF7A, s2;
	p2 =	seq.s32 @!p0 s5, $0x0  }
0x1f: {  	s9 =	smul.u32 $0xF7A, s1;
	s8 =	simm.s32 @!p0 $0x1BF5;
	p2 =	por !p2, p0  }
0x20: {  	[sflag:s8] =	ssyncset.s32 @!p0 $0xFFFFF086;
	s6 =	sadd.s32 @!p0 s3, s7;
	s7 =	simm.s32 @!p0 $0x108  }
0x21: {  	s3 =	sadd.s32 s3, s9;
	s6 =	sadd.s32 @!p0 $0x88, s6;
	s7 =	simm.s32 @p2 $0x1082  }
0x22: {  	[simem:s7], [sflag:s8] =	dma.local @!p0 [hbm:s6], $0xF7A  }
0x23: {  	s9 =	sor.u32 $0xD0000000, s2;
	s6 =	simm.s32 $0x108;
	_ =	swait.ge @!p0 [sflag:s8], $0x0  }
0x24: {  	s3 =	sadd.s32 $0x88, s3;
	s6 =	simm.s32 @!p1 $0x1082;
	[sflag:s4] =	ssyncset.s32 $0xFFFFF086  }
0x25: {  	[simem:s6], [sflag:s4] =	dma.local [hbm:s3], $0xF7A  }
0x26: {  	[smem:$0x3F8E] =	sst s1;
	(tag) =	ssettag s2;
	_ =	strace s9  }
0x27: {  	s1 =	sld [smem:$0x3F9E]  }
0x28: {  	s2 =	sld [smem:$0x3F9F]  }
0x29: {  	s4 =	sld [smem:$0x3FA1]  }
0x2a: {  	p0 =	seq.s32 s5, $0x0;
	s5 =	sld [smem:$0x3FA2]  }
0x2b: {  	s6 =	sld [smem:$0x3FA3]  }
0x2c: {  	s7 =	sld [smem:$0x3FA4]  }
0x2d: {  	s3 =	simm.s32 $0x108;
	s8 =	sld [smem:$0x3FA5]  }
0x2e: {  	s3 =	simm.s32 @!p0 $0x1082;
	s9 =	sld [smem:$0x3FA6]  }
0x2f: {  	lr =	sadd.s32 s0, s3;
	s0 =	sld [smem:$0x3F9D]  }
0x30: {  	s3 =	sld [smem:$0x3FA0]  }
0x31: {  	[smem:$0x3FA9] =	sst s10  }
0x32: {  	s10 =	sld [smem:$0x3FA7];
	_ =	sdelay $0x3  }
0x33: {  	p0 =	seq.s32 s10, $0x1;
	s10 =	sld [smem:$0x3FA9];
	_ =	sdelay $0x3  }
0x34: {  	[smem:$0x3FA9] =	sst s10  }
0x35: {  	s10 =	sld [smem:$0x3FA8];
	_ =	sdelay $0x3  }
0x36: {  	p1 =	seq.s32 s10, $0x1;
	s10 =	sld [smem:$0x3FA9];
	_ =	sdelay $0x3  }
0x37: {  	[smem:$0x3FA9] =	sst s10  }
0x38: {  	s10 =	sld [smem:$0x3FAA]  }
0x39: {  	_ = 	snop;
	(pc) =	sbr.ind lr, $3  }
0x3a: {  	_ = 	snop  }
0x3b: {  	_ = 	snop  }
0x3c: {  	p2 =	seq.s32 s10, $0x1;
	s10 =	sld [smem:$0x3FA9]  }
0x3d: {  	_ =	shalt  }
0x3e: {  	_ =	shalt  }
0x3f: {  	_ =	shalt  }
0x40: {  	_ =	shalt  }
0x41: {  	_ =	shalt  }
0x42: {  	_ =	shalt  }
0x43: {  	_ =	shalt  }
0x44: {  	_ =	shalt  }
0x45: {  	_ =	shalt  }
0x46: {  	_ =	shalt  }
0x47: {  	_ =	shalt  }
0x48: {  	_ =	shalt  }
0x49: {  	_ =	shalt  }
0x4a: {  	_ =	shalt  }
0x4b: {  	_ =	shalt  }
0x4c: {  	_ =	shalt  }
0x4d: {  	_ =	shalt  }
0x4e: {  	_ =	shalt  }
0x4f: {  	_ =	shalt  }
0x50: {  	_ =	shalt  }
0x51: {  	_ =	shalt  }
0x52: {  	_ =	shalt  }
0x53: {  	_ =	shalt  }
0x54: {  	_ =	shalt  }
0x55: {  	_ =	shalt  }
0x56: {  	_ =	shalt  }
0x57: {  	_ =	shalt  }
0x58: {  	_ =	shalt  }
0x59: {  	_ =	shalt  }
0x5a: {  	_ =	shalt  }
0x5b: {  	_ =	shalt  }
0x5c: {  	_ =	shalt  }
0x5d: {  	_ =	shalt  }
0x5e: {  	_ =	shalt  }
0x5f: {  	_ =	shalt  }
0x60: {  	_ =	shalt  }
0x61: {  	_ =	shalt  }
0x62: {  	_ =	shalt  }
0x63: {  	_ =	shalt  }
0x64: {  	_ =	shalt  }
0x65: {  	_ =	shalt  }
0x66: {  	_ =	shalt  }
0x67: {  	_ =	shalt  }
0x68: {  	_ =	shalt  }
0x69: {  	_ =	shalt  }
0x6a: {  	_ =	shalt  }
0x6b: {  	_ =	shalt  }
0x6c: {  	_ =	shalt  }
0x6d: {  	_ =	shalt  }
0x6e: {  	_ =	shalt  }
0x6f: {  	_ =	shalt  }
0x70: {  	_ =	shalt  }
0x71: {  	_ =	shalt  }
0x72: {  	_ =	shalt  }
0x73: {  	_ =	shalt  }
0x74: {  	_ =	shalt  }
0x75: {  	_ =	shalt  }
0x76: {  	_ =	shalt  }
0x77: {  	_ =	shalt  }
0x78: {  	_ =	shalt  }
0x79: {  	_ =	shalt  }
0x7a: {  	_ =	shalt  }
0x7b: {  	_ =	shalt  }
0x7c: {  	_ =	shalt  }
0x7d: {  	_ =	shalt  }
0x7e: {  	_ =	shalt  }
0x7f: {  	_ =	shalt  }
0x80: {  	_ =	shalt  }
0x81: {  	_ =	shalt  }
0x82: {  	_ =	shalt  }
0x83: {  	_ =	shalt  }
0x84: {  	_ =	shalt  }
0x85: {  	_ =	shalt  }
0x86: {  	_ =	shalt  }
0x87: {  	_ =	shalt  }
.Lfunc_end0:
.L_simem_size_0:
called_computation.2_lowered:
.L_overlay_start_0:
0x88: {  	s2 =	sld [smem:$0x3FD9]  }
0x89: {  	s3 =	sld [smem:$0x3FFE];
	_ =	sdelay $0x1  }
0x8a: {  	s1 =	srdreg.scid  }
0x8b: {  	s0 =	sand.u32 $0x1, s1  }
0x8c: {  	s16 =	sshll.u32 s0, $0xA;
	s2 =	sadd.s32 s3, s2  }
0x8d: {  	s2 =	sadd.s32 s2, s16  }
0x8e: {  	[smem:$0x3FB5] =	sst s2  }
0x8f: {  	_ = 	snop  }
0x90: {  	(tm) =	ssettm $0x1  }
0x91: {  	s17 =	sld [smem:$0x3FFB];
	_ =	sdelay $0x3  }
0x92: {  	_ =	strace s17  }
0x93: {  	s2 =	sld [smem:$0x3FFC];
	_ =	sdelay $0x3  }
0x94: {  	_ =	strace s2  }
0x95: {  	s2 =	sld [smem:$0x3FFD];
	_ =	sdelay $0x3  }
0x96: {  	_ =	strace s2  }
0x97: {  	_ =	strace $0x8FFFFFFF  }
0x98: {  	s18 =	sld [smem:$0x3FDB];
	_ =	sdelay $0x1  }
0x99: {  	s19 =	simm.s32 $_scs_section_size  }
0x9a: {  	s4 =	simm.s32 $_size__tile_overlayer_lowered;
	s5 =	simm.s32 $_tile_overlayer_lowered  }
0x9b: {  	s22 =	simm.s32 $0x1BFF;
	s21 =	sshll.u32 s5, $0x1;
	s2 =	sadd.s32 s19, s18  }
0x9c: {  	s6 =	simm.s32 $0x0;
	s20 =	sshll.u32 s4, $0x1;
	s4 =	sadd.s32 s21, s2  }
0x9d: {  	[timem:s6], [sflag:s22] =	dma.local [hbm:s4], s20  }
0x9e: {  	_ =	swait.ge [sflag:s22], s20  }
0x9f: {  	s3 =	ssub.s32 $0x0, s20;
	[sflag:s22] =	ssyncset.done $0x0  }
0xa0: {  	[sflag:s22] =	ssyncadd.s32 s3;
	_ =	sdelay $0x1  }
0xa1: {  	s23 =	simm.s32 $0x1B8B  }
0xa2: {  	_ =	swait.ge [sflag:s23], $0x1  }
0xa3: {  	[sflag:s23] =	ssyncset.done $0x0  }
0xa4: {  	s25 =	simm.s32 $0x1B8E;
	s24 =	sld [smem:$0x3FFE];
	[sflag:s23] =	ssyncadd.s32 $0xFFFFFFFF  }
0xa5: {  	s26 =	simm.s32 $execute0_lowered;
	[smem:$0x3FD2] =	sst s25  }
0xa6: {  	s4 =	sshll.u32 s26, $0x1;
	_ =	strace $0x8000004C;
	[dreg:$0x1] =	wrdreg $0xFFFFFFFF  }
0xa7: {  	s28 =	simm.s32 $_size_execute0_lowered;
	s2 =	sadd.s32 s2, s4;
	[dreg:$0x0] =	wrdreg $0x0  }
0xa8: {  	s4 =	sshll.u32 s28, $0x1;
	[dreg:$0x2] =	wrdreg s2  }
0xa9: {  	[dreg:$0x3] =	wrdreg s4  }
0xaa: {  	[dreg:$0x4] =	wrdreg $0xC0  }
0xab: {  	_ =	task [dreg:s6], $0x5FFFF  }
0xac: {  	[dreg:$0x1] =	wrdreg $0xFFFFFFFF  }
0xad: {  	[dreg:$0x0] =	wrdreg $0x60  }
0xae: {  	[dreg:$0x2] =	wrdreg s24  }
0xaf: {  	[dreg:$0x3] =	wrdreg $0x84000  }
0xb0: {  	[dreg:$0x4] =	wrdreg $0x9  }
0xb1: {  	_ =	task.clear_ibuf [dreg:s6], $0x5FFFF;
	_ =	strace $0x9000004C  }
0xb2: {  	s29 =	simm.s32 $0x9;
	_ =	strace $0x8000004E  }
0xb3: {  	_ =	swait.ge [sflag:s29], $0x1  }
0xb4: {  	[sflag:s29] =	ssyncadd.s32 $0xFFFFFFFF  }
0xb5: {  	_ =	strace $0x9000004E  }
0xb6: {  	_ =	sfence  }
0xb7: {  	s30 =	sld [smem:$0x0];
	_ =	sdelay $0x2  }
0xb8: {  	s31 =	sshll.u32 s1, $0xD;
	s1 =	sshrl.u32 s1, $0x2  }
0xb9: {  	s3 =	sand.u32 $0x4000, s31;
	s1 =	sadd.s32 s1, s30  }
0xba: {  	s0 =	sor.u32 s3, s0;
	s1 =	sshll.u32 s1, $0x11  }
0xbb: {  	s0 =	sor.u32 s1, s0  }
0xbc: {  	s0 =	sadd.s32 $0x8F2B, s0  }
0xbd: {  	[sflag:s0] =	ssyncadd.remote.s32 $0x1  }
0xbe: {  	_ =	sfence.sel $0xFFFF  }
0xbf: {  	[dreg:$0x0] =	wrdreg $0xFFFFFFFF;
	(pc) =	sbr.abs _section_cstart, $3  }
0xc0: {  	[dreg:$0x1] =	wrdreg $0xFFFFFFFF  }
0xc1: {  	_ =	task.clear_ibuf [dreg:s6], $0x2FFFF;
	_ =	strace $0x9FFFFFFF  }
0xc2: {  	(tm) =	ssettm $0x7FFFFFFF  }
0xc3: {  	_ =	shalt  }
tec
execute0_lowered:
.L_overlay_start_1:
0x0: {  	(tag) =	ssettag $0x1  }
0x1: {  	s0 =	rddreg [dreg:$0x0]  }
0x2: {  	s2 =	rddreg [dreg:$0x1];
	s3 =	simm.s32 $0x0;
	s15 =	stileid.u32  }
0x3: {  	s7 =	srdreg.scid;
	s28 =	simm.s32 $0x200;
	s29 =	simm.s32 $0x80  }
0x4: {  	s30 =	simm.s32 $0x280;
	s31 =	simm.s32 $0x100;
	[smem:$0x7FF] =	sst s3  }
0x5: {  	s4 =	sadd.s32 $0x88E00, s0;
	s1 =	smul.u32 $0x2700, s15;
	s5 =	sadd.s32 $0x9000, s0  }
0x6: {  	s6 =	sadd.s32 $0x3AA00, s0;
	s16 =	sadd.s32 $0x108400, s0;
	s7 =	sand.u32 $0x1, s7  }
0x7: {  	s11 =	smul.u32 $0x4E000, s15;
	s17 =	sadd.s32 $0x12F600, s0;
	s23 =	sshll.u32 s15, $0x6  }
0x8: {  	s13 =	sadd.s32 $0x138000, s2;
	p1 =	sne.s32 s15, $0xF;
	p2 =	seq.s32 s15, $0xF  }
0x9: {  	_ =	strace $0x8000004D;
	s9 =	ssub.s32 $0x2, s7;
	[dreg:$0x3] =	wrdreg s16  }
0xa: {  	s10 =	sshll.u32 s7, $0x4;
	p0 =	seq.s32 s7, $0x1;
	[dreg:$0x4] =	wrdreg s17  }
0xb: {  	s7 =	simm.s32 $0x1;
	s8 =	sadd.s32 s1, s0;
	s12 =	sshrl.u32 s9, $0x1  }
0xc: {  	s10 =	sor.u32 s15, s10;
	s11 =	sshrl.u32 s11, $0x2;
	s0 =	sadd.s32 $0x3A800, s0  }
0xd: {  	s15 =	simm.s32 $0x6;
	s14 =	ssub.s32 s9, s12;
	s9 =	smul.u32 $0x2800, s10  }
0xe: {  	s22 =	sadd.s32 s11, s2;
	s8 =	sadd.s32 $0x13800, s8;
	[dreg:$0x7] =	wrdreg s0  }
0xf: {  	s12 =	sor.u32 $0x1C07, s23;
	s10 =	simm.s32 $0x4400;
	[dreg:$0x5] =	wrdreg s22  }
0x10: {  	[dreg:$0x6] =	wrdreg s8;
	s8 =	simm.s32 $0x2;
	s24 =	sshrl.u32 s9, $0x3  }
0x11: {  	s25 =	sadd.s32 s4, s24;
	s26 =	sor.u32 $0x10, s24;
	s11 =	sadd.s32 s5, s24  }
0x12: {  	s19 =	sor.u32 $0x20, s24;
	s21 =	sor.u32 $0x30, s24;
	[dreg:$0x8] =	wrdreg s25  }
0x13: {  	s24 =	sadd.s32 s16, s1;
	s16 =	simm.s32 $0x4;
	[dreg:$0x9] =	wrdreg s11  }
0x14: {  	s18 =	sadd.s32 s4, s26;
	s0 =	sadd.s32 s5, s26;
	[dreg:$0x10] =	wrdreg s24  }
0x15: {  	s20 =	sadd.s32 s4, s19;
	s22 =	sadd.s32 s5, s19;
	[dreg:$0xa] =	wrdreg s18  }
0x16: {  	s23 =	sadd.s32 s4, s21;
	s25 =	sadd.s32 s17, s1;
	[dreg:$0xb] =	wrdreg s0  }
0x17: {  	s26 =	smax.u32 s14, $0x1;
	s1 =	simm.s32 $0x180;
	[dreg:$0xc] =	wrdreg s20  }
.Ltmp0:
0x18: {  	s24 =	simm.s32 $0x400;
	[dreg:$0xd] =	wrdreg s22;
	(pc) =	sbr.rel .LBB2_1-.Ltmp0, $4  }
0x19: {  	s11 =	simm.s32 $0x5;
	s14 =	simm.s32 $0x3;
	[dreg:$0xe] =	wrdreg s23  }
0x1a: {  	s17 =	simm.s32 $0x380;
	s0 =	sadd.s32 s5, s21;
	[dreg:$0x11] =	wrdreg s25  }
0x1b: {  	[dreg:$0x12] =	wrdreg s26;
	s26 =	simm.s32 $0x7;
	s23 =	simm.s32 $0x7D  }
0x1c: {  	s18 =	simm.s32 $0x0;
	[dreg:$0xf] =	wrdreg s0;
	s0 =	simm.s32 $0x300  }
.LBB2_6:
0x1d: {  	s19 =	sadd.s32 $0x27000, s19;
	s20 =	sshrl.u32 s13, $0x3  }
0x1e: {  	[hbm:s19], [sflag:s12] =	dma.local [spmem:s20], $0x100  }
0x1f: {  	_ =	swait.ge [sflag:s26], $0x100  }
0x20: {  	[sflag:s26] =	ssyncset.done $0x0  }
0x21: {  	[sflag:s26] =	ssyncadd.s32 $0xFFFFFF00  }
.LBB2_7:
0x22: {  	s18 =	sadd.s32 $0x1, s18;
	s19 =	rddreg [dreg:$0x12]  }
0x23: {  	p3 =	sne.s32 s18, s19  }
.Ltmp1:
0x24: {  	_ = 	snop;
	(pc) =	sbr.rel @!p3 .LBB2_8-.Ltmp1, $1  }
0x25: {  	_ =	sdelay $0x3  }
.LBB2_1:
0x26: {  	s19 =	rddreg [dreg:$0x5]  }
0x27: {  	s20 =	rddreg [dreg:$0x6];
	s19 =	sshrl.u32 s19, $0x3  }
0x28: {  	[spmem:s19], [sflag:s12] =	dma.local [hbm:s20], $0x2700  }
0x29: {  	_ =	swait.ge [sflag:s26], $0x2700  }
0x2a: {  	[sflag:s26] =	ssyncset.done $0x0  }
0x2b: {  	s20 =	sshrl.u32 @!p1 s13, $0x3;
	s21 =	rddreg [dreg:$0x7];
	[sflag:s26] =	ssyncadd.s32 $0xFFFFD900  }
0x2c: {  	[spmem:s20], [sflag:s12] =	dma.local @!p1 [hbm:s21], $0x100  }
0x2d: {  	s20 =	simm.s32 @!p1 $0x7  }
0x2e: {  	_ =	swait.ge @!p1 [sflag:s20], $0x100  }
0x2f: {  	[sflag:s20] =	ssyncset.done @!p1 $0x0  }
0x30: {  	[sflag:s20] =	ssyncadd.s32 @!p1 $0xFFFFFF00  }
0x31: {  	[bflag:$0x0] =	sbarrier.arrive $0xFFFF  }
0x32: {  	s25 =	rddreg [dreg:$0x8]  }
0x33: {  	[tilespmem:s3], [sflag:$0x1] =	stream.linear.gather [hbm4b:s25+s3], $0x80, $0x38;
	[tilespmem:$0x1BC80] =	vst v63  }
0x34: {  	s21 =	rddreg [dreg:$0x9]  }
0x35: {  	[tilespmem:s28], [sflag:$0x1] =	stream.linear.gather [hbm4b:s21+s3], $0x80, $0x38;
	[tilespmem:$0x1BC80] =	vst v63  }
0x36: {  	s22 =	rddreg [dreg:$0xa]  }
0x37: {  	[tilespmem:s29], [sflag:$0x2] =	stream.linear.gather [hbm4b:s22+s3], $0x80, $0x38;
	[tilespmem:$0x1BC80] =	vst v63  }
0x38: {  	s25 =	rddreg [dreg:$0xb]  }
0x39: {  	[tilespmem:s30], [sflag:$0x2] =	stream.linear.gather [hbm4b:s25+s3], $0x80, $0x38;
	[tilespmem:$0x1BC80] =	vst v63  }
0x3a: {  	s21 =	rddreg [dreg:$0xc]  }
0x3b: {  	[tilespmem:s31], [sflag:$0x3] =	stream.linear.gather [hbm4b:s21+s3], $0x80, $0x38;
	[tilespmem:$0x1BC80] =	vst v63  }
0x3c: {  	s22 =	rddreg [dreg:$0xd]  }
0x3d: {  	[tilespmem:s0], [sflag:$0x3] =	stream.linear.gather [hbm4b:s22+s3], $0x80, $0x38;
	[tilespmem:$0x1BC80] =	vst v63  }
0x3e: {  	s25 =	rddreg [dreg:$0xe]  }
0x3f: {  	[tilespmem:s1], [sflag:$0x4] =	stream.linear.gather [hbm4b:s25+s3], $0x80, $0x38;
	[tilespmem:$0x1BC80] =	vst v63  }
0x40: {  	s21 =	rddreg [dreg:$0xf]  }
0x41: {  	[tilespmem:s17], [sflag:$0x4] =	stream.linear.gather [hbm4b:s21+s3], $0x80, $0x38;
	[tilespmem:$0x1BC80] =	vst v63  }
0x42: {  	_ =	swait.ge [sflag:s7], $0x80  }
0x43: {  	[sflag:s7] =	ssyncset.done $0x0  }
0x44: {  	[sflag:s7] =	ssyncadd.s32 $0xFFFFFF80  }
0x45: {  	_ =	swait.ge [sflag:s7], $0x80  }
0x46: {  	[sflag:s7] =	ssyncset.done $0x0  }
0x47: {  	[sflag:s7] =	ssyncadd.s32 $0xFFFFFF80  }
0x48: {  	[tilespmem:s24], [sflag:$0x5] =	stream.indirect.gather [hbm4b:s6+s23], $0x80, s3, s23, $0xb8;
	[tilespmem:$0x1BC80] =	vst v63  }
0x49: {  	_ =	swait.ge [sflag:s8], $0x80  }
0x4a: {  	[sflag:s8] =	ssyncset.done $0x0  }
0x4b: {  	[sflag:s8] =	ssyncadd.s32 $0xFFFFFF80  }
0x4c: {  	_ =	swait.ge [sflag:s8], $0x80  }
0x4d: {  	[sflag:s8] =	ssyncset.done $0x0  }
0x4e: {  	[sflag:s8] =	ssyncadd.s32 $0xFFFFFF80  }
0x4f: {  	[tilespmem:s10], [sflag:$0x6] =	stream.indirect.gather [hbm4b:s6+s23], $0x80, s29, s23, $0xb8;
	[tilespmem:$0x1BC80] =	vst v63  }
0x50: {  	s22 =	simm.s32 $0x200;
	_ =	swait.ge [sflag:s11], $0x3E80  }
0x51: {  	s25 =	sand.u32 $0x7C00, s22;
	[sflag:s11] =	ssyncset.done $0x0  }
0x52: {  	s20 =	sand.u32 $0x200, s22;
	s21 =	sadd.s32 s9, s25;
	[sflag:s11] =	ssyncadd.s32 $0xFFFFC180  }
0x53: {  	[spmem:s2] =	stream.indirect.scatter.add.f32 [tilespmem:s24], [sflag:$0x7], $0x80, s28, s23, $0xb8;
	[tilespmem:$0x1BC80] =	vst v63  }
0x54: {  	s20 =	sor.u32 s20, s21;
	_ =	swait.ge [sflag:s26], $0x3E80  }
0x55: {  	s20 =	sshrl.u32 s20, $0x3;
	[sflag:s26] =	ssyncset.done $0x0  }
0x56: {  	s22 =	sadd.s32 s4, s20;
	[sflag:s26] =	ssyncadd.s32 $0xFFFFC180  }
0x57: {  	[tilespmem:s3], [sflag:$0x1] =	stream.linear.gather [hbm4b:s22+s3], $0x80, $0x38;
	[tilespmem:$0x1BC80] =	vst v63  }
0x58: {  	s20 =	sadd.s32 s5, s20  }
0x59: {  	[tilespmem:s28], [sflag:$0x1] =	stream.linear.gather [hbm4b:s20+s3], $0x80, $0x38;
	[tilespmem:$0x1BC80] =	vst v63  }
0x5a: {  	_ =	swait.ge [sflag:s14], $0x80  }
0x5b: {  	[sflag:s14] =	ssyncset.done $0x0  }
0x5c: {  	[sflag:s14] =	ssyncadd.s32 $0xFFFFFF80  }
0x5d: {  	_ =	swait.ge [sflag:s14], $0x80  }
0x5e: {  	[sflag:s14] =	ssyncset.done $0x0  }
0x5f: {  	[sflag:s14] =	ssyncadd.s32 $0xFFFFFF80  }
0x60: {  	[tilespmem:s24], [sflag:$0x5] =	stream.indirect.gather [hbm4b:s6+s23], $0x80, s31, s23, $0xb8;
	[tilespmem:$0x1BC80] =	vst v63  }
0x61: {  	s25 =	simm.s32 $0x280;
	_ =	swait.ge [sflag:s15], $0x3E80  }
0x62: {  	s22 =	sand.u32 $0x7C00, s25;
	[sflag:s15] =	ssyncset.done $0x0  }
0x63: {  	s21 =	sadd.s32 s9, s22;
	s20 =	sand.u32 $0x280, s25;
	[sflag:s15] =	ssyncadd.s32 $0xFFFFC180  }
0x64: {  	[spmem:s2] =	stream.indirect.scatter.add.f32 [tilespmem:s10], [sflag:$0x7], $0x80, s30, s23, $0xb8;
	[tilespmem:$0x1BC80] =	vst v63  }
0x65: {  	s20 =	sor.u32 s20, s21;
	_ =	swait.ge [sflag:s26], $0x3E80  }
0x66: {  	s20 =	sshrl.u32 s20, $0x3;
	[sflag:s26] =	ssyncset.done $0x0  }
0x67: {  	s25 =	sadd.s32 s4, s20;
	[sflag:s26] =	ssyncadd.s32 $0xFFFFC180  }
0x68: {  	[tilespmem:s29], [sflag:$0x2] =	stream.linear.gather [hbm4b:s25+s3], $0x80, $0x38;
	[tilespmem:$0x1BC80] =	vst v63  }
0x69: {  	s20 =	sadd.s32 s5, s20  }
0x6a: {  	[tilespmem:s30], [sflag:$0x2] =	stream.linear.gather [hbm4b:s20+s3], $0x80, $0x38;
	[tilespmem:$0x1BC80] =	vst v63  }
0x6b: {  	_ =	swait.ge [sflag:s16], $0x80  }
0x6c: {  	[sflag:s16] =	ssyncset.done $0x0  }
0x6d: {  	[sflag:s16] =	ssyncadd.s32 $0xFFFFFF80  }
0x6e: {  	_ =	swait.ge [sflag:s16], $0x80  }
0x6f: {  	[sflag:s16] =	ssyncset.done $0x0  }
0x70: {  	[sflag:s16] =	ssyncadd.s32 $0xFFFFFF80  }
0x71: {  	[tilespmem:s10], [sflag:$0x6] =	stream.indirect.gather [hbm4b:s6+s23], $0x80, s1, s23, $0xb8;
	[tilespmem:$0x1BC80] =	vst v63  }
0x72: {  	s21 =	simm.s32 $0x300;
	_ =	swait.ge [sflag:s11], $0x3E80  }
0x73: {  	s22 =	sand.u32 $0x7C00, s21;
	[sflag:s11] =	ssyncset.done $0x0  }
0x74: {  	s20 =	sand.u32 $0x300, s21;
	s21 =	sadd.s32 s9, s22;
	[sflag:s11] =	ssyncadd.s32 $0xFFFFC180  }
0x75: {  	[spmem:s2] =	stream.indirect.scatter.add.f32 [tilespmem:s24], [sflag:$0x7], $0x80, s0, s23, $0xb8;
	[tilespmem:$0x1BC80] =	vst v63  }
0x76: {  	s20 =	sor.u32 s20, s21;
	_ =	swait.ge [sflag:s26], $0x3E80  }
0x77: {  	s20 =	sshrl.u32 s20, $0x3;
	[sflag:s26] =	ssyncset.done $0x0  }
0x78: {  	s25 =	sadd.s32 s4, s20;
	[sflag:s26] =	ssyncadd.s32 $0xFFFFC180  }
0x79: {  	[tilespmem:s31], [sflag:$0x3] =	stream.linear.gather [hbm4b:s25+s3], $0x80, $0x38;
	[tilespmem:$0x1BC80] =	vst v63  }
0x7a: {  	s20 =	sadd.s32 s5, s20  }
0x7b: {  	[tilespmem:s0], [sflag:$0x3] =	stream.linear.gather [hbm4b:s20+s3], $0x80, $0x38;
	[tilespmem:$0x1BC80] =	vst v63  }
0x7c: {  	_ =	swait.ge [sflag:s7], $0x80  }
0x7d: {  	[sflag:s7] =	ssyncset.done $0x0  }
0x7e: {  	[sflag:s7] =	ssyncadd.s32 $0xFFFFFF80  }
0x7f: {  	_ =	swait.ge [sflag:s7], $0x80  }
0x80: {  	[sflag:s7] =	ssyncset.done $0x0  }
0x81: {  	[sflag:s7] =	ssyncadd.s32 $0xFFFFFF80  }
0x82: {  	[tilespmem:s24], [sflag:$0x5] =	stream.indirect.gather [hbm4b:s6+s23], $0x80, s3, s23, $0xb8;
	[tilespmem:$0x1BC80] =	vst v63  }
0x83: {  	_ =	swait.ge [sflag:s15], $0x3E80  }
0x84: {  	s21 =	sand.u32 $0x7C00, s17;
	[sflag:s15] =	ssyncset.done $0x0  }
0x85: {  	s22 =	sand.u32 $0x380, s17;
	s20 =	sadd.s32 s9, s21;
	[sflag:s15] =	ssyncadd.s32 $0xFFFFC180  }
0x86: {  	[spmem:s2] =	stream.indirect.scatter.add.f32 [tilespmem:s10], [sflag:$0x7], $0x80, s17, s23, $0xb8;
	[tilespmem:$0x1BC80] =	vst v63  }
0x87: {  	s20 =	sor.u32 s22, s20;
	_ =	swait.ge [sflag:s26], $0x3E80  }
0x88: {  	s20 =	sshrl.u32 s20, $0x3;
	[sflag:s26] =	ssyncset.done $0x0  }
0x89: {  	s25 =	sadd.s32 s4, s20;
	[sflag:s26] =	ssyncadd.s32 $0xFFFFC180  }
0x8a: {  	[tilespmem:s1], [sflag:$0x4] =	stream.linear.gather [hbm4b:s25+s3], $0x80, $0x38;
	[tilespmem:$0x1BC80] =	vst v63  }
0x8b: {  	s20 =	sadd.s32 s5, s20  }
0x8c: {  	[tilespmem:s17], [sflag:$0x4] =	stream.linear.gather [hbm4b:s20+s3], $0x80, $0x38;
	[tilespmem:$0x1BC80] =	vst v63  }
0x8d: {  	_ =	swait.ge [sflag:s8], $0x80  }
0x8e: {  	[sflag:s8] =	ssyncset.done $0x0  }
0x8f: {  	[sflag:s8] =	ssyncadd.s32 $0xFFFFFF80  }
0x90: {  	_ =	swait.ge [sflag:s8], $0x80  }
0x91: {  	s20 =	simm.s32 $0x580;
	[sflag:s8] =	ssyncset.done $0x0  }
.LBB2_2:
0x92: {  	p3 =	sne.s32 s20, $0x2780  }
0x93: {  	[sflag:s8] =	ssyncadd.s32 $0xFFFFFF80;
	s21 =	smov.u32 s20;
	s20 =	sadd.s32 $0x200, s20  }
0x94: {  	[tilespmem:s10], [sflag:$0x6] =	stream.indirect.gather [hbm4b:s6+s23], $0x80, s29, s23, $0xb8;
	[tilespmem:$0x1BC80] =	vst v63  }
0x95: {  	s22 =	sadd.s32 $0xFFFFFE80, s21;
	_ =	swait.ge [sflag:s11], $0x3E80  }
0x96: {  	s25 =	sand.u32 $0x7C00, s22;
	s22 =	sand.u32 $0x200, s22;
	[sflag:s11] =	ssyncset.done $0x0  }
0x97: {  	s25 =	sadd.s32 s9, s25;
	[sflag:s11] =	ssyncadd.s32 $0xFFFFC180  }
0x98: {  	[spmem:s2] =	stream.indirect.scatter.add.f32 [tilespmem:s24], [sflag:$0x7], $0x80, s28, s23, $0xb8;
	[tilespmem:$0x1BC80] =	vst v63  }
0x99: {  	s22 =	sor.u32 s22, s25;
	_ =	swait.ge [sflag:s26], $0x3E80  }
0x9a: {  	s22 =	sshrl.u32 s22, $0x3;
	[sflag:s26] =	ssyncset.done $0x0  }
0x9b: {  	s25 =	sadd.s32 s4, s22;
	s22 =	sadd.s32 s5, s22;
	[sflag:s26] =	ssyncadd.s32 $0xFFFFC180  }
0x9c: {  	[tilespmem:s3], [sflag:$0x1] =	stream.linear.gather [hbm4b:s25+s3], $0x80, $0x38;
	[tilespmem:$0x1BC80] =	vst v63  }
0x9d: {  	_ = 	snop  }
0x9e: {  	[tilespmem:s28], [sflag:$0x1] =	stream.linear.gather [hbm4b:s22+s3], $0x80, $0x38;
	[tilespmem:$0x1BC80] =	vst v63  }
0x9f: {  	_ =	swait.ge [sflag:s14], $0x80  }
0xa0: {  	[sflag:s14] =	ssyncset.done $0x0  }
0xa1: {  	[sflag:s14] =	ssyncadd.s32 $0xFFFFFF80  }
0xa2: {  	_ =	swait.ge [sflag:s14], $0x80  }
0xa3: {  	[sflag:s14] =	ssyncset.done $0x0  }
0xa4: {  	[sflag:s14] =	ssyncadd.s32 $0xFFFFFF80  }
0xa5: {  	[tilespmem:s24], [sflag:$0x5] =	stream.indirect.gather [hbm4b:s6+s23], $0x80, s31, s23, $0xb8;
	[tilespmem:$0x1BC80] =	vst v63  }
0xa6: {  	s22 =	sadd.s32 $0xFFFFFF00, s21;
	_ =	swait.ge [sflag:s15], $0x3E80  }
0xa7: {  	s25 =	sand.u32 $0x7C00, s22;
	[sflag:s15] =	ssyncset.done $0x0  }
0xa8: {  	s22 =	sand.u32 $0x280, s22;
	s25 =	sadd.s32 s9, s25;
	[sflag:s15] =	ssyncadd.s32 $0xFFFFC180  }
0xa9: {  	[spmem:s2] =	stream.indirect.scatter.add.f32 [tilespmem:s10], [sflag:$0x7], $0x80, s30, s23, $0xb8;
	[tilespmem:$0x1BC80] =	vst v63  }
0xaa: {  	s22 =	sor.u32 s22, s25;
	_ =	swait.ge [sflag:s26], $0x3E80  }
0xab: {  	s22 =	sshrl.u32 s22, $0x3;
	[sflag:s26] =	ssyncset.done $0x0  }
0xac: {  	s25 =	sadd.s32 s4, s22;
	s22 =	sadd.s32 s5, s22;
	[sflag:s26] =	ssyncadd.s32 $0xFFFFC180  }
0xad: {  	[tilespmem:s29], [sflag:$0x2] =	stream.linear.gather [hbm4b:s25+s3], $0x80, $0x38;
	[tilespmem:$0x1BC80] =	vst v63  }
0xae: {  	_ = 	snop  }
0xaf: {  	[tilespmem:s30], [sflag:$0x2] =	stream.linear.gather [hbm4b:s22+s3], $0x80, $0x38;
	[tilespmem:$0x1BC80] =	vst v63  }
0xb0: {  	_ =	swait.ge [sflag:s16], $0x80  }
0xb1: {  	[sflag:s16] =	ssyncset.done $0x0  }
0xb2: {  	[sflag:s16] =	ssyncadd.s32 $0xFFFFFF80  }
0xb3: {  	_ =	swait.ge [sflag:s16], $0x80  }
0xb4: {  	[sflag:s16] =	ssyncset.done $0x0  }
0xb5: {  	[sflag:s16] =	ssyncadd.s32 $0xFFFFFF80  }
0xb6: {  	[tilespmem:s10], [sflag:$0x6] =	stream.indirect.gather [hbm4b:s6+s23], $0x80, s1, s23, $0xb8;
	[tilespmem:$0x1BC80] =	vst v63  }
0xb7: {  	s22 =	sadd.s32 $0xFFFFFF80, s21;
	_ =	swait.ge [sflag:s11], $0x3E80  }
0xb8: {  	s25 =	sand.u32 $0x7C00, s22;
	s22 =	sand.u32 $0x300, s22;
	[sflag:s11] =	ssyncset.done $0x0  }
0xb9: {  	s25 =	sadd.s32 s9, s25;
	[sflag:s11] =	ssyncadd.s32 $0xFFFFC180  }
0xba: {  	[spmem:s2] =	stream.indirect.scatter.add.f32 [tilespmem:s24], [sflag:$0x7], $0x80, s0, s23, $0xb8;
	[tilespmem:$0x1BC80] =	vst v63  }
0xbb: {  	s22 =	sor.u32 s22, s25;
	_ =	swait.ge [sflag:s26], $0x3E80  }
0xbc: {  	s22 =	sshrl.u32 s22, $0x3;
	[sflag:s26] =	ssyncset.done $0x0  }
0xbd: {  	s25 =	sadd.s32 s4, s22;
	s22 =	sadd.s32 s5, s22;
	[sflag:s26] =	ssyncadd.s32 $0xFFFFC180  }
0xbe: {  	[tilespmem:s31], [sflag:$0x3] =	stream.linear.gather [hbm4b:s25+s3], $0x80, $0x38;
	[tilespmem:$0x1BC80] =	vst v63  }
0xbf: {  	_ = 	snop  }
0xc0: {  	[tilespmem:s0], [sflag:$0x3] =	stream.linear.gather [hbm4b:s22+s3], $0x80, $0x38;
	[tilespmem:$0x1BC80] =	vst v63  }
0xc1: {  	_ =	swait.ge [sflag:s7], $0x80  }
0xc2: {  	[sflag:s7] =	ssyncset.done $0x0  }
0xc3: {  	[sflag:s7] =	ssyncadd.s32 $0xFFFFFF80  }
0xc4: {  	_ =	swait.ge [sflag:s7], $0x80  }
0xc5: {  	[sflag:s7] =	ssyncset.done $0x0  }
0xc6: {  	[sflag:s7] =	ssyncadd.s32 $0xFFFFFF80  }
0xc7: {  	[tilespmem:s24], [sflag:$0x5] =	stream.indirect.gather [hbm4b:s6+s23], $0x80, s3, s23, $0xb8;
	[tilespmem:$0x1BC80] =	vst v63  }
0xc8: {  	_ =	swait.ge [sflag:s15], $0x3E80  }
0xc9: {  	s22 =	sand.u32 $0x7C00, s21;
	[sflag:s15] =	ssyncset.done $0x0  }
0xca: {  	s21 =	sand.u32 $0x380, s21;
	s22 =	sadd.s32 s9, s22;
	[sflag:s15] =	ssyncadd.s32 $0xFFFFC180  }
0xcb: {  	[spmem:s2] =	stream.indirect.scatter.add.f32 [tilespmem:s10], [sflag:$0x7], $0x80, s17, s23, $0xb8;
	[tilespmem:$0x1BC80] =	vst v63  }
0xcc: {  	s21 =	sor.u32 s21, s22;
	_ =	swait.ge [sflag:s26], $0x3E80  }
0xcd: {  	s21 =	sshrl.u32 s21, $0x3;
	[sflag:s26] =	ssyncset.done $0x0  }
0xce: {  	s22 =	sadd.s32 s4, s21;
	s21 =	sadd.s32 s5, s21;
	[sflag:s26] =	ssyncadd.s32 $0xFFFFC180  }
0xcf: {  	[tilespmem:s1], [sflag:$0x4] =	stream.linear.gather [hbm4b:s22+s3], $0x80, $0x38;
	[tilespmem:$0x1BC80] =	vst v63  }
0xd0: {  	_ = 	snop  }
0xd1: {  	[tilespmem:s17], [sflag:$0x4] =	stream.linear.gather [hbm4b:s21+s3], $0x80, $0x38;
	[tilespmem:$0x1BC80] =	vst v63  }
.Ltmp2:
0xd2: {  	_ =	swait.ge [sflag:s8], $0x80;
	(pc) =	sbr.rel @p3 .LBB2_2-.Ltmp2, $4  }
0xd3: {  	[sflag:s8] =	ssyncset.done $0x0  }
0xd4: {  	[sflag:s8] =	ssyncadd.s32 $0xFFFFFF80  }
0xd5: {  	_ =	swait.ge [sflag:s8], $0x80  }
0xd6: {  	[sflag:s8] =	ssyncset.done $0x0  }
0xd7: {  	[sflag:s8] =	ssyncadd.s32 $0xFFFFFF80  }
0xd8: {  	[tilespmem:s10], [sflag:$0x6] =	stream.indirect.gather [hbm4b:s6+s23], $0x80, s29, s23, $0xb8;
	[tilespmem:$0x1BC80] =	vst v63  }
0xd9: {  	_ =	swait.ge [sflag:s11], $0x3E80  }
0xda: {  	[sflag:s11] =	ssyncset.done $0x0  }
0xdb: {  	[sflag:s11] =	ssyncadd.s32 $0xFFFFC180  }
0xdc: {  	[spmem:s2] =	stream.indirect.scatter.add.f32 [tilespmem:s24], [sflag:$0x7], $0x80, s28, s23, $0xb8;
	[tilespmem:$0x1BC80] =	vst v63  }
0xdd: {  	_ =	swait.ge [sflag:s26], $0x3E80  }
0xde: {  	[sflag:s26] =	ssyncset.done $0x0  }
0xdf: {  	[sflag:s26] =	ssyncadd.s32 $0xFFFFC180  }
0xe0: {  	_ =	swait.ge [sflag:s14], $0x80  }
0xe1: {  	[sflag:s14] =	ssyncset.done $0x0  }
0xe2: {  	[sflag:s14] =	ssyncadd.s32 $0xFFFFFF80  }
0xe3: {  	_ =	swait.ge [sflag:s14], $0x80  }
0xe4: {  	[sflag:s14] =	ssyncset.done $0x0  }
0xe5: {  	[sflag:s14] =	ssyncadd.s32 $0xFFFFFF80  }
0xe6: {  	[tilespmem:s24], [sflag:$0x5] =	stream.indirect.gather [hbm4b:s6+s23], $0x80, s31, s23, $0xb8;
	[tilespmem:$0x1BC80] =	vst v63  }
0xe7: {  	_ =	swait.ge [sflag:s15], $0x3E80  }
0xe8: {  	[sflag:s15] =	ssyncset.done $0x0  }
0xe9: {  	[sflag:s15] =	ssyncadd.s32 $0xFFFFC180  }
0xea: {  	[spmem:s2] =	stream.indirect.scatter.add.f32 [tilespmem:s10], [sflag:$0x7], $0x80, s30, s23, $0xb8;
	[tilespmem:$0x1BC80] =	vst v63  }
0xeb: {  	_ =	swait.ge [sflag:s26], $0x3E80  }
0xec: {  	[sflag:s26] =	ssyncset.done $0x0  }
0xed: {  	[sflag:s26] =	ssyncadd.s32 $0xFFFFC180  }
0xee: {  	_ =	swait.ge [sflag:s16], $0x80  }
0xef: {  	[sflag:s16] =	ssyncset.done $0x0  }
0xf0: {  	[sflag:s16] =	ssyncadd.s32 $0xFFFFFF80  }
0xf1: {  	_ =	swait.ge [sflag:s16], $0x80  }
0xf2: {  	[sflag:s16] =	ssyncset.done $0x0  }
0xf3: {  	[sflag:s16] =	ssyncadd.s32 $0xFFFFFF80  }
0xf4: {  	[tilespmem:s10], [sflag:$0x6] =	stream.indirect.gather [hbm4b:s6+s23], $0x80, s1, s23, $0xb8;
	[tilespmem:$0x1BC80] =	vst v63  }
0xf5: {  	_ =	swait.ge [sflag:s11], $0x3E80  }
0xf6: {  	[sflag:s11] =	ssyncset.done $0x0  }
0xf7: {  	[sflag:s11] =	ssyncadd.s32 $0xFFFFC180  }
0xf8: {  	[spmem:s2] =	stream.indirect.scatter.add.f32 [tilespmem:s24], [sflag:$0x7], $0x80, s0, s23, $0xb8;
	[tilespmem:$0x1BC80] =	vst v63  }
0xf9: {  	_ =	swait.ge [sflag:s26], $0x3E80  }
0xfa: {  	[sflag:s26] =	ssyncset.done $0x0  }
0xfb: {  	[sflag:s26] =	ssyncadd.s32 $0xFFFFC180  }
0xfc: {  	_ =	swait.ge [sflag:s15], $0x3E80  }
0xfd: {  	[sflag:s15] =	ssyncset.done $0x0  }
0xfe: {  	[sflag:s15] =	ssyncadd.s32 $0xFFFFC180  }
0xff: {  	[spmem:s2] =	stream.indirect.scatter.add.f32 [tilespmem:s10], [sflag:$0x7], $0x80, s17, s23, $0xb8;
	[tilespmem:$0x1BC80] =	vst v63  }
.Ltmp3:
0x100: {  	_ =	swait.ge [sflag:s26], $0x3E80;
	(pc) =	sbr.rel @!p0 .LBB2_4-.Ltmp3, $3  }
0x101: {  	[sflag:s26] =	ssyncset.done $0x0  }
0x102: {  	[sflag:s26] =	ssyncadd.s32 $0xFFFFC180  }
0x103: {  	[bflag:$0x0] =	sbarrier.arrive $0xFFFF;
	_ =	sdelay $0x1  }
0x104: {  	s20 =	rddreg [dreg:$0x11]  }
0x105: {  	[hbm:s20], [sflag:s12] =	dma.local [spmem:s19], $0x2700  }
.Ltmp4:
0x106: {  	_ = 	snop;
	(pc) =	sbr.rel @p1 .LBB2_7-.Ltmp4, $4  }
.Ltmp5:
0x107: {  	_ = 	snop;
	(pc) =	sbr.rel @!p1 .LBB2_6-.Ltmp5, $4  }
0x108: {  	_ =	swait.ge [sflag:s26], $0x2700  }
0x109: {  	[sflag:s26] =	ssyncset.done $0x0  }
0x10a: {  	s19 =	rddreg [dreg:$0x4];
	[sflag:s26] =	ssyncadd.s32 $0xFFFFD900  }
0x10b: {  	_ = 	snop  }
.LBB2_4:
0x10c: {  	s20 =	rddreg [dreg:$0x10]  }
0x10d: {  	[hbm:s20], [sflag:s12] =	dma.local [spmem:s19], $0x2700  }
.Ltmp6:
0x10e: {  	_ = 	snop;
	(pc) =	sbr.rel @p2 .LBB2_6-.Ltmp6, $4  }
.Ltmp7:
0x10f: {  	_ = 	snop;
	(pc) =	sbr.rel @!p2 .LBB2_7-.Ltmp7, $4  }
0x110: {  	_ =	swait.ge [sflag:s26], $0x2700  }
0x111: {  	[sflag:s26] =	ssyncset.done $0x0  }
0x112: {  	s19 =	rddreg [dreg:$0x3];
	[sflag:s26] =	ssyncadd.s32 $0xFFFFD900  }
0x113: {  	_ = 	snop  }
.LBB2_8:
0x114: {  	_ =	sfence.sel $0x180000  }
0x115: {  	[bflag:$0x0] =	sbarrier.arrive $0xFFFF  }
0x116: {  	_ =	strace $0x9000004D  }
0x117: {  	s0 =	stileid.u32;
	[bflag:$0x2] =	sbarrier.arrive $0xFFFF  }
0x118: {  	p0 =	sne.s32 s0, $0x0;
	s0 =	rddreg [dreg:$0x2]  }
0x119: {  	s0 =	sadd.s32 @!p0 $0x100000, s0  }
0x11a: {  	[sflag:s0] =	ssyncadd.tile.s32 @!p0 $0x1;
	_ =	shalt  }
.Lfunc_end2:
_tile_overlayer_lowered:
.L_overlay_start_2:
0x11b: {  	(tag) =	ssettag $0x2  }
0x11c: {  	s0 =	rddreg [dreg:$0x0];
	s2 =	stileid.u32  }
0x11d: {  	s1 =	rddreg [dreg:$0x1];
	p0 =	sne.s32 s2, $0x0  }
0x11e: {  	s3 =	rddreg [dreg:$0x2];
	[bflag:$0x3] =	sbarrier.arrive $0xFFFF;
	s2 =	simm.s32 @!p0 $0x1C07  }
0x11f: {  	[timem:s3], [sflag:s2] =	dma.local @!p0 [hbm:s0], s1  }
0x120: {  	s0 =	simm.s32 @!p0 $0x7  }
0x121: {  	_ =	swait.ge @!p0 [sflag:s0], s1  }
0x122: {  	s1 =	ssub.s32 @!p0 $0x0, s1;
	[sflag:s0] =	ssyncset.done @!p0 $0x0  }
0x123: {  	[sflag:s0] =	ssyncadd.s32 @!p0 s1  }
0x124: {  	[bflag:$0x3] =	sbarrier.arrive $0xFFFF  }
0x125: {  	_ =	shalt  }

// kernel: kernel.22.cloned.1.call-start
scs
__scs_entry_jumppad:
0x0: {  	(pc) =	sbr.rel $0x88, $3  }
0x1: {  	(tag) =	ssettag $0x0;
	lr =	simm.s32 $0x1  }
0x2: {  	[smem:$0x3F8E] =	sst lr;
	_ =	strace $0xD0000000  }
0x3: {  	_ = 	snop  }
0x4: {  	_ = 	snop  }
0x5: {  	_ = 	snop  }
0x6: {  	_ = 	snop  }
0x7: {  	_ = 	snop  }
__scs_overlays_trampoline_lowered:
0x8: {  	[smem:$0x3F9D] =	sst s0  }
0x9: {  	[smem:$0x3F9E] =	sst s1  }
0xa: {  	[smem:$0x3F9F] =	sst s2  }
0xb: {  	[smem:$0x3FA0] =	sst s3  }
0xc: {  	[smem:$0x3FA1] =	sst s4  }
0xd: {  	[smem:$0x3FA2] =	sst s5  }
0xe: {  	[smem:$0x3FA3] =	sst s6  }
0xf: {  	[smem:$0x3FA4] =	sst s7  }
0x10: {  	[smem:$0x3FA5] =	sst s8  }
0x11: {  	[smem:$0x3FA6] =	sst s9;
	s0 =	simm.s32 @!p0 $0x0  }
0x12: {  	s1 =	sld [smem:$0x3F8C];
	s0 =	simm.s32 @p0 $0x1  }
0x13: {  	[smem:$0x3FA7] =	sst s0;
	s0 =	simm.s32 @!p1 $0x0  }
0x14: {  	s2 =	sld [smem:$0x3F8B];
	s0 =	simm.s32 @p1 $0x1  }
0x15: {  	[smem:$0x3FA8] =	sst s0;
	s0 =	simm.s32 @!p2 $0x0  }
0x16: {  	s3 =	sld [smem:$0x3FDB];
	s0 =	simm.s32 @p2 $0x1  }
0x17: {  	s4 =	simm.s32 $0x1BF5;
	[smem:$0x3FAA] =	sst s0  }
0x18: {  	s0 =	sld [smem:$0x3F8D];
	_ =	swait.ge [sflag:s4], $0x0  }
0x19: {  	s7 =	sld [smem:$0x3F8E]  }
0x1a: {  	s8 =	sadd.s32 $0xFFFFE003, lr  }
0x1b: {  	s9 =	sadd.s32 $0xFFFFFEF7, lr;
	s5 =	simm.s32 $0xFFFFFFFF;
	p2 =	slt.u32 s8, $0xFFFFF086  }
0x1c: {  	p1 =	slt.u32 s9, $0xF7A;
	s5 =	simm.s32 @!p2 $0x0  }
0x1d: {  	s5 =	simm.s32 @p1 $0x1;
	p0 =	seq.s32 s7, s2  }
0x1e: {  	s7 =	smul.u32 @!p0 $0xF7A, s2;
	p2 =	seq.s32 @!p0 s5, $0x0  }
0x1f: {  	s9 =	smul.u32 $0xF7A, s1;
	s8 =	simm.s32 @!p0 $0x1BF5;
	p2 =	por !p2, p0  }
0x20: {  	[sflag:s8] =	ssyncset.s32 @!p0 $0xFFFFF086;
	s6 =	sadd.s32 @!p0 s3, s7;
	s7 =	simm.s32 @!p0 $0x108  }
0x21: {  	s3 =	sadd.s32 s3, s9;
	s6 =	sadd.s32 @!p0 $0x88, s6;
	s7 =	simm.s32 @p2 $0x1082  }
0x22: {  	[simem:s7], [sflag:s8] =	dma.local @!p0 [hbm:s6], $0xF7A  }
0x23: {  	s9 =	sor.u32 $0xD0000000, s2;
	s6 =	simm.s32 $0x108;
	_ =	swait.ge @!p0 [sflag:s8], $0x0  }
0x24: {  	s3 =	sadd.s32 $0x88, s3;
	s6 =	simm.s32 @!p1 $0x1082;
	[sflag:s4] =	ssyncset.s32 $0xFFFFF086  }
0x25: {  	[simem:s6], [sflag:s4] =	dma.local [hbm:s3], $0xF7A  }
0x26: {  	[smem:$0x3F8E] =	sst s1;
	(tag) =	ssettag s2;
	_ =	strace s9  }
0x27: {  	s1 =	sld [smem:$0x3F9E]  }
0x28: {  	s2 =	sld [smem:$0x3F9F]  }
0x29: {  	s4 =	sld [smem:$0x3FA1]  }
0x2a: {  	p0 =	seq.s32 s5, $0x0;
	s5 =	sld [smem:$0x3FA2]  }
0x2b: {  	s6 =	sld [smem:$0x3FA3]  }
0x2c: {  	s7 =	sld [smem:$0x3FA4]  }
0x2d: {  	s3 =	simm.s32 $0x108;
	s8 =	sld [smem:$0x3FA5]  }
0x2e: {  	s3 =	simm.s32 @!p0 $0x1082;
	s9 =	sld [smem:$0x3FA6]  }
0x2f: {  	lr =	sadd.s32 s0, s3;
	s0 =	sld [smem:$0x3F9D]  }
0x30: {  	s3 =	sld [smem:$0x3FA0]  }
0x31: {  	[smem:$0x3FA9] =	sst s10  }
0x32: {  	s10 =	sld [smem:$0x3FA7];
	_ =	sdelay $0x3  }
0x33: {  	p0 =	seq.s32 s10, $0x1;
	s10 =	sld [smem:$0x3FA9];
	_ =	sdelay $0x3  }
0x34: {  	[smem:$0x3FA9] =	sst s10  }
0x35: {  	s10 =	sld [smem:$0x3FA8];
	_ =	sdelay $0x3  }
0x36: {  	p1 =	seq.s32 s10, $0x1;
	s10 =	sld [smem:$0x3FA9];
	_ =	sdelay $0x3  }
0x37: {  	[smem:$0x3FA9] =	sst s10  }
0x38: {  	s10 =	sld [smem:$0x3FAA]  }
0x39: {  	_ = 	snop;
	(pc) =	sbr.ind lr, $3  }
0x3a: {  	_ = 	snop  }
0x3b: {  	_ = 	snop  }
0x3c: {  	p2 =	seq.s32 s10, $0x1;
	s10 =	sld [smem:$0x3FA9]  }
0x3d: {  	_ =	shalt  }
0x3e: {  	_ =	shalt  }
0x3f: {  	_ =	shalt  }
0x40: {  	_ =	shalt  }
0x41: {  	_ =	shalt  }
0x42: {  	_ =	shalt  }
0x43: {  	_ =	shalt  }
0x44: {  	_ =	shalt  }
0x45: {  	_ =	shalt  }
0x46: {  	_ =	shalt  }
0x47: {  	_ =	shalt  }
0x48: {  	_ =	shalt  }
0x49: {  	_ =	shalt  }
0x4a: {  	_ =	shalt  }
0x4b: {  	_ =	shalt  }
0x4c: {  	_ =	shalt  }
0x4d: {  	_ =	shalt  }
0x4e: {  	_ =	shalt  }
0x4f: {  	_ =	shalt  }
0x50: {  	_ =	shalt  }
0x51: {  	_ =	shalt  }
0x52: {  	_ =	shalt  }
0x53: {  	_ =	shalt  }
0x54: {  	_ =	shalt  }
0x55: {  	_ =	shalt  }
0x56: {  	_ =	shalt  }
0x57: {  	_ =	shalt  }
0x58: {  	_ =	shalt  }
0x59: {  	_ =	shalt  }
0x5a: {  	_ =	shalt  }
0x5b: {  	_ =	shalt  }
0x5c: {  	_ =	shalt  }
0x5d: {  	_ =	shalt  }
0x5e: {  	_ =	shalt  }
0x5f: {  	_ =	shalt  }
0x60: {  	_ =	shalt  }
0x61: {  	_ =	shalt  }
0x62: {  	_ =	shalt  }
0x63: {  	_ =	shalt  }
0x64: {  	_ =	shalt  }
0x65: {  	_ =	shalt  }
0x66: {  	_ =	shalt  }
0x67: {  	_ =	shalt  }
0x68: {  	_ =	shalt  }
0x69: {  	_ =	shalt  }
0x6a: {  	_ =	shalt  }
0x6b: {  	_ =	shalt  }
0x6c: {  	_ =	shalt  }
0x6d: {  	_ =	shalt  }
0x6e: {  	_ =	shalt  }
0x6f: {  	_ =	shalt  }
0x70: {  	_ =	shalt  }
0x71: {  	_ =	shalt  }
0x72: {  	_ =	shalt  }
0x73: {  	_ =	shalt  }
0x74: {  	_ =	shalt  }
0x75: {  	_ =	shalt  }
0x76: {  	_ =	shalt  }
0x77: {  	_ =	shalt  }
0x78: {  	_ =	shalt  }
0x79: {  	_ =	shalt  }
0x7a: {  	_ =	shalt  }
0x7b: {  	_ =	shalt  }
0x7c: {  	_ =	shalt  }
0x7d: {  	_ =	shalt  }
0x7e: {  	_ =	shalt  }
0x7f: {  	_ =	shalt  }
0x80: {  	_ =	shalt  }
0x81: {  	_ =	shalt  }
0x82: {  	_ =	shalt  }
0x83: {  	_ =	shalt  }
0x84: {  	_ =	shalt  }
0x85: {  	_ =	shalt  }
0x86: {  	_ =	shalt  }
0x87: {  	_ =	shalt  }
.Lfunc_end0:
.L_simem_size_0:
called_computation.3_lowered:
.L_overlay_start_0:
0x88: {  	s2 =	sld [smem:$0x3FD9]  }
0x89: {  	s3 =	sld [smem:$0x3FFE];
	_ =	sdelay $0x1  }
0x8a: {  	s1 =	srdreg.scid  }
0x8b: {  	s0 =	sand.u32 $0x1, s1  }
0x8c: {  	s16 =	sshll.u32 s0, $0xA;
	s2 =	sadd.s32 s3, s2  }
0x8d: {  	s2 =	sadd.s32 s2, s16  }
0x8e: {  	[smem:$0x3FB5] =	sst s2  }
0x8f: {  	_ = 	snop  }
0x90: {  	(tm) =	ssettm $0x1  }
0x91: {  	s17 =	sld [smem:$0x3FFB];
	_ =	sdelay $0x3  }
0x92: {  	_ =	strace s17  }
0x93: {  	s2 =	sld [smem:$0x3FFC];
	_ =	sdelay $0x3  }
0x94: {  	_ =	strace s2  }
0x95: {  	s2 =	sld [smem:$0x3FFD];
	_ =	sdelay $0x3  }
0x96: {  	_ =	strace s2  }
0x97: {  	_ =	strace $0x8FFFFFFF  }
0x98: {  	s18 =	sld [smem:$0x3FDB];
	_ =	sdelay $0x1  }
0x99: {  	s19 =	simm.s32 $_scs_section_size  }
0x9a: {  	s4 =	simm.s32 $_size__tile_overlayer_lowered;
	s5 =	simm.s32 $_tile_overlayer_lowered  }
0x9b: {  	s22 =	simm.s32 $0x1BFF;
	s21 =	sshll.u32 s5, $0x1;
	s2 =	sadd.s32 s19, s18  }
0x9c: {  	s6 =	simm.s32 $0x0;
	s20 =	sshll.u32 s4, $0x1;
	s4 =	sadd.s32 s21, s2  }
0x9d: {  	[timem:s6], [sflag:s22] =	dma.local [hbm:s4], s20  }
0x9e: {  	_ =	swait.ge [sflag:s22], s20  }
0x9f: {  	s3 =	ssub.s32 $0x0, s20;
	[sflag:s22] =	ssyncset.done $0x0  }
0xa0: {  	[sflag:s22] =	ssyncadd.s32 s3;
	_ =	sdelay $0x1  }
0xa1: {  	s23 =	simm.s32 $0x1B8B  }
0xa2: {  	_ =	swait.ge [sflag:s23], $0x1  }
0xa3: {  	[sflag:s23] =	ssyncset.done $0x0  }
0xa4: {  	s25 =	simm.s32 $0x1B8E;
	s24 =	sld [smem:$0x3FFE];
	[sflag:s23] =	ssyncadd.s32 $0xFFFFFFFF  }
0xa5: {  	s26 =	simm.s32 $execute0_lowered;
	[smem:$0x3FD2] =	sst s25  }
0xa6: {  	s4 =	sshll.u32 s26, $0x1;
	_ =	strace $0x8000004F;
	[dreg:$0x1] =	wrdreg $0xFFFFFFFF  }
0xa7: {  	s28 =	simm.s32 $_size_execute0_lowered;
	s2 =	sadd.s32 s2, s4;
	[dreg:$0x0] =	wrdreg $0x0  }
0xa8: {  	s4 =	sshll.u32 s28, $0x1;
	[dreg:$0x2] =	wrdreg s2  }
0xa9: {  	[dreg:$0x3] =	wrdreg s4  }
0xaa: {  	[dreg:$0x4] =	wrdreg $0xC0  }
0xab: {  	_ =	task [dreg:s6], $0x5FFFF  }
0xac: {  	[dreg:$0x1] =	wrdreg $0xFFFFFFFF  }
0xad: {  	[dreg:$0x0] =	wrdreg $0x60  }
0xae: {  	[dreg:$0x2] =	wrdreg s24  }
0xaf: {  	[dreg:$0x3] =	wrdreg $0x84000  }
0xb0: {  	[dreg:$0x4] =	wrdreg $0x9  }
0xb1: {  	_ =	task.clear_ibuf [dreg:s6], $0x5FFFF;
	_ =	strace $0x9000004F  }
0xb2: {  	s29 =	simm.s32 $0x9;
	_ =	strace $0x80000051  }
0xb3: {  	_ =	swait.ge [sflag:s29], $0x1  }
0xb4: {  	[sflag:s29] =	ssyncadd.s32 $0xFFFFFFFF  }
0xb5: {  	_ =	strace $0x90000051  }
0xb6: {  	_ =	sfence  }
0xb7: {  	s30 =	sld [smem:$0x0];
	_ =	sdelay $0x2  }
0xb8: {  	s31 =	sshll.u32 s1, $0xD;
	s1 =	sshrl.u32 s1, $0x2  }
0xb9: {  	s3 =	sand.u32 $0x4000, s31;
	s1 =	sadd.s32 s1, s30  }
0xba: {  	s0 =	sor.u32 s3, s0;
	s1 =	sshll.u32 s1, $0x11  }
0xbb: {  	s0 =	sor.u32 s1, s0  }
0xbc: {  	s0 =	sadd.s32 $0x8F2B, s0  }
0xbd: {  	[sflag:s0] =	ssyncadd.remote.s32 $0x1  }
0xbe: {  	_ =	sfence.sel $0xFFFF  }
0xbf: {  	[dreg:$0x0] =	wrdreg $0xFFFFFFFF;
	(pc) =	sbr.abs _section_cstart, $3  }
0xc0: {  	[dreg:$0x1] =	wrdreg $0xFFFFFFFF  }
0xc1: {  	_ =	task.clear_ibuf [dreg:s6], $0x2FFFF;
	_ =	strace $0x9FFFFFFF  }
0xc2: {  	(tm) =	ssettm $0x7FFFFFFF  }
0xc3: {  	_ =	shalt  }
tec
execute0_lowered:
.L_overlay_start_1:
0x0: {  	(tag) =	ssettag $0x1  }
0x1: {  	s0 =	rddreg [dreg:$0x0]  }
0x2: {  	s2 =	rddreg [dreg:$0x1];
	s3 =	simm.s32 $0x0;
	s15 =	stileid.u32  }
0x3: {  	s7 =	srdreg.scid;
	s28 =	simm.s32 $0x200;
	s29 =	simm.s32 $0x80  }
0x4: {  	s30 =	simm.s32 $0x280;
	s31 =	simm.s32 $0x100;
	[smem:$0x7FF] =	sst s3  }
0x5: {  	s4 =	sadd.s32 $0x88E00, s0;
	s1 =	smul.u32 $0x2700, s15;
	s5 =	sadd.s32 $0x9000, s0  }
0x6: {  	s6 =	sadd.s32 $0x3AA00, s0;
	s16 =	sadd.s32 $0x108400, s0;
	s7 =	sand.u32 $0x1, s7  }
0x7: {  	s11 =	smul.u32 $0x4E000, s15;
	s17 =	sadd.s32 $0x12F600, s0;
	s23 =	sshll.u32 s15, $0x6  }
0x8: {  	s13 =	sadd.s32 $0x138000, s2;
	p1 =	sne.s32 s15, $0xF;
	p2 =	seq.s32 s15, $0xF  }
0x9: {  	_ =	strace $0x80000050;
	s9 =	ssub.s32 $0x2, s7;
	[dreg:$0x3] =	wrdreg s16  }
0xa: {  	s10 =	sshll.u32 s7, $0x4;
	p0 =	seq.s32 s7, $0x1;
	[dreg:$0x4] =	wrdreg s17  }
0xb: {  	s7 =	simm.s32 $0x1;
	s8 =	sadd.s32 s1, s0;
	s12 =	sshrl.u32 s9, $0x1  }
0xc: {  	s10 =	sor.u32 s15, s10;
	s11 =	sshrl.u32 s11, $0x2;
	s0 =	sadd.s32 $0x3A800, s0  }
0xd: {  	s15 =	simm.s32 $0x6;
	s14 =	ssub.s32 s9, s12;
	s9 =	smul.u32 $0x2800, s10  }
0xe: {  	s22 =	sadd.s32 s11, s2;
	s8 =	sadd.s32 $0x13800, s8;
	[dreg:$0x7] =	wrdreg s0  }
0xf: {  	s12 =	sor.u32 $0x1C07, s23;
	s10 =	simm.s32 $0x4400;
	[dreg:$0x5] =	wrdreg s22  }
0x10: {  	[dreg:$0x6] =	wrdreg s8;
	s8 =	simm.s32 $0x2;
	s24 =	sshrl.u32 s9, $0x3  }
0x11: {  	s25 =	sadd.s32 s4, s24;
	s26 =	sor.u32 $0x10, s24;
	s11 =	sadd.s32 s5, s24  }
0x12: {  	s19 =	sor.u32 $0x20, s24;
	s21 =	sor.u32 $0x30, s24;
	[dreg:$0x8] =	wrdreg s25  }
0x13: {  	s24 =	sadd.s32 s16, s1;
	s16 =	simm.s32 $0x4;
	[dreg:$0x9] =	wrdreg s11  }
0x14: {  	s18 =	sadd.s32 s4, s26;
	s0 =	sadd.s32 s5, s26;
	[dreg:$0x10] =	wrdreg s24  }
0x15: {  	s20 =	sadd.s32 s4, s19;
	s22 =	sadd.s32 s5, s19;
	[dreg:$0xa] =	wrdreg s18  }
0x16: {  	s23 =	sadd.s32 s4, s21;
	s25 =	sadd.s32 s17, s1;
	[dreg:$0xb] =	wrdreg s0  }
0x17: {  	s26 =	smax.u32 s14, $0x1;
	s1 =	simm.s32 $0x180;
	[dreg:$0xc] =	wrdreg s20  }
.Ltmp0:
0x18: {  	s24 =	simm.s32 $0x400;
	[dreg:$0xd] =	wrdreg s22;
	(pc) =	sbr.rel .LBB2_1-.Ltmp0, $4  }
0x19: {  	s11 =	simm.s32 $0x5;
	s14 =	simm.s32 $0x3;
	[dreg:$0xe] =	wrdreg s23  }
0x1a: {  	s17 =	simm.s32 $0x380;
	s0 =	sadd.s32 s5, s21;
	[dreg:$0x11] =	wrdreg s25  }
0x1b: {  	[dreg:$0x12] =	wrdreg s26;
	s26 =	simm.s32 $0x7;
	s23 =	simm.s32 $0x7D  }
0x1c: {  	s18 =	simm.s32 $0x0;
	[dreg:$0xf] =	wrdreg s0;
	s0 =	simm.s32 $0x300  }
.LBB2_6:
0x1d: {  	s19 =	sadd.s32 $0x27000, s19;
	s20 =	sshrl.u32 s13, $0x3  }
0x1e: {  	[hbm:s19], [sflag:s12] =	dma.local [spmem:s20], $0x100  }
0x1f: {  	_ =	swait.ge [sflag:s26], $0x100  }
0x20: {  	[sflag:s26] =	ssyncset.done $0x0  }
0x21: {  	[sflag:s26] =	ssyncadd.s32 $0xFFFFFF00  }
.LBB2_7:
0x22: {  	s18 =	sadd.s32 $0x1, s18;
	s19 =	rddreg [dreg:$0x12]  }
0x23: {  	p3 =	sne.s32 s18, s19  }
.Ltmp1:
0x24: {  	_ = 	snop;
	(pc) =	sbr.rel @!p3 .LBB2_8-.Ltmp1, $1  }
0x25: {  	_ =	sdelay $0x3  }
.LBB2_1:
0x26: {  	s19 =	rddreg [dreg:$0x5]  }
0x27: {  	s20 =	rddreg [dreg:$0x6];
	s19 =	sshrl.u32 s19, $0x3  }
0x28: {  	[spmem:s19], [sflag:s12] =	dma.local [hbm:s20], $0x2700  }
0x29: {  	_ =	swait.ge [sflag:s26], $0x2700  }
0x2a: {  	[sflag:s26] =	ssyncset.done $0x0  }
0x2b: {  	s20 =	sshrl.u32 @!p1 s13, $0x3;
	s21 =	rddreg [dreg:$0x7];
	[sflag:s26] =	ssyncadd.s32 $0xFFFFD900  }
0x2c: {  	[spmem:s20], [sflag:s12] =	dma.local @!p1 [hbm:s21], $0x100  }
0x2d: {  	s20 =	simm.s32 @!p1 $0x7  }
0x2e: {  	_ =	swait.ge @!p1 [sflag:s20], $0x100  }
0x2f: {  	[sflag:s20] =	ssyncset.done @!p1 $0x0  }
0x30: {  	[sflag:s20] =	ssyncadd.s32 @!p1 $0xFFFFFF00  }
0x31: {  	[bflag:$0x0] =	sbarrier.arrive $0xFFFF  }
0x32: {  	s25 =	rddreg [dreg:$0x8]  }
0x33: {  	[tilespmem:s3], [sflag:$0x1] =	stream.linear.gather [hbm4b:s25+s3], $0x80, $0x38;
	[tilespmem:$0x1BC80] =	vst v63  }
0x34: {  	s21 =	rddreg [dreg:$0x9]  }
0x35: {  	[tilespmem:s28], [sflag:$0x1] =	stream.linear.gather [hbm4b:s21+s3], $0x80, $0x38;
	[tilespmem:$0x1BC80] =	vst v63  }
0x36: {  	s22 =	rddreg [dreg:$0xa]  }
0x37: {  	[tilespmem:s29], [sflag:$0x2] =	stream.linear.gather [hbm4b:s22+s3], $0x80, $0x38;
	[tilespmem:$0x1BC80] =	vst v63  }
0x38: {  	s25 =	rddreg [dreg:$0xb]  }
0x39: {  	[tilespmem:s30], [sflag:$0x2] =	stream.linear.gather [hbm4b:s25+s3], $0x80, $0x38;
	[tilespmem:$0x1BC80] =	vst v63  }
0x3a: {  	s21 =	rddreg [dreg:$0xc]  }
0x3b: {  	[tilespmem:s31], [sflag:$0x3] =	stream.linear.gather [hbm4b:s21+s3], $0x80, $0x38;
	[tilespmem:$0x1BC80] =	vst v63  }
0x3c: {  	s22 =	rddreg [dreg:$0xd]  }
0x3d: {  	[tilespmem:s0], [sflag:$0x3] =	stream.linear.gather [hbm4b:s22+s3], $0x80, $0x38;
	[tilespmem:$0x1BC80] =	vst v63  }
0x3e: {  	s25 =	rddreg [dreg:$0xe]  }
0x3f: {  	[tilespmem:s1], [sflag:$0x4] =	stream.linear.gather [hbm4b:s25+s3], $0x80, $0x38;
	[tilespmem:$0x1BC80] =	vst v63  }
0x40: {  	s21 =	rddreg [dreg:$0xf]  }
0x41: {  	[tilespmem:s17], [sflag:$0x4] =	stream.linear.gather [hbm4b:s21+s3], $0x80, $0x38;
	[tilespmem:$0x1BC80] =	vst v63  }
0x42: {  	_ =	swait.ge [sflag:s7], $0x80  }
0x43: {  	[sflag:s7] =	ssyncset.done $0x0  }
0x44: {  	[sflag:s7] =	ssyncadd.s32 $0xFFFFFF80  }
0x45: {  	_ =	swait.ge [sflag:s7], $0x80  }
0x46: {  	[sflag:s7] =	ssyncset.done $0x0  }
0x47: {  	[sflag:s7] =	ssyncadd.s32 $0xFFFFFF80  }
0x48: {  	[tilespmem:s24], [sflag:$0x5] =	stream.indirect.gather [hbm4b:s6+s23], $0x80, s3, s23, $0xb8;
	[tilespmem:$0x1BC80] =	vst v63  }
0x49: {  	_ =	swait.ge [sflag:s8], $0x80  }
0x4a: {  	[sflag:s8] =	ssyncset.done $0x0  }
0x4b: {  	[sflag:s8] =	ssyncadd.s32 $0xFFFFFF80  }
0x4c: {  	_ =	swait.ge [sflag:s8], $0x80  }
0x4d: {  	[sflag:s8] =	ssyncset.done $0x0  }
0x4e: {  	[sflag:s8] =	ssyncadd.s32 $0xFFFFFF80  }
0x4f: {  	[tilespmem:s10], [sflag:$0x6] =	stream.indirect.gather [hbm4b:s6+s23], $0x80, s29, s23, $0xb8;
	[tilespmem:$0x1BC80] =	vst v63  }
0x50: {  	s22 =	simm.s32 $0x200;
	_ =	swait.ge [sflag:s11], $0x3E80  }
0x51: {  	s25 =	sand.u32 $0x7C00, s22;
	[sflag:s11] =	ssyncset.done $0x0  }
0x52: {  	s20 =	sand.u32 $0x200, s22;
	s21 =	sadd.s32 s9, s25;
	[sflag:s11] =	ssyncadd.s32 $0xFFFFC180  }
0x53: {  	[spmem:s2] =	stream.indirect.scatter.add.f32 [tilespmem:s24], [sflag:$0x7], $0x80, s28, s23, $0xb8;
	[tilespmem:$0x1BC80] =	vst v63  }
0x54: {  	s20 =	sor.u32 s20, s21;
	_ =	swait.ge [sflag:s26], $0x3E80  }
0x55: {  	s20 =	sshrl.u32 s20, $0x3;
	[sflag:s26] =	ssyncset.done $0x0  }
0x56: {  	s22 =	sadd.s32 s4, s20;
	[sflag:s26] =	ssyncadd.s32 $0xFFFFC180  }
0x57: {  	[tilespmem:s3], [sflag:$0x1] =	stream.linear.gather [hbm4b:s22+s3], $0x80, $0x38;
	[tilespmem:$0x1BC80] =	vst v63  }
0x58: {  	s20 =	sadd.s32 s5, s20  }
0x59: {  	[tilespmem:s28], [sflag:$0x1] =	stream.linear.gather [hbm4b:s20+s3], $0x80, $0x38;
	[tilespmem:$0x1BC80] =	vst v63  }
0x5a: {  	_ =	swait.ge [sflag:s14], $0x80  }
0x5b: {  	[sflag:s14] =	ssyncset.done $0x0  }
0x5c: {  	[sflag:s14] =	ssyncadd.s32 $0xFFFFFF80  }
0x5d: {  	_ =	swait.ge [sflag:s14], $0x80  }
0x5e: {  	[sflag:s14] =	ssyncset.done $0x0  }
0x5f: {  	[sflag:s14] =	ssyncadd.s32 $0xFFFFFF80  }
0x60: {  	[tilespmem:s24], [sflag:$0x5] =	stream.indirect.gather [hbm4b:s6+s23], $0x80, s31, s23, $0xb8;
	[tilespmem:$0x1BC80] =	vst v63  }
0x61: {  	s25 =	simm.s32 $0x280;
	_ =	swait.ge [sflag:s15], $0x3E80  }
0x62: {  	s22 =	sand.u32 $0x7C00, s25;
	[sflag:s15] =	ssyncset.done $0x0  }
0x63: {  	s21 =	sadd.s32 s9, s22;
	s20 =	sand.u32 $0x280, s25;
	[sflag:s15] =	ssyncadd.s32 $0xFFFFC180  }
0x64: {  	[spmem:s2] =	stream.indirect.scatter.add.f32 [tilespmem:s10], [sflag:$0x7], $0x80, s30, s23, $0xb8;
	[tilespmem:$0x1BC80] =	vst v63  }
0x65: {  	s20 =	sor.u32 s20, s21;
	_ =	swait.ge [sflag:s26], $0x3E80  }
0x66: {  	s20 =	sshrl.u32 s20, $0x3;
	[sflag:s26] =	ssyncset.done $0x0  }
0x67: {  	s25 =	sadd.s32 s4, s20;
	[sflag:s26] =	ssyncadd.s32 $0xFFFFC180  }
0x68: {  	[tilespmem:s29], [sflag:$0x2] =	stream.linear.gather [hbm4b:s25+s3], $0x80, $0x38;
	[tilespmem:$0x1BC80] =	vst v63  }
0x69: {  	s20 =	sadd.s32 s5, s20  }
0x6a: {  	[tilespmem:s30], [sflag:$0x2] =	stream.linear.gather [hbm4b:s20+s3], $0x80, $0x38;
	[tilespmem:$0x1BC80] =	vst v63  }
0x6b: {  	_ =	swait.ge [sflag:s16], $0x80  }
0x6c: {  	[sflag:s16] =	ssyncset.done $0x0  }
0x6d: {  	[sflag:s16] =	ssyncadd.s32 $0xFFFFFF80  }
0x6e: {  	_ =	swait.ge [sflag:s16], $0x80  }
0x6f: {  	[sflag:s16] =	ssyncset.done $0x0  }
0x70: {  	[sflag:s16] =	ssyncadd.s32 $0xFFFFFF80  }
0x71: {  	[tilespmem:s10], [sflag:$0x6] =	stream.indirect.gather [hbm4b:s6+s23], $0x80, s1, s23, $0xb8;
	[tilespmem:$0x1BC80] =	vst v63  }
0x72: {  	s21 =	simm.s32 $0x300;
	_ =	swait.ge [sflag:s11], $0x3E80  }
0x73: {  	s22 =	sand.u32 $0x7C00, s21;
	[sflag:s11] =	ssyncset.done $0x0  }
0x74: {  	s20 =	sand.u32 $0x300, s21;
	s21 =	sadd.s32 s9, s22;
	[sflag:s11] =	ssyncadd.s32 $0xFFFFC180  }
0x75: {  	[spmem:s2] =	stream.indirect.scatter.add.f32 [tilespmem:s24], [sflag:$0x7], $0x80, s0, s23, $0xb8;
	[tilespmem:$0x1BC80] =	vst v63  }
0x76: {  	s20 =	sor.u32 s20, s21;
	_ =	swait.ge [sflag:s26], $0x3E80  }
0x77: {  	s20 =	sshrl.u32 s20, $0x3;
	[sflag:s26] =	ssyncset.done $0x0  }
0x78: {  	s25 =	sadd.s32 s4, s20;
	[sflag:s26] =	ssyncadd.s32 $0xFFFFC180  }
0x79: {  	[tilespmem:s31], [sflag:$0x3] =	stream.linear.gather [hbm4b:s25+s3], $0x80, $0x38;
	[tilespmem:$0x1BC80] =	vst v63  }
0x7a: {  	s20 =	sadd.s32 s5, s20  }
0x7b: {  	[tilespmem:s0], [sflag:$0x3] =	stream.linear.gather [hbm4b:s20+s3], $0x80, $0x38;
	[tilespmem:$0x1BC80] =	vst v63  }
0x7c: {  	_ =	swait.ge [sflag:s7], $0x80  }
0x7d: {  	[sflag:s7] =	ssyncset.done $0x0  }
0x7e: {  	[sflag:s7] =	ssyncadd.s32 $0xFFFFFF80  }
0x7f: {  	_ =	swait.ge [sflag:s7], $0x80  }
0x80: {  	[sflag:s7] =	ssyncset.done $0x0  }
0x81: {  	[sflag:s7] =	ssyncadd.s32 $0xFFFFFF80  }
0x82: {  	[tilespmem:s24], [sflag:$0x5] =	stream.indirect.gather [hbm4b:s6+s23], $0x80, s3, s23, $0xb8;
	[tilespmem:$0x1BC80] =	vst v63  }
0x83: {  	_ =	swait.ge [sflag:s15], $0x3E80  }
0x84: {  	s21 =	sand.u32 $0x7C00, s17;
	[sflag:s15] =	ssyncset.done $0x0  }
0x85: {  	s22 =	sand.u32 $0x380, s17;
	s20 =	sadd.s32 s9, s21;
	[sflag:s15] =	ssyncadd.s32 $0xFFFFC180  }
0x86: {  	[spmem:s2] =	stream.indirect.scatter.add.f32 [tilespmem:s10], [sflag:$0x7], $0x80, s17, s23, $0xb8;
	[tilespmem:$0x1BC80] =	vst v63  }
0x87: {  	s20 =	sor.u32 s22, s20;
	_ =	swait.ge [sflag:s26], $0x3E80  }
0x88: {  	s20 =	sshrl.u32 s20, $0x3;
	[sflag:s26] =	ssyncset.done $0x0  }
0x89: {  	s25 =	sadd.s32 s4, s20;
	[sflag:s26] =	ssyncadd.s32 $0xFFFFC180  }
0x8a: {  	[tilespmem:s1], [sflag:$0x4] =	stream.linear.gather [hbm4b:s25+s3], $0x80, $0x38;
	[tilespmem:$0x1BC80] =	vst v63  }
0x8b: {  	s20 =	sadd.s32 s5, s20  }
0x8c: {  	[tilespmem:s17], [sflag:$0x4] =	stream.linear.gather [hbm4b:s20+s3], $0x80, $0x38;
	[tilespmem:$0x1BC80] =	vst v63  }
0x8d: {  	_ =	swait.ge [sflag:s8], $0x80  }
0x8e: {  	[sflag:s8] =	ssyncset.done $0x0  }
0x8f: {  	[sflag:s8] =	ssyncadd.s32 $0xFFFFFF80  }
0x90: {  	_ =	swait.ge [sflag:s8], $0x80  }
0x91: {  	s20 =	simm.s32 $0x580;
	[sflag:s8] =	ssyncset.done $0x0  }
.LBB2_2:
0x92: {  	p3 =	sne.s32 s20, $0x2780  }
0x93: {  	[sflag:s8] =	ssyncadd.s32 $0xFFFFFF80;
	s21 =	smov.u32 s20;
	s20 =	sadd.s32 $0x200, s20  }
0x94: {  	[tilespmem:s10], [sflag:$0x6] =	stream.indirect.gather [hbm4b:s6+s23], $0x80, s29, s23, $0xb8;
	[tilespmem:$0x1BC80] =	vst v63  }
0x95: {  	s22 =	sadd.s32 $0xFFFFFE80, s21;
	_ =	swait.ge [sflag:s11], $0x3E80  }
0x96: {  	s25 =	sand.u32 $0x7C00, s22;
	s22 =	sand.u32 $0x200, s22;
	[sflag:s11] =	ssyncset.done $0x0  }
0x97: {  	s25 =	sadd.s32 s9, s25;
	[sflag:s11] =	ssyncadd.s32 $0xFFFFC180  }
0x98: {  	[spmem:s2] =	stream.indirect.scatter.add.f32 [tilespmem:s24], [sflag:$0x7], $0x80, s28, s23, $0xb8;
	[tilespmem:$0x1BC80] =	vst v63  }
0x99: {  	s22 =	sor.u32 s22, s25;
	_ =	swait.ge [sflag:s26], $0x3E80  }
0x9a: {  	s22 =	sshrl.u32 s22, $0x3;
	[sflag:s26] =	ssyncset.done $0x0  }
0x9b: {  	s25 =	sadd.s32 s4, s22;
	s22 =	sadd.s32 s5, s22;
	[sflag:s26] =	ssyncadd.s32 $0xFFFFC180  }
0x9c: {  	[tilespmem:s3], [sflag:$0x1] =	stream.linear.gather [hbm4b:s25+s3], $0x80, $0x38;
	[tilespmem:$0x1BC80] =	vst v63  }
0x9d: {  	_ = 	snop  }
0x9e: {  	[tilespmem:s28], [sflag:$0x1] =	stream.linear.gather [hbm4b:s22+s3], $0x80, $0x38;
	[tilespmem:$0x1BC80] =	vst v63  }
0x9f: {  	_ =	swait.ge [sflag:s14], $0x80  }
0xa0: {  	[sflag:s14] =	ssyncset.done $0x0  }
0xa1: {  	[sflag:s14] =	ssyncadd.s32 $0xFFFFFF80  }
0xa2: {  	_ =	swait.ge [sflag:s14], $0x80  }
0xa3: {  	[sflag:s14] =	ssyncset.done $0x0  }
0xa4: {  	[sflag:s14] =	ssyncadd.s32 $0xFFFFFF80  }
0xa5: {  	[tilespmem:s24], [sflag:$0x5] =	stream.indirect.gather [hbm4b:s6+s23], $0x80, s31, s23, $0xb8;
	[tilespmem:$0x1BC80] =	vst v63  }
0xa6: {  	s22 =	sadd.s32 $0xFFFFFF00, s21;
	_ =	swait.ge [sflag:s15], $0x3E80  }
0xa7: {  	s25 =	sand.u32 $0x7C00, s22;
	[sflag:s15] =	ssyncset.done $0x0  }
0xa8: {  	s22 =	sand.u32 $0x280, s22;
	s25 =	sadd.s32 s9, s25;
	[sflag:s15] =	ssyncadd.s32 $0xFFFFC180  }
0xa9: {  	[spmem:s2] =	stream.indirect.scatter.add.f32 [tilespmem:s10], [sflag:$0x7], $0x80, s30, s23, $0xb8;
	[tilespmem:$0x1BC80] =	vst v63  }
0xaa: {  	s22 =	sor.u32 s22, s25;
	_ =	swait.ge [sflag:s26], $0x3E80  }
0xab: {  	s22 =	sshrl.u32 s22, $0x3;
	[sflag:s26] =	ssyncset.done $0x0  }
0xac: {  	s25 =	sadd.s32 s4, s22;
	s22 =	sadd.s32 s5, s22;
	[sflag:s26] =	ssyncadd.s32 $0xFFFFC180  }
0xad: {  	[tilespmem:s29], [sflag:$0x2] =	stream.linear.gather [hbm4b:s25+s3], $0x80, $0x38;
	[tilespmem:$0x1BC80] =	vst v63  }
0xae: {  	_ = 	snop  }
0xaf: {  	[tilespmem:s30], [sflag:$0x2] =	stream.linear.gather [hbm4b:s22+s3], $0x80, $0x38;
	[tilespmem:$0x1BC80] =	vst v63  }
0xb0: {  	_ =	swait.ge [sflag:s16], $0x80  }
0xb1: {  	[sflag:s16] =	ssyncset.done $0x0  }
0xb2: {  	[sflag:s16] =	ssyncadd.s32 $0xFFFFFF80  }
0xb3: {  	_ =	swait.ge [sflag:s16], $0x80  }
0xb4: {  	[sflag:s16] =	ssyncset.done $0x0  }
0xb5: {  	[sflag:s16] =	ssyncadd.s32 $0xFFFFFF80  }
0xb6: {  	[tilespmem:s10], [sflag:$0x6] =	stream.indirect.gather [hbm4b:s6+s23], $0x80, s1, s23, $0xb8;
	[tilespmem:$0x1BC80] =	vst v63  }
0xb7: {  	s22 =	sadd.s32 $0xFFFFFF80, s21;
	_ =	swait.ge [sflag:s11], $0x3E80  }
0xb8: {  	s25 =	sand.u32 $0x7C00, s22;
	s22 =	sand.u32 $0x300, s22;
	[sflag:s11] =	ssyncset.done $0x0  }
0xb9: {  	s25 =	sadd.s32 s9, s25;
	[sflag:s11] =	ssyncadd.s32 $0xFFFFC180  }
0xba: {  	[spmem:s2] =	stream.indirect.scatter.add.f32 [tilespmem:s24], [sflag:$0x7], $0x80, s0, s23, $0xb8;
	[tilespmem:$0x1BC80] =	vst v63  }
0xbb: {  	s22 =	sor.u32 s22, s25;
	_ =	swait.ge [sflag:s26], $0x3E80  }
0xbc: {  	s22 =	sshrl.u32 s22, $0x3;
	[sflag:s26] =	ssyncset.done $0x0  }
0xbd: {  	s25 =	sadd.s32 s4, s22;
	s22 =	sadd.s32 s5, s22;
	[sflag:s26] =	ssyncadd.s32 $0xFFFFC180  }
0xbe: {  	[tilespmem:s31], [sflag:$0x3] =	stream.linear.gather [hbm4b:s25+s3], $0x80, $0x38;
	[tilespmem:$0x1BC80] =	vst v63  }
0xbf: {  	_ = 	snop  }
0xc0: {  	[tilespmem:s0], [sflag:$0x3] =	stream.linear.gather [hbm4b:s22+s3], $0x80, $0x38;
	[tilespmem:$0x1BC80] =	vst v63  }
0xc1: {  	_ =	swait.ge [sflag:s7], $0x80  }
0xc2: {  	[sflag:s7] =	ssyncset.done $0x0  }
0xc3: {  	[sflag:s7] =	ssyncadd.s32 $0xFFFFFF80  }
0xc4: {  	_ =	swait.ge [sflag:s7], $0x80  }
0xc5: {  	[sflag:s7] =	ssyncset.done $0x0  }
0xc6: {  	[sflag:s7] =	ssyncadd.s32 $0xFFFFFF80  }
0xc7: {  	[tilespmem:s24], [sflag:$0x5] =	stream.indirect.gather [hbm4b:s6+s23], $0x80, s3, s23, $0xb8;
	[tilespmem:$0x1BC80] =	vst v63  }
0xc8: {  	_ =	swait.ge [sflag:s15], $0x3E80  }
0xc9: {  	s22 =	sand.u32 $0x7C00, s21;
	[sflag:s15] =	ssyncset.done $0x0  }
0xca: {  	s21 =	sand.u32 $0x380, s21;
	s22 =	sadd.s32 s9, s22;
	[sflag:s15] =	ssyncadd.s32 $0xFFFFC180  }
0xcb: {  	[spmem:s2] =	stream.indirect.scatter.add.f32 [tilespmem:s10], [sflag:$0x7], $0x80, s17, s23, $0xb8;
	[tilespmem:$0x1BC80] =	vst v63  }
0xcc: {  	s21 =	sor.u32 s21, s22;
	_ =	swait.ge [sflag:s26], $0x3E80  }
0xcd: {  	s21 =	sshrl.u32 s21, $0x3;
	[sflag:s26] =	ssyncset.done $0x0  }
0xce: {  	s22 =	sadd.s32 s4, s21;
	s21 =	sadd.s32 s5, s21;
	[sflag:s26] =	ssyncadd.s32 $0xFFFFC180  }
0xcf: {  	[tilespmem:s1], [sflag:$0x4] =	stream.linear.gather [hbm4b:s22+s3], $0x80, $0x38;
	[tilespmem:$0x1BC80] =	vst v63  }
0xd0: {  	_ = 	snop  }
0xd1: {  	[tilespmem:s17], [sflag:$0x4] =	stream.linear.gather [hbm4b:s21+s3], $0x80, $0x38;
	[tilespmem:$0x1BC80] =	vst v63  }
.Ltmp2:
0xd2: {  	_ =	swait.ge [sflag:s8], $0x80;
	(pc) =	sbr.rel @p3 .LBB2_2-.Ltmp2, $4  }
0xd3: {  	[sflag:s8] =	ssyncset.done $0x0  }
0xd4: {  	[sflag:s8] =	ssyncadd.s32 $0xFFFFFF80  }
0xd5: {  	_ =	swait.ge [sflag:s8], $0x80  }
0xd6: {  	[sflag:s8] =	ssyncset.done $0x0  }
0xd7: {  	[sflag:s8] =	ssyncadd.s32 $0xFFFFFF80  }
0xd8: {  	[tilespmem:s10], [sflag:$0x6] =	stream.indirect.gather [hbm4b:s6+s23], $0x80, s29, s23, $0xb8;
	[tilespmem:$0x1BC80] =	vst v63  }
0xd9: {  	_ =	swait.ge [sflag:s11], $0x3E80  }
0xda: {  	[sflag:s11] =	ssyncset.done $0x0  }
0xdb: {  	[sflag:s11] =	ssyncadd.s32 $0xFFFFC180  }
0xdc: {  	[spmem:s2] =	stream.indirect.scatter.add.f32 [tilespmem:s24], [sflag:$0x7], $0x80, s28, s23, $0xb8;
	[tilespmem:$0x1BC80] =	vst v63  }
0xdd: {  	_ =	swait.ge [sflag:s26], $0x3E80  }
0xde: {  	[sflag:s26] =	ssyncset.done $0x0  }
0xdf: {  	[sflag:s26] =	ssyncadd.s32 $0xFFFFC180  }
0xe0: {  	_ =	swait.ge [sflag:s14], $0x80  }
0xe1: {  	[sflag:s14] =	ssyncset.done $0x0  }
0xe2: {  	[sflag:s14] =	ssyncadd.s32 $0xFFFFFF80  }
0xe3: {  	_ =	swait.ge [sflag:s14], $0x80  }
0xe4: {  	[sflag:s14] =	ssyncset.done $0x0  }
0xe5: {  	[sflag:s14] =	ssyncadd.s32 $0xFFFFFF80  }
0xe6: {  	[tilespmem:s24], [sflag:$0x5] =	stream.indirect.gather [hbm4b:s6+s23], $0x80, s31, s23, $0xb8;
	[tilespmem:$0x1BC80] =	vst v63  }
0xe7: {  	_ =	swait.ge [sflag:s15], $0x3E80  }
0xe8: {  	[sflag:s15] =	ssyncset.done $0x0  }
0xe9: {  	[sflag:s15] =	ssyncadd.s32 $0xFFFFC180  }
0xea: {  	[spmem:s2] =	stream.indirect.scatter.add.f32 [tilespmem:s10], [sflag:$0x7], $0x80, s30, s23, $0xb8;
	[tilespmem:$0x1BC80] =	vst v63  }
0xeb: {  	_ =	swait.ge [sflag:s26], $0x3E80  }
0xec: {  	[sflag:s26] =	ssyncset.done $0x0  }
0xed: {  	[sflag:s26] =	ssyncadd.s32 $0xFFFFC180  }
0xee: {  	_ =	swait.ge [sflag:s16], $0x80  }
0xef: {  	[sflag:s16] =	ssyncset.done $0x0  }
0xf0: {  	[sflag:s16] =	ssyncadd.s32 $0xFFFFFF80  }
0xf1: {  	_ =	swait.ge [sflag:s16], $0x80  }
0xf2: {  	[sflag:s16] =	ssyncset.done $0x0  }
0xf3: {  	[sflag:s16] =	ssyncadd.s32 $0xFFFFFF80  }
0xf4: {  	[tilespmem:s10], [sflag:$0x6] =	stream.indirect.gather [hbm4b:s6+s23], $0x80, s1, s23, $0xb8;
	[tilespmem:$0x1BC80] =	vst v63  }
0xf5: {  	_ =	swait.ge [sflag:s11], $0x3E80  }
0xf6: {  	[sflag:s11] =	ssyncset.done $0x0  }
0xf7: {  	[sflag:s11] =	ssyncadd.s32 $0xFFFFC180  }
0xf8: {  	[spmem:s2] =	stream.indirect.scatter.add.f32 [tilespmem:s24], [sflag:$0x7], $0x80, s0, s23, $0xb8;
	[tilespmem:$0x1BC80] =	vst v63  }
0xf9: {  	_ =	swait.ge [sflag:s26], $0x3E80  }
0xfa: {  	[sflag:s26] =	ssyncset.done $0x0  }
0xfb: {  	[sflag:s26] =	ssyncadd.s32 $0xFFFFC180  }
0xfc: {  	_ =	swait.ge [sflag:s15], $0x3E80  }
0xfd: {  	[sflag:s15] =	ssyncset.done $0x0  }
0xfe: {  	[sflag:s15] =	ssyncadd.s32 $0xFFFFC180  }
0xff: {  	[spmem:s2] =	stream.indirect.scatter.add.f32 [tilespmem:s10], [sflag:$0x7], $0x80, s17, s23, $0xb8;
	[tilespmem:$0x1BC80] =	vst v63  }
.Ltmp3:
0x100: {  	_ =	swait.ge [sflag:s26], $0x3E80;
	(pc) =	sbr.rel @!p0 .LBB2_4-.Ltmp3, $3  }
0x101: {  	[sflag:s26] =	ssyncset.done $0x0  }
0x102: {  	[sflag:s26] =	ssyncadd.s32 $0xFFFFC180  }
0x103: {  	[bflag:$0x0] =	sbarrier.arrive $0xFFFF;
	_ =	sdelay $0x1  }
0x104: {  	s20 =	rddreg [dreg:$0x11]  }
0x105: {  	[hbm:s20], [sflag:s12] =	dma.local [spmem:s19], $0x2700  }
.Ltmp4:
0x106: {  	_ = 	snop;
	(pc) =	sbr.rel @p1 .LBB2_7-.Ltmp4, $4  }
.Ltmp5:
0x107: {  	_ = 	snop;
	(pc) =	sbr.rel @!p1 .LBB2_6-.Ltmp5, $4  }
0x108: {  	_ =	swait.ge [sflag:s26], $0x2700  }
0x109: {  	[sflag:s26] =	ssyncset.done $0x0  }
0x10a: {  	s19 =	rddreg [dreg:$0x4];
	[sflag:s26] =	ssyncadd.s32 $0xFFFFD900  }
0x10b: {  	_ = 	snop  }
.LBB2_4:
0x10c: {  	s20 =	rddreg [dreg:$0x10]  }
0x10d: {  	[hbm:s20], [sflag:s12] =	dma.local [spmem:s19], $0x2700  }
.Ltmp6:
0x10e: {  	_ = 	snop;
	(pc) =	sbr.rel @p2 .LBB2_6-.Ltmp6, $4  }
.Ltmp7:
0x10f: {  	_ = 	snop;
	(pc) =	sbr.rel @!p2 .LBB2_7-.Ltmp7, $4  }
0x110: {  	_ =	swait.ge [sflag:s26], $0x2700  }
0x111: {  	[sflag:s26] =	ssyncset.done $0x0  }
0x112: {  	s19 =	rddreg [dreg:$0x3];
	[sflag:s26] =	ssyncadd.s32 $0xFFFFD900  }
0x113: {  	_ = 	snop  }
.LBB2_8:
0x114: {  	_ =	sfence.sel $0x180000  }
0x115: {  	[bflag:$0x0] =	sbarrier.arrive $0xFFFF  }
0x116: {  	_ =	strace $0x90000050  }
0x117: {  	s0 =	stileid.u32;
	[bflag:$0x2] =	sbarrier.arrive $0xFFFF  }
0x118: {  	p0 =	sne.s32 s0, $0x0;
	s0 =	rddreg [dreg:$0x2]  }
0x119: {  	s0 =	sadd.s32 @!p0 $0x100000, s0  }
0x11a: {  	[sflag:s0] =	ssyncadd.tile.s32 @!p0 $0x1;
	_ =	shalt  }
.Lfunc_end2:
_tile_overlayer_lowered:
.L_overlay_start_2:
0x11b: {  	(tag) =	ssettag $0x2  }
0x11c: {  	s0 =	rddreg [dreg:$0x0];
	s2 =	stileid.u32  }
0x11d: {  	s1 =	rddreg [dreg:$0x1];
	p0 =	sne.s32 s2, $0x0  }
0x11e: {  	s3 =	rddreg [dreg:$0x2];
	[bflag:$0x3] =	sbarrier.arrive $0xFFFF;
	s2 =	simm.s32 @!p0 $0x1C07  }
0x11f: {  	[timem:s3], [sflag:s2] =	dma.local @!p0 [hbm:s0], s1  }
0x120: {  	s0 =	simm.s32 @!p0 $0x7  }
0x121: {  	_ =	swait.ge @!p0 [sflag:s0], s1  }
0x122: {  	s1 =	ssub.s32 @!p0 $0x0, s1;
	[sflag:s0] =	ssyncset.done @!p0 $0x0  }
0x123: {  	[sflag:s0] =	ssyncadd.s32 @!p0 s1  }
0x124: {  	[bflag:$0x3] =	sbarrier.arrive $0xFFFF  }
0x125: {  	_ =	shalt  }

</sc_bundles>
